<compile_context>
chip_gen: v7x
topology: tpu7x:2x2x1
jax: 0.10.2.dev20260603
libtpu: 0.0.44.dev20260713+nightly
codegen_flags: <defaults>
</compile_context>

<pallas_src>
import dataclasses
import functools

import jax
import jax.numpy as jnp
from jax import lax
from jax.experimental import pallas as pl
from jax.experimental.pallas import tpu as pltpu
from jax.experimental.pallas import tpu_sc as plsc

NC = 2
NS = 16
NT = NC * NS
LANES = 16
KCH = 2560
CLIST = 16384


def _mesh():
    return plsc.VectorSubcoreMesh(core_axis_name="c", subcore_axis_name="s")


def _cp():
    cp = pltpu.CompilerParams()
    if "needs_layout_passes" in pltpu.CompilerParams.__dataclass_fields__:
        cp = dataclasses.replace(cp, needs_layout_passes=False)
    return cp


def _sc_degree(dst_ch, n, rpt):
    nch = dst_ch.shape[0]
    kch = dst_ch.shape[2]
    ngrp = kch // LANES

    @functools.partial(
        pl.kernel,
        out_type=jax.ShapeDtypeStruct((NC, NS, rpt), jnp.float32),
        mesh=_mesh(),
        compiler_params=_cp(),
        scratch_types=[
            pltpu.VMEM((1, kch), jnp.int32),
            pltpu.VMEM((rpt,), jnp.float32),
        ],
    )
    def deg_kernel(dst_hbm, out_hbm, didx_v, deg_v):
        c = lax.axis_index("c")
        s = lax.axis_index("s")
        w = c * NS + s
        lo = w * rpt
        ones16 = jnp.ones((LANES,), jnp.float32)

        @pl.loop(0, rpt // LANES)
        def _(i):
            deg_v[pl.ds(i * LANES, LANES)] = jnp.zeros((LANES,), jnp.float32)

        @pl.loop(0, nch)
        def _(j):
            pltpu.sync_copy(dst_hbm.at[j], didx_v)

            @pl.loop(0, ngrp)
            def _(g):
                dstg = didx_v[0, pl.ds(g * LANES, LANES)]
                ldst = dstg - lo
                m = (ldst >= 0) & (ldst < rpt)
                ldst = jnp.minimum(jnp.maximum(ldst, 0), rpt - 1)
                plsc.addupdate_scatter(deg_v, [ldst], ones16, mask=m)

        pltpu.sync_copy(deg_v, out_hbm.at[c, s])

    return deg_kernel(dst_ch)


def _sc_aggregate(hs, src_ch, dst_ch, rpt):
    n, d = hs.shape
    nch = src_ch.shape[0]
    kch = src_ch.shape[2]
    ngrp = kch // LANES

    @functools.partial(
        pl.kernel,
        out_type=jax.ShapeDtypeStruct((NC, NS, rpt + 1, d), jnp.float32),
        mesh=_mesh(),
        compiler_params=_cp(),
        scratch_types=[
            pltpu.VMEM((2, 1, kch), jnp.int32),
            pltpu.VMEM((2, 1, kch), jnp.int32),
            pltpu.VMEM((CLIST,), jnp.int32),
            pltpu.VMEM((CLIST,), jnp.int32),
            pltpu.VMEM((2, LANES, d), jnp.float32),
            pltpu.VMEM((rpt + 1, d), jnp.float32),
            pltpu.SemaphoreType.DMA,
            pltpu.SemaphoreType.DMA,
        ],
    )
    def agg_kernel(hs_hbm, src_hbm, dst_hbm, out_hbm, sidx_v, didx_v,
                   cls_v, cld_v, rows_v, acc_v, gsem, isem):
        c = lax.axis_index("c")
        s = lax.axis_index("s")
        w = c * NS + s
        lo = w * rpt
        iota = lax.broadcasted_iota(jnp.int32, (LANES,), 0)
        zrow = jnp.zeros((LANES,), jnp.float32)

        @pl.loop(0, rpt + 1)
        def _(i):
            @pl.loop(0, d // LANES)
            def _(jj):
                acc_v[i, pl.ds(jj * LANES, LANES)] = zrow

        pltpu.async_copy(src_hbm.at[0], sidx_v.at[0], isem)
        pltpu.async_copy(dst_hbm.at[0], didx_v.at[0], isem)

        def chunk_body(j, p):
            par = jnp.bitwise_and(j, 1)
            pltpu.make_async_copy(src_hbm.at[j], sidx_v.at[par], isem).wait()
            pltpu.make_async_copy(dst_hbm.at[j], didx_v.at[par], isem).wait()

            @pl.when(j + 1 < nch)
            def _():
                npar = jnp.bitwise_and(j + 1, 1)
                pltpu.async_copy(src_hbm.at[j + 1], sidx_v.at[npar], isem)
                pltpu.async_copy(dst_hbm.at[j + 1], didx_v.at[npar], isem)

            def grp_body(g, p):
                dstg = didx_v[par, 0, pl.ds(g * LANES, LANES)]
                srcg = sidx_v[par, 0, pl.ds(g * LANES, LANES)]
                ldst = dstg - lo
                m = (ldst >= 0) & (ldst < rpt)
                cs = plsc.cumsum(m.astype(jnp.int32))
                pos = jnp.maximum(p + cs - 1, 0)
                wm = m & (pos < CLIST)
                plsc.store_scatter(cls_v, [pos], srcg, mask=wm)
                ldst = jnp.minimum(jnp.maximum(ldst, 0), rpt - 1)
                plsc.store_scatter(cld_v, [pos], ldst, mask=wm)
                return p + jnp.max(cs)

            return pl.loop(0, ngrp, init_carry=p)(grp_body)

        p = pl.loop(0, nch, init_carry=jnp.int32(0))(chunk_body)

        tpos = jnp.minimum(p + iota, CLIST - 1)
        plsc.store_scatter(cls_v, [tpos], jnp.zeros((LANES,), jnp.int32),
                           mask=tpos >= p)
        plsc.store_scatter(cld_v, [tpos],
                           jnp.full((LANES,), rpt, jnp.int32), mask=tpos >= p)
        ng = jnp.minimum((p + LANES - 1) // LANES, CLIST // LANES)

        @pl.when(ng > 0)
        def _():
            sg0 = cls_v[pl.ds(0, LANES)]
            pltpu.async_copy(hs_hbm.at[sg0], rows_v.at[0], gsem)

        @pl.loop(0, ng)
        def _(t):
            par = jnp.bitwise_and(t, 1)
            sg = cls_v[pl.ds(t * LANES, LANES)]
            dg = cld_v[pl.ds(t * LANES, LANES)]
            pltpu.make_async_copy(hs_hbm.at[sg], rows_v.at[par], gsem).wait()

            @pl.when(t + 1 < ng)
            def _():
                sg1 = cls_v[pl.ds((t + 1) * LANES, LANES)]
                pltpu.async_copy(
                    hs_hbm.at[sg1], rows_v.at[jnp.bitwise_and(t + 1, 1)], gsem
                )

            parv = jnp.zeros((LANES,), jnp.int32) + par
            for c0 in range(d):
                col = jnp.full((LANES,), c0, jnp.int32)
                vals = plsc.load_gather(rows_v, [parv, iota, col])
                plsc.addupdate_scatter(acc_v, [dg, col], vals)

        pltpu.sync_copy(acc_v, out_hbm.at[c, s])

    return agg_kernel(hs, src_ch, dst_ch)


_DOT = functools.partial(
    lax.dot_general,
    dimension_numbers=(((1,), (0,)), ((), ())),
    preferred_element_type=jnp.float32,
    precision=lax.Precision.HIGHEST,
)


def _tc_matmul(x, w):
    n, din = x.shape
    dout = w.shape[1]
    bm = 1000

    def mm_kernel(x_ref, w_ref, o_ref):
        o_ref[...] = _DOT(x_ref[...], w_ref[...])

    return pl.pallas_call(
        mm_kernel,
        grid=(n // bm,),
        in_specs=[
            pl.BlockSpec((bm, din), lambda i: (i, 0)),
            pl.BlockSpec((din, dout), lambda i: (0, 0)),
        ],
        out_specs=pl.BlockSpec((bm, dout), lambda i: (i, 0)),
        out_shape=jax.ShapeDtypeStruct((n, dout), jnp.float32),
    )(x, w)


def _tc_scale(h, deg):
    n, d = h.shape
    bm = 1000

    def k(h_ref, g_ref, hs_ref, dinv_ref):
        dinv = lax.rsqrt(g_ref[...] + 1.0)
        dinv_ref[...] = dinv
        hs_ref[...] = h_ref[...] * dinv

    return pl.pallas_call(
        k,
        grid=(n // bm,),
        in_specs=[
            pl.BlockSpec((bm, d), lambda i: (i, 0)),
            pl.BlockSpec((bm, 1), lambda i: (i, 0)),
        ],
        out_specs=[
            pl.BlockSpec((bm, d), lambda i: (i, 0)),
            pl.BlockSpec((bm, 1), lambda i: (i, 0)),
        ],
        out_shape=[
            jax.ShapeDtypeStruct((n, d), jnp.float32),
            jax.ShapeDtypeStruct((n, 1), jnp.float32),
        ],
    )(h, deg)


def _tc_mid(acc, hs1, dinv, b1, w2):
    n, d = hs1.shape
    bm = 1000

    def k(a_ref, h_ref, d_ref, b_ref, w_ref, o_ref):
        dv = d_ref[...]
        z = (a_ref[...] + h_ref[...]) * dv + b_ref[...]
        o_ref[...] = _DOT(jnp.maximum(z, 0.0), w_ref[...]) * dv

    return pl.pallas_call(
        k,
        grid=(n // bm,),
        in_specs=[
            pl.BlockSpec((bm, d), lambda i: (i, 0)),
            pl.BlockSpec((bm, d), lambda i: (i, 0)),
            pl.BlockSpec((bm, 1), lambda i: (i, 0)),
            pl.BlockSpec((1, d), lambda i: (0, 0)),
            pl.BlockSpec((d, d), lambda i: (0, 0)),
        ],
        out_specs=pl.BlockSpec((bm, d), lambda i: (i, 0)),
        out_shape=jax.ShapeDtypeStruct((n, d), jnp.float32),
    )(acc, hs1, dinv, b1, w2)


def _tc_final(acc, hs2, dinv, b2):
    n, d = hs2.shape
    bm = 1000

    def k(a_ref, h_ref, d_ref, b_ref, o_ref):
        z = (a_ref[...] + h_ref[...]) * d_ref[...] + b_ref[...]
        m = jnp.max(z, axis=1, keepdims=True)
        lse = jnp.log(jnp.sum(jnp.exp(z - m), axis=1, keepdims=True)) + m
        o_ref[...] = z - lse

    return pl.pallas_call(
        k,
        grid=(n // bm,),
        in_specs=[
            pl.BlockSpec((bm, d), lambda i: (i, 0)),
            pl.BlockSpec((bm, d), lambda i: (i, 0)),
            pl.BlockSpec((bm, 1), lambda i: (i, 0)),
            pl.BlockSpec((1, d), lambda i: (0, 0)),
        ],
        out_specs=pl.BlockSpec((bm, d), lambda i: (i, 0)),
        out_shape=jax.ShapeDtypeStruct((n, d), jnp.float32),
    )(acc, hs2, dinv, b2)


def kernel(x, edge_index, W1, b1, W2, b2):
    n, d = x.shape
    e = edge_index.shape[1]
    rpt = -(-n // NT)
    rpt = -(-rpt // LANES) * LANES
    nch = e // KCH
    src_ch = edge_index[0].reshape(nch, 1, KCH)
    dst_ch = edge_index[1].reshape(nch, 1, KCH)

    hist = _sc_degree(dst_ch, n, rpt)
    deg = hist.reshape(NT * rpt)[:n].reshape(n, 1)
    h1 = _tc_matmul(x, W1)
    hs1, dinv = _tc_scale(h1, deg)

    acc1 = _sc_aggregate(hs1, src_ch, dst_ch, rpt)
    acc1 = acc1.reshape(NT, rpt + 1, d)[:, :rpt].reshape(NT * rpt, d)[:n]
    hs2 = _tc_mid(acc1, hs1, dinv, b1.reshape(1, -1), W2)

    acc2 = _sc_aggregate(hs2, src_ch, dst_ch, rpt)
    acc2 = acc2.reshape(NT, rpt + 1, d)[:, :rpt].reshape(NT * rpt, d)[:n]
    return _tc_final(acc2, hs2, dinv, b2.reshape(1, -1))

# --- scband reference (transcript-rebuilt; emitter-appended) ---
"""Pipeline reference for scband-gcn-17300128268940 (READ-ONLY COPY).

The authoritative reference and input builder live on the scoring server;
editing this copy changes nothing except your own understanding.
"""

import jax, jax.numpy as jnp
import numpy as np

N = 10000
E = 320000
D_IN = 128
D_OUT = 128


def setup_inputs(seed: int = 0) -> dict:
    key = jax.random.key(seed)
    k1, k2, k3, k4, k5, k6 = jax.random.split(key, 6)
    x = jax.random.normal(k1, (N, D_IN), dtype=jnp.float32)
    edge_index = jax.random.randint(k2, (2, E), 0, N, dtype=jnp.int32)
    # GCNConv layer 1 params (glorot-ish init)
    W1 = jax.random.normal(k3, (D_IN, D_OUT), dtype=jnp.float32) * (1.0 / np.sqrt(D_IN))
    b1 = jnp.zeros((D_OUT,), dtype=jnp.float32)
    # GCNConv layer 2 params
    W2 = jax.random.normal(k4, (D_OUT, D_OUT), dtype=jnp.float32) * (1.0 / np.sqrt(D_OUT))
    b2 = jnp.zeros((D_OUT,), dtype=jnp.float32)
    return {"x": x, "edge_index": edge_index, "W1": W1, "b1": b1, "W2": W2, "b2": b2}


def _gcn_conv(x, edge_index, W, b):
    # Faithful PyG GCNConv: add self-loops, symmetric normalization, linear transform,
    # gather messages by src, scatter-add by dst, add bias.
    n = x.shape[0]
    h = x @ W
    loop = jnp.arange(n, dtype=edge_index.dtype)
    src = jnp.concatenate([edge_index[0], loop])
    dst = jnp.concatenate([edge_index[1], loop])
    deg = jax.ops.segment_sum(jnp.ones_like(dst, dtype=h.dtype), dst, num_segments=n)
    dinv = jnp.where(deg > 0, jax.lax.rsqrt(deg), 0.0)
    norm = dinv[src] * dinv[dst]
    msg = h[src] * norm[:, None]
    out = jax.ops.segment_sum(msg, dst, num_segments=n)
    return out + b


def reference(x, edge_index, W1, b1, W2, b2):
    h = jax.nn.relu(_gcn_conv(x, edge_index, W1, b1))
    h = _gcn_conv(h, edge_index, W2, b2)
    return jax.nn.log_softmax(h, axis=1)

if __name__ == "__main__":
    import jax
    _d = setup_inputs()
    print(jax.jit(kernel)(*tuple(_d.values())))

</pallas_src>

<mosaic_0001>
#map = affine_map<(d0, d1) -> (0, 0, 0)>
module attributes {stable_mosaic.version = 14 : i64} {
  func.func @deg_kernel(%arg0: i32, %arg1: i32, %arg2: memref<125x1x2560xi32, #tpu.memory_space<hbm>>, %arg3: memref<2x16x320xf32, #tpu.memory_space<hbm>>, %arg4: memref<1x2560xi32, #tpu.memory_space<vmem>>, %arg5: memref<320xf32, #tpu.memory_space<vmem>>) attributes {dimension_semantics = [#tpu.dimension_semantics<core_parallel>, #tpu.dimension_semantics<subcore_parallel>], iteration_bounds = array<i64: 2, 16>, scalar_prefetch = 0 : i64, scratch_operands = 2 : i64, tpu.core_type = #tpu.core_type<sc_vector_subcore>, window_params = [{transform_indices = #map}, {transform_indices = #map}]} {
    %mul3A = arith.constant 16 : i32
    %mul3A_0 = arith.muli %arg0, %mul3A : i32
    %add3A = arith.addi %mul3A_0, %arg1 : i32
    %mul3A_1 = arith.constant 320 : i32
    %mul3A_2 = arith.muli %add3A, %mul3A_1 : i32
    %broadcast_in_dim3A = arith.constant 1.000000e+00 : f32
    %broadcast_in_dim3A_3 = vector.broadcast %broadcast_in_dim3A : f32 to vector<16xf32>
    %scan3A = arith.constant 0 : i32
    %scan3A_4 = arith.constant 20 : i32
    %scan3A_5 = arith.addi %scan3A, %scan3A_4 : i32
    %scan3A_6 = arith.constant 1 : i32
    scf.for %scan3A_13 = %scan3A to %scan3A_5 step %scan3A_6  : i32 {
      %mul3A_14 = arith.constant 1 : i32
      %mul3A_15 = arith.muli %scan3A_13, %mul3A_14 : i32
      %add3A_16 = arith.constant 0 : i32
      %add3A_17 = arith.addi %add3A_16, %mul3A_15 : i32
      %broadcast_in_dim3A_18 = arith.constant 0.000000e+00 : f32
      %broadcast_in_dim3A_19 = vector.broadcast %broadcast_in_dim3A_18 : f32 to vector<16xf32>
      %mul3A_20 = arith.constant 16 : i32
      %mul3A_21 = arith.muli %add3A_17, %mul3A_20 : i32
      %swap3A = arith.index_cast %mul3A_21 : i32 to index
      %swap3A_22 = tpu.vector_load %arg5[%swap3A] {strides = array<i32>} : memref<320xf32, #tpu.memory_space<vmem>>, vector<16xf32>,
      tpu.vector_store %arg5[%swap3A], %broadcast_in_dim3A_19 {strides = array<i32>} : memref<320xf32, #tpu.memory_space<vmem>>, vector<16xf32>,
    }
    %scan3A_7 = arith.constant 20 : i32
    %scan3A_8 = arith.constant 0 : i32
    %scan3A_9 = arith.constant 125 : i32
    %scan3A_10 = arith.addi %scan3A_8, %scan3A_9 : i32
    %scan3A_11 = arith.constant 1 : i32
    scf.for %scan3A_13 = %scan3A_8 to %scan3A_10 step %scan3A_11  : i32 {
      %mul3A_14 = arith.constant 1 : i32
      %mul3A_15 = arith.muli %scan3A_13, %mul3A_14 : i32
      %add3A_16 = arith.constant 0 : i32
      %add3A_17 = arith.addi %add3A_16, %mul3A_15 : i32
      "tpu.region"() ({
        %run_scoped3A = tpu.sem_alloc : memref<!tpu.dma_semaphore, #tpu.memory_space<semaphore_mem>>
        %dma_start3A = arith.constant 0 : i32
        %dma_start3A_23 = arith.constant 0 : i32
        %dma_start3A_24 = tpu.memref_slice %arg2[%add3A_17, %dma_start3A, %dma_start3A_23] : memref<125x1x2560xi32, #tpu.memory_space<hbm>> -> memref<1x1x2560xi32, #tpu.memory_space<hbm>>
        %dma_start3A_25 = tpu.memref_squeeze %dma_start3A_24 : memref<1x1x2560xi32, #tpu.memory_space<hbm>> -> memref<1x2560xi32, #tpu.memory_space<hbm>>
        %dma_start3A_26 = arith.constant 0 : i32
        %dma_start3A_27 = arith.constant 0 : i32
        %dma_start3A_28 = tpu.memref_slice %arg2[%add3A_17, %dma_start3A_26, %dma_start3A_27] : memref<125x1x2560xi32, #tpu.memory_space<hbm>> -> memref<1x1x2560xi32, #tpu.memory_space<hbm>>
        %dma_start3A_29 = tpu.memref_squeeze %dma_start3A_28 : memref<1x1x2560xi32, #tpu.memory_space<hbm>> -> memref<1x2560xi32, #tpu.memory_space<hbm>>
        tpu.enqueue_dma source(%dma_start3A_29 : memref<1x2560xi32, #tpu.memory_space<hbm>>) target(%arg4 : memref<1x2560xi32, #tpu.memory_space<vmem>>) target_semaphore(%run_scoped3A : memref<!tpu.dma_semaphore, #tpu.memory_space<semaphore_mem>>)
        %dma_wait3A = arith.constant 0 : i32
        %dma_wait3A_30 = arith.constant 0 : i32
        %dma_wait3A_31 = tpu.memref_slice %arg2[%add3A_17, %dma_wait3A, %dma_wait3A_30] : memref<125x1x2560xi32, #tpu.memory_space<hbm>> -> memref<1x1x2560xi32, #tpu.memory_space<hbm>>
        %dma_wait3A_32 = tpu.memref_squeeze %dma_wait3A_31 : memref<1x1x2560xi32, #tpu.memory_space<hbm>> -> memref<1x2560xi32, #tpu.memory_space<hbm>>
        %dma_wait3A_33 = arith.constant 0 : i32
        %dma_wait3A_34 = arith.constant 0 : i32
        %dma_wait3A_35 = tpu.memref_slice %arg2[%add3A_17, %dma_wait3A_33, %dma_wait3A_34] : memref<125x1x2560xi32, #tpu.memory_space<hbm>> -> memref<1x1x2560xi32, #tpu.memory_space<hbm>>
        %dma_wait3A_36 = tpu.memref_squeeze %dma_wait3A_35 : memref<1x1x2560xi32, #tpu.memory_space<hbm>> -> memref<1x2560xi32, #tpu.memory_space<hbm>>
        tpu.wait_dma2 semaphore(%run_scoped3A : memref<!tpu.dma_semaphore, #tpu.memory_space<semaphore_mem>>) src(%dma_wait3A_36 : memref<1x2560xi32, #tpu.memory_space<hbm>>) dst(%arg4 : memref<1x2560xi32, #tpu.memory_space<vmem>>)
        tpu.yield
      }) : () -> ()
      %scan3A_18 = arith.constant 0 : i32
      %scan3A_19 = arith.constant 160 : i32
      %scan3A_20 = arith.addi %scan3A_18, %scan3A_19 : i32
      %scan3A_21 = arith.constant 1 : i32
      scf.for %scan3A_23 = %scan3A_18 to %scan3A_20 step %scan3A_21  : i32 {
        %mul3A_24 = arith.constant 1 : i32
        %mul3A_25 = arith.muli %scan3A_23, %mul3A_24 : i32
        %add3A_26 = arith.constant 0 : i32
        %add3A_27 = arith.addi %add3A_26, %mul3A_25 : i32
        %mul3A_28 = arith.constant 16 : i32
        %mul3A_29 = arith.muli %add3A_27, %mul3A_28 : i32
        %get3A = arith.constant 0 : i32
        %get3A_30 = arith.index_cast %get3A : i32 to index
        %get3A_31 = arith.index_cast %mul3A_29 : i32 to index
        %get3A_32 = tpu.vector_load %arg4[%get3A_30, %get3A_31] {strides = array<i32>} : memref<1x2560xi32, #tpu.memory_space<vmem>>, vector<16xi32>,
        %sub3A = vector.broadcast %mul3A_2 : i32 to vector<16xi32>
        %sub3A_33 = arith.subi %get3A_32, %sub3A : vector<16xi32>
        %ge3A = arith.constant 0 : i32
        %ge3A_34 = vector.broadcast %ge3A : i32 to vector<16xi32>
        %ge3A_35 = arith.cmpi sge, %sub3A_33, %ge3A_34 : vector<16xi32>
        %lt3A = arith.constant 320 : i32
        %lt3A_36 = vector.broadcast %lt3A : i32 to vector<16xi32>
        %lt3A_37 = arith.cmpi slt, %sub3A_33, %lt3A_36 : vector<16xi32>
        %and3A = arith.andi %ge3A_35, %lt3A_37 : vector<16xi1>
        %max3A = arith.constant 0 : i32
        %max3A_38 = vector.broadcast %max3A : i32 to vector<16xi32>
        %max3A_39 = arith.maxsi %sub3A_33, %max3A_38 : vector<16xi32>
        %min3A = arith.constant 319 : i32
        %min3A_40 = vector.broadcast %min3A : i32 to vector<16xi32>
        %min3A_41 = arith.minsi %max3A_39, %min3A_40 : vector<16xi32>
        tpu.vector_store_idx %arg5[%min3A_41], %broadcast_in_dim3A_3 masked %and3A {add = true} : memref<320xf32, #tpu.memory_space<vmem>>[vector<16xi32>], vector<16xf32>, vector<16xi1>
      }
      %scan3A_22 = arith.constant 160 : i32
    }
    %scan3A_12 = arith.constant 125 : i32
    "tpu.region"() ({
      %run_scoped3A = tpu.sem_alloc : memref<!tpu.dma_semaphore, #tpu.memory_space<semaphore_mem>>
      %dma_start3A = arith.constant 0 : i32
      %dma_start3A_13 = tpu.memref_slice %arg3[%arg0, %arg1, %dma_start3A] : memref<2x16x320xf32, #tpu.memory_space<hbm>> -> memref<1x1x320xf32, #tpu.memory_space<hbm>>
      %dma_start3A_14 = tpu.memref_squeeze %dma_start3A_13 : memref<1x1x320xf32, #tpu.memory_space<hbm>> -> memref<320xf32, #tpu.memory_space<hbm>>
      %dma_start3A_15 = arith.constant 0 : i32
      %dma_start3A_16 = tpu.memref_slice %arg3[%arg0, %arg1, %dma_start3A_15] : memref<2x16x320xf32, #tpu.memory_space<hbm>> -> memref<1x1x320xf32, #tpu.memory_space<hbm>>
      %dma_start3A_17 = tpu.memref_squeeze %dma_start3A_16 : memref<1x1x320xf32, #tpu.memory_space<hbm>> -> memref<320xf32, #tpu.memory_space<hbm>>
      tpu.enqueue_dma source(%arg5 : memref<320xf32, #tpu.memory_space<vmem>>) target(%dma_start3A_17 : memref<320xf32, #tpu.memory_space<hbm>>) target_semaphore(%run_scoped3A : memref<!tpu.dma_semaphore, #tpu.memory_space<semaphore_mem>>)
      %dma_wait3A = arith.constant 0 : i32
      %dma_wait3A_18 = tpu.memref_slice %arg3[%arg0, %arg1, %dma_wait3A] : memref<2x16x320xf32, #tpu.memory_space<hbm>> -> memref<1x1x320xf32, #tpu.memory_space<hbm>>
      %dma_wait3A_19 = tpu.memref_squeeze %dma_wait3A_18 : memref<1x1x320xf32, #tpu.memory_space<hbm>> -> memref<320xf32, #tpu.memory_space<hbm>>
      %dma_wait3A_20 = arith.constant 0 : i32
      %dma_wait3A_21 = tpu.memref_slice %arg3[%arg0, %arg1, %dma_wait3A_20] : memref<2x16x320xf32, #tpu.memory_space<hbm>> -> memref<1x1x320xf32, #tpu.memory_space<hbm>>
      %dma_wait3A_22 = tpu.memref_squeeze %dma_wait3A_21 : memref<1x1x320xf32, #tpu.memory_space<hbm>> -> memref<320xf32, #tpu.memory_space<hbm>>
      tpu.wait_dma2 semaphore(%run_scoped3A : memref<!tpu.dma_semaphore, #tpu.memory_space<semaphore_mem>>) src(%arg5 : memref<320xf32, #tpu.memory_space<vmem>>) dst(%dma_wait3A_22 : memref<320xf32, #tpu.memory_space<hbm>>)
      tpu.yield
    }) : () -> ()
    return
  }
}

#map = affine_map<(d0, d1) -> (0, 0)>
#map1 = affine_map<(d0, d1) -> (0, 0, 0)>
#map2 = affine_map<(d0, d1) -> (0, 0, 0, 0)>
module attributes {stable_mosaic.version = 14 : i64} {
  func.func @agg_kernel(%arg0: i32, %arg1: i32, %arg2: memref<10000x128xf32, #tpu.memory_space<hbm>>, %arg3: memref<125x1x2560xi32, #tpu.memory_space<hbm>>, %arg4: memref<125x1x2560xi32, #tpu.memory_space<hbm>>, %arg5: memref<2x16x321x128xf32, #tpu.memory_space<hbm>>, %arg6: memref<2x1x2560xi32, #tpu.memory_space<vmem>>, %arg7: memref<2x1x2560xi32, #tpu.memory_space<vmem>>, %arg8: memref<16384xi32, #tpu.memory_space<vmem>>, %arg9: memref<16384xi32, #tpu.memory_space<vmem>>, %arg10: memref<2x16x128xf32, #tpu.memory_space<vmem>>, %arg11: memref<321x128xf32, #tpu.memory_space<vmem>>, %arg12: memref<!tpu.dma_semaphore, #tpu.memory_space<semaphore_mem>>, %arg13: memref<!tpu.dma_semaphore, #tpu.memory_space<semaphore_mem>>) attributes {dimension_semantics = [#tpu.dimension_semantics<core_parallel>, #tpu.dimension_semantics<subcore_parallel>], iteration_bounds = array<i64: 2, 16>, scalar_prefetch = 0 : i64, scratch_operands = 8 : i64, tpu.core_type = #tpu.core_type<sc_vector_subcore>, window_params = [{transform_indices = #map}, {transform_indices = #map1}, {transform_indices = #map1}, {transform_indices = #map2}]} {
    %mul3A = arith.constant 16 : i32
    %mul3A_0 = arith.muli %arg0, %mul3A : i32
    %add3A = arith.addi %mul3A_0, %arg1 : i32
    %mul3A_1 = arith.constant 320 : i32
    %mul3A_2 = arith.muli %add3A, %mul3A_1 : i32
    %iota3A = tpu.iota {dimensions = array<i32: 0>} : vector<16xi32>
    %broadcast_in_dim3A = arith.constant 0.000000e+00 : f32
    %broadcast_in_dim3A_3 = vector.broadcast %broadcast_in_dim3A : f32 to vector<16xf32>
    %scan3A = arith.constant 0 : i32
    %scan3A_4 = arith.constant 321 : i32
    %scan3A_5 = arith.addi %scan3A, %scan3A_4 : i32
    %scan3A_6 = arith.constant 1 : i32
    scf.for %scan3A_103 = %scan3A to %scan3A_5 step %scan3A_6  : i32 {
      %mul3A_104 = arith.constant 1 : i32
      %mul3A_105 = arith.muli %scan3A_103, %mul3A_104 : i32
      %add3A_106 = arith.constant 0 : i32
      %add3A_107 = arith.addi %add3A_106, %mul3A_105 : i32
      %scan3A_108 = arith.constant 0 : i32
      %scan3A_109 = arith.constant 8 : i32
      %scan3A_110 = arith.addi %scan3A_108, %scan3A_109 : i32
      %scan3A_111 = arith.constant 1 : i32
      scf.for %scan3A_113 = %scan3A_108 to %scan3A_110 step %scan3A_111  : i32 {
        %mul3A_114 = arith.constant 1 : i32
        %mul3A_115 = arith.muli %scan3A_113, %mul3A_114 : i32
        %add3A_116 = arith.constant 0 : i32
        %add3A_117 = arith.addi %add3A_116, %mul3A_115 : i32
        %mul3A_118 = arith.constant 16 : i32
        %mul3A_119 = arith.muli %add3A_117, %mul3A_118 : i32
        %swap3A = arith.index_cast %add3A_107 : i32 to index
        %swap3A_120 = arith.index_cast %mul3A_119 : i32 to index
        %swap3A_121 = tpu.vector_load %arg11[%swap3A, %swap3A_120] {strides = array<i32>} : memref<321x128xf32, #tpu.memory_space<vmem>>, vector<16xf32>,
        tpu.vector_store %arg11[%swap3A, %swap3A_120], %broadcast_in_dim3A_3 {strides = array<i32>} : memref<321x128xf32, #tpu.memory_space<vmem>>, vector<16xf32>,
      }
      %scan3A_112 = arith.constant 8 : i32
    }
    %scan3A_7 = arith.constant 321 : i32
    %dma_start3A = arith.constant 0 : i32
    %dma_start3A_8 = arith.constant 0 : i32
    %dma_start3A_9 = arith.constant 0 : i32
    %dma_start3A_10 = arith.constant 0 : i32
    %dma_start3A_11 = tpu.memref_slice %arg6[%dma_start3A_8, %dma_start3A_9, %dma_start3A_10] : memref<2x1x2560xi32, #tpu.memory_space<vmem>> -> memref<1x1x2560xi32, #tpu.memory_space<vmem>>
    %dma_start3A_12 = tpu.memref_squeeze %dma_start3A_11 : memref<1x1x2560xi32, #tpu.memory_space<vmem>> -> memref<1x2560xi32, #tpu.memory_space<vmem>>
    %dma_start3A_13 = arith.constant 0 : i32
    %dma_start3A_14 = arith.constant 0 : i32
    %dma_start3A_15 = tpu.memref_slice %arg3[%dma_start3A, %dma_start3A_13, %dma_start3A_14] : memref<125x1x2560xi32, #tpu.memory_space<hbm>> -> memref<1x1x2560xi32, #tpu.memory_space<hbm>>
    %dma_start3A_16 = tpu.memref_squeeze %dma_start3A_15 : memref<1x1x2560xi32, #tpu.memory_space<hbm>> -> memref<1x2560xi32, #tpu.memory_space<hbm>>
    %dma_start3A_17 = arith.constant 0 : i32
    %dma_start3A_18 = arith.constant 0 : i32
    %dma_start3A_19 = tpu.memref_slice %arg6[%dma_start3A_8, %dma_start3A_17, %dma_start3A_18] : memref<2x1x2560xi32, #tpu.memory_space<vmem>> -> memref<1x1x2560xi32, #tpu.memory_space<vmem>>
    %dma_start3A_20 = tpu.memref_squeeze %dma_start3A_19 : memref<1x1x2560xi32, #tpu.memory_space<vmem>> -> memref<1x2560xi32, #tpu.memory_space<vmem>>
    %dma_start3A_21 = arith.constant 0 : i32
    %dma_start3A_22 = arith.constant 0 : i32
    %dma_start3A_23 = tpu.memref_slice %arg3[%dma_start3A, %dma_start3A_21, %dma_start3A_22] : memref<125x1x2560xi32, #tpu.memory_space<hbm>> -> memref<1x1x2560xi32, #tpu.memory_space<hbm>>
    %dma_start3A_24 = tpu.memref_squeeze %dma_start3A_23 : memref<1x1x2560xi32, #tpu.memory_space<hbm>> -> memref<1x2560xi32, #tpu.memory_space<hbm>>
    tpu.enqueue_dma source(%dma_start3A_24 : memref<1x2560xi32, #tpu.memory_space<hbm>>) target(%dma_start3A_20 : memref<1x2560xi32, #tpu.memory_space<vmem>>) target_semaphore(%arg13 : memref<!tpu.dma_semaphore, #tpu.memory_space<semaphore_mem>>)
    %dma_start3A_25 = arith.constant 0 : i32
    %dma_start3A_26 = arith.constant 0 : i32
    %dma_start3A_27 = arith.constant 0 : i32
    %dma_start3A_28 = arith.constant 0 : i32
    %dma_start3A_29 = tpu.memref_slice %arg7[%dma_start3A_26, %dma_start3A_27, %dma_start3A_28] : memref<2x1x2560xi32, #tpu.memory_space<vmem>> -> memref<1x1x2560xi32, #tpu.memory_space<vmem>>
    %dma_start3A_30 = tpu.memref_squeeze %dma_start3A_29 : memref<1x1x2560xi32, #tpu.memory_space<vmem>> -> memref<1x2560xi32, #tpu.memory_space<vmem>>
    %dma_start3A_31 = arith.constant 0 : i32
    %dma_start3A_32 = arith.constant 0 : i32
    %dma_start3A_33 = tpu.memref_slice %arg4[%dma_start3A_25, %dma_start3A_31, %dma_start3A_32] : memref<125x1x2560xi32, #tpu.memory_space<hbm>> -> memref<1x1x2560xi32, #tpu.memory_space<hbm>>
    %dma_start3A_34 = tpu.memref_squeeze %dma_start3A_33 : memref<1x1x2560xi32, #tpu.memory_space<hbm>> -> memref<1x2560xi32, #tpu.memory_space<hbm>>
    %dma_start3A_35 = arith.constant 0 : i32
    %dma_start3A_36 = arith.constant 0 : i32
    %dma_start3A_37 = tpu.memref_slice %arg7[%dma_start3A_26, %dma_start3A_35, %dma_start3A_36] : memref<2x1x2560xi32, #tpu.memory_space<vmem>> -> memref<1x1x2560xi32, #tpu.memory_space<vmem>>
    %dma_start3A_38 = tpu.memref_squeeze %dma_start3A_37 : memref<1x1x2560xi32, #tpu.memory_space<vmem>> -> memref<1x2560xi32, #tpu.memory_space<vmem>>
    %dma_start3A_39 = arith.constant 0 : i32
    %dma_start3A_40 = arith.constant 0 : i32
    %dma_start3A_41 = tpu.memref_slice %arg4[%dma_start3A_25, %dma_start3A_39, %dma_start3A_40] : memref<125x1x2560xi32, #tpu.memory_space<hbm>> -> memref<1x1x2560xi32, #tpu.memory_space<hbm>>
    %dma_start3A_42 = tpu.memref_squeeze %dma_start3A_41 : memref<1x1x2560xi32, #tpu.memory_space<hbm>> -> memref<1x2560xi32, #tpu.memory_space<hbm>>
    tpu.enqueue_dma source(%dma_start3A_42 : memref<1x2560xi32, #tpu.memory_space<hbm>>) target(%dma_start3A_38 : memref<1x2560xi32, #tpu.memory_space<vmem>>) target_semaphore(%arg13 : memref<!tpu.dma_semaphore, #tpu.memory_space<semaphore_mem>>)
    %scan3A_43 = arith.constant 0 : i32
    %scan3A_44 = arith.constant 0 : i32
    %scan3A_45 = arith.constant 125 : i32
    %scan3A_46 = arith.addi %scan3A_44, %scan3A_45 : i32
    %scan3A_47 = arith.constant 1 : i32
    %scan3A_48 = scf.for %scan3A_103 = %scan3A_44 to %scan3A_46 step %scan3A_47 iter_args(%scan3A_104 = %scan3A_43) -> (i32)  : i32 {
      %mul3A_105 = arith.constant 1 : i32
      %mul3A_106 = arith.muli %scan3A_103, %mul3A_105 : i32
      %add3A_107 = arith.constant 0 : i32
      %add3A_108 = arith.addi %add3A_107, %mul3A_106 : i32
      %and3A_109 = arith.constant 1 : i32
      %and3A_110 = arith.andi %add3A_108, %and3A_109 : i32
      %dma_wait3A = arith.constant 0 : i32
      %dma_wait3A_111 = arith.constant 0 : i32
      %dma_wait3A_112 = tpu.memref_slice %arg6[%and3A_110, %dma_wait3A, %dma_wait3A_111] : memref<2x1x2560xi32, #tpu.memory_space<vmem>> -> memref<1x1x2560xi32, #tpu.memory_space<vmem>>
      %dma_wait3A_113 = tpu.memref_squeeze %dma_wait3A_112 : memref<1x1x2560xi32, #tpu.memory_space<vmem>> -> memref<1x2560xi32, #tpu.memory_space<vmem>>
      %dma_wait3A_114 = arith.constant 0 : i32
      %dma_wait3A_115 = arith.constant 0 : i32
      %dma_wait3A_116 = tpu.memref_slice %arg3[%add3A_108, %dma_wait3A_114, %dma_wait3A_115] : memref<125x1x2560xi32, #tpu.memory_space<hbm>> -> memref<1x1x2560xi32, #tpu.memory_space<hbm>>
      %dma_wait3A_117 = tpu.memref_squeeze %dma_wait3A_116 : memref<1x1x2560xi32, #tpu.memory_space<hbm>> -> memref<1x2560xi32, #tpu.memory_space<hbm>>
      %dma_wait3A_118 = arith.constant 0 : i32
      %dma_wait3A_119 = arith.constant 0 : i32
      %dma_wait3A_120 = tpu.memref_slice %arg6[%and3A_110, %dma_wait3A_118, %dma_wait3A_119] : memref<2x1x2560xi32, #tpu.memory_space<vmem>> -> memref<1x1x2560xi32, #tpu.memory_space<vmem>>
      %dma_wait3A_121 = tpu.memref_squeeze %dma_wait3A_120 : memref<1x1x2560xi32, #tpu.memory_space<vmem>> -> memref<1x2560xi32, #tpu.memory_space<vmem>>
      %dma_wait3A_122 = arith.constant 0 : i32
      %dma_wait3A_123 = arith.constant 0 : i32
      %dma_wait3A_124 = tpu.memref_slice %arg3[%add3A_108, %dma_wait3A_122, %dma_wait3A_123] : memref<125x1x2560xi32, #tpu.memory_space<hbm>> -> memref<1x1x2560xi32, #tpu.memory_space<hbm>>
      %dma_wait3A_125 = tpu.memref_squeeze %dma_wait3A_124 : memref<1x1x2560xi32, #tpu.memory_space<hbm>> -> memref<1x2560xi32, #tpu.memory_space<hbm>>
      tpu.wait_dma2 semaphore(%arg13 : memref<!tpu.dma_semaphore, #tpu.memory_space<semaphore_mem>>) src(%dma_wait3A_125 : memref<1x2560xi32, #tpu.memory_space<hbm>>) dst(%dma_wait3A_121 : memref<1x2560xi32, #tpu.memory_space<vmem>>)
      %dma_wait3A_126 = arith.constant 0 : i32
      %dma_wait3A_127 = arith.constant 0 : i32
      %dma_wait3A_128 = tpu.memref_slice %arg7[%and3A_110, %dma_wait3A_126, %dma_wait3A_127] : memref<2x1x2560xi32, #tpu.memory_space<vmem>> -> memref<1x1x2560xi32, #tpu.memory_space<vmem>>
      %dma_wait3A_129 = tpu.memref_squeeze %dma_wait3A_128 : memref<1x1x2560xi32, #tpu.memory_space<vmem>> -> memref<1x2560xi32, #tpu.memory_space<vmem>>
      %dma_wait3A_130 = arith.constant 0 : i32
      %dma_wait3A_131 = arith.constant 0 : i32
      %dma_wait3A_132 = tpu.memref_slice %arg4[%add3A_108, %dma_wait3A_130, %dma_wait3A_131] : memref<125x1x2560xi32, #tpu.memory_space<hbm>> -> memref<1x1x2560xi32, #tpu.memory_space<hbm>>
      %dma_wait3A_133 = tpu.memref_squeeze %dma_wait3A_132 : memref<1x1x2560xi32, #tpu.memory_space<hbm>> -> memref<1x2560xi32, #tpu.memory_space<hbm>>
      %dma_wait3A_134 = arith.constant 0 : i32
      %dma_wait3A_135 = arith.constant 0 : i32
      %dma_wait3A_136 = tpu.memref_slice %arg7[%and3A_110, %dma_wait3A_134, %dma_wait3A_135] : memref<2x1x2560xi32, #tpu.memory_space<vmem>> -> memref<1x1x2560xi32, #tpu.memory_space<vmem>>
      %dma_wait3A_137 = tpu.memref_squeeze %dma_wait3A_136 : memref<1x1x2560xi32, #tpu.memory_space<vmem>> -> memref<1x2560xi32, #tpu.memory_space<vmem>>
      %dma_wait3A_138 = arith.constant 0 : i32
      %dma_wait3A_139 = arith.constant 0 : i32
      %dma_wait3A_140 = tpu.memref_slice %arg4[%add3A_108, %dma_wait3A_138, %dma_wait3A_139] : memref<125x1x2560xi32, #tpu.memory_space<hbm>> -> memref<1x1x2560xi32, #tpu.memory_space<hbm>>
      %dma_wait3A_141 = tpu.memref_squeeze %dma_wait3A_140 : memref<1x1x2560xi32, #tpu.memory_space<hbm>> -> memref<1x2560xi32, #tpu.memory_space<hbm>>
      tpu.wait_dma2 semaphore(%arg13 : memref<!tpu.dma_semaphore, #tpu.memory_space<semaphore_mem>>) src(%dma_wait3A_141 : memref<1x2560xi32, #tpu.memory_space<hbm>>) dst(%dma_wait3A_137 : memref<1x2560xi32, #tpu.memory_space<vmem>>)
      %add3A_142 = arith.constant 1 : i32
      %add3A_143 = arith.addi %add3A_108, %add3A_142 : i32
      %lt3A = arith.constant 125 : i32
      %lt3A_144 = arith.cmpi slt, %add3A_143, %lt3A : i32
      %convert_element_type3A_145 = arith.extui %lt3A_144 : i1 to i32
      %cond3A_146 = arith.constant 0 : i32
      %cond3A_147 = arith.cmpi ne, %convert_element_type3A_145, %cond3A_146 : i32
      scf.if %cond3A_147 {
        %add3A_154 = arith.constant 1 : i32
        %add3A_155 = arith.addi %add3A_108, %add3A_154 : i32
        %and3A_156 = arith.constant 1 : i32
        %and3A_157 = arith.andi %add3A_155, %and3A_156 : i32
        %add3A_158 = arith.constant 1 : i32
        %add3A_159 = arith.addi %add3A_108, %add3A_158 : i32
        %dma_start3A_160 = arith.constant 0 : i32
        %dma_start3A_161 = arith.constant 0 : i32
        %dma_start3A_162 = tpu.memref_slice %arg6[%and3A_157, %dma_start3A_160, %dma_start3A_161] : memref<2x1x2560xi32, #tpu.memory_space<vmem>> -> memref<1x1x2560xi32, #tpu.memory_space<vmem>>
        %dma_start3A_163 = tpu.memref_squeeze %dma_start3A_162 : memref<1x1x2560xi32, #tpu.memory_space<vmem>> -> memref<1x2560xi32, #tpu.memory_space<vmem>>
        %dma_start3A_164 = arith.constant 0 : i32
        %dma_start3A_165 = arith.constant 0 : i32
        %dma_start3A_166 = tpu.memref_slice %arg3[%add3A_159, %dma_start3A_164, %dma_start3A_165] : memref<125x1x2560xi32, #tpu.memory_space<hbm>> -> memref<1x1x2560xi32, #tpu.memory_space<hbm>>
        %dma_start3A_167 = tpu.memref_squeeze %dma_start3A_166 : memref<1x1x2560xi32, #tpu.memory_space<hbm>> -> memref<1x2560xi32, #tpu.memory_space<hbm>>
        %dma_start3A_168 = arith.constant 0 : i32
        %dma_start3A_169 = arith.constant 0 : i32
        %dma_start3A_170 = tpu.memref_slice %arg6[%and3A_157, %dma_start3A_168, %dma_start3A_169] : memref<2x1x2560xi32, #tpu.memory_space<vmem>> -> memref<1x1x2560xi32, #tpu.memory_space<vmem>>
        %dma_start3A_171 = tpu.memref_squeeze %dma_start3A_170 : memref<1x1x2560xi32, #tpu.memory_space<vmem>> -> memref<1x2560xi32, #tpu.memory_space<vmem>>
        %dma_start3A_172 = arith.constant 0 : i32
        %dma_start3A_173 = arith.constant 0 : i32
        %dma_start3A_174 = tpu.memref_slice %arg3[%add3A_159, %dma_start3A_172, %dma_start3A_173] : memref<125x1x2560xi32, #tpu.memory_space<hbm>> -> memref<1x1x2560xi32, #tpu.memory_space<hbm>>
        %dma_start3A_175 = tpu.memref_squeeze %dma_start3A_174 : memref<1x1x2560xi32, #tpu.memory_space<hbm>> -> memref<1x2560xi32, #tpu.memory_space<hbm>>
        tpu.enqueue_dma source(%dma_start3A_175 : memref<1x2560xi32, #tpu.memory_space<hbm>>) target(%dma_start3A_171 : memref<1x2560xi32, #tpu.memory_space<vmem>>) target_semaphore(%arg13 : memref<!tpu.dma_semaphore, #tpu.memory_space<semaphore_mem>>)
        %add3A_176 = arith.constant 1 : i32
        %add3A_177 = arith.addi %add3A_108, %add3A_176 : i32
        %dma_start3A_178 = arith.constant 0 : i32
        %dma_start3A_179 = arith.constant 0 : i32
        %dma_start3A_180 = tpu.memref_slice %arg7[%and3A_157, %dma_start3A_178, %dma_start3A_179] : memref<2x1x2560xi32, #tpu.memory_space<vmem>> -> memref<1x1x2560xi32, #tpu.memory_space<vmem>>
        %dma_start3A_181 = tpu.memref_squeeze %dma_start3A_180 : memref<1x1x2560xi32, #tpu.memory_space<vmem>> -> memref<1x2560xi32, #tpu.memory_space<vmem>>
        %dma_start3A_182 = arith.constant 0 : i32
        %dma_start3A_183 = arith.constant 0 : i32
        %dma_start3A_184 = tpu.memref_slice %arg4[%add3A_177, %dma_start3A_182, %dma_start3A_183] : memref<125x1x2560xi32, #tpu.memory_space<hbm>> -> memref<1x1x2560xi32, #tpu.memory_space<hbm>>
        %dma_start3A_185 = tpu.memref_squeeze %dma_start3A_184 : memref<1x1x2560xi32, #tpu.memory_space<hbm>> -> memref<1x2560xi32, #tpu.memory_space<hbm>>
        %dma_start3A_186 = arith.constant 0 : i32
        %dma_start3A_187 = arith.constant 0 : i32
        %dma_start3A_188 = tpu.memref_slice %arg7[%and3A_157, %dma_start3A_186, %dma_start3A_187] : memref<2x1x2560xi32, #tpu.memory_space<vmem>> -> memref<1x1x2560xi32, #tpu.memory_space<vmem>>
        %dma_start3A_189 = tpu.memref_squeeze %dma_start3A_188 : memref<1x1x2560xi32, #tpu.memory_space<vmem>> -> memref<1x2560xi32, #tpu.memory_space<vmem>>
        %dma_start3A_190 = arith.constant 0 : i32
        %dma_start3A_191 = arith.constant 0 : i32
        %dma_start3A_192 = tpu.memref_slice %arg4[%add3A_177, %dma_start3A_190, %dma_start3A_191] : memref<125x1x2560xi32, #tpu.memory_space<hbm>> -> memref<1x1x2560xi32, #tpu.memory_space<hbm>>
        %dma_start3A_193 = tpu.memref_squeeze %dma_start3A_192 : memref<1x1x2560xi32, #tpu.memory_space<hbm>> -> memref<1x2560xi32, #tpu.memory_space<hbm>>
        tpu.enqueue_dma source(%dma_start3A_193 : memref<1x2560xi32, #tpu.memory_space<hbm>>) target(%dma_start3A_189 : memref<1x2560xi32, #tpu.memory_space<vmem>>) target_semaphore(%arg13 : memref<!tpu.dma_semaphore, #tpu.memory_space<semaphore_mem>>)
      } else {
      }
      %scan3A_148 = arith.constant 0 : i32
      %scan3A_149 = arith.constant 160 : i32
      %scan3A_150 = arith.addi %scan3A_148, %scan3A_149 : i32
      %scan3A_151 = arith.constant 1 : i32
      %scan3A_152 = scf.for %scan3A_154 = %scan3A_148 to %scan3A_150 step %scan3A_151 iter_args(%scan3A_155 = %scan3A_104) -> (i32)  : i32 {
        %mul3A_156 = arith.constant 1 : i32
        %mul3A_157 = arith.muli %scan3A_154, %mul3A_156 : i32
        %add3A_158 = arith.constant 0 : i32
        %add3A_159 = arith.addi %add3A_158, %mul3A_157 : i32
        %mul3A_160 = arith.constant 16 : i32
        %mul3A_161 = arith.muli %add3A_159, %mul3A_160 : i32
        %get3A = arith.constant 0 : i32
        %get3A_162 = arith.index_cast %and3A_110 : i32 to index
        %get3A_163 = arith.index_cast %get3A : i32 to index
        %get3A_164 = arith.index_cast %mul3A_161 : i32 to index
        %get3A_165 = tpu.vector_load %arg7[%get3A_162, %get3A_163, %get3A_164] {strides = array<i32>} : memref<2x1x2560xi32, #tpu.memory_space<vmem>>, vector<16xi32>,
        %mul3A_166 = arith.constant 16 : i32
        %mul3A_167 = arith.muli %add3A_159, %mul3A_166 : i32
        %get3A_168 = arith.constant 0 : i32
        %get3A_169 = arith.index_cast %and3A_110 : i32 to index
        %get3A_170 = arith.index_cast %get3A_168 : i32 to index
        %get3A_171 = arith.index_cast %mul3A_167 : i32 to index
        %get3A_172 = tpu.vector_load %arg6[%get3A_169, %get3A_170, %get3A_171] {strides = array<i32>} : memref<2x1x2560xi32, #tpu.memory_space<vmem>>, vector<16xi32>,
        %sub3A_173 = vector.broadcast %mul3A_2 : i32 to vector<16xi32>
        %sub3A_174 = arith.subi %get3A_165, %sub3A_173 : vector<16xi32>
        %ge3A_175 = arith.constant 0 : i32
        %ge3A_176 = vector.broadcast %ge3A_175 : i32 to vector<16xi32>
        %ge3A_177 = arith.cmpi sge, %sub3A_174, %ge3A_176 : vector<16xi32>
        %lt3A_178 = arith.constant 320 : i32
        %lt3A_179 = vector.broadcast %lt3A_178 : i32 to vector<16xi32>
        %lt3A_180 = arith.cmpi slt, %sub3A_174, %lt3A_179 : vector<16xi32>
        %and3A_181 = arith.andi %ge3A_177, %lt3A_180 : vector<16xi1>
        %convert_element_type3A_182 = arith.extui %and3A_181 : vector<16xi1> to vector<16xi32>
        %broadcast_in_dim3A_183 = arith.constant true
        %broadcast_in_dim3A_184 = vector.broadcast %broadcast_in_dim3A_183 : i1 to vector<16xi1>
        %masked_cumsum3A = tpu.scan <sum>, %convert_element_type3A_182 masked %broadcast_in_dim3A_184 : vector<16xi32>, vector<16xi1> -> vector<16xi32>
        %add3A_185 = vector.broadcast %scan3A_155 : i32 to vector<16xi32>
        %add3A_186 = arith.addi %add3A_185, %masked_cumsum3A : vector<16xi32>
        %sub3A_187 = arith.constant 1 : i32
        %sub3A_188 = vector.broadcast %sub3A_187 : i32 to vector<16xi32>
        %sub3A_189 = arith.subi %add3A_186, %sub3A_188 : vector<16xi32>
        %max3A = arith.constant 0 : i32
        %max3A_190 = vector.broadcast %max3A : i32 to vector<16xi32>
        %max3A_191 = arith.maxsi %sub3A_189, %max3A_190 : vector<16xi32>
        %lt3A_192 = arith.constant 16384 : i32
        %lt3A_193 = vector.broadcast %lt3A_192 : i32 to vector<16xi32>
        %lt3A_194 = arith.cmpi slt, %max3A_191, %lt3A_193 : vector<16xi32>
        %and3A_195 = arith.andi %and3A_181, %lt3A_194 : vector<16xi1>
        tpu.vector_store_idx %arg8[%max3A_191], %get3A_172 masked %and3A_195 : memref<16384xi32, #tpu.memory_space<vmem>>[vector<16xi32>], vector<16xi32>, vector<16xi1>
        %max3A_196 = arith.constant 0 : i32
        %max3A_197 = vector.broadcast %max3A_196 : i32 to vector<16xi32>
        %max3A_198 = arith.maxsi %sub3A_174, %max3A_197 : vector<16xi32>
        %min3A_199 = arith.constant 319 : i32
        %min3A_200 = vector.broadcast %min3A_199 : i32 to vector<16xi32>
        %min3A_201 = arith.minsi %max3A_198, %min3A_200 : vector<16xi32>
        tpu.vector_store_idx %arg9[%max3A_191], %min3A_201 masked %and3A_195 : memref<16384xi32, #tpu.memory_space<vmem>>[vector<16xi32>], vector<16xi32>, vector<16xi1>
        %reduce_max3A = arith.constant true
        %reduce_max3A_202 = vector.broadcast %reduce_max3A : i1 to vector<16xi1>
        %reduce_max3A_203 = arith.constant -2147483648 : i32
        %reduce_max3A_204 = vector.broadcast %reduce_max3A_203 : i32 to vector<16xi32>
        %reduce_max3A_205 = arith.xori %masked_cumsum3A, %reduce_max3A_204 : vector<16xi32>
        %reduce_max3A_206 = tpu.scan <max>, %reduce_max3A_205 masked %reduce_max3A_202 : vector<16xi32>, vector<16xi1> -> vector<16xi32>
        %reduce_max3A_207 = arith.xori %reduce_max3A_206, %reduce_max3A_204 : vector<16xi32>
        %reduce_max3A_208 = vector.extract %reduce_max3A_207[15] : i32 from vector<16xi32>
        %add3A_209 = arith.addi %scan3A_155, %reduce_max3A_208 : i32
        scf.yield %add3A_209 : i32
      }
      %scan3A_153 = arith.constant 160 : i32
      scf.yield %scan3A_152 : i32
    }
    %scan3A_49 = arith.constant 125 : i32
    %add3A_50 = vector.broadcast %scan3A_48 : i32 to vector<16xi32>
    %add3A_51 = arith.addi %add3A_50, %iota3A : vector<16xi32>
    %min3A = arith.constant 16383 : i32
    %min3A_52 = vector.broadcast %min3A : i32 to vector<16xi32>
    %min3A_53 = arith.minsi %add3A_51, %min3A_52 : vector<16xi32>
    %broadcast_in_dim3A_54 = arith.constant 0 : i32
    %broadcast_in_dim3A_55 = vector.broadcast %broadcast_in_dim3A_54 : i32 to vector<16xi32>
    %ge3A = vector.broadcast %scan3A_48 : i32 to vector<16xi32>
    %ge3A_56 = arith.cmpi sge, %min3A_53, %ge3A : vector<16xi32>
    tpu.vector_store_idx %arg8[%min3A_53], %broadcast_in_dim3A_55 masked %ge3A_56 : memref<16384xi32, #tpu.memory_space<vmem>>[vector<16xi32>], vector<16xi32>, vector<16xi1>
    %broadcast_in_dim3A_57 = arith.constant 320 : i32
    %broadcast_in_dim3A_58 = vector.broadcast %broadcast_in_dim3A_57 : i32 to vector<16xi32>
    %ge3A_59 = vector.broadcast %scan3A_48 : i32 to vector<16xi32>
    %ge3A_60 = arith.cmpi sge, %min3A_53, %ge3A_59 : vector<16xi32>
    tpu.vector_store_idx %arg9[%min3A_53], %broadcast_in_dim3A_58 masked %ge3A_60 : memref<16384xi32, #tpu.memory_space<vmem>>[vector<16xi32>], vector<16xi32>, vector<16xi1>
    %add3A_61 = arith.constant 16 : i32
    %add3A_62 = arith.addi %scan3A_48, %add3A_61 : i32
    %sub3A = arith.constant 1 : i32
    %sub3A_63 = arith.subi %add3A_62, %sub3A : i32
    %jit3A = arith.constant 16 : i32
    %div3A = arith.divsi %sub3A_63, %jit3A : i32
    %sign3A = arith.constant 0 : i32
    %sign3A_64 = arith.cmpi sgt, %sub3A_63, %sign3A : i32
    %sign3A_65 = arith.extui %sign3A_64 : i1 to i32
    %sign3A_66 = arith.constant 0 : i32
    %sign3A_67 = arith.cmpi slt, %sub3A_63, %sign3A_66 : i32
    %sign3A_68 = arith.extui %sign3A_67 : i1 to i32
    %sign3A_69 = arith.subi %sign3A_65, %sign3A_68 : i32
    %sign3A_70 = arith.constant 0 : i32
    %sign3A_71 = arith.cmpi sgt, %jit3A, %sign3A_70 : i32
    %sign3A_72 = arith.extui %sign3A_71 : i1 to i32
    %sign3A_73 = arith.constant 0 : i32
    %sign3A_74 = arith.cmpi slt, %jit3A, %sign3A_73 : i32
    %sign3A_75 = arith.extui %sign3A_74 : i1 to i32
    %sign3A_76 = arith.subi %sign3A_72, %sign3A_75 : i32
    %ne3A = arith.cmpi ne, %sign3A_69, %sign3A_76 : i32
    %rem3A = arith.remsi %sub3A_63, %jit3A : i32
    %ne3A_77 = arith.constant 0 : i32
    %ne3A_78 = arith.cmpi ne, %rem3A, %ne3A_77 : i32
    %and3A = arith.andi %ne3A, %ne3A_78 : i1
    %sub3A_79 = arith.constant 1 : i32
    %sub3A_80 = arith.subi %div3A, %sub3A_79 : i32
    %select_n3A = arith.select %and3A, %sub3A_80, %div3A : i32
    %min3A_81 = arith.constant 1024 : i32
    %min3A_82 = arith.minsi %select_n3A, %min3A_81 : i32
    %gt3A = arith.constant 0 : i32
    %gt3A_83 = arith.cmpi sgt, %min3A_82, %gt3A : i32
    %convert_element_type3A = arith.extui %gt3A_83 : i1 to i32
    %cond3A = arith.constant 0 : i32
    %cond3A_84 = arith.cmpi ne, %convert_element_type3A, %cond3A : i32
    scf.if %cond3A_84 {
      %get3A = arith.constant 0 : index
      %get3A_103 = tpu.vector_load %arg8[%get3A] {strides = array<i32>} : memref<16384xi32, #tpu.memory_space<vmem>>, vector<16xi32>,
      %dma_start3A_104 = arith.constant 0 : i32
      %dma_start3A_105 = arith.constant 0 : i32
      %dma_start3A_106 = arith.constant 0 : i32
      %dma_start3A_107 = tpu.memref_slice %arg10[%dma_start3A_104, %dma_start3A_105, %dma_start3A_106] : memref<2x16x128xf32, #tpu.memory_space<vmem>> -> memref<1x16x128xf32, #tpu.memory_space<vmem>>
      %dma_start3A_108 = tpu.memref_squeeze %dma_start3A_107 : memref<1x16x128xf32, #tpu.memory_space<vmem>> -> memref<16x128xf32, #tpu.memory_space<vmem>>
      %dma_start3A_109 = arith.constant 0 : i32
      %dma_start3A_110 = arith.constant 0 : i32
      %dma_start3A_111 = tpu.memref_slice %arg2[%dma_start3A_109, %dma_start3A_110] : memref<10000x128xf32, #tpu.memory_space<hbm>> -> memref<10000x128xf32, #tpu.memory_space<hbm>>
      tpu.enqueue_indirect_dma source(%dma_start3A_111 : memref<10000x128xf32, #tpu.memory_space<hbm>>) target(%dma_start3A_108 : memref<16x128xf32, #tpu.memory_space<vmem>>) offsets(%get3A_103 : vector<16xi32>) semaphore(%arg12 : memref<!tpu.dma_semaphore, #tpu.memory_space<semaphore_mem>>)
    } else {
    }
    %sub3A_85 = arith.constant 0 : i32
    %sub3A_86 = arith.subi %min3A_82, %sub3A_85 : i32
    %sub3A_87 = arith.constant 1 : i32
    %sub3A_88 = arith.constant 1 : i32
    %sub3A_89 = arith.subi %sub3A_87, %sub3A_88 : i32
    %add3A_90 = arith.addi %sub3A_86, %sub3A_89 : i32
    %div3A_91 = arith.constant 1 : i32
    %div3A_92 = arith.divsi %add3A_90, %div3A_91 : i32
    %while3A = arith.constant 1 : i32
    %while3A_93 = arith.constant 0 : i32
    %while3A_94 = arith.constant 0 : i32
    %while3A_95 = arith.subi %div3A_92, %while3A_94 : i32
    %while3A_96 = arith.addi %while3A_94, %while3A_95 : i32
    %while3A_97 = arith.constant 1 : i32
    %while3A_98 = arith.divsi %while3A_95, %while3A_97 : i32
    %while3A_99 = arith.muli %while3A_98, %while3A_97 : i32
    %while3A_100 = arith.addi %while3A_94, %while3A_99 : i32
    %while3A_101 = arith.constant 1 : i32
    scf.for %while3A_103 = %while3A_94 to %while3A_100 step %while3A_101  : i32 {
      %mul3A_104 = arith.muli %while3A_103, %while3A : i32
      %add3A_105 = arith.addi %while3A_93, %mul3A_104 : i32
      %and3A_106 = arith.constant 1 : i32
      %and3A_107 = arith.andi %add3A_105, %and3A_106 : i32
      %mul3A_108 = arith.constant 16 : i32
      %mul3A_109 = arith.muli %add3A_105, %mul3A_108 : i32
      %get3A = arith.index_cast %mul3A_109 : i32 to index
      %get3A_110 = tpu.vector_load %arg8[%get3A] {strides = array<i32>} : memref<16384xi32, #tpu.memory_space<vmem>>, vector<16xi32>,
      %mul3A_111 = arith.constant 16 : i32
      %mul3A_112 = arith.muli %add3A_105, %mul3A_111 : i32
      %get3A_113 = arith.index_cast %mul3A_112 : i32 to index
      %get3A_114 = tpu.vector_load %arg9[%get3A_113] {strides = array<i32>} : memref<16384xi32, #tpu.memory_space<vmem>>, vector<16xi32>,
      %dma_wait3A = arith.constant 0 : i32
      %dma_wait3A_115 = arith.constant 0 : i32
      %dma_wait3A_116 = tpu.memref_slice %arg10[%and3A_107, %dma_wait3A, %dma_wait3A_115] : memref<2x16x128xf32, #tpu.memory_space<vmem>> -> memref<1x16x128xf32, #tpu.memory_space<vmem>>
      %dma_wait3A_117 = tpu.memref_squeeze %dma_wait3A_116 : memref<1x16x128xf32, #tpu.memory_space<vmem>> -> memref<16x128xf32, #tpu.memory_space<vmem>>
      %dma_wait3A_118 = arith.constant 0 : i32
      %dma_wait3A_119 = arith.constant 0 : i32
      %dma_wait3A_120 = tpu.memref_slice %arg2[%dma_wait3A_118, %dma_wait3A_119] : memref<10000x128xf32, #tpu.memory_space<hbm>> -> memref<10000x128xf32, #tpu.memory_space<hbm>>
      tpu.wait_indirect_dma semaphore(%arg12 : memref<!tpu.dma_semaphore, #tpu.memory_space<semaphore_mem>>) src(%dma_wait3A_120 : memref<10000x128xf32, #tpu.memory_space<hbm>>) dst(%dma_wait3A_117 : memref<16x128xf32, #tpu.memory_space<vmem>>)
      %add3A_121 = arith.constant 1 : i32
      %add3A_122 = arith.addi %add3A_105, %add3A_121 : i32
      %lt3A = arith.cmpi slt, %add3A_122, %min3A_82 : i32
      %convert_element_type3A_123 = arith.extui %lt3A : i1 to i32
      %cond3A_124 = arith.constant 0 : i32
      %cond3A_125 = arith.cmpi ne, %convert_element_type3A_123, %cond3A_124 : i32
      scf.if %cond3A_125 {
        %add3A_513 = arith.constant 1 : i32
        %add3A_514 = arith.addi %add3A_105, %add3A_513 : i32
        %mul3A_515 = arith.constant 16 : i32
        %mul3A_516 = arith.muli %add3A_514, %mul3A_515 : i32
        %get3A_517 = arith.index_cast %mul3A_516 : i32 to index
        %get3A_518 = tpu.vector_load %arg8[%get3A_517] {strides = array<i32>} : memref<16384xi32, #tpu.memory_space<vmem>>, vector<16xi32>,
        %add3A_519 = arith.constant 1 : i32
        %add3A_520 = arith.addi %add3A_105, %add3A_519 : i32
        %and3A_521 = arith.constant 1 : i32
        %and3A_522 = arith.andi %add3A_520, %and3A_521 : i32
        %dma_start3A_523 = arith.constant 0 : i32
        %dma_start3A_524 = arith.constant 0 : i32
        %dma_start3A_525 = tpu.memref_slice %arg10[%and3A_522, %dma_start3A_523, %dma_start3A_524] : memref<2x16x128xf32, #tpu.memory_space<vmem>> -> memref<1x16x128xf32, #tpu.memory_space<vmem>>
        %dma_start3A_526 = tpu.memref_squeeze %dma_start3A_525 : memref<1x16x128xf32, #tpu.memory_space<vmem>> -> memref<16x128xf32, #tpu.memory_space<vmem>>
        %dma_start3A_527 = arith.constant 0 : i32
        %dma_start3A_528 = arith.constant 0 : i32
        %dma_start3A_529 = tpu.memref_slice %arg2[%dma_start3A_527, %dma_start3A_528] : memref<10000x128xf32, #tpu.memory_space<hbm>> -> memref<10000x128xf32, #tpu.memory_space<hbm>>
        tpu.enqueue_indirect_dma source(%dma_start3A_529 : memref<10000x128xf32, #tpu.memory_space<hbm>>) target(%dma_start3A_526 : memref<16x128xf32, #tpu.memory_space<vmem>>) offsets(%get3A_518 : vector<16xi32>) semaphore(%arg12 : memref<!tpu.dma_semaphore, #tpu.memory_space<semaphore_mem>>)
      } else {
      }
      %broadcast_in_dim3A_126 = arith.constant 0 : i32
      %broadcast_in_dim3A_127 = vector.broadcast %broadcast_in_dim3A_126 : i32 to vector<16xi32>
      %add3A_128 = vector.broadcast %and3A_107 : i32 to vector<16xi32>
      %add3A_129 = arith.addi %broadcast_in_dim3A_127, %add3A_128 : vector<16xi32>
      %broadcast_in_dim3A_130 = arith.constant 0 : i32
      %broadcast_in_dim3A_131 = vector.broadcast %broadcast_in_dim3A_130 : i32 to vector<16xi32>
      %gather3A = tpu.vector_load_idx %arg10[%add3A_129, %iota3A, %broadcast_in_dim3A_131] : memref<2x16x128xf32, #tpu.memory_space<vmem>>[vector<16xi32>, vector<16xi32>, vector<16xi32>], vector<16xf32>,
      tpu.vector_store_idx %arg11[%get3A_114, %broadcast_in_dim3A_131], %gather3A {add = true} : memref<321x128xf32, #tpu.memory_space<vmem>>[vector<16xi32>, vector<16xi32>], vector<16xf32>,
      %broadcast_in_dim3A_132 = arith.constant 1 : i32
      %broadcast_in_dim3A_133 = vector.broadcast %broadcast_in_dim3A_132 : i32 to vector<16xi32>
      %gather3A_134 = tpu.vector_load_idx %arg10[%add3A_129, %iota3A, %broadcast_in_dim3A_133] : memref<2x16x128xf32, #tpu.memory_space<vmem>>[vector<16xi32>, vector<16xi32>, vector<16xi32>], vector<16xf32>,
      tpu.vector_store_idx %arg11[%get3A_114, %broadcast_in_dim3A_133], %gather3A_134 {add = true} : memref<321x128xf32, #tpu.memory_space<vmem>>[vector<16xi32>, vector<16xi32>], vector<16xf32>,
      %broadcast_in_dim3A_135 = arith.constant 2 : i32
      %broadcast_in_dim3A_136 = vector.broadcast %broadcast_in_dim3A_135 : i32 to vector<16xi32>
      %gather3A_137 = tpu.vector_load_idx %arg10[%add3A_129, %iota3A, %broadcast_in_dim3A_136] : memref<2x16x128xf32, #tpu.memory_space<vmem>>[vector<16xi32>, vector<16xi32>, vector<16xi32>], vector<16xf32>,
      tpu.vector_store_idx %arg11[%get3A_114, %broadcast_in_dim3A_136], %gather3A_137 {add = true} : memref<321x128xf32, #tpu.memory_space<vmem>>[vector<16xi32>, vector<16xi32>], vector<16xf32>,
      %broadcast_in_dim3A_138 = arith.constant 3 : i32
      %broadcast_in_dim3A_139 = vector.broadcast %broadcast_in_dim3A_138 : i32 to vector<16xi32>
      %gather3A_140 = tpu.vector_load_idx %arg10[%add3A_129, %iota3A, %broadcast_in_dim3A_139] : memref<2x16x128xf32, #tpu.memory_space<vmem>>[vector<16xi32>, vector<16xi32>, vector<16xi32>], vector<16xf32>,
      tpu.vector_store_idx %arg11[%get3A_114, %broadcast_in_dim3A_139], %gather3A_140 {add = true} : memref<321x128xf32, #tpu.memory_space<vmem>>[vector<16xi32>, vector<16xi32>], vector<16xf32>,
      %broadcast_in_dim3A_141 = arith.constant 4 : i32
      %broadcast_in_dim3A_142 = vector.broadcast %broadcast_in_dim3A_141 : i32 to vector<16xi32>
      %gather3A_143 = tpu.vector_load_idx %arg10[%add3A_129, %iota3A, %broadcast_in_dim3A_142] : memref<2x16x128xf32, #tpu.memory_space<vmem>>[vector<16xi32>, vector<16xi32>, vector<16xi32>], vector<16xf32>,
      tpu.vector_store_idx %arg11[%get3A_114, %broadcast_in_dim3A_142], %gather3A_143 {add = true} : memref<321x128xf32, #tpu.memory_space<vmem>>[vector<16xi32>, vector<16xi32>], vector<16xf32>,
      %broadcast_in_dim3A_144 = arith.constant 5 : i32
      %broadcast_in_dim3A_145 = vector.broadcast %broadcast_in_dim3A_144 : i32 to vector<16xi32>
      %gather3A_146 = tpu.vector_load_idx %arg10[%add3A_129, %iota3A, %broadcast_in_dim3A_145] : memref<2x16x128xf32, #tpu.memory_space<vmem>>[vector<16xi32>, vector<16xi32>, vector<16xi32>], vector<16xf32>,
      tpu.vector_store_idx %arg11[%get3A_114, %broadcast_in_dim3A_145], %gather3A_146 {add = true} : memref<321x128xf32, #tpu.memory_space<vmem>>[vector<16xi32>, vector<16xi32>], vector<16xf32>,
      %broadcast_in_dim3A_147 = arith.constant 6 : i32
      %broadcast_in_dim3A_148 = vector.broadcast %broadcast_in_dim3A_147 : i32 to vector<16xi32>
      %gather3A_149 = tpu.vector_load_idx %arg10[%add3A_129, %iota3A, %broadcast_in_dim3A_148] : memref<2x16x128xf32, #tpu.memory_space<vmem>>[vector<16xi32>, vector<16xi32>, vector<16xi32>], vector<16xf32>,
      tpu.vector_store_idx %arg11[%get3A_114, %broadcast_in_dim3A_148], %gather3A_149 {add = true} : memref<321x128xf32, #tpu.memory_space<vmem>>[vector<16xi32>, vector<16xi32>], vector<16xf32>,
      %broadcast_in_dim3A_150 = arith.constant 7 : i32
      %broadcast_in_dim3A_151 = vector.broadcast %broadcast_in_dim3A_150 : i32 to vector<16xi32>
      %gather3A_152 = tpu.vector_load_idx %arg10[%add3A_129, %iota3A, %broadcast_in_dim3A_151] : memref<2x16x128xf32, #tpu.memory_space<vmem>>[vector<16xi32>, vector<16xi32>, vector<16xi32>], vector<16xf32>,
      tpu.vector_store_idx %arg11[%get3A_114, %broadcast_in_dim3A_151], %gather3A_152 {add = true} : memref<321x128xf32, #tpu.memory_space<vmem>>[vector<16xi32>, vector<16xi32>], vector<16xf32>,
      %broadcast_in_dim3A_153 = arith.constant 8 : i32
      %broadcast_in_dim3A_154 = vector.broadcast %broadcast_in_dim3A_153 : i32 to vector<16xi32>
      %gather3A_155 = tpu.vector_load_idx %arg10[%add3A_129, %iota3A, %broadcast_in_dim3A_154] : memref<2x16x128xf32, #tpu.memory_space<vmem>>[vector<16xi32>, vector<16xi32>, vector<16xi32>], vector<16xf32>,
      tpu.vector_store_idx %arg11[%get3A_114, %broadcast_in_dim3A_154], %gather3A_155 {add = true} : memref<321x128xf32, #tpu.memory_space<vmem>>[vector<16xi32>, vector<16xi32>], vector<16xf32>,
      %broadcast_in_dim3A_156 = arith.constant 9 : i32
      %broadcast_in_dim3A_157 = vector.broadcast %broadcast_in_dim3A_156 : i32 to vector<16xi32>
      %gather3A_158 = tpu.vector_load_idx %arg10[%add3A_129, %iota3A, %broadcast_in_dim3A_157] : memref<2x16x128xf32, #tpu.memory_space<vmem>>[vector<16xi32>, vector<16xi32>, vector<16xi32>], vector<16xf32>,
      tpu.vector_store_idx %arg11[%get3A_114, %broadcast_in_dim3A_157], %gather3A_158 {add = true} : memref<321x128xf32, #tpu.memory_space<vmem>>[vector<16xi32>, vector<16xi32>], vector<16xf32>,
      %broadcast_in_dim3A_159 = arith.constant 10 : i32
      %broadcast_in_dim3A_160 = vector.broadcast %broadcast_in_dim3A_159 : i32 to vector<16xi32>
      %gather3A_161 = tpu.vector_load_idx %arg10[%add3A_129, %iota3A, %broadcast_in_dim3A_160] : memref<2x16x128xf32, #tpu.memory_space<vmem>>[vector<16xi32>, vector<16xi32>, vector<16xi32>], vector<16xf32>,
      tpu.vector_store_idx %arg11[%get3A_114, %broadcast_in_dim3A_160], %gather3A_161 {add = true} : memref<321x128xf32, #tpu.memory_space<vmem>>[vector<16xi32>, vector<16xi32>], vector<16xf32>,
      %broadcast_in_dim3A_162 = arith.constant 11 : i32
      %broadcast_in_dim3A_163 = vector.broadcast %broadcast_in_dim3A_162 : i32 to vector<16xi32>
      %gather3A_164 = tpu.vector_load_idx %arg10[%add3A_129, %iota3A, %broadcast_in_dim3A_163] : memref<2x16x128xf32, #tpu.memory_space<vmem>>[vector<16xi32>, vector<16xi32>, vector<16xi32>], vector<16xf32>,
      tpu.vector_store_idx %arg11[%get3A_114, %broadcast_in_dim3A_163], %gather3A_164 {add = true} : memref<321x128xf32, #tpu.memory_space<vmem>>[vector<16xi32>, vector<16xi32>], vector<16xf32>,
      %broadcast_in_dim3A_165 = arith.constant 12 : i32
      %broadcast_in_dim3A_166 = vector.broadcast %broadcast_in_dim3A_165 : i32 to vector<16xi32>
      %gather3A_167 = tpu.vector_load_idx %arg10[%add3A_129, %iota3A, %broadcast_in_dim3A_166] : memref<2x16x128xf32, #tpu.memory_space<vmem>>[vector<16xi32>, vector<16xi32>, vector<16xi32>], vector<16xf32>,
      tpu.vector_store_idx %arg11[%get3A_114, %broadcast_in_dim3A_166], %gather3A_167 {add = true} : memref<321x128xf32, #tpu.memory_space<vmem>>[vector<16xi32>, vector<16xi32>], vector<16xf32>,
      %broadcast_in_dim3A_168 = arith.constant 13 : i32
      %broadcast_in_dim3A_169 = vector.broadcast %broadcast_in_dim3A_168 : i32 to vector<16xi32>
      %gather3A_170 = tpu.vector_load_idx %arg10[%add3A_129, %iota3A, %broadcast_in_dim3A_169] : memref<2x16x128xf32, #tpu.memory_space<vmem>>[vector<16xi32>, vector<16xi32>, vector<16xi32>], vector<16xf32>,
      tpu.vector_store_idx %arg11[%get3A_114, %broadcast_in_dim3A_169], %gather3A_170 {add = true} : memref<321x128xf32, #tpu.memory_space<vmem>>[vector<16xi32>, vector<16xi32>], vector<16xf32>,
      %broadcast_in_dim3A_171 = arith.constant 14 : i32
      %broadcast_in_dim3A_172 = vector.broadcast %broadcast_in_dim3A_171 : i32 to vector<16xi32>
      %gather3A_173 = tpu.vector_load_idx %arg10[%add3A_129, %iota3A, %broadcast_in_dim3A_172] : memref<2x16x128xf32, #tpu.memory_space<vmem>>[vector<16xi32>, vector<16xi32>, vector<16xi32>], vector<16xf32>,
      tpu.vector_store_idx %arg11[%get3A_114, %broadcast_in_dim3A_172], %gather3A_173 {add = true} : memref<321x128xf32, #tpu.memory_space<vmem>>[vector<16xi32>, vector<16xi32>], vector<16xf32>,
      %broadcast_in_dim3A_174 = arith.constant 15 : i32
      %broadcast_in_dim3A_175 = vector.broadcast %broadcast_in_dim3A_174 : i32 to vector<16xi32>
      %gather3A_176 = tpu.vector_load_idx %arg10[%add3A_129, %iota3A, %broadcast_in_dim3A_175] : memref<2x16x128xf32, #tpu.memory_space<vmem>>[vector<16xi32>, vector<16xi32>, vector<16xi32>], vector<16xf32>,
      tpu.vector_store_idx %arg11[%get3A_114, %broadcast_in_dim3A_175], %gather3A_176 {add = true} : memref<321x128xf32, #tpu.memory_space<vmem>>[vector<16xi32>, vector<16xi32>], vector<16xf32>,
      %broadcast_in_dim3A_177 = arith.constant 16 : i32
      %broadcast_in_dim3A_178 = vector.broadcast %broadcast_in_dim3A_177 : i32 to vector<16xi32>
      %gather3A_179 = tpu.vector_load_idx %arg10[%add3A_129, %iota3A, %broadcast_in_dim3A_178] : memref<2x16x128xf32, #tpu.memory_space<vmem>>[vector<16xi32>, vector<16xi32>, vector<16xi32>], vector<16xf32>,
      tpu.vector_store_idx %arg11[%get3A_114, %broadcast_in_dim3A_178], %gather3A_179 {add = true} : memref<321x128xf32, #tpu.memory_space<vmem>>[vector<16xi32>, vector<16xi32>], vector<16xf32>,
      %broadcast_in_dim3A_180 = arith.constant 17 : i32
      %broadcast_in_dim3A_181 = vector.broadcast %broadcast_in_dim3A_180 : i32 to vector<16xi32>
      %gather3A_182 = tpu.vector_load_idx %arg10[%add3A_129, %iota3A, %broadcast_in_dim3A_181] : memref<2x16x128xf32, #tpu.memory_space<vmem>>[vector<16xi32>, vector<16xi32>, vector<16xi32>], vector<16xf32>,
      tpu.vector_store_idx %arg11[%get3A_114, %broadcast_in_dim3A_181], %gather3A_182 {add = true} : memref<321x128xf32, #tpu.memory_space<vmem>>[vector<16xi32>, vector<16xi32>], vector<16xf32>,
      %broadcast_in_dim3A_183 = arith.constant 18 : i32
      %broadcast_in_dim3A_184 = vector.broadcast %broadcast_in_dim3A_183 : i32 to vector<16xi32>
      %gather3A_185 = tpu.vector_load_idx %arg10[%add3A_129, %iota3A, %broadcast_in_dim3A_184] : memref<2x16x128xf32, #tpu.memory_space<vmem>>[vector<16xi32>, vector<16xi32>, vector<16xi32>], vector<16xf32>,
      tpu.vector_store_idx %arg11[%get3A_114, %broadcast_in_dim3A_184], %gather3A_185 {add = true} : memref<321x128xf32, #tpu.memory_space<vmem>>[vector<16xi32>, vector<16xi32>], vector<16xf32>,
      %broadcast_in_dim3A_186 = arith.constant 19 : i32
      %broadcast_in_dim3A_187 = vector.broadcast %broadcast_in_dim3A_186 : i32 to vector<16xi32>
      %gather3A_188 = tpu.vector_load_idx %arg10[%add3A_129, %iota3A, %broadcast_in_dim3A_187] : memref<2x16x128xf32, #tpu.memory_space<vmem>>[vector<16xi32>, vector<16xi32>, vector<16xi32>], vector<16xf32>,
      tpu.vector_store_idx %arg11[%get3A_114, %broadcast_in_dim3A_187], %gather3A_188 {add = true} : memref<321x128xf32, #tpu.memory_space<vmem>>[vector<16xi32>, vector<16xi32>], vector<16xf32>,
      %broadcast_in_dim3A_189 = arith.constant 20 : i32
      %broadcast_in_dim3A_190 = vector.broadcast %broadcast_in_dim3A_189 : i32 to vector<16xi32>
      %gather3A_191 = tpu.vector_load_idx %arg10[%add3A_129, %iota3A, %broadcast_in_dim3A_190] : memref<2x16x128xf32, #tpu.memory_space<vmem>>[vector<16xi32>, vector<16xi32>, vector<16xi32>], vector<16xf32>,
      tpu.vector_store_idx %arg11[%get3A_114, %broadcast_in_dim3A_190], %gather3A_191 {add = true} : memref<321x128xf32, #tpu.memory_space<vmem>>[vector<16xi32>, vector<16xi32>], vector<16xf32>,
      %broadcast_in_dim3A_192 = arith.constant 21 : i32
      %broadcast_in_dim3A_193 = vector.broadcast %broadcast_in_dim3A_192 : i32 to vector<16xi32>
      %gather3A_194 = tpu.vector_load_idx %arg10[%add3A_129, %iota3A, %broadcast_in_dim3A_193] : memref<2x16x128xf32, #tpu.memory_space<vmem>>[vector<16xi32>, vector<16xi32>, vector<16xi32>], vector<16xf32>,
      tpu.vector_store_idx %arg11[%get3A_114, %broadcast_in_dim3A_193], %gather3A_194 {add = true} : memref<321x128xf32, #tpu.memory_space<vmem>>[vector<16xi32>, vector<16xi32>], vector<16xf32>,
      %broadcast_in_dim3A_195 = arith.constant 22 : i32
      %broadcast_in_dim3A_196 = vector.broadcast %broadcast_in_dim3A_195 : i32 to vector<16xi32>
      %gather3A_197 = tpu.vector_load_idx %arg10[%add3A_129, %iota3A, %broadcast_in_dim3A_196] : memref<2x16x128xf32, #tpu.memory_space<vmem>>[vector<16xi32>, vector<16xi32>, vector<16xi32>], vector<16xf32>,
      tpu.vector_store_idx %arg11[%get3A_114, %broadcast_in_dim3A_196], %gather3A_197 {add = true} : memref<321x128xf32, #tpu.memory_space<vmem>>[vector<16xi32>, vector<16xi32>], vector<16xf32>,
      %broadcast_in_dim3A_198 = arith.constant 23 : i32
      %broadcast_in_dim3A_199 = vector.broadcast %broadcast_in_dim3A_198 : i32 to vector<16xi32>
      %gather3A_200 = tpu.vector_load_idx %arg10[%add3A_129, %iota3A, %broadcast_in_dim3A_199] : memref<2x16x128xf32, #tpu.memory_space<vmem>>[vector<16xi32>, vector<16xi32>, vector<16xi32>], vector<16xf32>,
      tpu.vector_store_idx %arg11[%get3A_114, %broadcast_in_dim3A_199], %gather3A_200 {add = true} : memref<321x128xf32, #tpu.memory_space<vmem>>[vector<16xi32>, vector<16xi32>], vector<16xf32>,
      %broadcast_in_dim3A_201 = arith.constant 24 : i32
      %broadcast_in_dim3A_202 = vector.broadcast %broadcast_in_dim3A_201 : i32 to vector<16xi32>
      %gather3A_203 = tpu.vector_load_idx %arg10[%add3A_129, %iota3A, %broadcast_in_dim3A_202] : memref<2x16x128xf32, #tpu.memory_space<vmem>>[vector<16xi32>, vector<16xi32>, vector<16xi32>], vector<16xf32>,
      tpu.vector_store_idx %arg11[%get3A_114, %broadcast_in_dim3A_202], %gather3A_203 {add = true} : memref<321x128xf32, #tpu.memory_space<vmem>>[vector<16xi32>, vector<16xi32>], vector<16xf32>,
      %broadcast_in_dim3A_204 = arith.constant 25 : i32
      %broadcast_in_dim3A_205 = vector.broadcast %broadcast_in_dim3A_204 : i32 to vector<16xi32>
      %gather3A_206 = tpu.vector_load_idx %arg10[%add3A_129, %iota3A, %broadcast_in_dim3A_205] : memref<2x16x128xf32, #tpu.memory_space<vmem>>[vector<16xi32>, vector<16xi32>, vector<16xi32>], vector<16xf32>,
      tpu.vector_store_idx %arg11[%get3A_114, %broadcast_in_dim3A_205], %gather3A_206 {add = true} : memref<321x128xf32, #tpu.memory_space<vmem>>[vector<16xi32>, vector<16xi32>], vector<16xf32>,
      %broadcast_in_dim3A_207 = arith.constant 26 : i32
      %broadcast_in_dim3A_208 = vector.broadcast %broadcast_in_dim3A_207 : i32 to vector<16xi32>
      %gather3A_209 = tpu.vector_load_idx %arg10[%add3A_129, %iota3A, %broadcast_in_dim3A_208] : memref<2x16x128xf32, #tpu.memory_space<vmem>>[vector<16xi32>, vector<16xi32>, vector<16xi32>], vector<16xf32>,
      tpu.vector_store_idx %arg11[%get3A_114, %broadcast_in_dim3A_208], %gather3A_209 {add = true} : memref<321x128xf32, #tpu.memory_space<vmem>>[vector<16xi32>, vector<16xi32>], vector<16xf32>,
      %broadcast_in_dim3A_210 = arith.constant 27 : i32
      %broadcast_in_dim3A_211 = vector.broadcast %broadcast_in_dim3A_210 : i32 to vector<16xi32>
      %gather3A_212 = tpu.vector_load_idx %arg10[%add3A_129, %iota3A, %broadcast_in_dim3A_211] : memref<2x16x128xf32, #tpu.memory_space<vmem>>[vector<16xi32>, vector<16xi32>, vector<16xi32>], vector<16xf32>,
      tpu.vector_store_idx %arg11[%get3A_114, %broadcast_in_dim3A_211], %gather3A_212 {add = true} : memref<321x128xf32, #tpu.memory_space<vmem>>[vector<16xi32>, vector<16xi32>], vector<16xf32>,
      %broadcast_in_dim3A_213 = arith.constant 28 : i32
      %broadcast_in_dim3A_214 = vector.broadcast %broadcast_in_dim3A_213 : i32 to vector<16xi32>
      %gather3A_215 = tpu.vector_load_idx %arg10[%add3A_129, %iota3A, %broadcast_in_dim3A_214] : memref<2x16x128xf32, #tpu.memory_space<vmem>>[vector<16xi32>, vector<16xi32>, vector<16xi32>], vector<16xf32>,
      tpu.vector_store_idx %arg11[%get3A_114, %broadcast_in_dim3A_214], %gather3A_215 {add = true} : memref<321x128xf32, #tpu.memory_space<vmem>>[vector<16xi32>, vector<16xi32>], vector<16xf32>,
      %broadcast_in_dim3A_216 = arith.constant 29 : i32
      %broadcast_in_dim3A_217 = vector.broadcast %broadcast_in_dim3A_216 : i32 to vector<16xi32>
      %gather3A_218 = tpu.vector_load_idx %arg10[%add3A_129, %iota3A, %broadcast_in_dim3A_217] : memref<2x16x128xf32, #tpu.memory_space<vmem>>[vector<16xi32>, vector<16xi32>, vector<16xi32>], vector<16xf32>,
      tpu.vector_store_idx %arg11[%get3A_114, %broadcast_in_dim3A_217], %gather3A_218 {add = true} : memref<321x128xf32, #tpu.memory_space<vmem>>[vector<16xi32>, vector<16xi32>], vector<16xf32>,
      %broadcast_in_dim3A_219 = arith.constant 30 : i32
      %broadcast_in_dim3A_220 = vector.broadcast %broadcast_in_dim3A_219 : i32 to vector<16xi32>
      %gather3A_221 = tpu.vector_load_idx %arg10[%add3A_129, %iota3A, %broadcast_in_dim3A_220] : memref<2x16x128xf32, #tpu.memory_space<vmem>>[vector<16xi32>, vector<16xi32>, vector<16xi32>], vector<16xf32>,
      tpu.vector_store_idx %arg11[%get3A_114, %broadcast_in_dim3A_220], %gather3A_221 {add = true} : memref<321x128xf32, #tpu.memory_space<vmem>>[vector<16xi32>, vector<16xi32>], vector<16xf32>,
      %broadcast_in_dim3A_222 = arith.constant 31 : i32
      %broadcast_in_dim3A_223 = vector.broadcast %broadcast_in_dim3A_222 : i32 to vector<16xi32>
      %gather3A_224 = tpu.vector_load_idx %arg10[%add3A_129, %iota3A, %broadcast_in_dim3A_223] : memref<2x16x128xf32, #tpu.memory_space<vmem>>[vector<16xi32>, vector<16xi32>, vector<16xi32>], vector<16xf32>,
      tpu.vector_store_idx %arg11[%get3A_114, %broadcast_in_dim3A_223], %gather3A_224 {add = true} : memref<321x128xf32, #tpu.memory_space<vmem>>[vector<16xi32>, vector<16xi32>], vector<16xf32>,
      %broadcast_in_dim3A_225 = arith.constant 32 : i32
      %broadcast_in_dim3A_226 = vector.broadcast %broadcast_in_dim3A_225 : i32 to vector<16xi32>
      %gather3A_227 = tpu.vector_load_idx %arg10[%add3A_129, %iota3A, %broadcast_in_dim3A_226] : memref<2x16x128xf32, #tpu.memory_space<vmem>>[vector<16xi32>, vector<16xi32>, vector<16xi32>], vector<16xf32>,
      tpu.vector_store_idx %arg11[%get3A_114, %broadcast_in_dim3A_226], %gather3A_227 {add = true} : memref<321x128xf32, #tpu.memory_space<vmem>>[vector<16xi32>, vector<16xi32>], vector<16xf32>,
      %broadcast_in_dim3A_228 = arith.constant 33 : i32
      %broadcast_in_dim3A_229 = vector.broadcast %broadcast_in_dim3A_228 : i32 to vector<16xi32>
      %gather3A_230 = tpu.vector_load_idx %arg10[%add3A_129, %iota3A, %broadcast_in_dim3A_229] : memref<2x16x128xf32, #tpu.memory_space<vmem>>[vector<16xi32>, vector<16xi32>, vector<16xi32>], vector<16xf32>,
      tpu.vector_store_idx %arg11[%get3A_114, %broadcast_in_dim3A_229], %gather3A_230 {add = true} : memref<321x128xf32, #tpu.memory_space<vmem>>[vector<16xi32>, vector<16xi32>], vector<16xf32>,
      %broadcast_in_dim3A_231 = arith.constant 34 : i32
      %broadcast_in_dim3A_232 = vector.broadcast %broadcast_in_dim3A_231 : i32 to vector<16xi32>
      %gather3A_233 = tpu.vector_load_idx %arg10[%add3A_129, %iota3A, %broadcast_in_dim3A_232] : memref<2x16x128xf32, #tpu.memory_space<vmem>>[vector<16xi32>, vector<16xi32>, vector<16xi32>], vector<16xf32>,
      tpu.vector_store_idx %arg11[%get3A_114, %broadcast_in_dim3A_232], %gather3A_233 {add = true} : memref<321x128xf32, #tpu.memory_space<vmem>>[vector<16xi32>, vector<16xi32>], vector<16xf32>,
      %broadcast_in_dim3A_234 = arith.constant 35 : i32
      %broadcast_in_dim3A_235 = vector.broadcast %broadcast_in_dim3A_234 : i32 to vector<16xi32>
      %gather3A_236 = tpu.vector_load_idx %arg10[%add3A_129, %iota3A, %broadcast_in_dim3A_235] : memref<2x16x128xf32, #tpu.memory_space<vmem>>[vector<16xi32>, vector<16xi32>, vector<16xi32>], vector<16xf32>,
      tpu.vector_store_idx %arg11[%get3A_114, %broadcast_in_dim3A_235], %gather3A_236 {add = true} : memref<321x128xf32, #tpu.memory_space<vmem>>[vector<16xi32>, vector<16xi32>], vector<16xf32>,
      %broadcast_in_dim3A_237 = arith.constant 36 : i32
      %broadcast_in_dim3A_238 = vector.broadcast %broadcast_in_dim3A_237 : i32 to vector<16xi32>
      %gather3A_239 = tpu.vector_load_idx %arg10[%add3A_129, %iota3A, %broadcast_in_dim3A_238] : memref<2x16x128xf32, #tpu.memory_space<vmem>>[vector<16xi32>, vector<16xi32>, vector<16xi32>], vector<16xf32>,
      tpu.vector_store_idx %arg11[%get3A_114, %broadcast_in_dim3A_238], %gather3A_239 {add = true} : memref<321x128xf32, #tpu.memory_space<vmem>>[vector<16xi32>, vector<16xi32>], vector<16xf32>,
      %broadcast_in_dim3A_240 = arith.constant 37 : i32
      %broadcast_in_dim3A_241 = vector.broadcast %broadcast_in_dim3A_240 : i32 to vector<16xi32>
      %gather3A_242 = tpu.vector_load_idx %arg10[%add3A_129, %iota3A, %broadcast_in_dim3A_241] : memref<2x16x128xf32, #tpu.memory_space<vmem>>[vector<16xi32>, vector<16xi32>, vector<16xi32>], vector<16xf32>,
      tpu.vector_store_idx %arg11[%get3A_114, %broadcast_in_dim3A_241], %gather3A_242 {add = true} : memref<321x128xf32, #tpu.memory_space<vmem>>[vector<16xi32>, vector<16xi32>], vector<16xf32>,
      %broadcast_in_dim3A_243 = arith.constant 38 : i32
      %broadcast_in_dim3A_244 = vector.broadcast %broadcast_in_dim3A_243 : i32 to vector<16xi32>
      %gather3A_245 = tpu.vector_load_idx %arg10[%add3A_129, %iota3A, %broadcast_in_dim3A_244] : memref<2x16x128xf32, #tpu.memory_space<vmem>>[vector<16xi32>, vector<16xi32>, vector<16xi32>], vector<16xf32>,
      tpu.vector_store_idx %arg11[%get3A_114, %broadcast_in_dim3A_244], %gather3A_245 {add = true} : memref<321x128xf32, #tpu.memory_space<vmem>>[vector<16xi32>, vector<16xi32>], vector<16xf32>,
      %broadcast_in_dim3A_246 = arith.constant 39 : i32
      %broadcast_in_dim3A_247 = vector.broadcast %broadcast_in_dim3A_246 : i32 to vector<16xi32>
      %gather3A_248 = tpu.vector_load_idx %arg10[%add3A_129, %iota3A, %broadcast_in_dim3A_247] : memref<2x16x128xf32, #tpu.memory_space<vmem>>[vector<16xi32>, vector<16xi32>, vector<16xi32>], vector<16xf32>,
      tpu.vector_store_idx %arg11[%get3A_114, %broadcast_in_dim3A_247], %gather3A_248 {add = true} : memref<321x128xf32, #tpu.memory_space<vmem>>[vector<16xi32>, vector<16xi32>], vector<16xf32>,
      %broadcast_in_dim3A_249 = arith.constant 40 : i32
      %broadcast_in_dim3A_250 = vector.broadcast %broadcast_in_dim3A_249 : i32 to vector<16xi32>
      %gather3A_251 = tpu.vector_load_idx %arg10[%add3A_129, %iota3A, %broadcast_in_dim3A_250] : memref<2x16x128xf32, #tpu.memory_space<vmem>>[vector<16xi32>, vector<16xi32>, vector<16xi32>], vector<16xf32>,
      tpu.vector_store_idx %arg11[%get3A_114, %broadcast_in_dim3A_250], %gather3A_251 {add = true} : memref<321x128xf32, #tpu.memory_space<vmem>>[vector<16xi32>, vector<16xi32>], vector<16xf32>,
      %broadcast_in_dim3A_252 = arith.constant 41 : i32
      %broadcast_in_dim3A_253 = vector.broadcast %broadcast_in_dim3A_252 : i32 to vector<16xi32>
      %gather3A_254 = tpu.vector_load_idx %arg10[%add3A_129, %iota3A, %broadcast_in_dim3A_253] : memref<2x16x128xf32, #tpu.memory_space<vmem>>[vector<16xi32>, vector<16xi32>, vector<16xi32>], vector<16xf32>,
      tpu.vector_store_idx %arg11[%get3A_114, %broadcast_in_dim3A_253], %gather3A_254 {add = true} : memref<321x128xf32, #tpu.memory_space<vmem>>[vector<16xi32>, vector<16xi32>], vector<16xf32>,
      %broadcast_in_dim3A_255 = arith.constant 42 : i32
      %broadcast_in_dim3A_256 = vector.broadcast %broadcast_in_dim3A_255 : i32 to vector<16xi32>
      %gather3A_257 = tpu.vector_load_idx %arg10[%add3A_129, %iota3A, %broadcast_in_dim3A_256] : memref<2x16x128xf32, #tpu.memory_space<vmem>>[vector<16xi32>, vector<16xi32>, vector<16xi32>], vector<16xf32>,
      tpu.vector_store_idx %arg11[%get3A_114, %broadcast_in_dim3A_256], %gather3A_257 {add = true} : memref<321x128xf32, #tpu.memory_space<vmem>>[vector<16xi32>, vector<16xi32>], vector<16xf32>,
      %broadcast_in_dim3A_258 = arith.constant 43 : i32
      %broadcast_in_dim3A_259 = vector.broadcast %broadcast_in_dim3A_258 : i32 to vector<16xi32>
      %gather3A_260 = tpu.vector_load_idx %arg10[%add3A_129, %iota3A, %broadcast_in_dim3A_259] : memref<2x16x128xf32, #tpu.memory_space<vmem>>[vector<16xi32>, vector<16xi32>, vector<16xi32>], vector<16xf32>,
      tpu.vector_store_idx %arg11[%get3A_114, %broadcast_in_dim3A_259], %gather3A_260 {add = true} : memref<321x128xf32, #tpu.memory_space<vmem>>[vector<16xi32>, vector<16xi32>], vector<16xf32>,
      %broadcast_in_dim3A_261 = arith.constant 44 : i32
      %broadcast_in_dim3A_262 = vector.broadcast %broadcast_in_dim3A_261 : i32 to vector<16xi32>
      %gather3A_263 = tpu.vector_load_idx %arg10[%add3A_129, %iota3A, %broadcast_in_dim3A_262] : memref<2x16x128xf32, #tpu.memory_space<vmem>>[vector<16xi32>, vector<16xi32>, vector<16xi32>], vector<16xf32>,
      tpu.vector_store_idx %arg11[%get3A_114, %broadcast_in_dim3A_262], %gather3A_263 {add = true} : memref<321x128xf32, #tpu.memory_space<vmem>>[vector<16xi32>, vector<16xi32>], vector<16xf32>,
      %broadcast_in_dim3A_264 = arith.constant 45 : i32
      %broadcast_in_dim3A_265 = vector.broadcast %broadcast_in_dim3A_264 : i32 to vector<16xi32>
      %gather3A_266 = tpu.vector_load_idx %arg10[%add3A_129, %iota3A, %broadcast_in_dim3A_265] : memref<2x16x128xf32, #tpu.memory_space<vmem>>[vector<16xi32>, vector<16xi32>, vector<16xi32>], vector<16xf32>,
      tpu.vector_store_idx %arg11[%get3A_114, %broadcast_in_dim3A_265], %gather3A_266 {add = true} : memref<321x128xf32, #tpu.memory_space<vmem>>[vector<16xi32>, vector<16xi32>], vector<16xf32>,
      %broadcast_in_dim3A_267 = arith.constant 46 : i32
      %broadcast_in_dim3A_268 = vector.broadcast %broadcast_in_dim3A_267 : i32 to vector<16xi32>
      %gather3A_269 = tpu.vector_load_idx %arg10[%add3A_129, %iota3A, %broadcast_in_dim3A_268] : memref<2x16x128xf32, #tpu.memory_space<vmem>>[vector<16xi32>, vector<16xi32>, vector<16xi32>], vector<16xf32>,
      tpu.vector_store_idx %arg11[%get3A_114, %broadcast_in_dim3A_268], %gather3A_269 {add = true} : memref<321x128xf32, #tpu.memory_space<vmem>>[vector<16xi32>, vector<16xi32>], vector<16xf32>,
      %broadcast_in_dim3A_270 = arith.constant 47 : i32
      %broadcast_in_dim3A_271 = vector.broadcast %broadcast_in_dim3A_270 : i32 to vector<16xi32>
      %gather3A_272 = tpu.vector_load_idx %arg10[%add3A_129, %iota3A, %broadcast_in_dim3A_271] : memref<2x16x128xf32, #tpu.memory_space<vmem>>[vector<16xi32>, vector<16xi32>, vector<16xi32>], vector<16xf32>,
      tpu.vector_store_idx %arg11[%get3A_114, %broadcast_in_dim3A_271], %gather3A_272 {add = true} : memref<321x128xf32, #tpu.memory_space<vmem>>[vector<16xi32>, vector<16xi32>], vector<16xf32>,
      %broadcast_in_dim3A_273 = arith.constant 48 : i32
      %broadcast_in_dim3A_274 = vector.broadcast %broadcast_in_dim3A_273 : i32 to vector<16xi32>
      %gather3A_275 = tpu.vector_load_idx %arg10[%add3A_129, %iota3A, %broadcast_in_dim3A_274] : memref<2x16x128xf32, #tpu.memory_space<vmem>>[vector<16xi32>, vector<16xi32>, vector<16xi32>], vector<16xf32>,
      tpu.vector_store_idx %arg11[%get3A_114, %broadcast_in_dim3A_274], %gather3A_275 {add = true} : memref<321x128xf32, #tpu.memory_space<vmem>>[vector<16xi32>, vector<16xi32>], vector<16xf32>,
      %broadcast_in_dim3A_276 = arith.constant 49 : i32
      %broadcast_in_dim3A_277 = vector.broadcast %broadcast_in_dim3A_276 : i32 to vector<16xi32>
      %gather3A_278 = tpu.vector_load_idx %arg10[%add3A_129, %iota3A, %broadcast_in_dim3A_277] : memref<2x16x128xf32, #tpu.memory_space<vmem>>[vector<16xi32>, vector<16xi32>, vector<16xi32>], vector<16xf32>,
      tpu.vector_store_idx %arg11[%get3A_114, %broadcast_in_dim3A_277], %gather3A_278 {add = true} : memref<321x128xf32, #tpu.memory_space<vmem>>[vector<16xi32>, vector<16xi32>], vector<16xf32>,
      %broadcast_in_dim3A_279 = arith.constant 50 : i32
      %broadcast_in_dim3A_280 = vector.broadcast %broadcast_in_dim3A_279 : i32 to vector<16xi32>
      %gather3A_281 = tpu.vector_load_idx %arg10[%add3A_129, %iota3A, %broadcast_in_dim3A_280] : memref<2x16x128xf32, #tpu.memory_space<vmem>>[vector<16xi32>, vector<16xi32>, vector<16xi32>], vector<16xf32>,
      tpu.vector_store_idx %arg11[%get3A_114, %broadcast_in_dim3A_280], %gather3A_281 {add = true} : memref<321x128xf32, #tpu.memory_space<vmem>>[vector<16xi32>, vector<16xi32>], vector<16xf32>,
      %broadcast_in_dim3A_282 = arith.constant 51 : i32
      %broadcast_in_dim3A_283 = vector.broadcast %broadcast_in_dim3A_282 : i32 to vector<16xi32>
      %gather3A_284 = tpu.vector_load_idx %arg10[%add3A_129, %iota3A, %broadcast_in_dim3A_283] : memref<2x16x128xf32, #tpu.memory_space<vmem>>[vector<16xi32>, vector<16xi32>, vector<16xi32>], vector<16xf32>,
      tpu.vector_store_idx %arg11[%get3A_114, %broadcast_in_dim3A_283], %gather3A_284 {add = true} : memref<321x128xf32, #tpu.memory_space<vmem>>[vector<16xi32>, vector<16xi32>], vector<16xf32>,
      %broadcast_in_dim3A_285 = arith.constant 52 : i32
      %broadcast_in_dim3A_286 = vector.broadcast %broadcast_in_dim3A_285 : i32 to vector<16xi32>
      %gather3A_287 = tpu.vector_load_idx %arg10[%add3A_129, %iota3A, %broadcast_in_dim3A_286] : memref<2x16x128xf32, #tpu.memory_space<vmem>>[vector<16xi32>, vector<16xi32>, vector<16xi32>], vector<16xf32>,
      tpu.vector_store_idx %arg11[%get3A_114, %broadcast_in_dim3A_286], %gather3A_287 {add = true} : memref<321x128xf32, #tpu.memory_space<vmem>>[vector<16xi32>, vector<16xi32>], vector<16xf32>,
      %broadcast_in_dim3A_288 = arith.constant 53 : i32
      %broadcast_in_dim3A_289 = vector.broadcast %broadcast_in_dim3A_288 : i32 to vector<16xi32>
      %gather3A_290 = tpu.vector_load_idx %arg10[%add3A_129, %iota3A, %broadcast_in_dim3A_289] : memref<2x16x128xf32, #tpu.memory_space<vmem>>[vector<16xi32>, vector<16xi32>, vector<16xi32>], vector<16xf32>,
      tpu.vector_store_idx %arg11[%get3A_114, %broadcast_in_dim3A_289], %gather3A_290 {add = true} : memref<321x128xf32, #tpu.memory_space<vmem>>[vector<16xi32>, vector<16xi32>], vector<16xf32>,
      %broadcast_in_dim3A_291 = arith.constant 54 : i32
      %broadcast_in_dim3A_292 = vector.broadcast %broadcast_in_dim3A_291 : i32 to vector<16xi32>
      %gather3A_293 = tpu.vector_load_idx %arg10[%add3A_129, %iota3A, %broadcast_in_dim3A_292] : memref<2x16x128xf32, #tpu.memory_space<vmem>>[vector<16xi32>, vector<16xi32>, vector<16xi32>], vector<16xf32>,
      tpu.vector_store_idx %arg11[%get3A_114, %broadcast_in_dim3A_292], %gather3A_293 {add = true} : memref<321x128xf32, #tpu.memory_space<vmem>>[vector<16xi32>, vector<16xi32>], vector<16xf32>,
      %broadcast_in_dim3A_294 = arith.constant 55 : i32
      %broadcast_in_dim3A_295 = vector.broadcast %broadcast_in_dim3A_294 : i32 to vector<16xi32>
      %gather3A_296 = tpu.vector_load_idx %arg10[%add3A_129, %iota3A, %broadcast_in_dim3A_295] : memref<2x16x128xf32, #tpu.memory_space<vmem>>[vector<16xi32>, vector<16xi32>, vector<16xi32>], vector<16xf32>,
      tpu.vector_store_idx %arg11[%get3A_114, %broadcast_in_dim3A_295], %gather3A_296 {add = true} : memref<321x128xf32, #tpu.memory_space<vmem>>[vector<16xi32>, vector<16xi32>], vector<16xf32>,
      %broadcast_in_dim3A_297 = arith.constant 56 : i32
      %broadcast_in_dim3A_298 = vector.broadcast %broadcast_in_dim3A_297 : i32 to vector<16xi32>
      %gather3A_299 = tpu.vector_load_idx %arg10[%add3A_129, %iota3A, %broadcast_in_dim3A_298] : memref<2x16x128xf32, #tpu.memory_space<vmem>>[vector<16xi32>, vector<16xi32>, vector<16xi32>], vector<16xf32>,
      tpu.vector_store_idx %arg11[%get3A_114, %broadcast_in_dim3A_298], %gather3A_299 {add = true} : memref<321x128xf32, #tpu.memory_space<vmem>>[vector<16xi32>, vector<16xi32>], vector<16xf32>,
      %broadcast_in_dim3A_300 = arith.constant 57 : i32
      %broadcast_in_dim3A_301 = vector.broadcast %broadcast_in_dim3A_300 : i32 to vector<16xi32>
      %gather3A_302 = tpu.vector_load_idx %arg10[%add3A_129, %iota3A, %broadcast_in_dim3A_301] : memref<2x16x128xf32, #tpu.memory_space<vmem>>[vector<16xi32>, vector<16xi32>, vector<16xi32>], vector<16xf32>,
      tpu.vector_store_idx %arg11[%get3A_114, %broadcast_in_dim3A_301], %gather3A_302 {add = true} : memref<321x128xf32, #tpu.memory_space<vmem>>[vector<16xi32>, vector<16xi32>], vector<16xf32>,
      %broadcast_in_dim3A_303 = arith.constant 58 : i32
      %broadcast_in_dim3A_304 = vector.broadcast %broadcast_in_dim3A_303 : i32 to vector<16xi32>
      %gather3A_305 = tpu.vector_load_idx %arg10[%add3A_129, %iota3A, %broadcast_in_dim3A_304] : memref<2x16x128xf32, #tpu.memory_space<vmem>>[vector<16xi32>, vector<16xi32>, vector<16xi32>], vector<16xf32>,
      tpu.vector_store_idx %arg11[%get3A_114, %broadcast_in_dim3A_304], %gather3A_305 {add = true} : memref<321x128xf32, #tpu.memory_space<vmem>>[vector<16xi32>, vector<16xi32>], vector<16xf32>,
      %broadcast_in_dim3A_306 = arith.constant 59 : i32
      %broadcast_in_dim3A_307 = vector.broadcast %broadcast_in_dim3A_306 : i32 to vector<16xi32>
      %gather3A_308 = tpu.vector_load_idx %arg10[%add3A_129, %iota3A, %broadcast_in_dim3A_307] : memref<2x16x128xf32, #tpu.memory_space<vmem>>[vector<16xi32>, vector<16xi32>, vector<16xi32>], vector<16xf32>,
      tpu.vector_store_idx %arg11[%get3A_114, %broadcast_in_dim3A_307], %gather3A_308 {add = true} : memref<321x128xf32, #tpu.memory_space<vmem>>[vector<16xi32>, vector<16xi32>], vector<16xf32>,
      %broadcast_in_dim3A_309 = arith.constant 60 : i32
      %broadcast_in_dim3A_310 = vector.broadcast %broadcast_in_dim3A_309 : i32 to vector<16xi32>
      %gather3A_311 = tpu.vector_load_idx %arg10[%add3A_129, %iota3A, %broadcast_in_dim3A_310] : memref<2x16x128xf32, #tpu.memory_space<vmem>>[vector<16xi32>, vector<16xi32>, vector<16xi32>], vector<16xf32>,
      tpu.vector_store_idx %arg11[%get3A_114, %broadcast_in_dim3A_310], %gather3A_311 {add = true} : memref<321x128xf32, #tpu.memory_space<vmem>>[vector<16xi32>, vector<16xi32>], vector<16xf32>,
      %broadcast_in_dim3A_312 = arith.constant 61 : i32
      %broadcast_in_dim3A_313 = vector.broadcast %broadcast_in_dim3A_312 : i32 to vector<16xi32>
      %gather3A_314 = tpu.vector_load_idx %arg10[%add3A_129, %iota3A, %broadcast_in_dim3A_313] : memref<2x16x128xf32, #tpu.memory_space<vmem>>[vector<16xi32>, vector<16xi32>, vector<16xi32>], vector<16xf32>,
      tpu.vector_store_idx %arg11[%get3A_114, %broadcast_in_dim3A_313], %gather3A_314 {add = true} : memref<321x128xf32, #tpu.memory_space<vmem>>[vector<16xi32>, vector<16xi32>], vector<16xf32>,
      %broadcast_in_dim3A_315 = arith.constant 62 : i32
      %broadcast_in_dim3A_316 = vector.broadcast %broadcast_in_dim3A_315 : i32 to vector<16xi32>
      %gather3A_317 = tpu.vector_load_idx %arg10[%add3A_129, %iota3A, %broadcast_in_dim3A_316] : memref<2x16x128xf32, #tpu.memory_space<vmem>>[vector<16xi32>, vector<16xi32>, vector<16xi32>], vector<16xf32>,
      tpu.vector_store_idx %arg11[%get3A_114, %broadcast_in_dim3A_316], %gather3A_317 {add = true} : memref<321x128xf32, #tpu.memory_space<vmem>>[vector<16xi32>, vector<16xi32>], vector<16xf32>,
      %broadcast_in_dim3A_318 = arith.constant 63 : i32
      %broadcast_in_dim3A_319 = vector.broadcast %broadcast_in_dim3A_318 : i32 to vector<16xi32>
      %gather3A_320 = tpu.vector_load_idx %arg10[%add3A_129, %iota3A, %broadcast_in_dim3A_319] : memref<2x16x128xf32, #tpu.memory_space<vmem>>[vector<16xi32>, vector<16xi32>, vector<16xi32>], vector<16xf32>,
      tpu.vector_store_idx %arg11[%get3A_114, %broadcast_in_dim3A_319], %gather3A_320 {add = true} : memref<321x128xf32, #tpu.memory_space<vmem>>[vector<16xi32>, vector<16xi32>], vector<16xf32>,
      %broadcast_in_dim3A_321 = arith.constant 64 : i32
      %broadcast_in_dim3A_322 = vector.broadcast %broadcast_in_dim3A_321 : i32 to vector<16xi32>
      %gather3A_323 = tpu.vector_load_idx %arg10[%add3A_129, %iota3A, %broadcast_in_dim3A_322] : memref<2x16x128xf32, #tpu.memory_space<vmem>>[vector<16xi32>, vector<16xi32>, vector<16xi32>], vector<16xf32>,
      tpu.vector_store_idx %arg11[%get3A_114, %broadcast_in_dim3A_322], %gather3A_323 {add = true} : memref<321x128xf32, #tpu.memory_space<vmem>>[vector<16xi32>, vector<16xi32>], vector<16xf32>,
      %broadcast_in_dim3A_324 = arith.constant 65 : i32
      %broadcast_in_dim3A_325 = vector.broadcast %broadcast_in_dim3A_324 : i32 to vector<16xi32>
      %gather3A_326 = tpu.vector_load_idx %arg10[%add3A_129, %iota3A, %broadcast_in_dim3A_325] : memref<2x16x128xf32, #tpu.memory_space<vmem>>[vector<16xi32>, vector<16xi32>, vector<16xi32>], vector<16xf32>,
      tpu.vector_store_idx %arg11[%get3A_114, %broadcast_in_dim3A_325], %gather3A_326 {add = true} : memref<321x128xf32, #tpu.memory_space<vmem>>[vector<16xi32>, vector<16xi32>], vector<16xf32>,
      %broadcast_in_dim3A_327 = arith.constant 66 : i32
      %broadcast_in_dim3A_328 = vector.broadcast %broadcast_in_dim3A_327 : i32 to vector<16xi32>
      %gather3A_329 = tpu.vector_load_idx %arg10[%add3A_129, %iota3A, %broadcast_in_dim3A_328] : memref<2x16x128xf32, #tpu.memory_space<vmem>>[vector<16xi32>, vector<16xi32>, vector<16xi32>], vector<16xf32>,
      tpu.vector_store_idx %arg11[%get3A_114, %broadcast_in_dim3A_328], %gather3A_329 {add = true} : memref<321x128xf32, #tpu.memory_space<vmem>>[vector<16xi32>, vector<16xi32>], vector<16xf32>,
      %broadcast_in_dim3A_330 = arith.constant 67 : i32
      %broadcast_in_dim3A_331 = vector.broadcast %broadcast_in_dim3A_330 : i32 to vector<16xi32>
      %gather3A_332 = tpu.vector_load_idx %arg10[%add3A_129, %iota3A, %broadcast_in_dim3A_331] : memref<2x16x128xf32, #tpu.memory_space<vmem>>[vector<16xi32>, vector<16xi32>, vector<16xi32>], vector<16xf32>,
      tpu.vector_store_idx %arg11[%get3A_114, %broadcast_in_dim3A_331], %gather3A_332 {add = true} : memref<321x128xf32, #tpu.memory_space<vmem>>[vector<16xi32>, vector<16xi32>], vector<16xf32>,
      %broadcast_in_dim3A_333 = arith.constant 68 : i32
      %broadcast_in_dim3A_334 = vector.broadcast %broadcast_in_dim3A_333 : i32 to vector<16xi32>
      %gather3A_335 = tpu.vector_load_idx %arg10[%add3A_129, %iota3A, %broadcast_in_dim3A_334] : memref<2x16x128xf32, #tpu.memory_space<vmem>>[vector<16xi32>, vector<16xi32>, vector<16xi32>], vector<16xf32>,
      tpu.vector_store_idx %arg11[%get3A_114, %broadcast_in_dim3A_334], %gather3A_335 {add = true} : memref<321x128xf32, #tpu.memory_space<vmem>>[vector<16xi32>, vector<16xi32>], vector<16xf32>,
      %broadcast_in_dim3A_336 = arith.constant 69 : i32
      %broadcast_in_dim3A_337 = vector.broadcast %broadcast_in_dim3A_336 : i32 to vector<16xi32>
      %gather3A_338 = tpu.vector_load_idx %arg10[%add3A_129, %iota3A, %broadcast_in_dim3A_337] : memref<2x16x128xf32, #tpu.memory_space<vmem>>[vector<16xi32>, vector<16xi32>, vector<16xi32>], vector<16xf32>,
      tpu.vector_store_idx %arg11[%get3A_114, %broadcast_in_dim3A_337], %gather3A_338 {add = true} : memref<321x128xf32, #tpu.memory_space<vmem>>[vector<16xi32>, vector<16xi32>], vector<16xf32>,
      %broadcast_in_dim3A_339 = arith.constant 70 : i32
      %broadcast_in_dim3A_340 = vector.broadcast %broadcast_in_dim3A_339 : i32 to vector<16xi32>
      %gather3A_341 = tpu.vector_load_idx %arg10[%add3A_129, %iota3A, %broadcast_in_dim3A_340] : memref<2x16x128xf32, #tpu.memory_space<vmem>>[vector<16xi32>, vector<16xi32>, vector<16xi32>], vector<16xf32>,
      tpu.vector_store_idx %arg11[%get3A_114, %broadcast_in_dim3A_340], %gather3A_341 {add = true} : memref<321x128xf32, #tpu.memory_space<vmem>>[vector<16xi32>, vector<16xi32>], vector<16xf32>,
      %broadcast_in_dim3A_342 = arith.constant 71 : i32
      %broadcast_in_dim3A_343 = vector.broadcast %broadcast_in_dim3A_342 : i32 to vector<16xi32>
      %gather3A_344 = tpu.vector_load_idx %arg10[%add3A_129, %iota3A, %broadcast_in_dim3A_343] : memref<2x16x128xf32, #tpu.memory_space<vmem>>[vector<16xi32>, vector<16xi32>, vector<16xi32>], vector<16xf32>,
      tpu.vector_store_idx %arg11[%get3A_114, %broadcast_in_dim3A_343], %gather3A_344 {add = true} : memref<321x128xf32, #tpu.memory_space<vmem>>[vector<16xi32>, vector<16xi32>], vector<16xf32>,
      %broadcast_in_dim3A_345 = arith.constant 72 : i32
      %broadcast_in_dim3A_346 = vector.broadcast %broadcast_in_dim3A_345 : i32 to vector<16xi32>
      %gather3A_347 = tpu.vector_load_idx %arg10[%add3A_129, %iota3A, %broadcast_in_dim3A_346] : memref<2x16x128xf32, #tpu.memory_space<vmem>>[vector<16xi32>, vector<16xi32>, vector<16xi32>], vector<16xf32>,
      tpu.vector_store_idx %arg11[%get3A_114, %broadcast_in_dim3A_346], %gather3A_347 {add = true} : memref<321x128xf32, #tpu.memory_space<vmem>>[vector<16xi32>, vector<16xi32>], vector<16xf32>,
      %broadcast_in_dim3A_348 = arith.constant 73 : i32
      %broadcast_in_dim3A_349 = vector.broadcast %broadcast_in_dim3A_348 : i32 to vector<16xi32>
      %gather3A_350 = tpu.vector_load_idx %arg10[%add3A_129, %iota3A, %broadcast_in_dim3A_349] : memref<2x16x128xf32, #tpu.memory_space<vmem>>[vector<16xi32>, vector<16xi32>, vector<16xi32>], vector<16xf32>,
      tpu.vector_store_idx %arg11[%get3A_114, %broadcast_in_dim3A_349], %gather3A_350 {add = true} : memref<321x128xf32, #tpu.memory_space<vmem>>[vector<16xi32>, vector<16xi32>], vector<16xf32>,
      %broadcast_in_dim3A_351 = arith.constant 74 : i32
      %broadcast_in_dim3A_352 = vector.broadcast %broadcast_in_dim3A_351 : i32 to vector<16xi32>
      %gather3A_353 = tpu.vector_load_idx %arg10[%add3A_129, %iota3A, %broadcast_in_dim3A_352] : memref<2x16x128xf32, #tpu.memory_space<vmem>>[vector<16xi32>, vector<16xi32>, vector<16xi32>], vector<16xf32>,
      tpu.vector_store_idx %arg11[%get3A_114, %broadcast_in_dim3A_352], %gather3A_353 {add = true} : memref<321x128xf32, #tpu.memory_space<vmem>>[vector<16xi32>, vector<16xi32>], vector<16xf32>,
      %broadcast_in_dim3A_354 = arith.constant 75 : i32
      %broadcast_in_dim3A_355 = vector.broadcast %broadcast_in_dim3A_354 : i32 to vector<16xi32>
      %gather3A_356 = tpu.vector_load_idx %arg10[%add3A_129, %iota3A, %broadcast_in_dim3A_355] : memref<2x16x128xf32, #tpu.memory_space<vmem>>[vector<16xi32>, vector<16xi32>, vector<16xi32>], vector<16xf32>,
      tpu.vector_store_idx %arg11[%get3A_114, %broadcast_in_dim3A_355], %gather3A_356 {add = true} : memref<321x128xf32, #tpu.memory_space<vmem>>[vector<16xi32>, vector<16xi32>], vector<16xf32>,
      %broadcast_in_dim3A_357 = arith.constant 76 : i32
      %broadcast_in_dim3A_358 = vector.broadcast %broadcast_in_dim3A_357 : i32 to vector<16xi32>
      %gather3A_359 = tpu.vector_load_idx %arg10[%add3A_129, %iota3A, %broadcast_in_dim3A_358] : memref<2x16x128xf32, #tpu.memory_space<vmem>>[vector<16xi32>, vector<16xi32>, vector<16xi32>], vector<16xf32>,
      tpu.vector_store_idx %arg11[%get3A_114, %broadcast_in_dim3A_358], %gather3A_359 {add = true} : memref<321x128xf32, #tpu.memory_space<vmem>>[vector<16xi32>, vector<16xi32>], vector<16xf32>,
      %broadcast_in_dim3A_360 = arith.constant 77 : i32
      %broadcast_in_dim3A_361 = vector.broadcast %broadcast_in_dim3A_360 : i32 to vector<16xi32>
      %gather3A_362 = tpu.vector_load_idx %arg10[%add3A_129, %iota3A, %broadcast_in_dim3A_361] : memref<2x16x128xf32, #tpu.memory_space<vmem>>[vector<16xi32>, vector<16xi32>, vector<16xi32>], vector<16xf32>,
      tpu.vector_store_idx %arg11[%get3A_114, %broadcast_in_dim3A_361], %gather3A_362 {add = true} : memref<321x128xf32, #tpu.memory_space<vmem>>[vector<16xi32>, vector<16xi32>], vector<16xf32>,
      %broadcast_in_dim3A_363 = arith.constant 78 : i32
      %broadcast_in_dim3A_364 = vector.broadcast %broadcast_in_dim3A_363 : i32 to vector<16xi32>
      %gather3A_365 = tpu.vector_load_idx %arg10[%add3A_129, %iota3A, %broadcast_in_dim3A_364] : memref<2x16x128xf32, #tpu.memory_space<vmem>>[vector<16xi32>, vector<16xi32>, vector<16xi32>], vector<16xf32>,
      tpu.vector_store_idx %arg11[%get3A_114, %broadcast_in_dim3A_364], %gather3A_365 {add = true} : memref<321x128xf32, #tpu.memory_space<vmem>>[vector<16xi32>, vector<16xi32>], vector<16xf32>,
      %broadcast_in_dim3A_366 = arith.constant 79 : i32
      %broadcast_in_dim3A_367 = vector.broadcast %broadcast_in_dim3A_366 : i32 to vector<16xi32>
      %gather3A_368 = tpu.vector_load_idx %arg10[%add3A_129, %iota3A, %broadcast_in_dim3A_367] : memref<2x16x128xf32, #tpu.memory_space<vmem>>[vector<16xi32>, vector<16xi32>, vector<16xi32>], vector<16xf32>,
      tpu.vector_store_idx %arg11[%get3A_114, %broadcast_in_dim3A_367], %gather3A_368 {add = true} : memref<321x128xf32, #tpu.memory_space<vmem>>[vector<16xi32>, vector<16xi32>], vector<16xf32>,
      %broadcast_in_dim3A_369 = arith.constant 80 : i32
      %broadcast_in_dim3A_370 = vector.broadcast %broadcast_in_dim3A_369 : i32 to vector<16xi32>
      %gather3A_371 = tpu.vector_load_idx %arg10[%add3A_129, %iota3A, %broadcast_in_dim3A_370] : memref<2x16x128xf32, #tpu.memory_space<vmem>>[vector<16xi32>, vector<16xi32>, vector<16xi32>], vector<16xf32>,
      tpu.vector_store_idx %arg11[%get3A_114, %broadcast_in_dim3A_370], %gather3A_371 {add = true} : memref<321x128xf32, #tpu.memory_space<vmem>>[vector<16xi32>, vector<16xi32>], vector<16xf32>,
      %broadcast_in_dim3A_372 = arith.constant 81 : i32
      %broadcast_in_dim3A_373 = vector.broadcast %broadcast_in_dim3A_372 : i32 to vector<16xi32>
      %gather3A_374 = tpu.vector_load_idx %arg10[%add3A_129, %iota3A, %broadcast_in_dim3A_373] : memref<2x16x128xf32, #tpu.memory_space<vmem>>[vector<16xi32>, vector<16xi32>, vector<16xi32>], vector<16xf32>,
      tpu.vector_store_idx %arg11[%get3A_114, %broadcast_in_dim3A_373], %gather3A_374 {add = true} : memref<321x128xf32, #tpu.memory_space<vmem>>[vector<16xi32>, vector<16xi32>], vector<16xf32>,
      %broadcast_in_dim3A_375 = arith.constant 82 : i32
      %broadcast_in_dim3A_376 = vector.broadcast %broadcast_in_dim3A_375 : i32 to vector<16xi32>
      %gather3A_377 = tpu.vector_load_idx %arg10[%add3A_129, %iota3A, %broadcast_in_dim3A_376] : memref<2x16x128xf32, #tpu.memory_space<vmem>>[vector<16xi32>, vector<16xi32>, vector<16xi32>], vector<16xf32>,
      tpu.vector_store_idx %arg11[%get3A_114, %broadcast_in_dim3A_376], %gather3A_377 {add = true} : memref<321x128xf32, #tpu.memory_space<vmem>>[vector<16xi32>, vector<16xi32>], vector<16xf32>,
      %broadcast_in_dim3A_378 = arith.constant 83 : i32
      %broadcast_in_dim3A_379 = vector.broadcast %broadcast_in_dim3A_378 : i32 to vector<16xi32>
      %gather3A_380 = tpu.vector_load_idx %arg10[%add3A_129, %iota3A, %broadcast_in_dim3A_379] : memref<2x16x128xf32, #tpu.memory_space<vmem>>[vector<16xi32>, vector<16xi32>, vector<16xi32>], vector<16xf32>,
      tpu.vector_store_idx %arg11[%get3A_114, %broadcast_in_dim3A_379], %gather3A_380 {add = true} : memref<321x128xf32, #tpu.memory_space<vmem>>[vector<16xi32>, vector<16xi32>], vector<16xf32>,
      %broadcast_in_dim3A_381 = arith.constant 84 : i32
      %broadcast_in_dim3A_382 = vector.broadcast %broadcast_in_dim3A_381 : i32 to vector<16xi32>
      %gather3A_383 = tpu.vector_load_idx %arg10[%add3A_129, %iota3A, %broadcast_in_dim3A_382] : memref<2x16x128xf32, #tpu.memory_space<vmem>>[vector<16xi32>, vector<16xi32>, vector<16xi32>], vector<16xf32>,
      tpu.vector_store_idx %arg11[%get3A_114, %broadcast_in_dim3A_382], %gather3A_383 {add = true} : memref<321x128xf32, #tpu.memory_space<vmem>>[vector<16xi32>, vector<16xi32>], vector<16xf32>,
      %broadcast_in_dim3A_384 = arith.constant 85 : i32
      %broadcast_in_dim3A_385 = vector.broadcast %broadcast_in_dim3A_384 : i32 to vector<16xi32>
      %gather3A_386 = tpu.vector_load_idx %arg10[%add3A_129, %iota3A, %broadcast_in_dim3A_385] : memref<2x16x128xf32, #tpu.memory_space<vmem>>[vector<16xi32>, vector<16xi32>, vector<16xi32>], vector<16xf32>,
      tpu.vector_store_idx %arg11[%get3A_114, %broadcast_in_dim3A_385], %gather3A_386 {add = true} : memref<321x128xf32, #tpu.memory_space<vmem>>[vector<16xi32>, vector<16xi32>], vector<16xf32>,
      %broadcast_in_dim3A_387 = arith.constant 86 : i32
      %broadcast_in_dim3A_388 = vector.broadcast %broadcast_in_dim3A_387 : i32 to vector<16xi32>
      %gather3A_389 = tpu.vector_load_idx %arg10[%add3A_129, %iota3A, %broadcast_in_dim3A_388] : memref<2x16x128xf32, #tpu.memory_space<vmem>>[vector<16xi32>, vector<16xi32>, vector<16xi32>], vector<16xf32>,
      tpu.vector_store_idx %arg11[%get3A_114, %broadcast_in_dim3A_388], %gather3A_389 {add = true} : memref<321x128xf32, #tpu.memory_space<vmem>>[vector<16xi32>, vector<16xi32>], vector<16xf32>,
      %broadcast_in_dim3A_390 = arith.constant 87 : i32
      %broadcast_in_dim3A_391 = vector.broadcast %broadcast_in_dim3A_390 : i32 to vector<16xi32>
      %gather3A_392 = tpu.vector_load_idx %arg10[%add3A_129, %iota3A, %broadcast_in_dim3A_391] : memref<2x16x128xf32, #tpu.memory_space<vmem>>[vector<16xi32>, vector<16xi32>, vector<16xi32>], vector<16xf32>,
      tpu.vector_store_idx %arg11[%get3A_114, %broadcast_in_dim3A_391], %gather3A_392 {add = true} : memref<321x128xf32, #tpu.memory_space<vmem>>[vector<16xi32>, vector<16xi32>], vector<16xf32>,
      %broadcast_in_dim3A_393 = arith.constant 88 : i32
      %broadcast_in_dim3A_394 = vector.broadcast %broadcast_in_dim3A_393 : i32 to vector<16xi32>
      %gather3A_395 = tpu.vector_load_idx %arg10[%add3A_129, %iota3A, %broadcast_in_dim3A_394] : memref<2x16x128xf32, #tpu.memory_space<vmem>>[vector<16xi32>, vector<16xi32>, vector<16xi32>], vector<16xf32>,
      tpu.vector_store_idx %arg11[%get3A_114, %broadcast_in_dim3A_394], %gather3A_395 {add = true} : memref<321x128xf32, #tpu.memory_space<vmem>>[vector<16xi32>, vector<16xi32>], vector<16xf32>,
      %broadcast_in_dim3A_396 = arith.constant 89 : i32
      %broadcast_in_dim3A_397 = vector.broadcast %broadcast_in_dim3A_396 : i32 to vector<16xi32>
      %gather3A_398 = tpu.vector_load_idx %arg10[%add3A_129, %iota3A, %broadcast_in_dim3A_397] : memref<2x16x128xf32, #tpu.memory_space<vmem>>[vector<16xi32>, vector<16xi32>, vector<16xi32>], vector<16xf32>,
      tpu.vector_store_idx %arg11[%get3A_114, %broadcast_in_dim3A_397], %gather3A_398 {add = true} : memref<321x128xf32, #tpu.memory_space<vmem>>[vector<16xi32>, vector<16xi32>], vector<16xf32>,
      %broadcast_in_dim3A_399 = arith.constant 90 : i32
      %broadcast_in_dim3A_400 = vector.broadcast %broadcast_in_dim3A_399 : i32 to vector<16xi32>
      %gather3A_401 = tpu.vector_load_idx %arg10[%add3A_129, %iota3A, %broadcast_in_dim3A_400] : memref<2x16x128xf32, #tpu.memory_space<vmem>>[vector<16xi32>, vector<16xi32>, vector<16xi32>], vector<16xf32>,
      tpu.vector_store_idx %arg11[%get3A_114, %broadcast_in_dim3A_400], %gather3A_401 {add = true} : memref<321x128xf32, #tpu.memory_space<vmem>>[vector<16xi32>, vector<16xi32>], vector<16xf32>,
      %broadcast_in_dim3A_402 = arith.constant 91 : i32
      %broadcast_in_dim3A_403 = vector.broadcast %broadcast_in_dim3A_402 : i32 to vector<16xi32>
      %gather3A_404 = tpu.vector_load_idx %arg10[%add3A_129, %iota3A, %broadcast_in_dim3A_403] : memref<2x16x128xf32, #tpu.memory_space<vmem>>[vector<16xi32>, vector<16xi32>, vector<16xi32>], vector<16xf32>,
      tpu.vector_store_idx %arg11[%get3A_114, %broadcast_in_dim3A_403], %gather3A_404 {add = true} : memref<321x128xf32, #tpu.memory_space<vmem>>[vector<16xi32>, vector<16xi32>], vector<16xf32>,
      %broadcast_in_dim3A_405 = arith.constant 92 : i32
      %broadcast_in_dim3A_406 = vector.broadcast %broadcast_in_dim3A_405 : i32 to vector<16xi32>
      %gather3A_407 = tpu.vector_load_idx %arg10[%add3A_129, %iota3A, %broadcast_in_dim3A_406] : memref<2x16x128xf32, #tpu.memory_space<vmem>>[vector<16xi32>, vector<16xi32>, vector<16xi32>], vector<16xf32>,
      tpu.vector_store_idx %arg11[%get3A_114, %broadcast_in_dim3A_406], %gather3A_407 {add = true} : memref<321x128xf32, #tpu.memory_space<vmem>>[vector<16xi32>, vector<16xi32>], vector<16xf32>,
      %broadcast_in_dim3A_408 = arith.constant 93 : i32
      %broadcast_in_dim3A_409 = vector.broadcast %broadcast_in_dim3A_408 : i32 to vector<16xi32>
      %gather3A_410 = tpu.vector_load_idx %arg10[%add3A_129, %iota3A, %broadcast_in_dim3A_409] : memref<2x16x128xf32, #tpu.memory_space<vmem>>[vector<16xi32>, vector<16xi32>, vector<16xi32>], vector<16xf32>,
      tpu.vector_store_idx %arg11[%get3A_114, %broadcast_in_dim3A_409], %gather3A_410 {add = true} : memref<321x128xf32, #tpu.memory_space<vmem>>[vector<16xi32>, vector<16xi32>], vector<16xf32>,
      %broadcast_in_dim3A_411 = arith.constant 94 : i32
      %broadcast_in_dim3A_412 = vector.broadcast %broadcast_in_dim3A_411 : i32 to vector<16xi32>
      %gather3A_413 = tpu.vector_load_idx %arg10[%add3A_129, %iota3A, %broadcast_in_dim3A_412] : memref<2x16x128xf32, #tpu.memory_space<vmem>>[vector<16xi32>, vector<16xi32>, vector<16xi32>], vector<16xf32>,
      tpu.vector_store_idx %arg11[%get3A_114, %broadcast_in_dim3A_412], %gather3A_413 {add = true} : memref<321x128xf32, #tpu.memory_space<vmem>>[vector<16xi32>, vector<16xi32>], vector<16xf32>,
      %broadcast_in_dim3A_414 = arith.constant 95 : i32
      %broadcast_in_dim3A_415 = vector.broadcast %broadcast_in_dim3A_414 : i32 to vector<16xi32>
      %gather3A_416 = tpu.vector_load_idx %arg10[%add3A_129, %iota3A, %broadcast_in_dim3A_415] : memref<2x16x128xf32, #tpu.memory_space<vmem>>[vector<16xi32>, vector<16xi32>, vector<16xi32>], vector<16xf32>,
      tpu.vector_store_idx %arg11[%get3A_114, %broadcast_in_dim3A_415], %gather3A_416 {add = true} : memref<321x128xf32, #tpu.memory_space<vmem>>[vector<16xi32>, vector<16xi32>], vector<16xf32>,
      %broadcast_in_dim3A_417 = arith.constant 96 : i32
      %broadcast_in_dim3A_418 = vector.broadcast %broadcast_in_dim3A_417 : i32 to vector<16xi32>
      %gather3A_419 = tpu.vector_load_idx %arg10[%add3A_129, %iota3A, %broadcast_in_dim3A_418] : memref<2x16x128xf32, #tpu.memory_space<vmem>>[vector<16xi32>, vector<16xi32>, vector<16xi32>], vector<16xf32>,
      tpu.vector_store_idx %arg11[%get3A_114, %broadcast_in_dim3A_418], %gather3A_419 {add = true} : memref<321x128xf32, #tpu.memory_space<vmem>>[vector<16xi32>, vector<16xi32>], vector<16xf32>,
      %broadcast_in_dim3A_420 = arith.constant 97 : i32
      %broadcast_in_dim3A_421 = vector.broadcast %broadcast_in_dim3A_420 : i32 to vector<16xi32>
      %gather3A_422 = tpu.vector_load_idx %arg10[%add3A_129, %iota3A, %broadcast_in_dim3A_421] : memref<2x16x128xf32, #tpu.memory_space<vmem>>[vector<16xi32>, vector<16xi32>, vector<16xi32>], vector<16xf32>,
      tpu.vector_store_idx %arg11[%get3A_114, %broadcast_in_dim3A_421], %gather3A_422 {add = true} : memref<321x128xf32, #tpu.memory_space<vmem>>[vector<16xi32>, vector<16xi32>], vector<16xf32>,
      %broadcast_in_dim3A_423 = arith.constant 98 : i32
      %broadcast_in_dim3A_424 = vector.broadcast %broadcast_in_dim3A_423 : i32 to vector<16xi32>
      %gather3A_425 = tpu.vector_load_idx %arg10[%add3A_129, %iota3A, %broadcast_in_dim3A_424] : memref<2x16x128xf32, #tpu.memory_space<vmem>>[vector<16xi32>, vector<16xi32>, vector<16xi32>], vector<16xf32>,
      tpu.vector_store_idx %arg11[%get3A_114, %broadcast_in_dim3A_424], %gather3A_425 {add = true} : memref<321x128xf32, #tpu.memory_space<vmem>>[vector<16xi32>, vector<16xi32>], vector<16xf32>,
      %broadcast_in_dim3A_426 = arith.constant 99 : i32
      %broadcast_in_dim3A_427 = vector.broadcast %broadcast_in_dim3A_426 : i32 to vector<16xi32>
      %gather3A_428 = tpu.vector_load_idx %arg10[%add3A_129, %iota3A, %broadcast_in_dim3A_427] : memref<2x16x128xf32, #tpu.memory_space<vmem>>[vector<16xi32>, vector<16xi32>, vector<16xi32>], vector<16xf32>,
      tpu.vector_store_idx %arg11[%get3A_114, %broadcast_in_dim3A_427], %gather3A_428 {add = true} : memref<321x128xf32, #tpu.memory_space<vmem>>[vector<16xi32>, vector<16xi32>], vector<16xf32>,
      %broadcast_in_dim3A_429 = arith.constant 100 : i32
      %broadcast_in_dim3A_430 = vector.broadcast %broadcast_in_dim3A_429 : i32 to vector<16xi32>
      %gather3A_431 = tpu.vector_load_idx %arg10[%add3A_129, %iota3A, %broadcast_in_dim3A_430] : memref<2x16x128xf32, #tpu.memory_space<vmem>>[vector<16xi32>, vector<16xi32>, vector<16xi32>], vector<16xf32>,
      tpu.vector_store_idx %arg11[%get3A_114, %broadcast_in_dim3A_430], %gather3A_431 {add = true} : memref<321x128xf32, #tpu.memory_space<vmem>>[vector<16xi32>, vector<16xi32>], vector<16xf32>,
      %broadcast_in_dim3A_432 = arith.constant 101 : i32
      %broadcast_in_dim3A_433 = vector.broadcast %broadcast_in_dim3A_432 : i32 to vector<16xi32>
      %gather3A_434 = tpu.vector_load_idx %arg10[%add3A_129, %iota3A, %broadcast_in_dim3A_433] : memref<2x16x128xf32, #tpu.memory_space<vmem>>[vector<16xi32>, vector<16xi32>, vector<16xi32>], vector<16xf32>,
      tpu.vector_store_idx %arg11[%get3A_114, %broadcast_in_dim3A_433], %gather3A_434 {add = true} : memref<321x128xf32, #tpu.memory_space<vmem>>[vector<16xi32>, vector<16xi32>], vector<16xf32>,
      %broadcast_in_dim3A_435 = arith.constant 102 : i32
      %broadcast_in_dim3A_436 = vector.broadcast %broadcast_in_dim3A_435 : i32 to vector<16xi32>
      %gather3A_437 = tpu.vector_load_idx %arg10[%add3A_129, %iota3A, %broadcast_in_dim3A_436] : memref<2x16x128xf32, #tpu.memory_space<vmem>>[vector<16xi32>, vector<16xi32>, vector<16xi32>], vector<16xf32>,
      tpu.vector_store_idx %arg11[%get3A_114, %broadcast_in_dim3A_436], %gather3A_437 {add = true} : memref<321x128xf32, #tpu.memory_space<vmem>>[vector<16xi32>, vector<16xi32>], vector<16xf32>,
      %broadcast_in_dim3A_438 = arith.constant 103 : i32
      %broadcast_in_dim3A_439 = vector.broadcast %broadcast_in_dim3A_438 : i32 to vector<16xi32>
      %gather3A_440 = tpu.vector_load_idx %arg10[%add3A_129, %iota3A, %broadcast_in_dim3A_439] : memref<2x16x128xf32, #tpu.memory_space<vmem>>[vector<16xi32>, vector<16xi32>, vector<16xi32>], vector<16xf32>,
      tpu.vector_store_idx %arg11[%get3A_114, %broadcast_in_dim3A_439], %gather3A_440 {add = true} : memref<321x128xf32, #tpu.memory_space<vmem>>[vector<16xi32>, vector<16xi32>], vector<16xf32>,
      %broadcast_in_dim3A_441 = arith.constant 104 : i32
      %broadcast_in_dim3A_442 = vector.broadcast %broadcast_in_dim3A_441 : i32 to vector<16xi32>
      %gather3A_443 = tpu.vector_load_idx %arg10[%add3A_129, %iota3A, %broadcast_in_dim3A_442] : memref<2x16x128xf32, #tpu.memory_space<vmem>>[vector<16xi32>, vector<16xi32>, vector<16xi32>], vector<16xf32>,
      tpu.vector_store_idx %arg11[%get3A_114, %broadcast_in_dim3A_442], %gather3A_443 {add = true} : memref<321x128xf32, #tpu.memory_space<vmem>>[vector<16xi32>, vector<16xi32>], vector<16xf32>,
      %broadcast_in_dim3A_444 = arith.constant 105 : i32
      %broadcast_in_dim3A_445 = vector.broadcast %broadcast_in_dim3A_444 : i32 to vector<16xi32>
      %gather3A_446 = tpu.vector_load_idx %arg10[%add3A_129, %iota3A, %broadcast_in_dim3A_445] : memref<2x16x128xf32, #tpu.memory_space<vmem>>[vector<16xi32>, vector<16xi32>, vector<16xi32>], vector<16xf32>,
      tpu.vector_store_idx %arg11[%get3A_114, %broadcast_in_dim3A_445], %gather3A_446 {add = true} : memref<321x128xf32, #tpu.memory_space<vmem>>[vector<16xi32>, vector<16xi32>], vector<16xf32>,
      %broadcast_in_dim3A_447 = arith.constant 106 : i32
      %broadcast_in_dim3A_448 = vector.broadcast %broadcast_in_dim3A_447 : i32 to vector<16xi32>
      %gather3A_449 = tpu.vector_load_idx %arg10[%add3A_129, %iota3A, %broadcast_in_dim3A_448] : memref<2x16x128xf32, #tpu.memory_space<vmem>>[vector<16xi32>, vector<16xi32>, vector<16xi32>], vector<16xf32>,
      tpu.vector_store_idx %arg11[%get3A_114, %broadcast_in_dim3A_448], %gather3A_449 {add = true} : memref<321x128xf32, #tpu.memory_space<vmem>>[vector<16xi32>, vector<16xi32>], vector<16xf32>,
      %broadcast_in_dim3A_450 = arith.constant 107 : i32
      %broadcast_in_dim3A_451 = vector.broadcast %broadcast_in_dim3A_450 : i32 to vector<16xi32>
      %gather3A_452 = tpu.vector_load_idx %arg10[%add3A_129, %iota3A, %broadcast_in_dim3A_451] : memref<2x16x128xf32, #tpu.memory_space<vmem>>[vector<16xi32>, vector<16xi32>, vector<16xi32>], vector<16xf32>,
      tpu.vector_store_idx %arg11[%get3A_114, %broadcast_in_dim3A_451], %gather3A_452 {add = true} : memref<321x128xf32, #tpu.memory_space<vmem>>[vector<16xi32>, vector<16xi32>], vector<16xf32>,
      %broadcast_in_dim3A_453 = arith.constant 108 : i32
      %broadcast_in_dim3A_454 = vector.broadcast %broadcast_in_dim3A_453 : i32 to vector<16xi32>
      %gather3A_455 = tpu.vector_load_idx %arg10[%add3A_129, %iota3A, %broadcast_in_dim3A_454] : memref<2x16x128xf32, #tpu.memory_space<vmem>>[vector<16xi32>, vector<16xi32>, vector<16xi32>], vector<16xf32>,
      tpu.vector_store_idx %arg11[%get3A_114, %broadcast_in_dim3A_454], %gather3A_455 {add = true} : memref<321x128xf32, #tpu.memory_space<vmem>>[vector<16xi32>, vector<16xi32>], vector<16xf32>,
      %broadcast_in_dim3A_456 = arith.constant 109 : i32
      %broadcast_in_dim3A_457 = vector.broadcast %broadcast_in_dim3A_456 : i32 to vector<16xi32>
      %gather3A_458 = tpu.vector_load_idx %arg10[%add3A_129, %iota3A, %broadcast_in_dim3A_457] : memref<2x16x128xf32, #tpu.memory_space<vmem>>[vector<16xi32>, vector<16xi32>, vector<16xi32>], vector<16xf32>,
      tpu.vector_store_idx %arg11[%get3A_114, %broadcast_in_dim3A_457], %gather3A_458 {add = true} : memref<321x128xf32, #tpu.memory_space<vmem>>[vector<16xi32>, vector<16xi32>], vector<16xf32>,
      %broadcast_in_dim3A_459 = arith.constant 110 : i32
      %broadcast_in_dim3A_460 = vector.broadcast %broadcast_in_dim3A_459 : i32 to vector<16xi32>
      %gather3A_461 = tpu.vector_load_idx %arg10[%add3A_129, %iota3A, %broadcast_in_dim3A_460] : memref<2x16x128xf32, #tpu.memory_space<vmem>>[vector<16xi32>, vector<16xi32>, vector<16xi32>], vector<16xf32>,
      tpu.vector_store_idx %arg11[%get3A_114, %broadcast_in_dim3A_460], %gather3A_461 {add = true} : memref<321x128xf32, #tpu.memory_space<vmem>>[vector<16xi32>, vector<16xi32>], vector<16xf32>,
      %broadcast_in_dim3A_462 = arith.constant 111 : i32
      %broadcast_in_dim3A_463 = vector.broadcast %broadcast_in_dim3A_462 : i32 to vector<16xi32>
      %gather3A_464 = tpu.vector_load_idx %arg10[%add3A_129, %iota3A, %broadcast_in_dim3A_463] : memref<2x16x128xf32, #tpu.memory_space<vmem>>[vector<16xi32>, vector<16xi32>, vector<16xi32>], vector<16xf32>,
      tpu.vector_store_idx %arg11[%get3A_114, %broadcast_in_dim3A_463], %gather3A_464 {add = true} : memref<321x128xf32, #tpu.memory_space<vmem>>[vector<16xi32>, vector<16xi32>], vector<16xf32>,
      %broadcast_in_dim3A_465 = arith.constant 112 : i32
      %broadcast_in_dim3A_466 = vector.broadcast %broadcast_in_dim3A_465 : i32 to vector<16xi32>
      %gather3A_467 = tpu.vector_load_idx %arg10[%add3A_129, %iota3A, %broadcast_in_dim3A_466] : memref<2x16x128xf32, #tpu.memory_space<vmem>>[vector<16xi32>, vector<16xi32>, vector<16xi32>], vector<16xf32>,
      tpu.vector_store_idx %arg11[%get3A_114, %broadcast_in_dim3A_466], %gather3A_467 {add = true} : memref<321x128xf32, #tpu.memory_space<vmem>>[vector<16xi32>, vector<16xi32>], vector<16xf32>,
      %broadcast_in_dim3A_468 = arith.constant 113 : i32
      %broadcast_in_dim3A_469 = vector.broadcast %broadcast_in_dim3A_468 : i32 to vector<16xi32>
      %gather3A_470 = tpu.vector_load_idx %arg10[%add3A_129, %iota3A, %broadcast_in_dim3A_469] : memref<2x16x128xf32, #tpu.memory_space<vmem>>[vector<16xi32>, vector<16xi32>, vector<16xi32>], vector<16xf32>,
      tpu.vector_store_idx %arg11[%get3A_114, %broadcast_in_dim3A_469], %gather3A_470 {add = true} : memref<321x128xf32, #tpu.memory_space<vmem>>[vector<16xi32>, vector<16xi32>], vector<16xf32>,
      %broadcast_in_dim3A_471 = arith.constant 114 : i32
      %broadcast_in_dim3A_472 = vector.broadcast %broadcast_in_dim3A_471 : i32 to vector<16xi32>
      %gather3A_473 = tpu.vector_load_idx %arg10[%add3A_129, %iota3A, %broadcast_in_dim3A_472] : memref<2x16x128xf32, #tpu.memory_space<vmem>>[vector<16xi32>, vector<16xi32>, vector<16xi32>], vector<16xf32>,
      tpu.vector_store_idx %arg11[%get3A_114, %broadcast_in_dim3A_472], %gather3A_473 {add = true} : memref<321x128xf32, #tpu.memory_space<vmem>>[vector<16xi32>, vector<16xi32>], vector<16xf32>,
      %broadcast_in_dim3A_474 = arith.constant 115 : i32
      %broadcast_in_dim3A_475 = vector.broadcast %broadcast_in_dim3A_474 : i32 to vector<16xi32>
      %gather3A_476 = tpu.vector_load_idx %arg10[%add3A_129, %iota3A, %broadcast_in_dim3A_475] : memref<2x16x128xf32, #tpu.memory_space<vmem>>[vector<16xi32>, vector<16xi32>, vector<16xi32>], vector<16xf32>,
      tpu.vector_store_idx %arg11[%get3A_114, %broadcast_in_dim3A_475], %gather3A_476 {add = true} : memref<321x128xf32, #tpu.memory_space<vmem>>[vector<16xi32>, vector<16xi32>], vector<16xf32>,
      %broadcast_in_dim3A_477 = arith.constant 116 : i32
      %broadcast_in_dim3A_478 = vector.broadcast %broadcast_in_dim3A_477 : i32 to vector<16xi32>
      %gather3A_479 = tpu.vector_load_idx %arg10[%add3A_129, %iota3A, %broadcast_in_dim3A_478] : memref<2x16x128xf32, #tpu.memory_space<vmem>>[vector<16xi32>, vector<16xi32>, vector<16xi32>], vector<16xf32>,
      tpu.vector_store_idx %arg11[%get3A_114, %broadcast_in_dim3A_478], %gather3A_479 {add = true} : memref<321x128xf32, #tpu.memory_space<vmem>>[vector<16xi32>, vector<16xi32>], vector<16xf32>,
      %broadcast_in_dim3A_480 = arith.constant 117 : i32
      %broadcast_in_dim3A_481 = vector.broadcast %broadcast_in_dim3A_480 : i32 to vector<16xi32>
      %gather3A_482 = tpu.vector_load_idx %arg10[%add3A_129, %iota3A, %broadcast_in_dim3A_481] : memref<2x16x128xf32, #tpu.memory_space<vmem>>[vector<16xi32>, vector<16xi32>, vector<16xi32>], vector<16xf32>,
      tpu.vector_store_idx %arg11[%get3A_114, %broadcast_in_dim3A_481], %gather3A_482 {add = true} : memref<321x128xf32, #tpu.memory_space<vmem>>[vector<16xi32>, vector<16xi32>], vector<16xf32>,
      %broadcast_in_dim3A_483 = arith.constant 118 : i32
      %broadcast_in_dim3A_484 = vector.broadcast %broadcast_in_dim3A_483 : i32 to vector<16xi32>
      %gather3A_485 = tpu.vector_load_idx %arg10[%add3A_129, %iota3A, %broadcast_in_dim3A_484] : memref<2x16x128xf32, #tpu.memory_space<vmem>>[vector<16xi32>, vector<16xi32>, vector<16xi32>], vector<16xf32>,
      tpu.vector_store_idx %arg11[%get3A_114, %broadcast_in_dim3A_484], %gather3A_485 {add = true} : memref<321x128xf32, #tpu.memory_space<vmem>>[vector<16xi32>, vector<16xi32>], vector<16xf32>,
      %broadcast_in_dim3A_486 = arith.constant 119 : i32
      %broadcast_in_dim3A_487 = vector.broadcast %broadcast_in_dim3A_486 : i32 to vector<16xi32>
      %gather3A_488 = tpu.vector_load_idx %arg10[%add3A_129, %iota3A, %broadcast_in_dim3A_487] : memref<2x16x128xf32, #tpu.memory_space<vmem>>[vector<16xi32>, vector<16xi32>, vector<16xi32>], vector<16xf32>,
      tpu.vector_store_idx %arg11[%get3A_114, %broadcast_in_dim3A_487], %gather3A_488 {add = true} : memref<321x128xf32, #tpu.memory_space<vmem>>[vector<16xi32>, vector<16xi32>], vector<16xf32>,
      %broadcast_in_dim3A_489 = arith.constant 120 : i32
      %broadcast_in_dim3A_490 = vector.broadcast %broadcast_in_dim3A_489 : i32 to vector<16xi32>
      %gather3A_491 = tpu.vector_load_idx %arg10[%add3A_129, %iota3A, %broadcast_in_dim3A_490] : memref<2x16x128xf32, #tpu.memory_space<vmem>>[vector<16xi32>, vector<16xi32>, vector<16xi32>], vector<16xf32>,
      tpu.vector_store_idx %arg11[%get3A_114, %broadcast_in_dim3A_490], %gather3A_491 {add = true} : memref<321x128xf32, #tpu.memory_space<vmem>>[vector<16xi32>, vector<16xi32>], vector<16xf32>,
      %broadcast_in_dim3A_492 = arith.constant 121 : i32
      %broadcast_in_dim3A_493 = vector.broadcast %broadcast_in_dim3A_492 : i32 to vector<16xi32>
      %gather3A_494 = tpu.vector_load_idx %arg10[%add3A_129, %iota3A, %broadcast_in_dim3A_493] : memref<2x16x128xf32, #tpu.memory_space<vmem>>[vector<16xi32>, vector<16xi32>, vector<16xi32>], vector<16xf32>,
      tpu.vector_store_idx %arg11[%get3A_114, %broadcast_in_dim3A_493], %gather3A_494 {add = true} : memref<321x128xf32, #tpu.memory_space<vmem>>[vector<16xi32>, vector<16xi32>], vector<16xf32>,
      %broadcast_in_dim3A_495 = arith.constant 122 : i32
      %broadcast_in_dim3A_496 = vector.broadcast %broadcast_in_dim3A_495 : i32 to vector<16xi32>
      %gather3A_497 = tpu.vector_load_idx %arg10[%add3A_129, %iota3A, %broadcast_in_dim3A_496] : memref<2x16x128xf32, #tpu.memory_space<vmem>>[vector<16xi32>, vector<16xi32>, vector<16xi32>], vector<16xf32>,
      tpu.vector_store_idx %arg11[%get3A_114, %broadcast_in_dim3A_496], %gather3A_497 {add = true} : memref<321x128xf32, #tpu.memory_space<vmem>>[vector<16xi32>, vector<16xi32>], vector<16xf32>,
      %broadcast_in_dim3A_498 = arith.constant 123 : i32
      %broadcast_in_dim3A_499 = vector.broadcast %broadcast_in_dim3A_498 : i32 to vector<16xi32>
      %gather3A_500 = tpu.vector_load_idx %arg10[%add3A_129, %iota3A, %broadcast_in_dim3A_499] : memref<2x16x128xf32, #tpu.memory_space<vmem>>[vector<16xi32>, vector<16xi32>, vector<16xi32>], vector<16xf32>,
      tpu.vector_store_idx %arg11[%get3A_114, %broadcast_in_dim3A_499], %gather3A_500 {add = true} : memref<321x128xf32, #tpu.memory_space<vmem>>[vector<16xi32>, vector<16xi32>], vector<16xf32>,
      %broadcast_in_dim3A_501 = arith.constant 124 : i32
      %broadcast_in_dim3A_502 = vector.broadcast %broadcast_in_dim3A_501 : i32 to vector<16xi32>
      %gather3A_503 = tpu.vector_load_idx %arg10[%add3A_129, %iota3A, %broadcast_in_dim3A_502] : memref<2x16x128xf32, #tpu.memory_space<vmem>>[vector<16xi32>, vector<16xi32>, vector<16xi32>], vector<16xf32>,
      tpu.vector_store_idx %arg11[%get3A_114, %broadcast_in_dim3A_502], %gather3A_503 {add = true} : memref<321x128xf32, #tpu.memory_space<vmem>>[vector<16xi32>, vector<16xi32>], vector<16xf32>,
      %broadcast_in_dim3A_504 = arith.constant 125 : i32
      %broadcast_in_dim3A_505 = vector.broadcast %broadcast_in_dim3A_504 : i32 to vector<16xi32>
      %gather3A_506 = tpu.vector_load_idx %arg10[%add3A_129, %iota3A, %broadcast_in_dim3A_505] : memref<2x16x128xf32, #tpu.memory_space<vmem>>[vector<16xi32>, vector<16xi32>, vector<16xi32>], vector<16xf32>,
      tpu.vector_store_idx %arg11[%get3A_114, %broadcast_in_dim3A_505], %gather3A_506 {add = true} : memref<321x128xf32, #tpu.memory_space<vmem>>[vector<16xi32>, vector<16xi32>], vector<16xf32>,
      %broadcast_in_dim3A_507 = arith.constant 126 : i32
      %broadcast_in_dim3A_508 = vector.broadcast %broadcast_in_dim3A_507 : i32 to vector<16xi32>
      %gather3A_509 = tpu.vector_load_idx %arg10[%add3A_129, %iota3A, %broadcast_in_dim3A_508] : memref<2x16x128xf32, #tpu.memory_space<vmem>>[vector<16xi32>, vector<16xi32>, vector<16xi32>], vector<16xf32>,
      tpu.vector_store_idx %arg11[%get3A_114, %broadcast_in_dim3A_508], %gather3A_509 {add = true} : memref<321x128xf32, #tpu.memory_space<vmem>>[vector<16xi32>, vector<16xi32>], vector<16xf32>,
      %broadcast_in_dim3A_510 = arith.constant 127 : i32
      %broadcast_in_dim3A_511 = vector.broadcast %broadcast_in_dim3A_510 : i32 to vector<16xi32>
      %gather3A_512 = tpu.vector_load_idx %arg10[%add3A_129, %iota3A, %broadcast_in_dim3A_511] : memref<2x16x128xf32, #tpu.memory_space<vmem>>[vector<16xi32>, vector<16xi32>, vector<16xi32>], vector<16xf32>,
      tpu.vector_store_idx %arg11[%get3A_114, %broadcast_in_dim3A_511], %gather3A_512 {add = true} : memref<321x128xf32, #tpu.memory_space<vmem>>[vector<16xi32>, vector<16xi32>], vector<16xf32>,
    }
    %while3A_102 = arith.constant 1 : i32
    scf.for %while3A_103 = %while3A_100 to %while3A_96 step %while3A_102  : i32 {
      %mul3A_104 = arith.muli %while3A_103, %while3A : i32
      %add3A_105 = arith.addi %while3A_93, %mul3A_104 : i32
      %and3A_106 = arith.constant 1 : i32
      %and3A_107 = arith.andi %add3A_105, %and3A_106 : i32
      %mul3A_108 = arith.constant 16 : i32
      %mul3A_109 = arith.muli %add3A_105, %mul3A_108 : i32
      %get3A = arith.index_cast %mul3A_109 : i32 to index
      %get3A_110 = tpu.vector_load %arg8[%get3A] {strides = array<i32>} : memref<16384xi32, #tpu.memory_space<vmem>>, vector<16xi32>,
      %mul3A_111 = arith.constant 16 : i32
      %mul3A_112 = arith.muli %add3A_105, %mul3A_111 : i32
      %get3A_113 = arith.index_cast %mul3A_112 : i32 to index
      %get3A_114 = tpu.vector_load %arg9[%get3A_113] {strides = array<i32>} : memref<16384xi32, #tpu.memory_space<vmem>>, vector<16xi32>,
      %dma_wait3A = arith.constant 0 : i32
      %dma_wait3A_115 = arith.constant 0 : i32
      %dma_wait3A_116 = tpu.memref_slice %arg10[%and3A_107, %dma_wait3A, %dma_wait3A_115] : memref<2x16x128xf32, #tpu.memory_space<vmem>> -> memref<1x16x128xf32, #tpu.memory_space<vmem>>
      %dma_wait3A_117 = tpu.memref_squeeze %dma_wait3A_116 : memref<1x16x128xf32, #tpu.memory_space<vmem>> -> memref<16x128xf32, #tpu.memory_space<vmem>>
      %dma_wait3A_118 = arith.constant 0 : i32
      %dma_wait3A_119 = arith.constant 0 : i32
      %dma_wait3A_120 = tpu.memref_slice %arg2[%dma_wait3A_118, %dma_wait3A_119] : memref<10000x128xf32, #tpu.memory_space<hbm>> -> memref<10000x128xf32, #tpu.memory_space<hbm>>
      tpu.wait_indirect_dma semaphore(%arg12 : memref<!tpu.dma_semaphore, #tpu.memory_space<semaphore_mem>>) src(%dma_wait3A_120 : memref<10000x128xf32, #tpu.memory_space<hbm>>) dst(%dma_wait3A_117 : memref<16x128xf32, #tpu.memory_space<vmem>>)
      %add3A_121 = arith.constant 1 : i32
      %add3A_122 = arith.addi %add3A_105, %add3A_121 : i32
      %lt3A = arith.cmpi slt, %add3A_122, %min3A_82 : i32
      %convert_element_type3A_123 = arith.extui %lt3A : i1 to i32
      %cond3A_124 = arith.constant 0 : i32
      %cond3A_125 = arith.cmpi ne, %convert_element_type3A_123, %cond3A_124 : i32
      scf.if %cond3A_125 {
        %add3A_513 = arith.constant 1 : i32
        %add3A_514 = arith.addi %add3A_105, %add3A_513 : i32
        %mul3A_515 = arith.constant 16 : i32
        %mul3A_516 = arith.muli %add3A_514, %mul3A_515 : i32
        %get3A_517 = arith.index_cast %mul3A_516 : i32 to index
        %get3A_518 = tpu.vector_load %arg8[%get3A_517] {strides = array<i32>} : memref<16384xi32, #tpu.memory_space<vmem>>, vector<16xi32>,
        %add3A_519 = arith.constant 1 : i32
        %add3A_520 = arith.addi %add3A_105, %add3A_519 : i32
        %and3A_521 = arith.constant 1 : i32
        %and3A_522 = arith.andi %add3A_520, %and3A_521 : i32
        %dma_start3A_523 = arith.constant 0 : i32
        %dma_start3A_524 = arith.constant 0 : i32
        %dma_start3A_525 = tpu.memref_slice %arg10[%and3A_522, %dma_start3A_523, %dma_start3A_524] : memref<2x16x128xf32, #tpu.memory_space<vmem>> -> memref<1x16x128xf32, #tpu.memory_space<vmem>>
        %dma_start3A_526 = tpu.memref_squeeze %dma_start3A_525 : memref<1x16x128xf32, #tpu.memory_space<vmem>> -> memref<16x128xf32, #tpu.memory_space<vmem>>
        %dma_start3A_527 = arith.constant 0 : i32
        %dma_start3A_528 = arith.constant 0 : i32
        %dma_start3A_529 = tpu.memref_slice %arg2[%dma_start3A_527, %dma_start3A_528] : memref<10000x128xf32, #tpu.memory_space<hbm>> -> memref<10000x128xf32, #tpu.memory_space<hbm>>
        tpu.enqueue_indirect_dma source(%dma_start3A_529 : memref<10000x128xf32, #tpu.memory_space<hbm>>) target(%dma_start3A_526 : memref<16x128xf32, #tpu.memory_space<vmem>>) offsets(%get3A_518 : vector<16xi32>) semaphore(%arg12 : memref<!tpu.dma_semaphore, #tpu.memory_space<semaphore_mem>>)
      } else {
      }
      %broadcast_in_dim3A_126 = arith.constant 0 : i32
      %broadcast_in_dim3A_127 = vector.broadcast %broadcast_in_dim3A_126 : i32 to vector<16xi32>
      %add3A_128 = vector.broadcast %and3A_107 : i32 to vector<16xi32>
      %add3A_129 = arith.addi %broadcast_in_dim3A_127, %add3A_128 : vector<16xi32>
      %broadcast_in_dim3A_130 = arith.constant 0 : i32
      %broadcast_in_dim3A_131 = vector.broadcast %broadcast_in_dim3A_130 : i32 to vector<16xi32>
      %gather3A = tpu.vector_load_idx %arg10[%add3A_129, %iota3A, %broadcast_in_dim3A_131] : memref<2x16x128xf32, #tpu.memory_space<vmem>>[vector<16xi32>, vector<16xi32>, vector<16xi32>], vector<16xf32>,
      tpu.vector_store_idx %arg11[%get3A_114, %broadcast_in_dim3A_131], %gather3A {add = true} : memref<321x128xf32, #tpu.memory_space<vmem>>[vector<16xi32>, vector<16xi32>], vector<16xf32>,
      %broadcast_in_dim3A_132 = arith.constant 1 : i32
      %broadcast_in_dim3A_133 = vector.broadcast %broadcast_in_dim3A_132 : i32 to vector<16xi32>
      %gather3A_134 = tpu.vector_load_idx %arg10[%add3A_129, %iota3A, %broadcast_in_dim3A_133] : memref<2x16x128xf32, #tpu.memory_space<vmem>>[vector<16xi32>, vector<16xi32>, vector<16xi32>], vector<16xf32>,
      tpu.vector_store_idx %arg11[%get3A_114, %broadcast_in_dim3A_133], %gather3A_134 {add = true} : memref<321x128xf32, #tpu.memory_space<vmem>>[vector<16xi32>, vector<16xi32>], vector<16xf32>,
      %broadcast_in_dim3A_135 = arith.constant 2 : i32
      %broadcast_in_dim3A_136 = vector.broadcast %broadcast_in_dim3A_135 : i32 to vector<16xi32>
      %gather3A_137 = tpu.vector_load_idx %arg10[%add3A_129, %iota3A, %broadcast_in_dim3A_136] : memref<2x16x128xf32, #tpu.memory_space<vmem>>[vector<16xi32>, vector<16xi32>, vector<16xi32>], vector<16xf32>,
      tpu.vector_store_idx %arg11[%get3A_114, %broadcast_in_dim3A_136], %gather3A_137 {add = true} : memref<321x128xf32, #tpu.memory_space<vmem>>[vector<16xi32>, vector<16xi32>], vector<16xf32>,
      %broadcast_in_dim3A_138 = arith.constant 3 : i32
      %broadcast_in_dim3A_139 = vector.broadcast %broadcast_in_dim3A_138 : i32 to vector<16xi32>
      %gather3A_140 = tpu.vector_load_idx %arg10[%add3A_129, %iota3A, %broadcast_in_dim3A_139] : memref<2x16x128xf32, #tpu.memory_space<vmem>>[vector<16xi32>, vector<16xi32>, vector<16xi32>], vector<16xf32>,
      tpu.vector_store_idx %arg11[%get3A_114, %broadcast_in_dim3A_139], %gather3A_140 {add = true} : memref<321x128xf32, #tpu.memory_space<vmem>>[vector<16xi32>, vector<16xi32>], vector<16xf32>,
      %broadcast_in_dim3A_141 = arith.constant 4 : i32
      %broadcast_in_dim3A_142 = vector.broadcast %broadcast_in_dim3A_141 : i32 to vector<16xi32>
      %gather3A_143 = tpu.vector_load_idx %arg10[%add3A_129, %iota3A, %broadcast_in_dim3A_142] : memref<2x16x128xf32, #tpu.memory_space<vmem>>[vector<16xi32>, vector<16xi32>, vector<16xi32>], vector<16xf32>,
      tpu.vector_store_idx %arg11[%get3A_114, %broadcast_in_dim3A_142], %gather3A_143 {add = true} : memref<321x128xf32, #tpu.memory_space<vmem>>[vector<16xi32>, vector<16xi32>], vector<16xf32>,
      %broadcast_in_dim3A_144 = arith.constant 5 : i32
      %broadcast_in_dim3A_145 = vector.broadcast %broadcast_in_dim3A_144 : i32 to vector<16xi32>
      %gather3A_146 = tpu.vector_load_idx %arg10[%add3A_129, %iota3A, %broadcast_in_dim3A_145] : memref<2x16x128xf32, #tpu.memory_space<vmem>>[vector<16xi32>, vector<16xi32>, vector<16xi32>], vector<16xf32>,
      tpu.vector_store_idx %arg11[%get3A_114, %broadcast_in_dim3A_145], %gather3A_146 {add = true} : memref<321x128xf32, #tpu.memory_space<vmem>>[vector<16xi32>, vector<16xi32>], vector<16xf32>,
      %broadcast_in_dim3A_147 = arith.constant 6 : i32
      %broadcast_in_dim3A_148 = vector.broadcast %broadcast_in_dim3A_147 : i32 to vector<16xi32>
      %gather3A_149 = tpu.vector_load_idx %arg10[%add3A_129, %iota3A, %broadcast_in_dim3A_148] : memref<2x16x128xf32, #tpu.memory_space<vmem>>[vector<16xi32>, vector<16xi32>, vector<16xi32>], vector<16xf32>,
      tpu.vector_store_idx %arg11[%get3A_114, %broadcast_in_dim3A_148], %gather3A_149 {add = true} : memref<321x128xf32, #tpu.memory_space<vmem>>[vector<16xi32>, vector<16xi32>], vector<16xf32>,
      %broadcast_in_dim3A_150 = arith.constant 7 : i32
      %broadcast_in_dim3A_151 = vector.broadcast %broadcast_in_dim3A_150 : i32 to vector<16xi32>
      %gather3A_152 = tpu.vector_load_idx %arg10[%add3A_129, %iota3A, %broadcast_in_dim3A_151] : memref<2x16x128xf32, #tpu.memory_space<vmem>>[vector<16xi32>, vector<16xi32>, vector<16xi32>], vector<16xf32>,
      tpu.vector_store_idx %arg11[%get3A_114, %broadcast_in_dim3A_151], %gather3A_152 {add = true} : memref<321x128xf32, #tpu.memory_space<vmem>>[vector<16xi32>, vector<16xi32>], vector<16xf32>,
      %broadcast_in_dim3A_153 = arith.constant 8 : i32
      %broadcast_in_dim3A_154 = vector.broadcast %broadcast_in_dim3A_153 : i32 to vector<16xi32>
      %gather3A_155 = tpu.vector_load_idx %arg10[%add3A_129, %iota3A, %broadcast_in_dim3A_154] : memref<2x16x128xf32, #tpu.memory_space<vmem>>[vector<16xi32>, vector<16xi32>, vector<16xi32>], vector<16xf32>,
      tpu.vector_store_idx %arg11[%get3A_114, %broadcast_in_dim3A_154], %gather3A_155 {add = true} : memref<321x128xf32, #tpu.memory_space<vmem>>[vector<16xi32>, vector<16xi32>], vector<16xf32>,
      %broadcast_in_dim3A_156 = arith.constant 9 : i32
      %broadcast_in_dim3A_157 = vector.broadcast %broadcast_in_dim3A_156 : i32 to vector<16xi32>
      %gather3A_158 = tpu.vector_load_idx %arg10[%add3A_129, %iota3A, %broadcast_in_dim3A_157] : memref<2x16x128xf32, #tpu.memory_space<vmem>>[vector<16xi32>, vector<16xi32>, vector<16xi32>], vector<16xf32>,
      tpu.vector_store_idx %arg11[%get3A_114, %broadcast_in_dim3A_157], %gather3A_158 {add = true} : memref<321x128xf32, #tpu.memory_space<vmem>>[vector<16xi32>, vector<16xi32>], vector<16xf32>,
      %broadcast_in_dim3A_159 = arith.constant 10 : i32
      %broadcast_in_dim3A_160 = vector.broadcast %broadcast_in_dim3A_159 : i32 to vector<16xi32>
      %gather3A_161 = tpu.vector_load_idx %arg10[%add3A_129, %iota3A, %broadcast_in_dim3A_160] : memref<2x16x128xf32, #tpu.memory_space<vmem>>[vector<16xi32>, vector<16xi32>, vector<16xi32>], vector<16xf32>,
      tpu.vector_store_idx %arg11[%get3A_114, %broadcast_in_dim3A_160], %gather3A_161 {add = true} : memref<321x128xf32, #tpu.memory_space<vmem>>[vector<16xi32>, vector<16xi32>], vector<16xf32>,
      %broadcast_in_dim3A_162 = arith.constant 11 : i32
      %broadcast_in_dim3A_163 = vector.broadcast %broadcast_in_dim3A_162 : i32 to vector<16xi32>
      %gather3A_164 = tpu.vector_load_idx %arg10[%add3A_129, %iota3A, %broadcast_in_dim3A_163] : memref<2x16x128xf32, #tpu.memory_space<vmem>>[vector<16xi32>, vector<16xi32>, vector<16xi32>], vector<16xf32>,
      tpu.vector_store_idx %arg11[%get3A_114, %broadcast_in_dim3A_163], %gather3A_164 {add = true} : memref<321x128xf32, #tpu.memory_space<vmem>>[vector<16xi32>, vector<16xi32>], vector<16xf32>,
      %broadcast_in_dim3A_165 = arith.constant 12 : i32
      %broadcast_in_dim3A_166 = vector.broadcast %broadcast_in_dim3A_165 : i32 to vector<16xi32>
      %gather3A_167 = tpu.vector_load_idx %arg10[%add3A_129, %iota3A, %broadcast_in_dim3A_166] : memref<2x16x128xf32, #tpu.memory_space<vmem>>[vector<16xi32>, vector<16xi32>, vector<16xi32>], vector<16xf32>,
      tpu.vector_store_idx %arg11[%get3A_114, %broadcast_in_dim3A_166], %gather3A_167 {add = true} : memref<321x128xf32, #tpu.memory_space<vmem>>[vector<16xi32>, vector<16xi32>], vector<16xf32>,
      %broadcast_in_dim3A_168 = arith.constant 13 : i32
      %broadcast_in_dim3A_169 = vector.broadcast %broadcast_in_dim3A_168 : i32 to vector<16xi32>
      %gather3A_170 = tpu.vector_load_idx %arg10[%add3A_129, %iota3A, %broadcast_in_dim3A_169] : memref<2x16x128xf32, #tpu.memory_space<vmem>>[vector<16xi32>, vector<16xi32>, vector<16xi32>], vector<16xf32>,
      tpu.vector_store_idx %arg11[%get3A_114, %broadcast_in_dim3A_169], %gather3A_170 {add = true} : memref<321x128xf32, #tpu.memory_space<vmem>>[vector<16xi32>, vector<16xi32>], vector<16xf32>,
      %broadcast_in_dim3A_171 = arith.constant 14 : i32
      %broadcast_in_dim3A_172 = vector.broadcast %broadcast_in_dim3A_171 : i32 to vector<16xi32>
      %gather3A_173 = tpu.vector_load_idx %arg10[%add3A_129, %iota3A, %broadcast_in_dim3A_172] : memref<2x16x128xf32, #tpu.memory_space<vmem>>[vector<16xi32>, vector<16xi32>, vector<16xi32>], vector<16xf32>,
      tpu.vector_store_idx %arg11[%get3A_114, %broadcast_in_dim3A_172], %gather3A_173 {add = true} : memref<321x128xf32, #tpu.memory_space<vmem>>[vector<16xi32>, vector<16xi32>], vector<16xf32>,
      %broadcast_in_dim3A_174 = arith.constant 15 : i32
      %broadcast_in_dim3A_175 = vector.broadcast %broadcast_in_dim3A_174 : i32 to vector<16xi32>
      %gather3A_176 = tpu.vector_load_idx %arg10[%add3A_129, %iota3A, %broadcast_in_dim3A_175] : memref<2x16x128xf32, #tpu.memory_space<vmem>>[vector<16xi32>, vector<16xi32>, vector<16xi32>], vector<16xf32>,
      tpu.vector_store_idx %arg11[%get3A_114, %broadcast_in_dim3A_175], %gather3A_176 {add = true} : memref<321x128xf32, #tpu.memory_space<vmem>>[vector<16xi32>, vector<16xi32>], vector<16xf32>,
      %broadcast_in_dim3A_177 = arith.constant 16 : i32
      %broadcast_in_dim3A_178 = vector.broadcast %broadcast_in_dim3A_177 : i32 to vector<16xi32>
      %gather3A_179 = tpu.vector_load_idx %arg10[%add3A_129, %iota3A, %broadcast_in_dim3A_178] : memref<2x16x128xf32, #tpu.memory_space<vmem>>[vector<16xi32>, vector<16xi32>, vector<16xi32>], vector<16xf32>,
      tpu.vector_store_idx %arg11[%get3A_114, %broadcast_in_dim3A_178], %gather3A_179 {add = true} : memref<321x128xf32, #tpu.memory_space<vmem>>[vector<16xi32>, vector<16xi32>], vector<16xf32>,
      %broadcast_in_dim3A_180 = arith.constant 17 : i32
      %broadcast_in_dim3A_181 = vector.broadcast %broadcast_in_dim3A_180 : i32 to vector<16xi32>
      %gather3A_182 = tpu.vector_load_idx %arg10[%add3A_129, %iota3A, %broadcast_in_dim3A_181] : memref<2x16x128xf32, #tpu.memory_space<vmem>>[vector<16xi32>, vector<16xi32>, vector<16xi32>], vector<16xf32>,
      tpu.vector_store_idx %arg11[%get3A_114, %broadcast_in_dim3A_181], %gather3A_182 {add = true} : memref<321x128xf32, #tpu.memory_space<vmem>>[vector<16xi32>, vector<16xi32>], vector<16xf32>,
      %broadcast_in_dim3A_183 = arith.constant 18 : i32
      %broadcast_in_dim3A_184 = vector.broadcast %broadcast_in_dim3A_183 : i32 to vector<16xi32>
      %gather3A_185 = tpu.vector_load_idx %arg10[%add3A_129, %iota3A, %broadcast_in_dim3A_184] : memref<2x16x128xf32, #tpu.memory_space<vmem>>[vector<16xi32>, vector<16xi32>, vector<16xi32>], vector<16xf32>,
      tpu.vector_store_idx %arg11[%get3A_114, %broadcast_in_dim3A_184], %gather3A_185 {add = true} : memref<321x128xf32, #tpu.memory_space<vmem>>[vector<16xi32>, vector<16xi32>], vector<16xf32>,
      %broadcast_in_dim3A_186 = arith.constant 19 : i32
      %broadcast_in_dim3A_187 = vector.broadcast %broadcast_in_dim3A_186 : i32 to vector<16xi32>
      %gather3A_188 = tpu.vector_load_idx %arg10[%add3A_129, %iota3A, %broadcast_in_dim3A_187] : memref<2x16x128xf32, #tpu.memory_space<vmem>>[vector<16xi32>, vector<16xi32>, vector<16xi32>], vector<16xf32>,
      tpu.vector_store_idx %arg11[%get3A_114, %broadcast_in_dim3A_187], %gather3A_188 {add = true} : memref<321x128xf32, #tpu.memory_space<vmem>>[vector<16xi32>, vector<16xi32>], vector<16xf32>,
      %broadcast_in_dim3A_189 = arith.constant 20 : i32
      %broadcast_in_dim3A_190 = vector.broadcast %broadcast_in_dim3A_189 : i32 to vector<16xi32>
      %gather3A_191 = tpu.vector_load_idx %arg10[%add3A_129, %iota3A, %broadcast_in_dim3A_190] : memref<2x16x128xf32, #tpu.memory_space<vmem>>[vector<16xi32>, vector<16xi32>, vector<16xi32>], vector<16xf32>,
      tpu.vector_store_idx %arg11[%get3A_114, %broadcast_in_dim3A_190], %gather3A_191 {add = true} : memref<321x128xf32, #tpu.memory_space<vmem>>[vector<16xi32>, vector<16xi32>], vector<16xf32>,
      %broadcast_in_dim3A_192 = arith.constant 21 : i32
      %broadcast_in_dim3A_193 = vector.broadcast %broadcast_in_dim3A_192 : i32 to vector<16xi32>
      %gather3A_194 = tpu.vector_load_idx %arg10[%add3A_129, %iota3A, %broadcast_in_dim3A_193] : memref<2x16x128xf32, #tpu.memory_space<vmem>>[vector<16xi32>, vector<16xi32>, vector<16xi32>], vector<16xf32>,
      tpu.vector_store_idx %arg11[%get3A_114, %broadcast_in_dim3A_193], %gather3A_194 {add = true} : memref<321x128xf32, #tpu.memory_space<vmem>>[vector<16xi32>, vector<16xi32>], vector<16xf32>,
      %broadcast_in_dim3A_195 = arith.constant 22 : i32
      %broadcast_in_dim3A_196 = vector.broadcast %broadcast_in_dim3A_195 : i32 to vector<16xi32>
      %gather3A_197 = tpu.vector_load_idx %arg10[%add3A_129, %iota3A, %broadcast_in_dim3A_196] : memref<2x16x128xf32, #tpu.memory_space<vmem>>[vector<16xi32>, vector<16xi32>, vector<16xi32>], vector<16xf32>,
      tpu.vector_store_idx %arg11[%get3A_114, %broadcast_in_dim3A_196], %gather3A_197 {add = true} : memref<321x128xf32, #tpu.memory_space<vmem>>[vector<16xi32>, vector<16xi32>], vector<16xf32>,
      %broadcast_in_dim3A_198 = arith.constant 23 : i32
      %broadcast_in_dim3A_199 = vector.broadcast %broadcast_in_dim3A_198 : i32 to vector<16xi32>
      %gather3A_200 = tpu.vector_load_idx %arg10[%add3A_129, %iota3A, %broadcast_in_dim3A_199] : memref<2x16x128xf32, #tpu.memory_space<vmem>>[vector<16xi32>, vector<16xi32>, vector<16xi32>], vector<16xf32>,
      tpu.vector_store_idx %arg11[%get3A_114, %broadcast_in_dim3A_199], %gather3A_200 {add = true} : memref<321x128xf32, #tpu.memory_space<vmem>>[vector<16xi32>, vector<16xi32>], vector<16xf32>,
      %broadcast_in_dim3A_201 = arith.constant 24 : i32
      %broadcast_in_dim3A_202 = vector.broadcast %broadcast_in_dim3A_201 : i32 to vector<16xi32>
      %gather3A_203 = tpu.vector_load_idx %arg10[%add3A_129, %iota3A, %broadcast_in_dim3A_202] : memref<2x16x128xf32, #tpu.memory_space<vmem>>[vector<16xi32>, vector<16xi32>, vector<16xi32>], vector<16xf32>,
      tpu.vector_store_idx %arg11[%get3A_114, %broadcast_in_dim3A_202], %gather3A_203 {add = true} : memref<321x128xf32, #tpu.memory_space<vmem>>[vector<16xi32>, vector<16xi32>], vector<16xf32>,
      %broadcast_in_dim3A_204 = arith.constant 25 : i32
      %broadcast_in_dim3A_205 = vector.broadcast %broadcast_in_dim3A_204 : i32 to vector<16xi32>
      %gather3A_206 = tpu.vector_load_idx %arg10[%add3A_129, %iota3A, %broadcast_in_dim3A_205] : memref<2x16x128xf32, #tpu.memory_space<vmem>>[vector<16xi32>, vector<16xi32>, vector<16xi32>], vector<16xf32>,
      tpu.vector_store_idx %arg11[%get3A_114, %broadcast_in_dim3A_205], %gather3A_206 {add = true} : memref<321x128xf32, #tpu.memory_space<vmem>>[vector<16xi32>, vector<16xi32>], vector<16xf32>,
      %broadcast_in_dim3A_207 = arith.constant 26 : i32
      %broadcast_in_dim3A_208 = vector.broadcast %broadcast_in_dim3A_207 : i32 to vector<16xi32>
      %gather3A_209 = tpu.vector_load_idx %arg10[%add3A_129, %iota3A, %broadcast_in_dim3A_208] : memref<2x16x128xf32, #tpu.memory_space<vmem>>[vector<16xi32>, vector<16xi32>, vector<16xi32>], vector<16xf32>,
      tpu.vector_store_idx %arg11[%get3A_114, %broadcast_in_dim3A_208], %gather3A_209 {add = true} : memref<321x128xf32, #tpu.memory_space<vmem>>[vector<16xi32>, vector<16xi32>], vector<16xf32>,
      %broadcast_in_dim3A_210 = arith.constant 27 : i32
      %broadcast_in_dim3A_211 = vector.broadcast %broadcast_in_dim3A_210 : i32 to vector<16xi32>
      %gather3A_212 = tpu.vector_load_idx %arg10[%add3A_129, %iota3A, %broadcast_in_dim3A_211] : memref<2x16x128xf32, #tpu.memory_space<vmem>>[vector<16xi32>, vector<16xi32>, vector<16xi32>], vector<16xf32>,
      tpu.vector_store_idx %arg11[%get3A_114, %broadcast_in_dim3A_211], %gather3A_212 {add = true} : memref<321x128xf32, #tpu.memory_space<vmem>>[vector<16xi32>, vector<16xi32>], vector<16xf32>,
      %broadcast_in_dim3A_213 = arith.constant 28 : i32
      %broadcast_in_dim3A_214 = vector.broadcast %broadcast_in_dim3A_213 : i32 to vector<16xi32>
      %gather3A_215 = tpu.vector_load_idx %arg10[%add3A_129, %iota3A, %broadcast_in_dim3A_214] : memref<2x16x128xf32, #tpu.memory_space<vmem>>[vector<16xi32>, vector<16xi32>, vector<16xi32>], vector<16xf32>,
      tpu.vector_store_idx %arg11[%get3A_114, %broadcast_in_dim3A_214], %gather3A_215 {add = true} : memref<321x128xf32, #tpu.memory_space<vmem>>[vector<16xi32>, vector<16xi32>], vector<16xf32>,
      %broadcast_in_dim3A_216 = arith.constant 29 : i32
      %broadcast_in_dim3A_217 = vector.broadcast %broadcast_in_dim3A_216 : i32 to vector<16xi32>
      %gather3A_218 = tpu.vector_load_idx %arg10[%add3A_129, %iota3A, %broadcast_in_dim3A_217] : memref<2x16x128xf32, #tpu.memory_space<vmem>>[vector<16xi32>, vector<16xi32>, vector<16xi32>], vector<16xf32>,
      tpu.vector_store_idx %arg11[%get3A_114, %broadcast_in_dim3A_217], %gather3A_218 {add = true} : memref<321x128xf32, #tpu.memory_space<vmem>>[vector<16xi32>, vector<16xi32>], vector<16xf32>,
      %broadcast_in_dim3A_219 = arith.constant 30 : i32
      %broadcast_in_dim3A_220 = vector.broadcast %broadcast_in_dim3A_219 : i32 to vector<16xi32>
      %gather3A_221 = tpu.vector_load_idx %arg10[%add3A_129, %iota3A, %broadcast_in_dim3A_220] : memref<2x16x128xf32, #tpu.memory_space<vmem>>[vector<16xi32>, vector<16xi32>, vector<16xi32>], vector<16xf32>,
      tpu.vector_store_idx %arg11[%get3A_114, %broadcast_in_dim3A_220], %gather3A_221 {add = true} : memref<321x128xf32, #tpu.memory_space<vmem>>[vector<16xi32>, vector<16xi32>], vector<16xf32>,
      %broadcast_in_dim3A_222 = arith.constant 31 : i32
      %broadcast_in_dim3A_223 = vector.broadcast %broadcast_in_dim3A_222 : i32 to vector<16xi32>
      %gather3A_224 = tpu.vector_load_idx %arg10[%add3A_129, %iota3A, %broadcast_in_dim3A_223] : memref<2x16x128xf32, #tpu.memory_space<vmem>>[vector<16xi32>, vector<16xi32>, vector<16xi32>], vector<16xf32>,
      tpu.vector_store_idx %arg11[%get3A_114, %broadcast_in_dim3A_223], %gather3A_224 {add = true} : memref<321x128xf32, #tpu.memory_space<vmem>>[vector<16xi32>, vector<16xi32>], vector<16xf32>,
      %broadcast_in_dim3A_225 = arith.constant 32 : i32
      %broadcast_in_dim3A_226 = vector.broadcast %broadcast_in_dim3A_225 : i32 to vector<16xi32>
      %gather3A_227 = tpu.vector_load_idx %arg10[%add3A_129, %iota3A, %broadcast_in_dim3A_226] : memref<2x16x128xf32, #tpu.memory_space<vmem>>[vector<16xi32>, vector<16xi32>, vector<16xi32>], vector<16xf32>,
      tpu.vector_store_idx %arg11[%get3A_114, %broadcast_in_dim3A_226], %gather3A_227 {add = true} : memref<321x128xf32, #tpu.memory_space<vmem>>[vector<16xi32>, vector<16xi32>], vector<16xf32>,
      %broadcast_in_dim3A_228 = arith.constant 33 : i32
      %broadcast_in_dim3A_229 = vector.broadcast %broadcast_in_dim3A_228 : i32 to vector<16xi32>
      %gather3A_230 = tpu.vector_load_idx %arg10[%add3A_129, %iota3A, %broadcast_in_dim3A_229] : memref<2x16x128xf32, #tpu.memory_space<vmem>>[vector<16xi32>, vector<16xi32>, vector<16xi32>], vector<16xf32>,
      tpu.vector_store_idx %arg11[%get3A_114, %broadcast_in_dim3A_229], %gather3A_230 {add = true} : memref<321x128xf32, #tpu.memory_space<vmem>>[vector<16xi32>, vector<16xi32>], vector<16xf32>,
      %broadcast_in_dim3A_231 = arith.constant 34 : i32
      %broadcast_in_dim3A_232 = vector.broadcast %broadcast_in_dim3A_231 : i32 to vector<16xi32>
      %gather3A_233 = tpu.vector_load_idx %arg10[%add3A_129, %iota3A, %broadcast_in_dim3A_232] : memref<2x16x128xf32, #tpu.memory_space<vmem>>[vector<16xi32>, vector<16xi32>, vector<16xi32>], vector<16xf32>,
      tpu.vector_store_idx %arg11[%get3A_114, %broadcast_in_dim3A_232], %gather3A_233 {add = true} : memref<321x128xf32, #tpu.memory_space<vmem>>[vector<16xi32>, vector<16xi32>], vector<16xf32>,
      %broadcast_in_dim3A_234 = arith.constant 35 : i32
      %broadcast_in_dim3A_235 = vector.broadcast %broadcast_in_dim3A_234 : i32 to vector<16xi32>
      %gather3A_236 = tpu.vector_load_idx %arg10[%add3A_129, %iota3A, %broadcast_in_dim3A_235] : memref<2x16x128xf32, #tpu.memory_space<vmem>>[vector<16xi32>, vector<16xi32>, vector<16xi32>], vector<16xf32>,
      tpu.vector_store_idx %arg11[%get3A_114, %broadcast_in_dim3A_235], %gather3A_236 {add = true} : memref<321x128xf32, #tpu.memory_space<vmem>>[vector<16xi32>, vector<16xi32>], vector<16xf32>,
      %broadcast_in_dim3A_237 = arith.constant 36 : i32
      %broadcast_in_dim3A_238 = vector.broadcast %broadcast_in_dim3A_237 : i32 to vector<16xi32>
      %gather3A_239 = tpu.vector_load_idx %arg10[%add3A_129, %iota3A, %broadcast_in_dim3A_238] : memref<2x16x128xf32, #tpu.memory_space<vmem>>[vector<16xi32>, vector<16xi32>, vector<16xi32>], vector<16xf32>,
      tpu.vector_store_idx %arg11[%get3A_114, %broadcast_in_dim3A_238], %gather3A_239 {add = true} : memref<321x128xf32, #tpu.memory_space<vmem>>[vector<16xi32>, vector<16xi32>], vector<16xf32>,
      %broadcast_in_dim3A_240 = arith.constant 37 : i32
      %broadcast_in_dim3A_241 = vector.broadcast %broadcast_in_dim3A_240 : i32 to vector<16xi32>
      %gather3A_242 = tpu.vector_load_idx %arg10[%add3A_129, %iota3A, %broadcast_in_dim3A_241] : memref<2x16x128xf32, #tpu.memory_space<vmem>>[vector<16xi32>, vector<16xi32>, vector<16xi32>], vector<16xf32>,
      tpu.vector_store_idx %arg11[%get3A_114, %broadcast_in_dim3A_241], %gather3A_242 {add = true} : memref<321x128xf32, #tpu.memory_space<vmem>>[vector<16xi32>, vector<16xi32>], vector<16xf32>,
      %broadcast_in_dim3A_243 = arith.constant 38 : i32
      %broadcast_in_dim3A_244 = vector.broadcast %broadcast_in_dim3A_243 : i32 to vector<16xi32>
      %gather3A_245 = tpu.vector_load_idx %arg10[%add3A_129, %iota3A, %broadcast_in_dim3A_244] : memref<2x16x128xf32, #tpu.memory_space<vmem>>[vector<16xi32>, vector<16xi32>, vector<16xi32>], vector<16xf32>,
      tpu.vector_store_idx %arg11[%get3A_114, %broadcast_in_dim3A_244], %gather3A_245 {add = true} : memref<321x128xf32, #tpu.memory_space<vmem>>[vector<16xi32>, vector<16xi32>], vector<16xf32>,
      %broadcast_in_dim3A_246 = arith.constant 39 : i32
      %broadcast_in_dim3A_247 = vector.broadcast %broadcast_in_dim3A_246 : i32 to vector<16xi32>
      %gather3A_248 = tpu.vector_load_idx %arg10[%add3A_129, %iota3A, %broadcast_in_dim3A_247] : memref<2x16x128xf32, #tpu.memory_space<vmem>>[vector<16xi32>, vector<16xi32>, vector<16xi32>], vector<16xf32>,
      tpu.vector_store_idx %arg11[%get3A_114, %broadcast_in_dim3A_247], %gather3A_248 {add = true} : memref<321x128xf32, #tpu.memory_space<vmem>>[vector<16xi32>, vector<16xi32>], vector<16xf32>,
      %broadcast_in_dim3A_249 = arith.constant 40 : i32
      %broadcast_in_dim3A_250 = vector.broadcast %broadcast_in_dim3A_249 : i32 to vector<16xi32>
      %gather3A_251 = tpu.vector_load_idx %arg10[%add3A_129, %iota3A, %broadcast_in_dim3A_250] : memref<2x16x128xf32, #tpu.memory_space<vmem>>[vector<16xi32>, vector<16xi32>, vector<16xi32>], vector<16xf32>,
      tpu.vector_store_idx %arg11[%get3A_114, %broadcast_in_dim3A_250], %gather3A_251 {add = true} : memref<321x128xf32, #tpu.memory_space<vmem>>[vector<16xi32>, vector<16xi32>], vector<16xf32>,
      %broadcast_in_dim3A_252 = arith.constant 41 : i32
      %broadcast_in_dim3A_253 = vector.broadcast %broadcast_in_dim3A_252 : i32 to vector<16xi32>
      %gather3A_254 = tpu.vector_load_idx %arg10[%add3A_129, %iota3A, %broadcast_in_dim3A_253] : memref<2x16x128xf32, #tpu.memory_space<vmem>>[vector<16xi32>, vector<16xi32>, vector<16xi32>], vector<16xf32>,
      tpu.vector_store_idx %arg11[%get3A_114, %broadcast_in_dim3A_253], %gather3A_254 {add = true} : memref<321x128xf32, #tpu.memory_space<vmem>>[vector<16xi32>, vector<16xi32>], vector<16xf32>,
      %broadcast_in_dim3A_255 = arith.constant 42 : i32
      %broadcast_in_dim3A_256 = vector.broadcast %broadcast_in_dim3A_255 : i32 to vector<16xi32>
      %gather3A_257 = tpu.vector_load_idx %arg10[%add3A_129, %iota3A, %broadcast_in_dim3A_256] : memref<2x16x128xf32, #tpu.memory_space<vmem>>[vector<16xi32>, vector<16xi32>, vector<16xi32>], vector<16xf32>,
      tpu.vector_store_idx %arg11[%get3A_114, %broadcast_in_dim3A_256], %gather3A_257 {add = true} : memref<321x128xf32, #tpu.memory_space<vmem>>[vector<16xi32>, vector<16xi32>], vector<16xf32>,
      %broadcast_in_dim3A_258 = arith.constant 43 : i32
      %broadcast_in_dim3A_259 = vector.broadcast %broadcast_in_dim3A_258 : i32 to vector<16xi32>
      %gather3A_260 = tpu.vector_load_idx %arg10[%add3A_129, %iota3A, %broadcast_in_dim3A_259] : memref<2x16x128xf32, #tpu.memory_space<vmem>>[vector<16xi32>, vector<16xi32>, vector<16xi32>], vector<16xf32>,
      tpu.vector_store_idx %arg11[%get3A_114, %broadcast_in_dim3A_259], %gather3A_260 {add = true} : memref<321x128xf32, #tpu.memory_space<vmem>>[vector<16xi32>, vector<16xi32>], vector<16xf32>,
      %broadcast_in_dim3A_261 = arith.constant 44 : i32
      %broadcast_in_dim3A_262 = vector.broadcast %broadcast_in_dim3A_261 : i32 to vector<16xi32>
      %gather3A_263 = tpu.vector_load_idx %arg10[%add3A_129, %iota3A, %broadcast_in_dim3A_262] : memref<2x16x128xf32, #tpu.memory_space<vmem>>[vector<16xi32>, vector<16xi32>, vector<16xi32>], vector<16xf32>,
      tpu.vector_store_idx %arg11[%get3A_114, %broadcast_in_dim3A_262], %gather3A_263 {add = true} : memref<321x128xf32, #tpu.memory_space<vmem>>[vector<16xi32>, vector<16xi32>], vector<16xf32>,
      %broadcast_in_dim3A_264 = arith.constant 45 : i32
      %broadcast_in_dim3A_265 = vector.broadcast %broadcast_in_dim3A_264 : i32 to vector<16xi32>
      %gather3A_266 = tpu.vector_load_idx %arg10[%add3A_129, %iota3A, %broadcast_in_dim3A_265] : memref<2x16x128xf32, #tpu.memory_space<vmem>>[vector<16xi32>, vector<16xi32>, vector<16xi32>], vector<16xf32>,
      tpu.vector_store_idx %arg11[%get3A_114, %broadcast_in_dim3A_265], %gather3A_266 {add = true} : memref<321x128xf32, #tpu.memory_space<vmem>>[vector<16xi32>, vector<16xi32>], vector<16xf32>,
      %broadcast_in_dim3A_267 = arith.constant 46 : i32
      %broadcast_in_dim3A_268 = vector.broadcast %broadcast_in_dim3A_267 : i32 to vector<16xi32>
      %gather3A_269 = tpu.vector_load_idx %arg10[%add3A_129, %iota3A, %broadcast_in_dim3A_268] : memref<2x16x128xf32, #tpu.memory_space<vmem>>[vector<16xi32>, vector<16xi32>, vector<16xi32>], vector<16xf32>,
      tpu.vector_store_idx %arg11[%get3A_114, %broadcast_in_dim3A_268], %gather3A_269 {add = true} : memref<321x128xf32, #tpu.memory_space<vmem>>[vector<16xi32>, vector<16xi32>], vector<16xf32>,
      %broadcast_in_dim3A_270 = arith.constant 47 : i32
      %broadcast_in_dim3A_271 = vector.broadcast %broadcast_in_dim3A_270 : i32 to vector<16xi32>
      %gather3A_272 = tpu.vector_load_idx %arg10[%add3A_129, %iota3A, %broadcast_in_dim3A_271] : memref<2x16x128xf32, #tpu.memory_space<vmem>>[vector<16xi32>, vector<16xi32>, vector<16xi32>], vector<16xf32>,
      tpu.vector_store_idx %arg11[%get3A_114, %broadcast_in_dim3A_271], %gather3A_272 {add = true} : memref<321x128xf32, #tpu.memory_space<vmem>>[vector<16xi32>, vector<16xi32>], vector<16xf32>,
      %broadcast_in_dim3A_273 = arith.constant 48 : i32
      %broadcast_in_dim3A_274 = vector.broadcast %broadcast_in_dim3A_273 : i32 to vector<16xi32>
      %gather3A_275 = tpu.vector_load_idx %arg10[%add3A_129, %iota3A, %broadcast_in_dim3A_274] : memref<2x16x128xf32, #tpu.memory_space<vmem>>[vector<16xi32>, vector<16xi32>, vector<16xi32>], vector<16xf32>,
      tpu.vector_store_idx %arg11[%get3A_114, %broadcast_in_dim3A_274], %gather3A_275 {add = true} : memref<321x128xf32, #tpu.memory_space<vmem>>[vector<16xi32>, vector<16xi32>], vector<16xf32>,
      %broadcast_in_dim3A_276 = arith.constant 49 : i32
      %broadcast_in_dim3A_277 = vector.broadcast %broadcast_in_dim3A_276 : i32 to vector<16xi32>
      %gather3A_278 = tpu.vector_load_idx %arg10[%add3A_129, %iota3A, %broadcast_in_dim3A_277] : memref<2x16x128xf32, #tpu.memory_space<vmem>>[vector<16xi32>, vector<16xi32>, vector<16xi32>], vector<16xf32>,
      tpu.vector_store_idx %arg11[%get3A_114, %broadcast_in_dim3A_277], %gather3A_278 {add = true} : memref<321x128xf32, #tpu.memory_space<vmem>>[vector<16xi32>, vector<16xi32>], vector<16xf32>,
      %broadcast_in_dim3A_279 = arith.constant 50 : i32
      %broadcast_in_dim3A_280 = vector.broadcast %broadcast_in_dim3A_279 : i32 to vector<16xi32>
      %gather3A_281 = tpu.vector_load_idx %arg10[%add3A_129, %iota3A, %broadcast_in_dim3A_280] : memref<2x16x128xf32, #tpu.memory_space<vmem>>[vector<16xi32>, vector<16xi32>, vector<16xi32>], vector<16xf32>,
      tpu.vector_store_idx %arg11[%get3A_114, %broadcast_in_dim3A_280], %gather3A_281 {add = true} : memref<321x128xf32, #tpu.memory_space<vmem>>[vector<16xi32>, vector<16xi32>], vector<16xf32>,
      %broadcast_in_dim3A_282 = arith.constant 51 : i32
      %broadcast_in_dim3A_283 = vector.broadcast %broadcast_in_dim3A_282 : i32 to vector<16xi32>
      %gather3A_284 = tpu.vector_load_idx %arg10[%add3A_129, %iota3A, %broadcast_in_dim3A_283] : memref<2x16x128xf32, #tpu.memory_space<vmem>>[vector<16xi32>, vector<16xi32>, vector<16xi32>], vector<16xf32>,
      tpu.vector_store_idx %arg11[%get3A_114, %broadcast_in_dim3A_283], %gather3A_284 {add = true} : memref<321x128xf32, #tpu.memory_space<vmem>>[vector<16xi32>, vector<16xi32>], vector<16xf32>,
      %broadcast_in_dim3A_285 = arith.constant 52 : i32
      %broadcast_in_dim3A_286 = vector.broadcast %broadcast_in_dim3A_285 : i32 to vector<16xi32>
      %gather3A_287 = tpu.vector_load_idx %arg10[%add3A_129, %iota3A, %broadcast_in_dim3A_286] : memref<2x16x128xf32, #tpu.memory_space<vmem>>[vector<16xi32>, vector<16xi32>, vector<16xi32>], vector<16xf32>,
      tpu.vector_store_idx %arg11[%get3A_114, %broadcast_in_dim3A_286], %gather3A_287 {add = true} : memref<321x128xf32, #tpu.memory_space<vmem>>[vector<16xi32>, vector<16xi32>], vector<16xf32>,
      %broadcast_in_dim3A_288 = arith.constant 53 : i32
      %broadcast_in_dim3A_289 = vector.broadcast %broadcast_in_dim3A_288 : i32 to vector<16xi32>
      %gather3A_290 = tpu.vector_load_idx %arg10[%add3A_129, %iota3A, %broadcast_in_dim3A_289] : memref<2x16x128xf32, #tpu.memory_space<vmem>>[vector<16xi32>, vector<16xi32>, vector<16xi32>], vector<16xf32>,
      tpu.vector_store_idx %arg11[%get3A_114, %broadcast_in_dim3A_289], %gather3A_290 {add = true} : memref<321x128xf32, #tpu.memory_space<vmem>>[vector<16xi32>, vector<16xi32>], vector<16xf32>,
      %broadcast_in_dim3A_291 = arith.constant 54 : i32
      %broadcast_in_dim3A_292 = vector.broadcast %broadcast_in_dim3A_291 : i32 to vector<16xi32>
      %gather3A_293 = tpu.vector_load_idx %arg10[%add3A_129, %iota3A, %broadcast_in_dim3A_292] : memref<2x16x128xf32, #tpu.memory_space<vmem>>[vector<16xi32>, vector<16xi32>, vector<16xi32>], vector<16xf32>,
      tpu.vector_store_idx %arg11[%get3A_114, %broadcast_in_dim3A_292], %gather3A_293 {add = true} : memref<321x128xf32, #tpu.memory_space<vmem>>[vector<16xi32>, vector<16xi32>], vector<16xf32>,
      %broadcast_in_dim3A_294 = arith.constant 55 : i32
      %broadcast_in_dim3A_295 = vector.broadcast %broadcast_in_dim3A_294 : i32 to vector<16xi32>
      %gather3A_296 = tpu.vector_load_idx %arg10[%add3A_129, %iota3A, %broadcast_in_dim3A_295] : memref<2x16x128xf32, #tpu.memory_space<vmem>>[vector<16xi32>, vector<16xi32>, vector<16xi32>], vector<16xf32>,
      tpu.vector_store_idx %arg11[%get3A_114, %broadcast_in_dim3A_295], %gather3A_296 {add = true} : memref<321x128xf32, #tpu.memory_space<vmem>>[vector<16xi32>, vector<16xi32>], vector<16xf32>,
      %broadcast_in_dim3A_297 = arith.constant 56 : i32
      %broadcast_in_dim3A_298 = vector.broadcast %broadcast_in_dim3A_297 : i32 to vector<16xi32>
      %gather3A_299 = tpu.vector_load_idx %arg10[%add3A_129, %iota3A, %broadcast_in_dim3A_298] : memref<2x16x128xf32, #tpu.memory_space<vmem>>[vector<16xi32>, vector<16xi32>, vector<16xi32>], vector<16xf32>,
      tpu.vector_store_idx %arg11[%get3A_114, %broadcast_in_dim3A_298], %gather3A_299 {add = true} : memref<321x128xf32, #tpu.memory_space<vmem>>[vector<16xi32>, vector<16xi32>], vector<16xf32>,
      %broadcast_in_dim3A_300 = arith.constant 57 : i32
      %broadcast_in_dim3A_301 = vector.broadcast %broadcast_in_dim3A_300 : i32 to vector<16xi32>
      %gather3A_302 = tpu.vector_load_idx %arg10[%add3A_129, %iota3A, %broadcast_in_dim3A_301] : memref<2x16x128xf32, #tpu.memory_space<vmem>>[vector<16xi32>, vector<16xi32>, vector<16xi32>], vector<16xf32>,
      tpu.vector_store_idx %arg11[%get3A_114, %broadcast_in_dim3A_301], %gather3A_302 {add = true} : memref<321x128xf32, #tpu.memory_space<vmem>>[vector<16xi32>, vector<16xi32>], vector<16xf32>,
      %broadcast_in_dim3A_303 = arith.constant 58 : i32
      %broadcast_in_dim3A_304 = vector.broadcast %broadcast_in_dim3A_303 : i32 to vector<16xi32>
      %gather3A_305 = tpu.vector_load_idx %arg10[%add3A_129, %iota3A, %broadcast_in_dim3A_304] : memref<2x16x128xf32, #tpu.memory_space<vmem>>[vector<16xi32>, vector<16xi32>, vector<16xi32>], vector<16xf32>,
      tpu.vector_store_idx %arg11[%get3A_114, %broadcast_in_dim3A_304], %gather3A_305 {add = true} : memref<321x128xf32, #tpu.memory_space<vmem>>[vector<16xi32>, vector<16xi32>], vector<16xf32>,
      %broadcast_in_dim3A_306 = arith.constant 59 : i32
      %broadcast_in_dim3A_307 = vector.broadcast %broadcast_in_dim3A_306 : i32 to vector<16xi32>
      %gather3A_308 = tpu.vector_load_idx %arg10[%add3A_129, %iota3A, %broadcast_in_dim3A_307] : memref<2x16x128xf32, #tpu.memory_space<vmem>>[vector<16xi32>, vector<16xi32>, vector<16xi32>], vector<16xf32>,
      tpu.vector_store_idx %arg11[%get3A_114, %broadcast_in_dim3A_307], %gather3A_308 {add = true} : memref<321x128xf32, #tpu.memory_space<vmem>>[vector<16xi32>, vector<16xi32>], vector<16xf32>,
      %broadcast_in_dim3A_309 = arith.constant 60 : i32
      %broadcast_in_dim3A_310 = vector.broadcast %broadcast_in_dim3A_309 : i32 to vector<16xi32>
      %gather3A_311 = tpu.vector_load_idx %arg10[%add3A_129, %iota3A, %broadcast_in_dim3A_310] : memref<2x16x128xf32, #tpu.memory_space<vmem>>[vector<16xi32>, vector<16xi32>, vector<16xi32>], vector<16xf32>,
      tpu.vector_store_idx %arg11[%get3A_114, %broadcast_in_dim3A_310], %gather3A_311 {add = true} : memref<321x128xf32, #tpu.memory_space<vmem>>[vector<16xi32>, vector<16xi32>], vector<16xf32>,
      %broadcast_in_dim3A_312 = arith.constant 61 : i32
      %broadcast_in_dim3A_313 = vector.broadcast %broadcast_in_dim3A_312 : i32 to vector<16xi32>
      %gather3A_314 = tpu.vector_load_idx %arg10[%add3A_129, %iota3A, %broadcast_in_dim3A_313] : memref<2x16x128xf32, #tpu.memory_space<vmem>>[vector<16xi32>, vector<16xi32>, vector<16xi32>], vector<16xf32>,
      tpu.vector_store_idx %arg11[%get3A_114, %broadcast_in_dim3A_313], %gather3A_314 {add = true} : memref<321x128xf32, #tpu.memory_space<vmem>>[vector<16xi32>, vector<16xi32>], vector<16xf32>,
      %broadcast_in_dim3A_315 = arith.constant 62 : i32
      %broadcast_in_dim3A_316 = vector.broadcast %broadcast_in_dim3A_315 : i32 to vector<16xi32>
      %gather3A_317 = tpu.vector_load_idx %arg10[%add3A_129, %iota3A, %broadcast_in_dim3A_316] : memref<2x16x128xf32, #tpu.memory_space<vmem>>[vector<16xi32>, vector<16xi32>, vector<16xi32>], vector<16xf32>,
      tpu.vector_store_idx %arg11[%get3A_114, %broadcast_in_dim3A_316], %gather3A_317 {add = true} : memref<321x128xf32, #tpu.memory_space<vmem>>[vector<16xi32>, vector<16xi32>], vector<16xf32>,
      %broadcast_in_dim3A_318 = arith.constant 63 : i32
      %broadcast_in_dim3A_319 = vector.broadcast %broadcast_in_dim3A_318 : i32 to vector<16xi32>
      %gather3A_320 = tpu.vector_load_idx %arg10[%add3A_129, %iota3A, %broadcast_in_dim3A_319] : memref<2x16x128xf32, #tpu.memory_space<vmem>>[vector<16xi32>, vector<16xi32>, vector<16xi32>], vector<16xf32>,
      tpu.vector_store_idx %arg11[%get3A_114, %broadcast_in_dim3A_319], %gather3A_320 {add = true} : memref<321x128xf32, #tpu.memory_space<vmem>>[vector<16xi32>, vector<16xi32>], vector<16xf32>,
      %broadcast_in_dim3A_321 = arith.constant 64 : i32
      %broadcast_in_dim3A_322 = vector.broadcast %broadcast_in_dim3A_321 : i32 to vector<16xi32>
      %gather3A_323 = tpu.vector_load_idx %arg10[%add3A_129, %iota3A, %broadcast_in_dim3A_322] : memref<2x16x128xf32, #tpu.memory_space<vmem>>[vector<16xi32>, vector<16xi32>, vector<16xi32>], vector<16xf32>,
      tpu.vector_store_idx %arg11[%get3A_114, %broadcast_in_dim3A_322], %gather3A_323 {add = true} : memref<321x128xf32, #tpu.memory_space<vmem>>[vector<16xi32>, vector<16xi32>], vector<16xf32>,
      %broadcast_in_dim3A_324 = arith.constant 65 : i32
      %broadcast_in_dim3A_325 = vector.broadcast %broadcast_in_dim3A_324 : i32 to vector<16xi32>
      %gather3A_326 = tpu.vector_load_idx %arg10[%add3A_129, %iota3A, %broadcast_in_dim3A_325] : memref<2x16x128xf32, #tpu.memory_space<vmem>>[vector<16xi32>, vector<16xi32>, vector<16xi32>], vector<16xf32>,
      tpu.vector_store_idx %arg11[%get3A_114, %broadcast_in_dim3A_325], %gather3A_326 {add = true} : memref<321x128xf32, #tpu.memory_space<vmem>>[vector<16xi32>, vector<16xi32>], vector<16xf32>,
      %broadcast_in_dim3A_327 = arith.constant 66 : i32
      %broadcast_in_dim3A_328 = vector.broadcast %broadcast_in_dim3A_327 : i32 to vector<16xi32>
      %gather3A_329 = tpu.vector_load_idx %arg10[%add3A_129, %iota3A, %broadcast_in_dim3A_328] : memref<2x16x128xf32, #tpu.memory_space<vmem>>[vector<16xi32>, vector<16xi32>, vector<16xi32>], vector<16xf32>,
      tpu.vector_store_idx %arg11[%get3A_114, %broadcast_in_dim3A_328], %gather3A_329 {add = true} : memref<321x128xf32, #tpu.memory_space<vmem>>[vector<16xi32>, vector<16xi32>], vector<16xf32>,
      %broadcast_in_dim3A_330 = arith.constant 67 : i32
      %broadcast_in_dim3A_331 = vector.broadcast %broadcast_in_dim3A_330 : i32 to vector<16xi32>
      %gather3A_332 = tpu.vector_load_idx %arg10[%add3A_129, %iota3A, %broadcast_in_dim3A_331] : memref<2x16x128xf32, #tpu.memory_space<vmem>>[vector<16xi32>, vector<16xi32>, vector<16xi32>], vector<16xf32>,
      tpu.vector_store_idx %arg11[%get3A_114, %broadcast_in_dim3A_331], %gather3A_332 {add = true} : memref<321x128xf32, #tpu.memory_space<vmem>>[vector<16xi32>, vector<16xi32>], vector<16xf32>,
      %broadcast_in_dim3A_333 = arith.constant 68 : i32
      %broadcast_in_dim3A_334 = vector.broadcast %broadcast_in_dim3A_333 : i32 to vector<16xi32>
      %gather3A_335 = tpu.vector_load_idx %arg10[%add3A_129, %iota3A, %broadcast_in_dim3A_334] : memref<2x16x128xf32, #tpu.memory_space<vmem>>[vector<16xi32>, vector<16xi32>, vector<16xi32>], vector<16xf32>,
      tpu.vector_store_idx %arg11[%get3A_114, %broadcast_in_dim3A_334], %gather3A_335 {add = true} : memref<321x128xf32, #tpu.memory_space<vmem>>[vector<16xi32>, vector<16xi32>], vector<16xf32>,
      %broadcast_in_dim3A_336 = arith.constant 69 : i32
      %broadcast_in_dim3A_337 = vector.broadcast %broadcast_in_dim3A_336 : i32 to vector<16xi32>
      %gather3A_338 = tpu.vector_load_idx %arg10[%add3A_129, %iota3A, %broadcast_in_dim3A_337] : memref<2x16x128xf32, #tpu.memory_space<vmem>>[vector<16xi32>, vector<16xi32>, vector<16xi32>], vector<16xf32>,
      tpu.vector_store_idx %arg11[%get3A_114, %broadcast_in_dim3A_337], %gather3A_338 {add = true} : memref<321x128xf32, #tpu.memory_space<vmem>>[vector<16xi32>, vector<16xi32>], vector<16xf32>,
      %broadcast_in_dim3A_339 = arith.constant 70 : i32
      %broadcast_in_dim3A_340 = vector.broadcast %broadcast_in_dim3A_339 : i32 to vector<16xi32>
      %gather3A_341 = tpu.vector_load_idx %arg10[%add3A_129, %iota3A, %broadcast_in_dim3A_340] : memref<2x16x128xf32, #tpu.memory_space<vmem>>[vector<16xi32>, vector<16xi32>, vector<16xi32>], vector<16xf32>,
      tpu.vector_store_idx %arg11[%get3A_114, %broadcast_in_dim3A_340], %gather3A_341 {add = true} : memref<321x128xf32, #tpu.memory_space<vmem>>[vector<16xi32>, vector<16xi32>], vector<16xf32>,
      %broadcast_in_dim3A_342 = arith.constant 71 : i32
      %broadcast_in_dim3A_343 = vector.broadcast %broadcast_in_dim3A_342 : i32 to vector<16xi32>
      %gather3A_344 = tpu.vector_load_idx %arg10[%add3A_129, %iota3A, %broadcast_in_dim3A_343] : memref<2x16x128xf32, #tpu.memory_space<vmem>>[vector<16xi32>, vector<16xi32>, vector<16xi32>], vector<16xf32>,
      tpu.vector_store_idx %arg11[%get3A_114, %broadcast_in_dim3A_343], %gather3A_344 {add = true} : memref<321x128xf32, #tpu.memory_space<vmem>>[vector<16xi32>, vector<16xi32>], vector<16xf32>,
      %broadcast_in_dim3A_345 = arith.constant 72 : i32
      %broadcast_in_dim3A_346 = vector.broadcast %broadcast_in_dim3A_345 : i32 to vector<16xi32>
      %gather3A_347 = tpu.vector_load_idx %arg10[%add3A_129, %iota3A, %broadcast_in_dim3A_346] : memref<2x16x128xf32, #tpu.memory_space<vmem>>[vector<16xi32>, vector<16xi32>, vector<16xi32>], vector<16xf32>,
      tpu.vector_store_idx %arg11[%get3A_114, %broadcast_in_dim3A_346], %gather3A_347 {add = true} : memref<321x128xf32, #tpu.memory_space<vmem>>[vector<16xi32>, vector<16xi32>], vector<16xf32>,
      %broadcast_in_dim3A_348 = arith.constant 73 : i32
      %broadcast_in_dim3A_349 = vector.broadcast %broadcast_in_dim3A_348 : i32 to vector<16xi32>
      %gather3A_350 = tpu.vector_load_idx %arg10[%add3A_129, %iota3A, %broadcast_in_dim3A_349] : memref<2x16x128xf32, #tpu.memory_space<vmem>>[vector<16xi32>, vector<16xi32>, vector<16xi32>], vector<16xf32>,
      tpu.vector_store_idx %arg11[%get3A_114, %broadcast_in_dim3A_349], %gather3A_350 {add = true} : memref<321x128xf32, #tpu.memory_space<vmem>>[vector<16xi32>, vector<16xi32>], vector<16xf32>,
      %broadcast_in_dim3A_351 = arith.constant 74 : i32
      %broadcast_in_dim3A_352 = vector.broadcast %broadcast_in_dim3A_351 : i32 to vector<16xi32>
      %gather3A_353 = tpu.vector_load_idx %arg10[%add3A_129, %iota3A, %broadcast_in_dim3A_352] : memref<2x16x128xf32, #tpu.memory_space<vmem>>[vector<16xi32>, vector<16xi32>, vector<16xi32>], vector<16xf32>,
      tpu.vector_store_idx %arg11[%get3A_114, %broadcast_in_dim3A_352], %gather3A_353 {add = true} : memref<321x128xf32, #tpu.memory_space<vmem>>[vector<16xi32>, vector<16xi32>], vector<16xf32>,
      %broadcast_in_dim3A_354 = arith.constant 75 : i32
      %broadcast_in_dim3A_355 = vector.broadcast %broadcast_in_dim3A_354 : i32 to vector<16xi32>
      %gather3A_356 = tpu.vector_load_idx %arg10[%add3A_129, %iota3A, %broadcast_in_dim3A_355] : memref<2x16x128xf32, #tpu.memory_space<vmem>>[vector<16xi32>, vector<16xi32>, vector<16xi32>], vector<16xf32>,
      tpu.vector_store_idx %arg11[%get3A_114, %broadcast_in_dim3A_355], %gather3A_356 {add = true} : memref<321x128xf32, #tpu.memory_space<vmem>>[vector<16xi32>, vector<16xi32>], vector<16xf32>,
      %broadcast_in_dim3A_357 = arith.constant 76 : i32
      %broadcast_in_dim3A_358 = vector.broadcast %broadcast_in_dim3A_357 : i32 to vector<16xi32>
      %gather3A_359 = tpu.vector_load_idx %arg10[%add3A_129, %iota3A, %broadcast_in_dim3A_358] : memref<2x16x128xf32, #tpu.memory_space<vmem>>[vector<16xi32>, vector<16xi32>, vector<16xi32>], vector<16xf32>,
      tpu.vector_store_idx %arg11[%get3A_114, %broadcast_in_dim3A_358], %gather3A_359 {add = true} : memref<321x128xf32, #tpu.memory_space<vmem>>[vector<16xi32>, vector<16xi32>], vector<16xf32>,
      %broadcast_in_dim3A_360 = arith.constant 77 : i32
      %broadcast_in_dim3A_361 = vector.broadcast %broadcast_in_dim3A_360 : i32 to vector<16xi32>
      %gather3A_362 = tpu.vector_load_idx %arg10[%add3A_129, %iota3A, %broadcast_in_dim3A_361] : memref<2x16x128xf32, #tpu.memory_space<vmem>>[vector<16xi32>, vector<16xi32>, vector<16xi32>], vector<16xf32>,
      tpu.vector_store_idx %arg11[%get3A_114, %broadcast_in_dim3A_361], %gather3A_362 {add = true} : memref<321x128xf32, #tpu.memory_space<vmem>>[vector<16xi32>, vector<16xi32>], vector<16xf32>,
      %broadcast_in_dim3A_363 = arith.constant 78 : i32
      %broadcast_in_dim3A_364 = vector.broadcast %broadcast_in_dim3A_363 : i32 to vector<16xi32>
      %gather3A_365 = tpu.vector_load_idx %arg10[%add3A_129, %iota3A, %broadcast_in_dim3A_364] : memref<2x16x128xf32, #tpu.memory_space<vmem>>[vector<16xi32>, vector<16xi32>, vector<16xi32>], vector<16xf32>,
      tpu.vector_store_idx %arg11[%get3A_114, %broadcast_in_dim3A_364], %gather3A_365 {add = true} : memref<321x128xf32, #tpu.memory_space<vmem>>[vector<16xi32>, vector<16xi32>], vector<16xf32>,
      %broadcast_in_dim3A_366 = arith.constant 79 : i32
      %broadcast_in_dim3A_367 = vector.broadcast %broadcast_in_dim3A_366 : i32 to vector<16xi32>
      %gather3A_368 = tpu.vector_load_idx %arg10[%add3A_129, %iota3A, %broadcast_in_dim3A_367] : memref<2x16x128xf32, #tpu.memory_space<vmem>>[vector<16xi32>, vector<16xi32>, vector<16xi32>], vector<16xf32>,
      tpu.vector_store_idx %arg11[%get3A_114, %broadcast_in_dim3A_367], %gather3A_368 {add = true} : memref<321x128xf32, #tpu.memory_space<vmem>>[vector<16xi32>, vector<16xi32>], vector<16xf32>,
      %broadcast_in_dim3A_369 = arith.constant 80 : i32
      %broadcast_in_dim3A_370 = vector.broadcast %broadcast_in_dim3A_369 : i32 to vector<16xi32>
      %gather3A_371 = tpu.vector_load_idx %arg10[%add3A_129, %iota3A, %broadcast_in_dim3A_370] : memref<2x16x128xf32, #tpu.memory_space<vmem>>[vector<16xi32>, vector<16xi32>, vector<16xi32>], vector<16xf32>,
      tpu.vector_store_idx %arg11[%get3A_114, %broadcast_in_dim3A_370], %gather3A_371 {add = true} : memref<321x128xf32, #tpu.memory_space<vmem>>[vector<16xi32>, vector<16xi32>], vector<16xf32>,
      %broadcast_in_dim3A_372 = arith.constant 81 : i32
      %broadcast_in_dim3A_373 = vector.broadcast %broadcast_in_dim3A_372 : i32 to vector<16xi32>
      %gather3A_374 = tpu.vector_load_idx %arg10[%add3A_129, %iota3A, %broadcast_in_dim3A_373] : memref<2x16x128xf32, #tpu.memory_space<vmem>>[vector<16xi32>, vector<16xi32>, vector<16xi32>], vector<16xf32>,
      tpu.vector_store_idx %arg11[%get3A_114, %broadcast_in_dim3A_373], %gather3A_374 {add = true} : memref<321x128xf32, #tpu.memory_space<vmem>>[vector<16xi32>, vector<16xi32>], vector<16xf32>,
      %broadcast_in_dim3A_375 = arith.constant 82 : i32
      %broadcast_in_dim3A_376 = vector.broadcast %broadcast_in_dim3A_375 : i32 to vector<16xi32>
      %gather3A_377 = tpu.vector_load_idx %arg10[%add3A_129, %iota3A, %broadcast_in_dim3A_376] : memref<2x16x128xf32, #tpu.memory_space<vmem>>[vector<16xi32>, vector<16xi32>, vector<16xi32>], vector<16xf32>,
      tpu.vector_store_idx %arg11[%get3A_114, %broadcast_in_dim3A_376], %gather3A_377 {add = true} : memref<321x128xf32, #tpu.memory_space<vmem>>[vector<16xi32>, vector<16xi32>], vector<16xf32>,
      %broadcast_in_dim3A_378 = arith.constant 83 : i32
      %broadcast_in_dim3A_379 = vector.broadcast %broadcast_in_dim3A_378 : i32 to vector<16xi32>
      %gather3A_380 = tpu.vector_load_idx %arg10[%add3A_129, %iota3A, %broadcast_in_dim3A_379] : memref<2x16x128xf32, #tpu.memory_space<vmem>>[vector<16xi32>, vector<16xi32>, vector<16xi32>], vector<16xf32>,
      tpu.vector_store_idx %arg11[%get3A_114, %broadcast_in_dim3A_379], %gather3A_380 {add = true} : memref<321x128xf32, #tpu.memory_space<vmem>>[vector<16xi32>, vector<16xi32>], vector<16xf32>,
      %broadcast_in_dim3A_381 = arith.constant 84 : i32
      %broadcast_in_dim3A_382 = vector.broadcast %broadcast_in_dim3A_381 : i32 to vector<16xi32>
      %gather3A_383 = tpu.vector_load_idx %arg10[%add3A_129, %iota3A, %broadcast_in_dim3A_382] : memref<2x16x128xf32, #tpu.memory_space<vmem>>[vector<16xi32>, vector<16xi32>, vector<16xi32>], vector<16xf32>,
      tpu.vector_store_idx %arg11[%get3A_114, %broadcast_in_dim3A_382], %gather3A_383 {add = true} : memref<321x128xf32, #tpu.memory_space<vmem>>[vector<16xi32>, vector<16xi32>], vector<16xf32>,
      %broadcast_in_dim3A_384 = arith.constant 85 : i32
      %broadcast_in_dim3A_385 = vector.broadcast %broadcast_in_dim3A_384 : i32 to vector<16xi32>
      %gather3A_386 = tpu.vector_load_idx %arg10[%add3A_129, %iota3A, %broadcast_in_dim3A_385] : memref<2x16x128xf32, #tpu.memory_space<vmem>>[vector<16xi32>, vector<16xi32>, vector<16xi32>], vector<16xf32>,
      tpu.vector_store_idx %arg11[%get3A_114, %broadcast_in_dim3A_385], %gather3A_386 {add = true} : memref<321x128xf32, #tpu.memory_space<vmem>>[vector<16xi32>, vector<16xi32>], vector<16xf32>,
      %broadcast_in_dim3A_387 = arith.constant 86 : i32
      %broadcast_in_dim3A_388 = vector.broadcast %broadcast_in_dim3A_387 : i32 to vector<16xi32>
      %gather3A_389 = tpu.vector_load_idx %arg10[%add3A_129, %iota3A, %broadcast_in_dim3A_388] : memref<2x16x128xf32, #tpu.memory_space<vmem>>[vector<16xi32>, vector<16xi32>, vector<16xi32>], vector<16xf32>,
      tpu.vector_store_idx %arg11[%get3A_114, %broadcast_in_dim3A_388], %gather3A_389 {add = true} : memref<321x128xf32, #tpu.memory_space<vmem>>[vector<16xi32>, vector<16xi32>], vector<16xf32>,
      %broadcast_in_dim3A_390 = arith.constant 87 : i32
      %broadcast_in_dim3A_391 = vector.broadcast %broadcast_in_dim3A_390 : i32 to vector<16xi32>
      %gather3A_392 = tpu.vector_load_idx %arg10[%add3A_129, %iota3A, %broadcast_in_dim3A_391] : memref<2x16x128xf32, #tpu.memory_space<vmem>>[vector<16xi32>, vector<16xi32>, vector<16xi32>], vector<16xf32>,
      tpu.vector_store_idx %arg11[%get3A_114, %broadcast_in_dim3A_391], %gather3A_392 {add = true} : memref<321x128xf32, #tpu.memory_space<vmem>>[vector<16xi32>, vector<16xi32>], vector<16xf32>,
      %broadcast_in_dim3A_393 = arith.constant 88 : i32
      %broadcast_in_dim3A_394 = vector.broadcast %broadcast_in_dim3A_393 : i32 to vector<16xi32>
      %gather3A_395 = tpu.vector_load_idx %arg10[%add3A_129, %iota3A, %broadcast_in_dim3A_394] : memref<2x16x128xf32, #tpu.memory_space<vmem>>[vector<16xi32>, vector<16xi32>, vector<16xi32>], vector<16xf32>,
      tpu.vector_store_idx %arg11[%get3A_114, %broadcast_in_dim3A_394], %gather3A_395 {add = true} : memref<321x128xf32, #tpu.memory_space<vmem>>[vector<16xi32>, vector<16xi32>], vector<16xf32>,
      %broadcast_in_dim3A_396 = arith.constant 89 : i32
      %broadcast_in_dim3A_397 = vector.broadcast %broadcast_in_dim3A_396 : i32 to vector<16xi32>
      %gather3A_398 = tpu.vector_load_idx %arg10[%add3A_129, %iota3A, %broadcast_in_dim3A_397] : memref<2x16x128xf32, #tpu.memory_space<vmem>>[vector<16xi32>, vector<16xi32>, vector<16xi32>], vector<16xf32>,
      tpu.vector_store_idx %arg11[%get3A_114, %broadcast_in_dim3A_397], %gather3A_398 {add = true} : memref<321x128xf32, #tpu.memory_space<vmem>>[vector<16xi32>, vector<16xi32>], vector<16xf32>,
      %broadcast_in_dim3A_399 = arith.constant 90 : i32
      %broadcast_in_dim3A_400 = vector.broadcast %broadcast_in_dim3A_399 : i32 to vector<16xi32>
      %gather3A_401 = tpu.vector_load_idx %arg10[%add3A_129, %iota3A, %broadcast_in_dim3A_400] : memref<2x16x128xf32, #tpu.memory_space<vmem>>[vector<16xi32>, vector<16xi32>, vector<16xi32>], vector<16xf32>,
      tpu.vector_store_idx %arg11[%get3A_114, %broadcast_in_dim3A_400], %gather3A_401 {add = true} : memref<321x128xf32, #tpu.memory_space<vmem>>[vector<16xi32>, vector<16xi32>], vector<16xf32>,
      %broadcast_in_dim3A_402 = arith.constant 91 : i32
      %broadcast_in_dim3A_403 = vector.broadcast %broadcast_in_dim3A_402 : i32 to vector<16xi32>
      %gather3A_404 = tpu.vector_load_idx %arg10[%add3A_129, %iota3A, %broadcast_in_dim3A_403] : memref<2x16x128xf32, #tpu.memory_space<vmem>>[vector<16xi32>, vector<16xi32>, vector<16xi32>], vector<16xf32>,
      tpu.vector_store_idx %arg11[%get3A_114, %broadcast_in_dim3A_403], %gather3A_404 {add = true} : memref<321x128xf32, #tpu.memory_space<vmem>>[vector<16xi32>, vector<16xi32>], vector<16xf32>,
      %broadcast_in_dim3A_405 = arith.constant 92 : i32
      %broadcast_in_dim3A_406 = vector.broadcast %broadcast_in_dim3A_405 : i32 to vector<16xi32>
      %gather3A_407 = tpu.vector_load_idx %arg10[%add3A_129, %iota3A, %broadcast_in_dim3A_406] : memref<2x16x128xf32, #tpu.memory_space<vmem>>[vector<16xi32>, vector<16xi32>, vector<16xi32>], vector<16xf32>,
      tpu.vector_store_idx %arg11[%get3A_114, %broadcast_in_dim3A_406], %gather3A_407 {add = true} : memref<321x128xf32, #tpu.memory_space<vmem>>[vector<16xi32>, vector<16xi32>], vector<16xf32>,
      %broadcast_in_dim3A_408 = arith.constant 93 : i32
      %broadcast_in_dim3A_409 = vector.broadcast %broadcast_in_dim3A_408 : i32 to vector<16xi32>
      %gather3A_410 = tpu.vector_load_idx %arg10[%add3A_129, %iota3A, %broadcast_in_dim3A_409] : memref<2x16x128xf32, #tpu.memory_space<vmem>>[vector<16xi32>, vector<16xi32>, vector<16xi32>], vector<16xf32>,
      tpu.vector_store_idx %arg11[%get3A_114, %broadcast_in_dim3A_409], %gather3A_410 {add = true} : memref<321x128xf32, #tpu.memory_space<vmem>>[vector<16xi32>, vector<16xi32>], vector<16xf32>,
      %broadcast_in_dim3A_411 = arith.constant 94 : i32
      %broadcast_in_dim3A_412 = vector.broadcast %broadcast_in_dim3A_411 : i32 to vector<16xi32>
      %gather3A_413 = tpu.vector_load_idx %arg10[%add3A_129, %iota3A, %broadcast_in_dim3A_412] : memref<2x16x128xf32, #tpu.memory_space<vmem>>[vector<16xi32>, vector<16xi32>, vector<16xi32>], vector<16xf32>,
      tpu.vector_store_idx %arg11[%get3A_114, %broadcast_in_dim3A_412], %gather3A_413 {add = true} : memref<321x128xf32, #tpu.memory_space<vmem>>[vector<16xi32>, vector<16xi32>], vector<16xf32>,
      %broadcast_in_dim3A_414 = arith.constant 95 : i32
      %broadcast_in_dim3A_415 = vector.broadcast %broadcast_in_dim3A_414 : i32 to vector<16xi32>
      %gather3A_416 = tpu.vector_load_idx %arg10[%add3A_129, %iota3A, %broadcast_in_dim3A_415] : memref<2x16x128xf32, #tpu.memory_space<vmem>>[vector<16xi32>, vector<16xi32>, vector<16xi32>], vector<16xf32>,
      tpu.vector_store_idx %arg11[%get3A_114, %broadcast_in_dim3A_415], %gather3A_416 {add = true} : memref<321x128xf32, #tpu.memory_space<vmem>>[vector<16xi32>, vector<16xi32>], vector<16xf32>,
      %broadcast_in_dim3A_417 = arith.constant 96 : i32
      %broadcast_in_dim3A_418 = vector.broadcast %broadcast_in_dim3A_417 : i32 to vector<16xi32>
      %gather3A_419 = tpu.vector_load_idx %arg10[%add3A_129, %iota3A, %broadcast_in_dim3A_418] : memref<2x16x128xf32, #tpu.memory_space<vmem>>[vector<16xi32>, vector<16xi32>, vector<16xi32>], vector<16xf32>,
      tpu.vector_store_idx %arg11[%get3A_114, %broadcast_in_dim3A_418], %gather3A_419 {add = true} : memref<321x128xf32, #tpu.memory_space<vmem>>[vector<16xi32>, vector<16xi32>], vector<16xf32>,
      %broadcast_in_dim3A_420 = arith.constant 97 : i32
      %broadcast_in_dim3A_421 = vector.broadcast %broadcast_in_dim3A_420 : i32 to vector<16xi32>
      %gather3A_422 = tpu.vector_load_idx %arg10[%add3A_129, %iota3A, %broadcast_in_dim3A_421] : memref<2x16x128xf32, #tpu.memory_space<vmem>>[vector<16xi32>, vector<16xi32>, vector<16xi32>], vector<16xf32>,
      tpu.vector_store_idx %arg11[%get3A_114, %broadcast_in_dim3A_421], %gather3A_422 {add = true} : memref<321x128xf32, #tpu.memory_space<vmem>>[vector<16xi32>, vector<16xi32>], vector<16xf32>,
      %broadcast_in_dim3A_423 = arith.constant 98 : i32
      %broadcast_in_dim3A_424 = vector.broadcast %broadcast_in_dim3A_423 : i32 to vector<16xi32>
      %gather3A_425 = tpu.vector_load_idx %arg10[%add3A_129, %iota3A, %broadcast_in_dim3A_424] : memref<2x16x128xf32, #tpu.memory_space<vmem>>[vector<16xi32>, vector<16xi32>, vector<16xi32>], vector<16xf32>,
      tpu.vector_store_idx %arg11[%get3A_114, %broadcast_in_dim3A_424], %gather3A_425 {add = true} : memref<321x128xf32, #tpu.memory_space<vmem>>[vector<16xi32>, vector<16xi32>], vector<16xf32>,
      %broadcast_in_dim3A_426 = arith.constant 99 : i32
      %broadcast_in_dim3A_427 = vector.broadcast %broadcast_in_dim3A_426 : i32 to vector<16xi32>
      %gather3A_428 = tpu.vector_load_idx %arg10[%add3A_129, %iota3A, %broadcast_in_dim3A_427] : memref<2x16x128xf32, #tpu.memory_space<vmem>>[vector<16xi32>, vector<16xi32>, vector<16xi32>], vector<16xf32>,
      tpu.vector_store_idx %arg11[%get3A_114, %broadcast_in_dim3A_427], %gather3A_428 {add = true} : memref<321x128xf32, #tpu.memory_space<vmem>>[vector<16xi32>, vector<16xi32>], vector<16xf32>,
      %broadcast_in_dim3A_429 = arith.constant 100 : i32
      %broadcast_in_dim3A_430 = vector.broadcast %broadcast_in_dim3A_429 : i32 to vector<16xi32>
      %gather3A_431 = tpu.vector_load_idx %arg10[%add3A_129, %iota3A, %broadcast_in_dim3A_430] : memref<2x16x128xf32, #tpu.memory_space<vmem>>[vector<16xi32>, vector<16xi32>, vector<16xi32>], vector<16xf32>,
      tpu.vector_store_idx %arg11[%get3A_114, %broadcast_in_dim3A_430], %gather3A_431 {add = true} : memref<321x128xf32, #tpu.memory_space<vmem>>[vector<16xi32>, vector<16xi32>], vector<16xf32>,
      %broadcast_in_dim3A_432 = arith.constant 101 : i32
      %broadcast_in_dim3A_433 = vector.broadcast %broadcast_in_dim3A_432 : i32 to vector<16xi32>
      %gather3A_434 = tpu.vector_load_idx %arg10[%add3A_129, %iota3A, %broadcast_in_dim3A_433] : memref<2x16x128xf32, #tpu.memory_space<vmem>>[vector<16xi32>, vector<16xi32>, vector<16xi32>], vector<16xf32>,
      tpu.vector_store_idx %arg11[%get3A_114, %broadcast_in_dim3A_433], %gather3A_434 {add = true} : memref<321x128xf32, #tpu.memory_space<vmem>>[vector<16xi32>, vector<16xi32>], vector<16xf32>,
      %broadcast_in_dim3A_435 = arith.constant 102 : i32
      %broadcast_in_dim3A_436 = vector.broadcast %broadcast_in_dim3A_435 : i32 to vector<16xi32>
      %gather3A_437 = tpu.vector_load_idx %arg10[%add3A_129, %iota3A, %broadcast_in_dim3A_436] : memref<2x16x128xf32, #tpu.memory_space<vmem>>[vector<16xi32>, vector<16xi32>, vector<16xi32>], vector<16xf32>,
      tpu.vector_store_idx %arg11[%get3A_114, %broadcast_in_dim3A_436], %gather3A_437 {add = true} : memref<321x128xf32, #tpu.memory_space<vmem>>[vector<16xi32>, vector<16xi32>], vector<16xf32>,
      %broadcast_in_dim3A_438 = arith.constant 103 : i32
      %broadcast_in_dim3A_439 = vector.broadcast %broadcast_in_dim3A_438 : i32 to vector<16xi32>
      %gather3A_440 = tpu.vector_load_idx %arg10[%add3A_129, %iota3A, %broadcast_in_dim3A_439] : memref<2x16x128xf32, #tpu.memory_space<vmem>>[vector<16xi32>, vector<16xi32>, vector<16xi32>], vector<16xf32>,
      tpu.vector_store_idx %arg11[%get3A_114, %broadcast_in_dim3A_439], %gather3A_440 {add = true} : memref<321x128xf32, #tpu.memory_space<vmem>>[vector<16xi32>, vector<16xi32>], vector<16xf32>,
      %broadcast_in_dim3A_441 = arith.constant 104 : i32
      %broadcast_in_dim3A_442 = vector.broadcast %broadcast_in_dim3A_441 : i32 to vector<16xi32>
      %gather3A_443 = tpu.vector_load_idx %arg10[%add3A_129, %iota3A, %broadcast_in_dim3A_442] : memref<2x16x128xf32, #tpu.memory_space<vmem>>[vector<16xi32>, vector<16xi32>, vector<16xi32>], vector<16xf32>,
      tpu.vector_store_idx %arg11[%get3A_114, %broadcast_in_dim3A_442], %gather3A_443 {add = true} : memref<321x128xf32, #tpu.memory_space<vmem>>[vector<16xi32>, vector<16xi32>], vector<16xf32>,
      %broadcast_in_dim3A_444 = arith.constant 105 : i32
      %broadcast_in_dim3A_445 = vector.broadcast %broadcast_in_dim3A_444 : i32 to vector<16xi32>
      %gather3A_446 = tpu.vector_load_idx %arg10[%add3A_129, %iota3A, %broadcast_in_dim3A_445] : memref<2x16x128xf32, #tpu.memory_space<vmem>>[vector<16xi32>, vector<16xi32>, vector<16xi32>], vector<16xf32>,
      tpu.vector_store_idx %arg11[%get3A_114, %broadcast_in_dim3A_445], %gather3A_446 {add = true} : memref<321x128xf32, #tpu.memory_space<vmem>>[vector<16xi32>, vector<16xi32>], vector<16xf32>,
      %broadcast_in_dim3A_447 = arith.constant 106 : i32
      %broadcast_in_dim3A_448 = vector.broadcast %broadcast_in_dim3A_447 : i32 to vector<16xi32>
      %gather3A_449 = tpu.vector_load_idx %arg10[%add3A_129, %iota3A, %broadcast_in_dim3A_448] : memref<2x16x128xf32, #tpu.memory_space<vmem>>[vector<16xi32>, vector<16xi32>, vector<16xi32>], vector<16xf32>,
      tpu.vector_store_idx %arg11[%get3A_114, %broadcast_in_dim3A_448], %gather3A_449 {add = true} : memref<321x128xf32, #tpu.memory_space<vmem>>[vector<16xi32>, vector<16xi32>], vector<16xf32>,
      %broadcast_in_dim3A_450 = arith.constant 107 : i32
      %broadcast_in_dim3A_451 = vector.broadcast %broadcast_in_dim3A_450 : i32 to vector<16xi32>
      %gather3A_452 = tpu.vector_load_idx %arg10[%add3A_129, %iota3A, %broadcast_in_dim3A_451] : memref<2x16x128xf32, #tpu.memory_space<vmem>>[vector<16xi32>, vector<16xi32>, vector<16xi32>], vector<16xf32>,
      tpu.vector_store_idx %arg11[%get3A_114, %broadcast_in_dim3A_451], %gather3A_452 {add = true} : memref<321x128xf32, #tpu.memory_space<vmem>>[vector<16xi32>, vector<16xi32>], vector<16xf32>,
      %broadcast_in_dim3A_453 = arith.constant 108 : i32
      %broadcast_in_dim3A_454 = vector.broadcast %broadcast_in_dim3A_453 : i32 to vector<16xi32>
      %gather3A_455 = tpu.vector_load_idx %arg10[%add3A_129, %iota3A, %broadcast_in_dim3A_454] : memref<2x16x128xf32, #tpu.memory_space<vmem>>[vector<16xi32>, vector<16xi32>, vector<16xi32>], vector<16xf32>,
      tpu.vector_store_idx %arg11[%get3A_114, %broadcast_in_dim3A_454], %gather3A_455 {add = true} : memref<321x128xf32, #tpu.memory_space<vmem>>[vector<16xi32>, vector<16xi32>], vector<16xf32>,
      %broadcast_in_dim3A_456 = arith.constant 109 : i32
      %broadcast_in_dim3A_457 = vector.broadcast %broadcast_in_dim3A_456 : i32 to vector<16xi32>
      %gather3A_458 = tpu.vector_load_idx %arg10[%add3A_129, %iota3A, %broadcast_in_dim3A_457] : memref<2x16x128xf32, #tpu.memory_space<vmem>>[vector<16xi32>, vector<16xi32>, vector<16xi32>], vector<16xf32>,
      tpu.vector_store_idx %arg11[%get3A_114, %broadcast_in_dim3A_457], %gather3A_458 {add = true} : memref<321x128xf32, #tpu.memory_space<vmem>>[vector<16xi32>, vector<16xi32>], vector<16xf32>,
      %broadcast_in_dim3A_459 = arith.constant 110 : i32
      %broadcast_in_dim3A_460 = vector.broadcast %broadcast_in_dim3A_459 : i32 to vector<16xi32>
      %gather3A_461 = tpu.vector_load_idx %arg10[%add3A_129, %iota3A, %broadcast_in_dim3A_460] : memref<2x16x128xf32, #tpu.memory_space<vmem>>[vector<16xi32>, vector<16xi32>, vector<16xi32>], vector<16xf32>,
      tpu.vector_store_idx %arg11[%get3A_114, %broadcast_in_dim3A_460], %gather3A_461 {add = true} : memref<321x128xf32, #tpu.memory_space<vmem>>[vector<16xi32>, vector<16xi32>], vector<16xf32>,
      %broadcast_in_dim3A_462 = arith.constant 111 : i32
      %broadcast_in_dim3A_463 = vector.broadcast %broadcast_in_dim3A_462 : i32 to vector<16xi32>
      %gather3A_464 = tpu.vector_load_idx %arg10[%add3A_129, %iota3A, %broadcast_in_dim3A_463] : memref<2x16x128xf32, #tpu.memory_space<vmem>>[vector<16xi32>, vector<16xi32>, vector<16xi32>], vector<16xf32>,
      tpu.vector_store_idx %arg11[%get3A_114, %broadcast_in_dim3A_463], %gather3A_464 {add = true} : memref<321x128xf32, #tpu.memory_space<vmem>>[vector<16xi32>, vector<16xi32>], vector<16xf32>,
      %broadcast_in_dim3A_465 = arith.constant 112 : i32
      %broadcast_in_dim3A_466 = vector.broadcast %broadcast_in_dim3A_465 : i32 to vector<16xi32>
      %gather3A_467 = tpu.vector_load_idx %arg10[%add3A_129, %iota3A, %broadcast_in_dim3A_466] : memref<2x16x128xf32, #tpu.memory_space<vmem>>[vector<16xi32>, vector<16xi32>, vector<16xi32>], vector<16xf32>,
      tpu.vector_store_idx %arg11[%get3A_114, %broadcast_in_dim3A_466], %gather3A_467 {add = true} : memref<321x128xf32, #tpu.memory_space<vmem>>[vector<16xi32>, vector<16xi32>], vector<16xf32>,
      %broadcast_in_dim3A_468 = arith.constant 113 : i32
      %broadcast_in_dim3A_469 = vector.broadcast %broadcast_in_dim3A_468 : i32 to vector<16xi32>
      %gather3A_470 = tpu.vector_load_idx %arg10[%add3A_129, %iota3A, %broadcast_in_dim3A_469] : memref<2x16x128xf32, #tpu.memory_space<vmem>>[vector<16xi32>, vector<16xi32>, vector<16xi32>], vector<16xf32>,
      tpu.vector_store_idx %arg11[%get3A_114, %broadcast_in_dim3A_469], %gather3A_470 {add = true} : memref<321x128xf32, #tpu.memory_space<vmem>>[vector<16xi32>, vector<16xi32>], vector<16xf32>,
      %broadcast_in_dim3A_471 = arith.constant 114 : i32
      %broadcast_in_dim3A_472 = vector.broadcast %broadcast_in_dim3A_471 : i32 to vector<16xi32>
      %gather3A_473 = tpu.vector_load_idx %arg10[%add3A_129, %iota3A, %broadcast_in_dim3A_472] : memref<2x16x128xf32, #tpu.memory_space<vmem>>[vector<16xi32>, vector<16xi32>, vector<16xi32>], vector<16xf32>,
      tpu.vector_store_idx %arg11[%get3A_114, %broadcast_in_dim3A_472], %gather3A_473 {add = true} : memref<321x128xf32, #tpu.memory_space<vmem>>[vector<16xi32>, vector<16xi32>], vector<16xf32>,
      %broadcast_in_dim3A_474 = arith.constant 115 : i32
      %broadcast_in_dim3A_475 = vector.broadcast %broadcast_in_dim3A_474 : i32 to vector<16xi32>
      %gather3A_476 = tpu.vector_load_idx %arg10[%add3A_129, %iota3A, %broadcast_in_dim3A_475] : memref<2x16x128xf32, #tpu.memory_space<vmem>>[vector<16xi32>, vector<16xi32>, vector<16xi32>], vector<16xf32>,
      tpu.vector_store_idx %arg11[%get3A_114, %broadcast_in_dim3A_475], %gather3A_476 {add = true} : memref<321x128xf32, #tpu.memory_space<vmem>>[vector<16xi32>, vector<16xi32>], vector<16xf32>,
      %broadcast_in_dim3A_477 = arith.constant 116 : i32
      %broadcast_in_dim3A_478 = vector.broadcast %broadcast_in_dim3A_477 : i32 to vector<16xi32>
      %gather3A_479 = tpu.vector_load_idx %arg10[%add3A_129, %iota3A, %broadcast_in_dim3A_478] : memref<2x16x128xf32, #tpu.memory_space<vmem>>[vector<16xi32>, vector<16xi32>, vector<16xi32>], vector<16xf32>,
      tpu.vector_store_idx %arg11[%get3A_114, %broadcast_in_dim3A_478], %gather3A_479 {add = true} : memref<321x128xf32, #tpu.memory_space<vmem>>[vector<16xi32>, vector<16xi32>], vector<16xf32>,
      %broadcast_in_dim3A_480 = arith.constant 117 : i32
      %broadcast_in_dim3A_481 = vector.broadcast %broadcast_in_dim3A_480 : i32 to vector<16xi32>
      %gather3A_482 = tpu.vector_load_idx %arg10[%add3A_129, %iota3A, %broadcast_in_dim3A_481] : memref<2x16x128xf32, #tpu.memory_space<vmem>>[vector<16xi32>, vector<16xi32>, vector<16xi32>], vector<16xf32>,
      tpu.vector_store_idx %arg11[%get3A_114, %broadcast_in_dim3A_481], %gather3A_482 {add = true} : memref<321x128xf32, #tpu.memory_space<vmem>>[vector<16xi32>, vector<16xi32>], vector<16xf32>,
      %broadcast_in_dim3A_483 = arith.constant 118 : i32
      %broadcast_in_dim3A_484 = vector.broadcast %broadcast_in_dim3A_483 : i32 to vector<16xi32>
      %gather3A_485 = tpu.vector_load_idx %arg10[%add3A_129, %iota3A, %broadcast_in_dim3A_484] : memref<2x16x128xf32, #tpu.memory_space<vmem>>[vector<16xi32>, vector<16xi32>, vector<16xi32>], vector<16xf32>,
      tpu.vector_store_idx %arg11[%get3A_114, %broadcast_in_dim3A_484], %gather3A_485 {add = true} : memref<321x128xf32, #tpu.memory_space<vmem>>[vector<16xi32>, vector<16xi32>], vector<16xf32>,
      %broadcast_in_dim3A_486 = arith.constant 119 : i32
      %broadcast_in_dim3A_487 = vector.broadcast %broadcast_in_dim3A_486 : i32 to vector<16xi32>
      %gather3A_488 = tpu.vector_load_idx %arg10[%add3A_129, %iota3A, %broadcast_in_dim3A_487] : memref<2x16x128xf32, #tpu.memory_space<vmem>>[vector<16xi32>, vector<16xi32>, vector<16xi32>], vector<16xf32>,
      tpu.vector_store_idx %arg11[%get3A_114, %broadcast_in_dim3A_487], %gather3A_488 {add = true} : memref<321x128xf32, #tpu.memory_space<vmem>>[vector<16xi32>, vector<16xi32>], vector<16xf32>,
      %broadcast_in_dim3A_489 = arith.constant 120 : i32
      %broadcast_in_dim3A_490 = vector.broadcast %broadcast_in_dim3A_489 : i32 to vector<16xi32>
      %gather3A_491 = tpu.vector_load_idx %arg10[%add3A_129, %iota3A, %broadcast_in_dim3A_490] : memref<2x16x128xf32, #tpu.memory_space<vmem>>[vector<16xi32>, vector<16xi32>, vector<16xi32>], vector<16xf32>,
      tpu.vector_store_idx %arg11[%get3A_114, %broadcast_in_dim3A_490], %gather3A_491 {add = true} : memref<321x128xf32, #tpu.memory_space<vmem>>[vector<16xi32>, vector<16xi32>], vector<16xf32>,
      %broadcast_in_dim3A_492 = arith.constant 121 : i32
      %broadcast_in_dim3A_493 = vector.broadcast %broadcast_in_dim3A_492 : i32 to vector<16xi32>
      %gather3A_494 = tpu.vector_load_idx %arg10[%add3A_129, %iota3A, %broadcast_in_dim3A_493] : memref<2x16x128xf32, #tpu.memory_space<vmem>>[vector<16xi32>, vector<16xi32>, vector<16xi32>], vector<16xf32>,
      tpu.vector_store_idx %arg11[%get3A_114, %broadcast_in_dim3A_493], %gather3A_494 {add = true} : memref<321x128xf32, #tpu.memory_space<vmem>>[vector<16xi32>, vector<16xi32>], vector<16xf32>,
      %broadcast_in_dim3A_495 = arith.constant 122 : i32
      %broadcast_in_dim3A_496 = vector.broadcast %broadcast_in_dim3A_495 : i32 to vector<16xi32>
      %gather3A_497 = tpu.vector_load_idx %arg10[%add3A_129, %iota3A, %broadcast_in_dim3A_496] : memref<2x16x128xf32, #tpu.memory_space<vmem>>[vector<16xi32>, vector<16xi32>, vector<16xi32>], vector<16xf32>,
      tpu.vector_store_idx %arg11[%get3A_114, %broadcast_in_dim3A_496], %gather3A_497 {add = true} : memref<321x128xf32, #tpu.memory_space<vmem>>[vector<16xi32>, vector<16xi32>], vector<16xf32>,
      %broadcast_in_dim3A_498 = arith.constant 123 : i32
      %broadcast_in_dim3A_499 = vector.broadcast %broadcast_in_dim3A_498 : i32 to vector<16xi32>
      %gather3A_500 = tpu.vector_load_idx %arg10[%add3A_129, %iota3A, %broadcast_in_dim3A_499] : memref<2x16x128xf32, #tpu.memory_space<vmem>>[vector<16xi32>, vector<16xi32>, vector<16xi32>], vector<16xf32>,
      tpu.vector_store_idx %arg11[%get3A_114, %broadcast_in_dim3A_499], %gather3A_500 {add = true} : memref<321x128xf32, #tpu.memory_space<vmem>>[vector<16xi32>, vector<16xi32>], vector<16xf32>,
      %broadcast_in_dim3A_501 = arith.constant 124 : i32
      %broadcast_in_dim3A_502 = vector.broadcast %broadcast_in_dim3A_501 : i32 to vector<16xi32>
      %gather3A_503 = tpu.vector_load_idx %arg10[%add3A_129, %iota3A, %broadcast_in_dim3A_502] : memref<2x16x128xf32, #tpu.memory_space<vmem>>[vector<16xi32>, vector<16xi32>, vector<16xi32>], vector<16xf32>,
      tpu.vector_store_idx %arg11[%get3A_114, %broadcast_in_dim3A_502], %gather3A_503 {add = true} : memref<321x128xf32, #tpu.memory_space<vmem>>[vector<16xi32>, vector<16xi32>], vector<16xf32>,
      %broadcast_in_dim3A_504 = arith.constant 125 : i32
      %broadcast_in_dim3A_505 = vector.broadcast %broadcast_in_dim3A_504 : i32 to vector<16xi32>
      %gather3A_506 = tpu.vector_load_idx %arg10[%add3A_129, %iota3A, %broadcast_in_dim3A_505] : memref<2x16x128xf32, #tpu.memory_space<vmem>>[vector<16xi32>, vector<16xi32>, vector<16xi32>], vector<16xf32>,
      tpu.vector_store_idx %arg11[%get3A_114, %broadcast_in_dim3A_505], %gather3A_506 {add = true} : memref<321x128xf32, #tpu.memory_space<vmem>>[vector<16xi32>, vector<16xi32>], vector<16xf32>,
      %broadcast_in_dim3A_507 = arith.constant 126 : i32
      %broadcast_in_dim3A_508 = vector.broadcast %broadcast_in_dim3A_507 : i32 to vector<16xi32>
      %gather3A_509 = tpu.vector_load_idx %arg10[%add3A_129, %iota3A, %broadcast_in_dim3A_508] : memref<2x16x128xf32, #tpu.memory_space<vmem>>[vector<16xi32>, vector<16xi32>, vector<16xi32>], vector<16xf32>,
      tpu.vector_store_idx %arg11[%get3A_114, %broadcast_in_dim3A_508], %gather3A_509 {add = true} : memref<321x128xf32, #tpu.memory_space<vmem>>[vector<16xi32>, vector<16xi32>], vector<16xf32>,
      %broadcast_in_dim3A_510 = arith.constant 127 : i32
      %broadcast_in_dim3A_511 = vector.broadcast %broadcast_in_dim3A_510 : i32 to vector<16xi32>
      %gather3A_512 = tpu.vector_load_idx %arg10[%add3A_129, %iota3A, %broadcast_in_dim3A_511] : memref<2x16x128xf32, #tpu.memory_space<vmem>>[vector<16xi32>, vector<16xi32>, vector<16xi32>], vector<16xf32>,
      tpu.vector_store_idx %arg11[%get3A_114, %broadcast_in_dim3A_511], %gather3A_512 {add = true} : memref<321x128xf32, #tpu.memory_space<vmem>>[vector<16xi32>, vector<16xi32>], vector<16xf32>,
    }
    "tpu.region"() ({
      %run_scoped3A = tpu.sem_alloc : memref<!tpu.dma_semaphore, #tpu.memory_space<semaphore_mem>>
      %dma_start3A_103 = arith.constant 0 : i32
      %dma_start3A_104 = arith.constant 0 : i32
      %dma_start3A_105 = tpu.memref_slice %arg5[%arg0, %arg1, %dma_start3A_103, %dma_start3A_104] : memref<2x16x321x128xf32, #tpu.memory_space<hbm>> -> memref<1x1x321x128xf32, #tpu.memory_space<hbm>>
      %dma_start3A_106 = tpu.memref_squeeze %dma_start3A_105 : memref<1x1x321x128xf32, #tpu.memory_space<hbm>> -> memref<321x128xf32, #tpu.memory_space<hbm>>
      %dma_start3A_107 = arith.constant 0 : i32
      %dma_start3A_108 = arith.constant 0 : i32
      %dma_start3A_109 = tpu.memref_slice %arg5[%arg0, %arg1, %dma_start3A_107, %dma_start3A_108] : memref<2x16x321x128xf32, #tpu.memory_space<hbm>> -> memref<1x1x321x128xf32, #tpu.memory_space<hbm>>
      %dma_start3A_110 = tpu.memref_squeeze %dma_start3A_109 : memref<1x1x321x128xf32, #tpu.memory_space<hbm>> -> memref<321x128xf32, #tpu.memory_space<hbm>>
      tpu.enqueue_dma source(%arg11 : memref<321x128xf32, #tpu.memory_space<vmem>>) target(%dma_start3A_110 : memref<321x128xf32, #tpu.memory_space<hbm>>) target_semaphore(%run_scoped3A : memref<!tpu.dma_semaphore, #tpu.memory_space<semaphore_mem>>)
      %dma_wait3A = arith.constant 0 : i32
      %dma_wait3A_111 = arith.constant 0 : i32
      %dma_wait3A_112 = tpu.memref_slice %arg5[%arg0, %arg1, %dma_wait3A, %dma_wait3A_111] : memref<2x16x321x128xf32, #tpu.memory_space<hbm>> -> memref<1x1x321x128xf32, #tpu.memory_space<hbm>>
      %dma_wait3A_113 = tpu.memref_squeeze %dma_wait3A_112 : memref<1x1x321x128xf32, #tpu.memory_space<hbm>> -> memref<321x128xf32, #tpu.memory_space<hbm>>
      %dma_wait3A_114 = arith.constant 0 : i32
      %dma_wait3A_115 = arith.constant 0 : i32
      %dma_wait3A_116 = tpu.memref_slice %arg5[%arg0, %arg1, %dma_wait3A_114, %dma_wait3A_115] : memref<2x16x321x128xf32, #tpu.memory_space<hbm>> -> memref<1x1x321x128xf32, #tpu.memory_space<hbm>>
      %dma_wait3A_117 = tpu.memref_squeeze %dma_wait3A_116 : memref<1x1x321x128xf32, #tpu.memory_space<hbm>> -> memref<321x128xf32, #tpu.memory_space<hbm>>
      tpu.wait_dma2 semaphore(%run_scoped3A : memref<!tpu.dma_semaphore, #tpu.memory_space<semaphore_mem>>) src(%arg11 : memref<321x128xf32, #tpu.memory_space<vmem>>) dst(%dma_wait3A_117 : memref<321x128xf32, #tpu.memory_space<hbm>>)
      tpu.yield
    }) : () -> ()
    return
  }
}

#map = affine_map<(d0, d1) -> (0, 0)>
#map1 = affine_map<(d0, d1) -> (0, 0, 0)>
#map2 = affine_map<(d0, d1) -> (0, 0, 0, 0)>
module attributes {stable_mosaic.version = 14 : i64} {
  func.func @agg_kernel(%arg0: i32, %arg1: i32, %arg2: memref<10000x128xf32, #tpu.memory_space<hbm>>, %arg3: memref<125x1x2560xi32, #tpu.memory_space<hbm>>, %arg4: memref<125x1x2560xi32, #tpu.memory_space<hbm>>, %arg5: memref<2x16x321x128xf32, #tpu.memory_space<hbm>>, %arg6: memref<2x1x2560xi32, #tpu.memory_space<vmem>>, %arg7: memref<2x1x2560xi32, #tpu.memory_space<vmem>>, %arg8: memref<16384xi32, #tpu.memory_space<vmem>>, %arg9: memref<16384xi32, #tpu.memory_space<vmem>>, %arg10: memref<2x16x128xf32, #tpu.memory_space<vmem>>, %arg11: memref<321x128xf32, #tpu.memory_space<vmem>>, %arg12: memref<!tpu.dma_semaphore, #tpu.memory_space<semaphore_mem>>, %arg13: memref<!tpu.dma_semaphore, #tpu.memory_space<semaphore_mem>>) attributes {dimension_semantics = [#tpu.dimension_semantics<core_parallel>, #tpu.dimension_semantics<subcore_parallel>], iteration_bounds = array<i64: 2, 16>, scalar_prefetch = 0 : i64, scratch_operands = 8 : i64, tpu.core_type = #tpu.core_type<sc_vector_subcore>, window_params = [{transform_indices = #map}, {transform_indices = #map1}, {transform_indices = #map1}, {transform_indices = #map2}]} {
    %mul3A = arith.constant 16 : i32
    %mul3A_0 = arith.muli %arg0, %mul3A : i32
    %add3A = arith.addi %mul3A_0, %arg1 : i32
    %mul3A_1 = arith.constant 320 : i32
    %mul3A_2 = arith.muli %add3A, %mul3A_1 : i32
    %iota3A = tpu.iota {dimensions = array<i32: 0>} : vector<16xi32>
    %broadcast_in_dim3A = arith.constant 0.000000e+00 : f32
    %broadcast_in_dim3A_3 = vector.broadcast %broadcast_in_dim3A : f32 to vector<16xf32>
    %scan3A = arith.constant 0 : i32
    %scan3A_4 = arith.constant 321 : i32
    %scan3A_5 = arith.addi %scan3A, %scan3A_4 : i32
    %scan3A_6 = arith.constant 1 : i32
    scf.for %scan3A_103 = %scan3A to %scan3A_5 step %scan3A_6  : i32 {
      %mul3A_104 = arith.constant 1 : i32
      %mul3A_105 = arith.muli %scan3A_103, %mul3A_104 : i32
      %add3A_106 = arith.constant 0 : i32
      %add3A_107 = arith.addi %add3A_106, %mul3A_105 : i32
      %scan3A_108 = arith.constant 0 : i32
      %scan3A_109 = arith.constant 8 : i32
      %scan3A_110 = arith.addi %scan3A_108, %scan3A_109 : i32
      %scan3A_111 = arith.constant 1 : i32
      scf.for %scan3A_113 = %scan3A_108 to %scan3A_110 step %scan3A_111  : i32 {
        %mul3A_114 = arith.constant 1 : i32
        %mul3A_115 = arith.muli %scan3A_113, %mul3A_114 : i32
        %add3A_116 = arith.constant 0 : i32
        %add3A_117 = arith.addi %add3A_116, %mul3A_115 : i32
        %mul3A_118 = arith.constant 16 : i32
        %mul3A_119 = arith.muli %add3A_117, %mul3A_118 : i32
        %swap3A = arith.index_cast %add3A_107 : i32 to index
        %swap3A_120 = arith.index_cast %mul3A_119 : i32 to index
        %swap3A_121 = tpu.vector_load %arg11[%swap3A, %swap3A_120] {strides = array<i32>} : memref<321x128xf32, #tpu.memory_space<vmem>>, vector<16xf32>,
        tpu.vector_store %arg11[%swap3A, %swap3A_120], %broadcast_in_dim3A_3 {strides = array<i32>} : memref<321x128xf32, #tpu.memory_space<vmem>>, vector<16xf32>,
      }
      %scan3A_112 = arith.constant 8 : i32
    }
    %scan3A_7 = arith.constant 321 : i32
    %dma_start3A = arith.constant 0 : i32
    %dma_start3A_8 = arith.constant 0 : i32
    %dma_start3A_9 = arith.constant 0 : i32
    %dma_start3A_10 = arith.constant 0 : i32
    %dma_start3A_11 = tpu.memref_slice %arg6[%dma_start3A_8, %dma_start3A_9, %dma_start3A_10] : memref<2x1x2560xi32, #tpu.memory_space<vmem>> -> memref<1x1x2560xi32, #tpu.memory_space<vmem>>
    %dma_start3A_12 = tpu.memref_squeeze %dma_start3A_11 : memref<1x1x2560xi32, #tpu.memory_space<vmem>> -> memref<1x2560xi32, #tpu.memory_space<vmem>>
    %dma_start3A_13 = arith.constant 0 : i32
    %dma_start3A_14 = arith.constant 0 : i32
    %dma_start3A_15 = tpu.memref_slice %arg3[%dma_start3A, %dma_start3A_13, %dma_start3A_14] : memref<125x1x2560xi32, #tpu.memory_space<hbm>> -> memref<1x1x2560xi32, #tpu.memory_space<hbm>>
    %dma_start3A_16 = tpu.memref_squeeze %dma_start3A_15 : memref<1x1x2560xi32, #tpu.memory_space<hbm>> -> memref<1x2560xi32, #tpu.memory_space<hbm>>
    %dma_start3A_17 = arith.constant 0 : i32
    %dma_start3A_18 = arith.constant 0 : i32
    %dma_start3A_19 = tpu.memref_slice %arg6[%dma_start3A_8, %dma_start3A_17, %dma_start3A_18] : memref<2x1x2560xi32, #tpu.memory_space<vmem>> -> memref<1x1x2560xi32, #tpu.memory_space<vmem>>
    %dma_start3A_20 = tpu.memref_squeeze %dma_start3A_19 : memref<1x1x2560xi32, #tpu.memory_space<vmem>> -> memref<1x2560xi32, #tpu.memory_space<vmem>>
    %dma_start3A_21 = arith.constant 0 : i32
    %dma_start3A_22 = arith.constant 0 : i32
    %dma_start3A_23 = tpu.memref_slice %arg3[%dma_start3A, %dma_start3A_21, %dma_start3A_22] : memref<125x1x2560xi32, #tpu.memory_space<hbm>> -> memref<1x1x2560xi32, #tpu.memory_space<hbm>>
    %dma_start3A_24 = tpu.memref_squeeze %dma_start3A_23 : memref<1x1x2560xi32, #tpu.memory_space<hbm>> -> memref<1x2560xi32, #tpu.memory_space<hbm>>
    tpu.enqueue_dma source(%dma_start3A_24 : memref<1x2560xi32, #tpu.memory_space<hbm>>) target(%dma_start3A_20 : memref<1x2560xi32, #tpu.memory_space<vmem>>) target_semaphore(%arg13 : memref<!tpu.dma_semaphore, #tpu.memory_space<semaphore_mem>>)
    %dma_start3A_25 = arith.constant 0 : i32
    %dma_start3A_26 = arith.constant 0 : i32
    %dma_start3A_27 = arith.constant 0 : i32
    %dma_start3A_28 = arith.constant 0 : i32
    %dma_start3A_29 = tpu.memref_slice %arg7[%dma_start3A_26, %dma_start3A_27, %dma_start3A_28] : memref<2x1x2560xi32, #tpu.memory_space<vmem>> -> memref<1x1x2560xi32, #tpu.memory_space<vmem>>
    %dma_start3A_30 = tpu.memref_squeeze %dma_start3A_29 : memref<1x1x2560xi32, #tpu.memory_space<vmem>> -> memref<1x2560xi32, #tpu.memory_space<vmem>>
    %dma_start3A_31 = arith.constant 0 : i32
    %dma_start3A_32 = arith.constant 0 : i32
    %dma_start3A_33 = tpu.memref_slice %arg4[%dma_start3A_25, %dma_start3A_31, %dma_start3A_32] : memref<125x1x2560xi32, #tpu.memory_space<hbm>> -> memref<1x1x2560xi32, #tpu.memory_space<hbm>>
    %dma_start3A_34 = tpu.memref_squeeze %dma_start3A_33 : memref<1x1x2560xi32, #tpu.memory_space<hbm>> -> memref<1x2560xi32, #tpu.memory_space<hbm>>
    %dma_start3A_35 = arith.constant 0 : i32
    %dma_start3A_36 = arith.constant 0 : i32
    %dma_start3A_37 = tpu.memref_slice %arg7[%dma_start3A_26, %dma_start3A_35, %dma_start3A_36] : memref<2x1x2560xi32, #tpu.memory_space<vmem>> -> memref<1x1x2560xi32, #tpu.memory_space<vmem>>
    %dma_start3A_38 = tpu.memref_squeeze %dma_start3A_37 : memref<1x1x2560xi32, #tpu.memory_space<vmem>> -> memref<1x2560xi32, #tpu.memory_space<vmem>>
    %dma_start3A_39 = arith.constant 0 : i32
    %dma_start3A_40 = arith.constant 0 : i32
    %dma_start3A_41 = tpu.memref_slice %arg4[%dma_start3A_25, %dma_start3A_39, %dma_start3A_40] : memref<125x1x2560xi32, #tpu.memory_space<hbm>> -> memref<1x1x2560xi32, #tpu.memory_space<hbm>>
    %dma_start3A_42 = tpu.memref_squeeze %dma_start3A_41 : memref<1x1x2560xi32, #tpu.memory_space<hbm>> -> memref<1x2560xi32, #tpu.memory_space<hbm>>
    tpu.enqueue_dma source(%dma_start3A_42 : memref<1x2560xi32, #tpu.memory_space<hbm>>) target(%dma_start3A_38 : memref<1x2560xi32, #tpu.memory_space<vmem>>) target_semaphore(%arg13 : memref<!tpu.dma_semaphore, #tpu.memory_space<semaphore_mem>>)
    %scan3A_43 = arith.constant 0 : i32
    %scan3A_44 = arith.constant 0 : i32
    %scan3A_45 = arith.constant 125 : i32
    %scan3A_46 = arith.addi %scan3A_44, %scan3A_45 : i32
    %scan3A_47 = arith.constant 1 : i32
    %scan3A_48 = scf.for %scan3A_103 = %scan3A_44 to %scan3A_46 step %scan3A_47 iter_args(%scan3A_104 = %scan3A_43) -> (i32)  : i32 {
      %mul3A_105 = arith.constant 1 : i32
      %mul3A_106 = arith.muli %scan3A_103, %mul3A_105 : i32
      %add3A_107 = arith.constant 0 : i32
      %add3A_108 = arith.addi %add3A_107, %mul3A_106 : i32
      %and3A_109 = arith.constant 1 : i32
      %and3A_110 = arith.andi %add3A_108, %and3A_109 : i32
      %dma_wait3A = arith.constant 0 : i32
      %dma_wait3A_111 = arith.constant 0 : i32
      %dma_wait3A_112 = tpu.memref_slice %arg6[%and3A_110, %dma_wait3A, %dma_wait3A_111] : memref<2x1x2560xi32, #tpu.memory_space<vmem>> -> memref<1x1x2560xi32, #tpu.memory_space<vmem>>
      %dma_wait3A_113 = tpu.memref_squeeze %dma_wait3A_112 : memref<1x1x2560xi32, #tpu.memory_space<vmem>> -> memref<1x2560xi32, #tpu.memory_space<vmem>>
      %dma_wait3A_114 = arith.constant 0 : i32
      %dma_wait3A_115 = arith.constant 0 : i32
      %dma_wait3A_116 = tpu.memref_slice %arg3[%add3A_108, %dma_wait3A_114, %dma_wait3A_115] : memref<125x1x2560xi32, #tpu.memory_space<hbm>> -> memref<1x1x2560xi32, #tpu.memory_space<hbm>>
      %dma_wait3A_117 = tpu.memref_squeeze %dma_wait3A_116 : memref<1x1x2560xi32, #tpu.memory_space<hbm>> -> memref<1x2560xi32, #tpu.memory_space<hbm>>
      %dma_wait3A_118 = arith.constant 0 : i32
      %dma_wait3A_119 = arith.constant 0 : i32
      %dma_wait3A_120 = tpu.memref_slice %arg6[%and3A_110, %dma_wait3A_118, %dma_wait3A_119] : memref<2x1x2560xi32, #tpu.memory_space<vmem>> -> memref<1x1x2560xi32, #tpu.memory_space<vmem>>
      %dma_wait3A_121 = tpu.memref_squeeze %dma_wait3A_120 : memref<1x1x2560xi32, #tpu.memory_space<vmem>> -> memref<1x2560xi32, #tpu.memory_space<vmem>>
      %dma_wait3A_122 = arith.constant 0 : i32
      %dma_wait3A_123 = arith.constant 0 : i32
      %dma_wait3A_124 = tpu.memref_slice %arg3[%add3A_108, %dma_wait3A_122, %dma_wait3A_123] : memref<125x1x2560xi32, #tpu.memory_space<hbm>> -> memref<1x1x2560xi32, #tpu.memory_space<hbm>>
      %dma_wait3A_125 = tpu.memref_squeeze %dma_wait3A_124 : memref<1x1x2560xi32, #tpu.memory_space<hbm>> -> memref<1x2560xi32, #tpu.memory_space<hbm>>
      tpu.wait_dma2 semaphore(%arg13 : memref<!tpu.dma_semaphore, #tpu.memory_space<semaphore_mem>>) src(%dma_wait3A_125 : memref<1x2560xi32, #tpu.memory_space<hbm>>) dst(%dma_wait3A_121 : memref<1x2560xi32, #tpu.memory_space<vmem>>)
      %dma_wait3A_126 = arith.constant 0 : i32
      %dma_wait3A_127 = arith.constant 0 : i32
      %dma_wait3A_128 = tpu.memref_slice %arg7[%and3A_110, %dma_wait3A_126, %dma_wait3A_127] : memref<2x1x2560xi32, #tpu.memory_space<vmem>> -> memref<1x1x2560xi32, #tpu.memory_space<vmem>>
      %dma_wait3A_129 = tpu.memref_squeeze %dma_wait3A_128 : memref<1x1x2560xi32, #tpu.memory_space<vmem>> -> memref<1x2560xi32, #tpu.memory_space<vmem>>
      %dma_wait3A_130 = arith.constant 0 : i32
      %dma_wait3A_131 = arith.constant 0 : i32
      %dma_wait3A_132 = tpu.memref_slice %arg4[%add3A_108, %dma_wait3A_130, %dma_wait3A_131] : memref<125x1x2560xi32, #tpu.memory_space<hbm>> -> memref<1x1x2560xi32, #tpu.memory_space<hbm>>
      %dma_wait3A_133 = tpu.memref_squeeze %dma_wait3A_132 : memref<1x1x2560xi32, #tpu.memory_space<hbm>> -> memref<1x2560xi32, #tpu.memory_space<hbm>>
      %dma_wait3A_134 = arith.constant 0 : i32
      %dma_wait3A_135 = arith.constant 0 : i32
      %dma_wait3A_136 = tpu.memref_slice %arg7[%and3A_110, %dma_wait3A_134, %dma_wait3A_135] : memref<2x1x2560xi32, #tpu.memory_space<vmem>> -> memref<1x1x2560xi32, #tpu.memory_space<vmem>>
      %dma_wait3A_137 = tpu.memref_squeeze %dma_wait3A_136 : memref<1x1x2560xi32, #tpu.memory_space<vmem>> -> memref<1x2560xi32, #tpu.memory_space<vmem>>
      %dma_wait3A_138 = arith.constant 0 : i32
      %dma_wait3A_139 = arith.constant 0 : i32
      %dma_wait3A_140 = tpu.memref_slice %arg4[%add3A_108, %dma_wait3A_138, %dma_wait3A_139] : memref<125x1x2560xi32, #tpu.memory_space<hbm>> -> memref<1x1x2560xi32, #tpu.memory_space<hbm>>
      %dma_wait3A_141 = tpu.memref_squeeze %dma_wait3A_140 : memref<1x1x2560xi32, #tpu.memory_space<hbm>> -> memref<1x2560xi32, #tpu.memory_space<hbm>>
      tpu.wait_dma2 semaphore(%arg13 : memref<!tpu.dma_semaphore, #tpu.memory_space<semaphore_mem>>) src(%dma_wait3A_141 : memref<1x2560xi32, #tpu.memory_space<hbm>>) dst(%dma_wait3A_137 : memref<1x2560xi32, #tpu.memory_space<vmem>>)
      %add3A_142 = arith.constant 1 : i32
      %add3A_143 = arith.addi %add3A_108, %add3A_142 : i32
      %lt3A = arith.constant 125 : i32
      %lt3A_144 = arith.cmpi slt, %add3A_143, %lt3A : i32
      %convert_element_type3A_145 = arith.extui %lt3A_144 : i1 to i32
      %cond3A_146 = arith.constant 0 : i32
      %cond3A_147 = arith.cmpi ne, %convert_element_type3A_145, %cond3A_146 : i32
      scf.if %cond3A_147 {
        %add3A_154 = arith.constant 1 : i32
        %add3A_155 = arith.addi %add3A_108, %add3A_154 : i32
        %and3A_156 = arith.constant 1 : i32
        %and3A_157 = arith.andi %add3A_155, %and3A_156 : i32
        %add3A_158 = arith.constant 1 : i32
        %add3A_159 = arith.addi %add3A_108, %add3A_158 : i32
        %dma_start3A_160 = arith.constant 0 : i32
        %dma_start3A_161 = arith.constant 0 : i32
        %dma_start3A_162 = tpu.memref_slice %arg6[%and3A_157, %dma_start3A_160, %dma_start3A_161] : memref<2x1x2560xi32, #tpu.memory_space<vmem>> -> memref<1x1x2560xi32, #tpu.memory_space<vmem>>
        %dma_start3A_163 = tpu.memref_squeeze %dma_start3A_162 : memref<1x1x2560xi32, #tpu.memory_space<vmem>> -> memref<1x2560xi32, #tpu.memory_space<vmem>>
        %dma_start3A_164 = arith.constant 0 : i32
        %dma_start3A_165 = arith.constant 0 : i32
        %dma_start3A_166 = tpu.memref_slice %arg3[%add3A_159, %dma_start3A_164, %dma_start3A_165] : memref<125x1x2560xi32, #tpu.memory_space<hbm>> -> memref<1x1x2560xi32, #tpu.memory_space<hbm>>
        %dma_start3A_167 = tpu.memref_squeeze %dma_start3A_166 : memref<1x1x2560xi32, #tpu.memory_space<hbm>> -> memref<1x2560xi32, #tpu.memory_space<hbm>>
        %dma_start3A_168 = arith.constant 0 : i32
        %dma_start3A_169 = arith.constant 0 : i32
        %dma_start3A_170 = tpu.memref_slice %arg6[%and3A_157, %dma_start3A_168, %dma_start3A_169] : memref<2x1x2560xi32, #tpu.memory_space<vmem>> -> memref<1x1x2560xi32, #tpu.memory_space<vmem>>
        %dma_start3A_171 = tpu.memref_squeeze %dma_start3A_170 : memref<1x1x2560xi32, #tpu.memory_space<vmem>> -> memref<1x2560xi32, #tpu.memory_space<vmem>>
        %dma_start3A_172 = arith.constant 0 : i32
        %dma_start3A_173 = arith.constant 0 : i32
        %dma_start3A_174 = tpu.memref_slice %arg3[%add3A_159, %dma_start3A_172, %dma_start3A_173] : memref<125x1x2560xi32, #tpu.memory_space<hbm>> -> memref<1x1x2560xi32, #tpu.memory_space<hbm>>
        %dma_start3A_175 = tpu.memref_squeeze %dma_start3A_174 : memref<1x1x2560xi32, #tpu.memory_space<hbm>> -> memref<1x2560xi32, #tpu.memory_space<hbm>>
        tpu.enqueue_dma source(%dma_start3A_175 : memref<1x2560xi32, #tpu.memory_space<hbm>>) target(%dma_start3A_171 : memref<1x2560xi32, #tpu.memory_space<vmem>>) target_semaphore(%arg13 : memref<!tpu.dma_semaphore, #tpu.memory_space<semaphore_mem>>)
        %add3A_176 = arith.constant 1 : i32
        %add3A_177 = arith.addi %add3A_108, %add3A_176 : i32
        %dma_start3A_178 = arith.constant 0 : i32
        %dma_start3A_179 = arith.constant 0 : i32
        %dma_start3A_180 = tpu.memref_slice %arg7[%and3A_157, %dma_start3A_178, %dma_start3A_179] : memref<2x1x2560xi32, #tpu.memory_space<vmem>> -> memref<1x1x2560xi32, #tpu.memory_space<vmem>>
        %dma_start3A_181 = tpu.memref_squeeze %dma_start3A_180 : memref<1x1x2560xi32, #tpu.memory_space<vmem>> -> memref<1x2560xi32, #tpu.memory_space<vmem>>
        %dma_start3A_182 = arith.constant 0 : i32
        %dma_start3A_183 = arith.constant 0 : i32
        %dma_start3A_184 = tpu.memref_slice %arg4[%add3A_177, %dma_start3A_182, %dma_start3A_183] : memref<125x1x2560xi32, #tpu.memory_space<hbm>> -> memref<1x1x2560xi32, #tpu.memory_space<hbm>>
        %dma_start3A_185 = tpu.memref_squeeze %dma_start3A_184 : memref<1x1x2560xi32, #tpu.memory_space<hbm>> -> memref<1x2560xi32, #tpu.memory_space<hbm>>
        %dma_start3A_186 = arith.constant 0 : i32
        %dma_start3A_187 = arith.constant 0 : i32
        %dma_start3A_188 = tpu.memref_slice %arg7[%and3A_157, %dma_start3A_186, %dma_start3A_187] : memref<2x1x2560xi32, #tpu.memory_space<vmem>> -> memref<1x1x2560xi32, #tpu.memory_space<vmem>>
        %dma_start3A_189 = tpu.memref_squeeze %dma_start3A_188 : memref<1x1x2560xi32, #tpu.memory_space<vmem>> -> memref<1x2560xi32, #tpu.memory_space<vmem>>
        %dma_start3A_190 = arith.constant 0 : i32
        %dma_start3A_191 = arith.constant 0 : i32
        %dma_start3A_192 = tpu.memref_slice %arg4[%add3A_177, %dma_start3A_190, %dma_start3A_191] : memref<125x1x2560xi32, #tpu.memory_space<hbm>> -> memref<1x1x2560xi32, #tpu.memory_space<hbm>>
        %dma_start3A_193 = tpu.memref_squeeze %dma_start3A_192 : memref<1x1x2560xi32, #tpu.memory_space<hbm>> -> memref<1x2560xi32, #tpu.memory_space<hbm>>
        tpu.enqueue_dma source(%dma_start3A_193 : memref<1x2560xi32, #tpu.memory_space<hbm>>) target(%dma_start3A_189 : memref<1x2560xi32, #tpu.memory_space<vmem>>) target_semaphore(%arg13 : memref<!tpu.dma_semaphore, #tpu.memory_space<semaphore_mem>>)
      } else {
      }
      %scan3A_148 = arith.constant 0 : i32
      %scan3A_149 = arith.constant 160 : i32
      %scan3A_150 = arith.addi %scan3A_148, %scan3A_149 : i32
      %scan3A_151 = arith.constant 1 : i32
      %scan3A_152 = scf.for %scan3A_154 = %scan3A_148 to %scan3A_150 step %scan3A_151 iter_args(%scan3A_155 = %scan3A_104) -> (i32)  : i32 {
        %mul3A_156 = arith.constant 1 : i32
        %mul3A_157 = arith.muli %scan3A_154, %mul3A_156 : i32
        %add3A_158 = arith.constant 0 : i32
        %add3A_159 = arith.addi %add3A_158, %mul3A_157 : i32
        %mul3A_160 = arith.constant 16 : i32
        %mul3A_161 = arith.muli %add3A_159, %mul3A_160 : i32
        %get3A = arith.constant 0 : i32
        %get3A_162 = arith.index_cast %and3A_110 : i32 to index
        %get3A_163 = arith.index_cast %get3A : i32 to index
        %get3A_164 = arith.index_cast %mul3A_161 : i32 to index
        %get3A_165 = tpu.vector_load %arg7[%get3A_162, %get3A_163, %get3A_164] {strides = array<i32>} : memref<2x1x2560xi32, #tpu.memory_space<vmem>>, vector<16xi32>,
        %mul3A_166 = arith.constant 16 : i32
        %mul3A_167 = arith.muli %add3A_159, %mul3A_166 : i32
        %get3A_168 = arith.constant 0 : i32
        %get3A_169 = arith.index_cast %and3A_110 : i32 to index
        %get3A_170 = arith.index_cast %get3A_168 : i32 to index
        %get3A_171 = arith.index_cast %mul3A_167 : i32 to index
        %get3A_172 = tpu.vector_load %arg6[%get3A_169, %get3A_170, %get3A_171] {strides = array<i32>} : memref<2x1x2560xi32, #tpu.memory_space<vmem>>, vector<16xi32>,
        %sub3A_173 = vector.broadcast %mul3A_2 : i32 to vector<16xi32>
        %sub3A_174 = arith.subi %get3A_165, %sub3A_173 : vector<16xi32>
        %ge3A_175 = arith.constant 0 : i32
        %ge3A_176 = vector.broadcast %ge3A_175 : i32 to vector<16xi32>
        %ge3A_177 = arith.cmpi sge, %sub3A_174, %ge3A_176 : vector<16xi32>
        %lt3A_178 = arith.constant 320 : i32
        %lt3A_179 = vector.broadcast %lt3A_178 : i32 to vector<16xi32>
        %lt3A_180 = arith.cmpi slt, %sub3A_174, %lt3A_179 : vector<16xi32>
        %and3A_181 = arith.andi %ge3A_177, %lt3A_180 : vector<16xi1>
        %convert_element_type3A_182 = arith.extui %and3A_181 : vector<16xi1> to vector<16xi32>
        %broadcast_in_dim3A_183 = arith.constant true
        %broadcast_in_dim3A_184 = vector.broadcast %broadcast_in_dim3A_183 : i1 to vector<16xi1>
        %masked_cumsum3A = tpu.scan <sum>, %convert_element_type3A_182 masked %broadcast_in_dim3A_184 : vector<16xi32>, vector<16xi1> -> vector<16xi32>
        %add3A_185 = vector.broadcast %scan3A_155 : i32 to vector<16xi32>
        %add3A_186 = arith.addi %add3A_185, %masked_cumsum3A : vector<16xi32>
        %sub3A_187 = arith.constant 1 : i32
        %sub3A_188 = vector.broadcast %sub3A_187 : i32 to vector<16xi32>
        %sub3A_189 = arith.subi %add3A_186, %sub3A_188 : vector<16xi32>
        %max3A = arith.constant 0 : i32
        %max3A_190 = vector.broadcast %max3A : i32 to vector<16xi32>
        %max3A_191 = arith.maxsi %sub3A_189, %max3A_190 : vector<16xi32>
        %lt3A_192 = arith.constant 16384 : i32
        %lt3A_193 = vector.broadcast %lt3A_192 : i32 to vector<16xi32>
        %lt3A_194 = arith.cmpi slt, %max3A_191, %lt3A_193 : vector<16xi32>
        %and3A_195 = arith.andi %and3A_181, %lt3A_194 : vector<16xi1>
        tpu.vector_store_idx %arg8[%max3A_191], %get3A_172 masked %and3A_195 : memref<16384xi32, #tpu.memory_space<vmem>>[vector<16xi32>], vector<16xi32>, vector<16xi1>
        %max3A_196 = arith.constant 0 : i32
        %max3A_197 = vector.broadcast %max3A_196 : i32 to vector<16xi32>
        %max3A_198 = arith.maxsi %sub3A_174, %max3A_197 : vector<16xi32>
        %min3A_199 = arith.constant 319 : i32
        %min3A_200 = vector.broadcast %min3A_199 : i32 to vector<16xi32>
        %min3A_201 = arith.minsi %max3A_198, %min3A_200 : vector<16xi32>
        tpu.vector_store_idx %arg9[%max3A_191], %min3A_201 masked %and3A_195 : memref<16384xi32, #tpu.memory_space<vmem>>[vector<16xi32>], vector<16xi32>, vector<16xi1>
        %reduce_max3A = arith.constant true
        %reduce_max3A_202 = vector.broadcast %reduce_max3A : i1 to vector<16xi1>
        %reduce_max3A_203 = arith.constant -2147483648 : i32
        %reduce_max3A_204 = vector.broadcast %reduce_max3A_203 : i32 to vector<16xi32>
        %reduce_max3A_205 = arith.xori %masked_cumsum3A, %reduce_max3A_204 : vector<16xi32>
        %reduce_max3A_206 = tpu.scan <max>, %reduce_max3A_205 masked %reduce_max3A_202 : vector<16xi32>, vector<16xi1> -> vector<16xi32>
        %reduce_max3A_207 = arith.xori %reduce_max3A_206, %reduce_max3A_204 : vector<16xi32>
        %reduce_max3A_208 = vector.extract %reduce_max3A_207[15] : i32 from vector<16xi32>
        %add3A_209 = arith.addi %scan3A_155, %reduce_max3A_208 : i32
        scf.yield %add3A_209 : i32
      }
      %scan3A_153 = arith.constant 160 : i32
      scf.yield %scan3A_152 : i32
    }
    %scan3A_49 = arith.constant 125 : i32
    %add3A_50 = vector.broadcast %scan3A_48 : i32 to vector<16xi32>
    %add3A_51 = arith.addi %add3A_50, %iota3A : vector<16xi32>
    %min3A = arith.constant 16383 : i32
    %min3A_52 = vector.broadcast %min3A : i32 to vector<16xi32>
    %min3A_53 = arith.minsi %add3A_51, %min3A_52 : vector<16xi32>
    %broadcast_in_dim3A_54 = arith.constant 0 : i32
    %broadcast_in_dim3A_55 = vector.broadcast %broadcast_in_dim3A_54 : i32 to vector<16xi32>
    %ge3A = vector.broadcast %scan3A_48 : i32 to vector<16xi32>
    %ge3A_56 = arith.cmpi sge, %min3A_53, %ge3A : vector<16xi32>
    tpu.vector_store_idx %arg8[%min3A_53], %broadcast_in_dim3A_55 masked %ge3A_56 : memref<16384xi32, #tpu.memory_space<vmem>>[vector<16xi32>], vector<16xi32>, vector<16xi1>
    %broadcast_in_dim3A_57 = arith.constant 320 : i32
    %broadcast_in_dim3A_58 = vector.broadcast %broadcast_in_dim3A_57 : i32 to vector<16xi32>
    %ge3A_59 = vector.broadcast %scan3A_48 : i32 to vector<16xi32>
    %ge3A_60 = arith.cmpi sge, %min3A_53, %ge3A_59 : vector<16xi32>
    tpu.vector_store_idx %arg9[%min3A_53], %broadcast_in_dim3A_58 masked %ge3A_60 : memref<16384xi32, #tpu.memory_space<vmem>>[vector<16xi32>], vector<16xi32>, vector<16xi1>
    %add3A_61 = arith.constant 16 : i32
    %add3A_62 = arith.addi %scan3A_48, %add3A_61 : i32
    %sub3A = arith.constant 1 : i32
    %sub3A_63 = arith.subi %add3A_62, %sub3A : i32
    %jit3A = arith.constant 16 : i32
    %div3A = arith.divsi %sub3A_63, %jit3A : i32
    %sign3A = arith.constant 0 : i32
    %sign3A_64 = arith.cmpi sgt, %sub3A_63, %sign3A : i32
    %sign3A_65 = arith.extui %sign3A_64 : i1 to i32
    %sign3A_66 = arith.constant 0 : i32
    %sign3A_67 = arith.cmpi slt, %sub3A_63, %sign3A_66 : i32
    %sign3A_68 = arith.extui %sign3A_67 : i1 to i32
    %sign3A_69 = arith.subi %sign3A_65, %sign3A_68 : i32
    %sign3A_70 = arith.constant 0 : i32
    %sign3A_71 = arith.cmpi sgt, %jit3A, %sign3A_70 : i32
    %sign3A_72 = arith.extui %sign3A_71 : i1 to i32
    %sign3A_73 = arith.constant 0 : i32
    %sign3A_74 = arith.cmpi slt, %jit3A, %sign3A_73 : i32
    %sign3A_75 = arith.extui %sign3A_74 : i1 to i32
    %sign3A_76 = arith.subi %sign3A_72, %sign3A_75 : i32
    %ne3A = arith.cmpi ne, %sign3A_69, %sign3A_76 : i32
    %rem3A = arith.remsi %sub3A_63, %jit3A : i32
    %ne3A_77 = arith.constant 0 : i32
    %ne3A_78 = arith.cmpi ne, %rem3A, %ne3A_77 : i32
    %and3A = arith.andi %ne3A, %ne3A_78 : i1
    %sub3A_79 = arith.constant 1 : i32
    %sub3A_80 = arith.subi %div3A, %sub3A_79 : i32
    %select_n3A = arith.select %and3A, %sub3A_80, %div3A : i32
    %min3A_81 = arith.constant 1024 : i32
    %min3A_82 = arith.minsi %select_n3A, %min3A_81 : i32
    %gt3A = arith.constant 0 : i32
    %gt3A_83 = arith.cmpi sgt, %min3A_82, %gt3A : i32
    %convert_element_type3A = arith.extui %gt3A_83 : i1 to i32
    %cond3A = arith.constant 0 : i32
    %cond3A_84 = arith.cmpi ne, %convert_element_type3A, %cond3A : i32
    scf.if %cond3A_84 {
      %get3A = arith.constant 0 : index
      %get3A_103 = tpu.vector_load %arg8[%get3A] {strides = array<i32>} : memref<16384xi32, #tpu.memory_space<vmem>>, vector<16xi32>,
      %dma_start3A_104 = arith.constant 0 : i32
      %dma_start3A_105 = arith.constant 0 : i32
      %dma_start3A_106 = arith.constant 0 : i32
      %dma_start3A_107 = tpu.memref_slice %arg10[%dma_start3A_104, %dma_start3A_105, %dma_start3A_106] : memref<2x16x128xf32, #tpu.memory_space<vmem>> -> memref<1x16x128xf32, #tpu.memory_space<vmem>>
      %dma_start3A_108 = tpu.memref_squeeze %dma_start3A_107 : memref<1x16x128xf32, #tpu.memory_space<vmem>> -> memref<16x128xf32, #tpu.memory_space<vmem>>
      %dma_start3A_109 = arith.constant 0 : i32
      %dma_start3A_110 = arith.constant 0 : i32
      %dma_start3A_111 = tpu.memref_slice %arg2[%dma_start3A_109, %dma_start3A_110] : memref<10000x128xf32, #tpu.memory_space<hbm>> -> memref<10000x128xf32, #tpu.memory_space<hbm>>
      tpu.enqueue_indirect_dma source(%dma_start3A_111 : memref<10000x128xf32, #tpu.memory_space<hbm>>) target(%dma_start3A_108 : memref<16x128xf32, #tpu.memory_space<vmem>>) offsets(%get3A_103 : vector<16xi32>) semaphore(%arg12 : memref<!tpu.dma_semaphore, #tpu.memory_space<semaphore_mem>>)
    } else {
    }
    %sub3A_85 = arith.constant 0 : i32
    %sub3A_86 = arith.subi %min3A_82, %sub3A_85 : i32
    %sub3A_87 = arith.constant 1 : i32
    %sub3A_88 = arith.constant 1 : i32
    %sub3A_89 = arith.subi %sub3A_87, %sub3A_88 : i32
    %add3A_90 = arith.addi %sub3A_86, %sub3A_89 : i32
    %div3A_91 = arith.constant 1 : i32
    %div3A_92 = arith.divsi %add3A_90, %div3A_91 : i32
    %while3A = arith.constant 1 : i32
    %while3A_93 = arith.constant 0 : i32
    %while3A_94 = arith.constant 0 : i32
    %while3A_95 = arith.subi %div3A_92, %while3A_94 : i32
    %while3A_96 = arith.addi %while3A_94, %while3A_95 : i32
    %while3A_97 = arith.constant 1 : i32
    %while3A_98 = arith.divsi %while3A_95, %while3A_97 : i32
    %while3A_99 = arith.muli %while3A_98, %while3A_97 : i32
    %while3A_100 = arith.addi %while3A_94, %while3A_99 : i32
    %while3A_101 = arith.constant 1 : i32
    scf.for %while3A_103 = %while3A_94 to %while3A_100 step %while3A_101  : i32 {
      %mul3A_104 = arith.muli %while3A_103, %while3A : i32
      %add3A_105 = arith.addi %while3A_93, %mul3A_104 : i32
      %and3A_106 = arith.constant 1 : i32
      %and3A_107 = arith.andi %add3A_105, %and3A_106 : i32
      %mul3A_108 = arith.constant 16 : i32
      %mul3A_109 = arith.muli %add3A_105, %mul3A_108 : i32
      %get3A = arith.index_cast %mul3A_109 : i32 to index
      %get3A_110 = tpu.vector_load %arg8[%get3A] {strides = array<i32>} : memref<16384xi32, #tpu.memory_space<vmem>>, vector<16xi32>,
      %mul3A_111 = arith.constant 16 : i32
      %mul3A_112 = arith.muli %add3A_105, %mul3A_111 : i32
      %get3A_113 = arith.index_cast %mul3A_112 : i32 to index
      %get3A_114 = tpu.vector_load %arg9[%get3A_113] {strides = array<i32>} : memref<16384xi32, #tpu.memory_space<vmem>>, vector<16xi32>,
      %dma_wait3A = arith.constant 0 : i32
      %dma_wait3A_115 = arith.constant 0 : i32
      %dma_wait3A_116 = tpu.memref_slice %arg10[%and3A_107, %dma_wait3A, %dma_wait3A_115] : memref<2x16x128xf32, #tpu.memory_space<vmem>> -> memref<1x16x128xf32, #tpu.memory_space<vmem>>
      %dma_wait3A_117 = tpu.memref_squeeze %dma_wait3A_116 : memref<1x16x128xf32, #tpu.memory_space<vmem>> -> memref<16x128xf32, #tpu.memory_space<vmem>>
      %dma_wait3A_118 = arith.constant 0 : i32
      %dma_wait3A_119 = arith.constant 0 : i32
      %dma_wait3A_120 = tpu.memref_slice %arg2[%dma_wait3A_118, %dma_wait3A_119] : memref<10000x128xf32, #tpu.memory_space<hbm>> -> memref<10000x128xf32, #tpu.memory_space<hbm>>
      tpu.wait_indirect_dma semaphore(%arg12 : memref<!tpu.dma_semaphore, #tpu.memory_space<semaphore_mem>>) src(%dma_wait3A_120 : memref<10000x128xf32, #tpu.memory_space<hbm>>) dst(%dma_wait3A_117 : memref<16x128xf32, #tpu.memory_space<vmem>>)
      %add3A_121 = arith.constant 1 : i32
      %add3A_122 = arith.addi %add3A_105, %add3A_121 : i32
      %lt3A = arith.cmpi slt, %add3A_122, %min3A_82 : i32
      %convert_element_type3A_123 = arith.extui %lt3A : i1 to i32
      %cond3A_124 = arith.constant 0 : i32
      %cond3A_125 = arith.cmpi ne, %convert_element_type3A_123, %cond3A_124 : i32
      scf.if %cond3A_125 {
        %add3A_513 = arith.constant 1 : i32
        %add3A_514 = arith.addi %add3A_105, %add3A_513 : i32
        %mul3A_515 = arith.constant 16 : i32
        %mul3A_516 = arith.muli %add3A_514, %mul3A_515 : i32
        %get3A_517 = arith.index_cast %mul3A_516 : i32 to index
        %get3A_518 = tpu.vector_load %arg8[%get3A_517] {strides = array<i32>} : memref<16384xi32, #tpu.memory_space<vmem>>, vector<16xi32>,
        %add3A_519 = arith.constant 1 : i32
        %add3A_520 = arith.addi %add3A_105, %add3A_519 : i32
        %and3A_521 = arith.constant 1 : i32
        %and3A_522 = arith.andi %add3A_520, %and3A_521 : i32
        %dma_start3A_523 = arith.constant 0 : i32
        %dma_start3A_524 = arith.constant 0 : i32
        %dma_start3A_525 = tpu.memref_slice %arg10[%and3A_522, %dma_start3A_523, %dma_start3A_524] : memref<2x16x128xf32, #tpu.memory_space<vmem>> -> memref<1x16x128xf32, #tpu.memory_space<vmem>>
        %dma_start3A_526 = tpu.memref_squeeze %dma_start3A_525 : memref<1x16x128xf32, #tpu.memory_space<vmem>> -> memref<16x128xf32, #tpu.memory_space<vmem>>
        %dma_start3A_527 = arith.constant 0 : i32
        %dma_start3A_528 = arith.constant 0 : i32
        %dma_start3A_529 = tpu.memref_slice %arg2[%dma_start3A_527, %dma_start3A_528] : memref<10000x128xf32, #tpu.memory_space<hbm>> -> memref<10000x128xf32, #tpu.memory_space<hbm>>
        tpu.enqueue_indirect_dma source(%dma_start3A_529 : memref<10000x128xf32, #tpu.memory_space<hbm>>) target(%dma_start3A_526 : memref<16x128xf32, #tpu.memory_space<vmem>>) offsets(%get3A_518 : vector<16xi32>) semaphore(%arg12 : memref<!tpu.dma_semaphore, #tpu.memory_space<semaphore_mem>>)
      } else {
      }
      %broadcast_in_dim3A_126 = arith.constant 0 : i32
      %broadcast_in_dim3A_127 = vector.broadcast %broadcast_in_dim3A_126 : i32 to vector<16xi32>
      %add3A_128 = vector.broadcast %and3A_107 : i32 to vector<16xi32>
      %add3A_129 = arith.addi %broadcast_in_dim3A_127, %add3A_128 : vector<16xi32>
      %broadcast_in_dim3A_130 = arith.constant 0 : i32
      %broadcast_in_dim3A_131 = vector.broadcast %broadcast_in_dim3A_130 : i32 to vector<16xi32>
      %gather3A = tpu.vector_load_idx %arg10[%add3A_129, %iota3A, %broadcast_in_dim3A_131] : memref<2x16x128xf32, #tpu.memory_space<vmem>>[vector<16xi32>, vector<16xi32>, vector<16xi32>], vector<16xf32>,
      tpu.vector_store_idx %arg11[%get3A_114, %broadcast_in_dim3A_131], %gather3A {add = true} : memref<321x128xf32, #tpu.memory_space<vmem>>[vector<16xi32>, vector<16xi32>], vector<16xf32>,
      %broadcast_in_dim3A_132 = arith.constant 1 : i32
      %broadcast_in_dim3A_133 = vector.broadcast %broadcast_in_dim3A_132 : i32 to vector<16xi32>
      %gather3A_134 = tpu.vector_load_idx %arg10[%add3A_129, %iota3A, %broadcast_in_dim3A_133] : memref<2x16x128xf32, #tpu.memory_space<vmem>>[vector<16xi32>, vector<16xi32>, vector<16xi32>], vector<16xf32>,
      tpu.vector_store_idx %arg11[%get3A_114, %broadcast_in_dim3A_133], %gather3A_134 {add = true} : memref<321x128xf32, #tpu.memory_space<vmem>>[vector<16xi32>, vector<16xi32>], vector<16xf32>,
      %broadcast_in_dim3A_135 = arith.constant 2 : i32
      %broadcast_in_dim3A_136 = vector.broadcast %broadcast_in_dim3A_135 : i32 to vector<16xi32>
      %gather3A_137 = tpu.vector_load_idx %arg10[%add3A_129, %iota3A, %broadcast_in_dim3A_136] : memref<2x16x128xf32, #tpu.memory_space<vmem>>[vector<16xi32>, vector<16xi32>, vector<16xi32>], vector<16xf32>,
      tpu.vector_store_idx %arg11[%get3A_114, %broadcast_in_dim3A_136], %gather3A_137 {add = true} : memref<321x128xf32, #tpu.memory_space<vmem>>[vector<16xi32>, vector<16xi32>], vector<16xf32>,
      %broadcast_in_dim3A_138 = arith.constant 3 : i32
      %broadcast_in_dim3A_139 = vector.broadcast %broadcast_in_dim3A_138 : i32 to vector<16xi32>
      %gather3A_140 = tpu.vector_load_idx %arg10[%add3A_129, %iota3A, %broadcast_in_dim3A_139] : memref<2x16x128xf32, #tpu.memory_space<vmem>>[vector<16xi32>, vector<16xi32>, vector<16xi32>], vector<16xf32>,
      tpu.vector_store_idx %arg11[%get3A_114, %broadcast_in_dim3A_139], %gather3A_140 {add = true} : memref<321x128xf32, #tpu.memory_space<vmem>>[vector<16xi32>, vector<16xi32>], vector<16xf32>,
      %broadcast_in_dim3A_141 = arith.constant 4 : i32
      %broadcast_in_dim3A_142 = vector.broadcast %broadcast_in_dim3A_141 : i32 to vector<16xi32>
      %gather3A_143 = tpu.vector_load_idx %arg10[%add3A_129, %iota3A, %broadcast_in_dim3A_142] : memref<2x16x128xf32, #tpu.memory_space<vmem>>[vector<16xi32>, vector<16xi32>, vector<16xi32>], vector<16xf32>,
      tpu.vector_store_idx %arg11[%get3A_114, %broadcast_in_dim3A_142], %gather3A_143 {add = true} : memref<321x128xf32, #tpu.memory_space<vmem>>[vector<16xi32>, vector<16xi32>], vector<16xf32>,
      %broadcast_in_dim3A_144 = arith.constant 5 : i32
      %broadcast_in_dim3A_145 = vector.broadcast %broadcast_in_dim3A_144 : i32 to vector<16xi32>
      %gather3A_146 = tpu.vector_load_idx %arg10[%add3A_129, %iota3A, %broadcast_in_dim3A_145] : memref<2x16x128xf32, #tpu.memory_space<vmem>>[vector<16xi32>, vector<16xi32>, vector<16xi32>], vector<16xf32>,
      tpu.vector_store_idx %arg11[%get3A_114, %broadcast_in_dim3A_145], %gather3A_146 {add = true} : memref<321x128xf32, #tpu.memory_space<vmem>>[vector<16xi32>, vector<16xi32>], vector<16xf32>,
      %broadcast_in_dim3A_147 = arith.constant 6 : i32
      %broadcast_in_dim3A_148 = vector.broadcast %broadcast_in_dim3A_147 : i32 to vector<16xi32>
      %gather3A_149 = tpu.vector_load_idx %arg10[%add3A_129, %iota3A, %broadcast_in_dim3A_148] : memref<2x16x128xf32, #tpu.memory_space<vmem>>[vector<16xi32>, vector<16xi32>, vector<16xi32>], vector<16xf32>,
      tpu.vector_store_idx %arg11[%get3A_114, %broadcast_in_dim3A_148], %gather3A_149 {add = true} : memref<321x128xf32, #tpu.memory_space<vmem>>[vector<16xi32>, vector<16xi32>], vector<16xf32>,
      %broadcast_in_dim3A_150 = arith.constant 7 : i32
      %broadcast_in_dim3A_151 = vector.broadcast %broadcast_in_dim3A_150 : i32 to vector<16xi32>
      %gather3A_152 = tpu.vector_load_idx %arg10[%add3A_129, %iota3A, %broadcast_in_dim3A_151] : memref<2x16x128xf32, #tpu.memory_space<vmem>>[vector<16xi32>, vector<16xi32>, vector<16xi32>], vector<16xf32>,
      tpu.vector_store_idx %arg11[%get3A_114, %broadcast_in_dim3A_151], %gather3A_152 {add = true} : memref<321x128xf32, #tpu.memory_space<vmem>>[vector<16xi32>, vector<16xi32>], vector<16xf32>,
      %broadcast_in_dim3A_153 = arith.constant 8 : i32
      %broadcast_in_dim3A_154 = vector.broadcast %broadcast_in_dim3A_153 : i32 to vector<16xi32>
      %gather3A_155 = tpu.vector_load_idx %arg10[%add3A_129, %iota3A, %broadcast_in_dim3A_154] : memref<2x16x128xf32, #tpu.memory_space<vmem>>[vector<16xi32>, vector<16xi32>, vector<16xi32>], vector<16xf32>,
      tpu.vector_store_idx %arg11[%get3A_114, %broadcast_in_dim3A_154], %gather3A_155 {add = true} : memref<321x128xf32, #tpu.memory_space<vmem>>[vector<16xi32>, vector<16xi32>], vector<16xf32>,
      %broadcast_in_dim3A_156 = arith.constant 9 : i32
      %broadcast_in_dim3A_157 = vector.broadcast %broadcast_in_dim3A_156 : i32 to vector<16xi32>
      %gather3A_158 = tpu.vector_load_idx %arg10[%add3A_129, %iota3A, %broadcast_in_dim3A_157] : memref<2x16x128xf32, #tpu.memory_space<vmem>>[vector<16xi32>, vector<16xi32>, vector<16xi32>], vector<16xf32>,
      tpu.vector_store_idx %arg11[%get3A_114, %broadcast_in_dim3A_157], %gather3A_158 {add = true} : memref<321x128xf32, #tpu.memory_space<vmem>>[vector<16xi32>, vector<16xi32>], vector<16xf32>,
      %broadcast_in_dim3A_159 = arith.constant 10 : i32
      %broadcast_in_dim3A_160 = vector.broadcast %broadcast_in_dim3A_159 : i32 to vector<16xi32>
      %gather3A_161 = tpu.vector_load_idx %arg10[%add3A_129, %iota3A, %broadcast_in_dim3A_160] : memref<2x16x128xf32, #tpu.memory_space<vmem>>[vector<16xi32>, vector<16xi32>, vector<16xi32>], vector<16xf32>,
      tpu.vector_store_idx %arg11[%get3A_114, %broadcast_in_dim3A_160], %gather3A_161 {add = true} : memref<321x128xf32, #tpu.memory_space<vmem>>[vector<16xi32>, vector<16xi32>], vector<16xf32>,
      %broadcast_in_dim3A_162 = arith.constant 11 : i32
      %broadcast_in_dim3A_163 = vector.broadcast %broadcast_in_dim3A_162 : i32 to vector<16xi32>
      %gather3A_164 = tpu.vector_load_idx %arg10[%add3A_129, %iota3A, %broadcast_in_dim3A_163] : memref<2x16x128xf32, #tpu.memory_space<vmem>>[vector<16xi32>, vector<16xi32>, vector<16xi32>], vector<16xf32>,
      tpu.vector_store_idx %arg11[%get3A_114, %broadcast_in_dim3A_163], %gather3A_164 {add = true} : memref<321x128xf32, #tpu.memory_space<vmem>>[vector<16xi32>, vector<16xi32>], vector<16xf32>,
      %broadcast_in_dim3A_165 = arith.constant 12 : i32
      %broadcast_in_dim3A_166 = vector.broadcast %broadcast_in_dim3A_165 : i32 to vector<16xi32>
      %gather3A_167 = tpu.vector_load_idx %arg10[%add3A_129, %iota3A, %broadcast_in_dim3A_166] : memref<2x16x128xf32, #tpu.memory_space<vmem>>[vector<16xi32>, vector<16xi32>, vector<16xi32>], vector<16xf32>,
      tpu.vector_store_idx %arg11[%get3A_114, %broadcast_in_dim3A_166], %gather3A_167 {add = true} : memref<321x128xf32, #tpu.memory_space<vmem>>[vector<16xi32>, vector<16xi32>], vector<16xf32>,
      %broadcast_in_dim3A_168 = arith.constant 13 : i32
      %broadcast_in_dim3A_169 = vector.broadcast %broadcast_in_dim3A_168 : i32 to vector<16xi32>
      %gather3A_170 = tpu.vector_load_idx %arg10[%add3A_129, %iota3A, %broadcast_in_dim3A_169] : memref<2x16x128xf32, #tpu.memory_space<vmem>>[vector<16xi32>, vector<16xi32>, vector<16xi32>], vector<16xf32>,
      tpu.vector_store_idx %arg11[%get3A_114, %broadcast_in_dim3A_169], %gather3A_170 {add = true} : memref<321x128xf32, #tpu.memory_space<vmem>>[vector<16xi32>, vector<16xi32>], vector<16xf32>,
      %broadcast_in_dim3A_171 = arith.constant 14 : i32
      %broadcast_in_dim3A_172 = vector.broadcast %broadcast_in_dim3A_171 : i32 to vector<16xi32>
      %gather3A_173 = tpu.vector_load_idx %arg10[%add3A_129, %iota3A, %broadcast_in_dim3A_172] : memref<2x16x128xf32, #tpu.memory_space<vmem>>[vector<16xi32>, vector<16xi32>, vector<16xi32>], vector<16xf32>,
      tpu.vector_store_idx %arg11[%get3A_114, %broadcast_in_dim3A_172], %gather3A_173 {add = true} : memref<321x128xf32, #tpu.memory_space<vmem>>[vector<16xi32>, vector<16xi32>], vector<16xf32>,
      %broadcast_in_dim3A_174 = arith.constant 15 : i32
      %broadcast_in_dim3A_175 = vector.broadcast %broadcast_in_dim3A_174 : i32 to vector<16xi32>
      %gather3A_176 = tpu.vector_load_idx %arg10[%add3A_129, %iota3A, %broadcast_in_dim3A_175] : memref<2x16x128xf32, #tpu.memory_space<vmem>>[vector<16xi32>, vector<16xi32>, vector<16xi32>], vector<16xf32>,
      tpu.vector_store_idx %arg11[%get3A_114, %broadcast_in_dim3A_175], %gather3A_176 {add = true} : memref<321x128xf32, #tpu.memory_space<vmem>>[vector<16xi32>, vector<16xi32>], vector<16xf32>,
      %broadcast_in_dim3A_177 = arith.constant 16 : i32
      %broadcast_in_dim3A_178 = vector.broadcast %broadcast_in_dim3A_177 : i32 to vector<16xi32>
      %gather3A_179 = tpu.vector_load_idx %arg10[%add3A_129, %iota3A, %broadcast_in_dim3A_178] : memref<2x16x128xf32, #tpu.memory_space<vmem>>[vector<16xi32>, vector<16xi32>, vector<16xi32>], vector<16xf32>,
      tpu.vector_store_idx %arg11[%get3A_114, %broadcast_in_dim3A_178], %gather3A_179 {add = true} : memref<321x128xf32, #tpu.memory_space<vmem>>[vector<16xi32>, vector<16xi32>], vector<16xf32>,
      %broadcast_in_dim3A_180 = arith.constant 17 : i32
      %broadcast_in_dim3A_181 = vector.broadcast %broadcast_in_dim3A_180 : i32 to vector<16xi32>
      %gather3A_182 = tpu.vector_load_idx %arg10[%add3A_129, %iota3A, %broadcast_in_dim3A_181] : memref<2x16x128xf32, #tpu.memory_space<vmem>>[vector<16xi32>, vector<16xi32>, vector<16xi32>], vector<16xf32>,
      tpu.vector_store_idx %arg11[%get3A_114, %broadcast_in_dim3A_181], %gather3A_182 {add = true} : memref<321x128xf32, #tpu.memory_space<vmem>>[vector<16xi32>, vector<16xi32>], vector<16xf32>,
      %broadcast_in_dim3A_183 = arith.constant 18 : i32
      %broadcast_in_dim3A_184 = vector.broadcast %broadcast_in_dim3A_183 : i32 to vector<16xi32>
      %gather3A_185 = tpu.vector_load_idx %arg10[%add3A_129, %iota3A, %broadcast_in_dim3A_184] : memref<2x16x128xf32, #tpu.memory_space<vmem>>[vector<16xi32>, vector<16xi32>, vector<16xi32>], vector<16xf32>,
      tpu.vector_store_idx %arg11[%get3A_114, %broadcast_in_dim3A_184], %gather3A_185 {add = true} : memref<321x128xf32, #tpu.memory_space<vmem>>[vector<16xi32>, vector<16xi32>], vector<16xf32>,
      %broadcast_in_dim3A_186 = arith.constant 19 : i32
      %broadcast_in_dim3A_187 = vector.broadcast %broadcast_in_dim3A_186 : i32 to vector<16xi32>
      %gather3A_188 = tpu.vector_load_idx %arg10[%add3A_129, %iota3A, %broadcast_in_dim3A_187] : memref<2x16x128xf32, #tpu.memory_space<vmem>>[vector<16xi32>, vector<16xi32>, vector<16xi32>], vector<16xf32>,
      tpu.vector_store_idx %arg11[%get3A_114, %broadcast_in_dim3A_187], %gather3A_188 {add = true} : memref<321x128xf32, #tpu.memory_space<vmem>>[vector<16xi32>, vector<16xi32>], vector<16xf32>,
      %broadcast_in_dim3A_189 = arith.constant 20 : i32
      %broadcast_in_dim3A_190 = vector.broadcast %broadcast_in_dim3A_189 : i32 to vector<16xi32>
      %gather3A_191 = tpu.vector_load_idx %arg10[%add3A_129, %iota3A, %broadcast_in_dim3A_190] : memref<2x16x128xf32, #tpu.memory_space<vmem>>[vector<16xi32>, vector<16xi32>, vector<16xi32>], vector<16xf32>,
      tpu.vector_store_idx %arg11[%get3A_114, %broadcast_in_dim3A_190], %gather3A_191 {add = true} : memref<321x128xf32, #tpu.memory_space<vmem>>[vector<16xi32>, vector<16xi32>], vector<16xf32>,
      %broadcast_in_dim3A_192 = arith.constant 21 : i32
      %broadcast_in_dim3A_193 = vector.broadcast %broadcast_in_dim3A_192 : i32 to vector<16xi32>
      %gather3A_194 = tpu.vector_load_idx %arg10[%add3A_129, %iota3A, %broadcast_in_dim3A_193] : memref<2x16x128xf32, #tpu.memory_space<vmem>>[vector<16xi32>, vector<16xi32>, vector<16xi32>], vector<16xf32>,
      tpu.vector_store_idx %arg11[%get3A_114, %broadcast_in_dim3A_193], %gather3A_194 {add = true} : memref<321x128xf32, #tpu.memory_space<vmem>>[vector<16xi32>, vector<16xi32>], vector<16xf32>,
      %broadcast_in_dim3A_195 = arith.constant 22 : i32
      %broadcast_in_dim3A_196 = vector.broadcast %broadcast_in_dim3A_195 : i32 to vector<16xi32>
      %gather3A_197 = tpu.vector_load_idx %arg10[%add3A_129, %iota3A, %broadcast_in_dim3A_196] : memref<2x16x128xf32, #tpu.memory_space<vmem>>[vector<16xi32>, vector<16xi32>, vector<16xi32>], vector<16xf32>,
      tpu.vector_store_idx %arg11[%get3A_114, %broadcast_in_dim3A_196], %gather3A_197 {add = true} : memref<321x128xf32, #tpu.memory_space<vmem>>[vector<16xi32>, vector<16xi32>], vector<16xf32>,
      %broadcast_in_dim3A_198 = arith.constant 23 : i32
      %broadcast_in_dim3A_199 = vector.broadcast %broadcast_in_dim3A_198 : i32 to vector<16xi32>
      %gather3A_200 = tpu.vector_load_idx %arg10[%add3A_129, %iota3A, %broadcast_in_dim3A_199] : memref<2x16x128xf32, #tpu.memory_space<vmem>>[vector<16xi32>, vector<16xi32>, vector<16xi32>], vector<16xf32>,
      tpu.vector_store_idx %arg11[%get3A_114, %broadcast_in_dim3A_199], %gather3A_200 {add = true} : memref<321x128xf32, #tpu.memory_space<vmem>>[vector<16xi32>, vector<16xi32>], vector<16xf32>,
      %broadcast_in_dim3A_201 = arith.constant 24 : i32
      %broadcast_in_dim3A_202 = vector.broadcast %broadcast_in_dim3A_201 : i32 to vector<16xi32>
      %gather3A_203 = tpu.vector_load_idx %arg10[%add3A_129, %iota3A, %broadcast_in_dim3A_202] : memref<2x16x128xf32, #tpu.memory_space<vmem>>[vector<16xi32>, vector<16xi32>, vector<16xi32>], vector<16xf32>,
      tpu.vector_store_idx %arg11[%get3A_114, %broadcast_in_dim3A_202], %gather3A_203 {add = true} : memref<321x128xf32, #tpu.memory_space<vmem>>[vector<16xi32>, vector<16xi32>], vector<16xf32>,
      %broadcast_in_dim3A_204 = arith.constant 25 : i32
      %broadcast_in_dim3A_205 = vector.broadcast %broadcast_in_dim3A_204 : i32 to vector<16xi32>
      %gather3A_206 = tpu.vector_load_idx %arg10[%add3A_129, %iota3A, %broadcast_in_dim3A_205] : memref<2x16x128xf32, #tpu.memory_space<vmem>>[vector<16xi32>, vector<16xi32>, vector<16xi32>], vector<16xf32>,
      tpu.vector_store_idx %arg11[%get3A_114, %broadcast_in_dim3A_205], %gather3A_206 {add = true} : memref<321x128xf32, #tpu.memory_space<vmem>>[vector<16xi32>, vector<16xi32>], vector<16xf32>,
      %broadcast_in_dim3A_207 = arith.constant 26 : i32
      %broadcast_in_dim3A_208 = vector.broadcast %broadcast_in_dim3A_207 : i32 to vector<16xi32>
      %gather3A_209 = tpu.vector_load_idx %arg10[%add3A_129, %iota3A, %broadcast_in_dim3A_208] : memref<2x16x128xf32, #tpu.memory_space<vmem>>[vector<16xi32>, vector<16xi32>, vector<16xi32>], vector<16xf32>,
      tpu.vector_store_idx %arg11[%get3A_114, %broadcast_in_dim3A_208], %gather3A_209 {add = true} : memref<321x128xf32, #tpu.memory_space<vmem>>[vector<16xi32>, vector<16xi32>], vector<16xf32>,
      %broadcast_in_dim3A_210 = arith.constant 27 : i32
      %broadcast_in_dim3A_211 = vector.broadcast %broadcast_in_dim3A_210 : i32 to vector<16xi32>
      %gather3A_212 = tpu.vector_load_idx %arg10[%add3A_129, %iota3A, %broadcast_in_dim3A_211] : memref<2x16x128xf32, #tpu.memory_space<vmem>>[vector<16xi32>, vector<16xi32>, vector<16xi32>], vector<16xf32>,
      tpu.vector_store_idx %arg11[%get3A_114, %broadcast_in_dim3A_211], %gather3A_212 {add = true} : memref<321x128xf32, #tpu.memory_space<vmem>>[vector<16xi32>, vector<16xi32>], vector<16xf32>,
      %broadcast_in_dim3A_213 = arith.constant 28 : i32
      %broadcast_in_dim3A_214 = vector.broadcast %broadcast_in_dim3A_213 : i32 to vector<16xi32>
      %gather3A_215 = tpu.vector_load_idx %arg10[%add3A_129, %iota3A, %broadcast_in_dim3A_214] : memref<2x16x128xf32, #tpu.memory_space<vmem>>[vector<16xi32>, vector<16xi32>, vector<16xi32>], vector<16xf32>,
      tpu.vector_store_idx %arg11[%get3A_114, %broadcast_in_dim3A_214], %gather3A_215 {add = true} : memref<321x128xf32, #tpu.memory_space<vmem>>[vector<16xi32>, vector<16xi32>], vector<16xf32>,
      %broadcast_in_dim3A_216 = arith.constant 29 : i32
      %broadcast_in_dim3A_217 = vector.broadcast %broadcast_in_dim3A_216 : i32 to vector<16xi32>
      %gather3A_218 = tpu.vector_load_idx %arg10[%add3A_129, %iota3A, %broadcast_in_dim3A_217] : memref<2x16x128xf32, #tpu.memory_space<vmem>>[vector<16xi32>, vector<16xi32>, vector<16xi32>], vector<16xf32>,
      tpu.vector_store_idx %arg11[%get3A_114, %broadcast_in_dim3A_217], %gather3A_218 {add = true} : memref<321x128xf32, #tpu.memory_space<vmem>>[vector<16xi32>, vector<16xi32>], vector<16xf32>,
      %broadcast_in_dim3A_219 = arith.constant 30 : i32
      %broadcast_in_dim3A_220 = vector.broadcast %broadcast_in_dim3A_219 : i32 to vector<16xi32>
      %gather3A_221 = tpu.vector_load_idx %arg10[%add3A_129, %iota3A, %broadcast_in_dim3A_220] : memref<2x16x128xf32, #tpu.memory_space<vmem>>[vector<16xi32>, vector<16xi32>, vector<16xi32>], vector<16xf32>,
      tpu.vector_store_idx %arg11[%get3A_114, %broadcast_in_dim3A_220], %gather3A_221 {add = true} : memref<321x128xf32, #tpu.memory_space<vmem>>[vector<16xi32>, vector<16xi32>], vector<16xf32>,
      %broadcast_in_dim3A_222 = arith.constant 31 : i32
      %broadcast_in_dim3A_223 = vector.broadcast %broadcast_in_dim3A_222 : i32 to vector<16xi32>
      %gather3A_224 = tpu.vector_load_idx %arg10[%add3A_129, %iota3A, %broadcast_in_dim3A_223] : memref<2x16x128xf32, #tpu.memory_space<vmem>>[vector<16xi32>, vector<16xi32>, vector<16xi32>], vector<16xf32>,
      tpu.vector_store_idx %arg11[%get3A_114, %broadcast_in_dim3A_223], %gather3A_224 {add = true} : memref<321x128xf32, #tpu.memory_space<vmem>>[vector<16xi32>, vector<16xi32>], vector<16xf32>,
      %broadcast_in_dim3A_225 = arith.constant 32 : i32
      %broadcast_in_dim3A_226 = vector.broadcast %broadcast_in_dim3A_225 : i32 to vector<16xi32>
      %gather3A_227 = tpu.vector_load_idx %arg10[%add3A_129, %iota3A, %broadcast_in_dim3A_226] : memref<2x16x128xf32, #tpu.memory_space<vmem>>[vector<16xi32>, vector<16xi32>, vector<16xi32>], vector<16xf32>,
      tpu.vector_store_idx %arg11[%get3A_114, %broadcast_in_dim3A_226], %gather3A_227 {add = true} : memref<321x128xf32, #tpu.memory_space<vmem>>[vector<16xi32>, vector<16xi32>], vector<16xf32>,
      %broadcast_in_dim3A_228 = arith.constant 33 : i32
      %broadcast_in_dim3A_229 = vector.broadcast %broadcast_in_dim3A_228 : i32 to vector<16xi32>
      %gather3A_230 = tpu.vector_load_idx %arg10[%add3A_129, %iota3A, %broadcast_in_dim3A_229] : memref<2x16x128xf32, #tpu.memory_space<vmem>>[vector<16xi32>, vector<16xi32>, vector<16xi32>], vector<16xf32>,
      tpu.vector_store_idx %arg11[%get3A_114, %broadcast_in_dim3A_229], %gather3A_230 {add = true} : memref<321x128xf32, #tpu.memory_space<vmem>>[vector<16xi32>, vector<16xi32>], vector<16xf32>,
      %broadcast_in_dim3A_231 = arith.constant 34 : i32
      %broadcast_in_dim3A_232 = vector.broadcast %broadcast_in_dim3A_231 : i32 to vector<16xi32>
      %gather3A_233 = tpu.vector_load_idx %arg10[%add3A_129, %iota3A, %broadcast_in_dim3A_232] : memref<2x16x128xf32, #tpu.memory_space<vmem>>[vector<16xi32>, vector<16xi32>, vector<16xi32>], vector<16xf32>,
      tpu.vector_store_idx %arg11[%get3A_114, %broadcast_in_dim3A_232], %gather3A_233 {add = true} : memref<321x128xf32, #tpu.memory_space<vmem>>[vector<16xi32>, vector<16xi32>], vector<16xf32>,
      %broadcast_in_dim3A_234 = arith.constant 35 : i32
      %broadcast_in_dim3A_235 = vector.broadcast %broadcast_in_dim3A_234 : i32 to vector<16xi32>
      %gather3A_236 = tpu.vector_load_idx %arg10[%add3A_129, %iota3A, %broadcast_in_dim3A_235] : memref<2x16x128xf32, #tpu.memory_space<vmem>>[vector<16xi32>, vector<16xi32>, vector<16xi32>], vector<16xf32>,
      tpu.vector_store_idx %arg11[%get3A_114, %broadcast_in_dim3A_235], %gather3A_236 {add = true} : memref<321x128xf32, #tpu.memory_space<vmem>>[vector<16xi32>, vector<16xi32>], vector<16xf32>,
      %broadcast_in_dim3A_237 = arith.constant 36 : i32
      %broadcast_in_dim3A_238 = vector.broadcast %broadcast_in_dim3A_237 : i32 to vector<16xi32>
      %gather3A_239 = tpu.vector_load_idx %arg10[%add3A_129, %iota3A, %broadcast_in_dim3A_238] : memref<2x16x128xf32, #tpu.memory_space<vmem>>[vector<16xi32>, vector<16xi32>, vector<16xi32>], vector<16xf32>,
      tpu.vector_store_idx %arg11[%get3A_114, %broadcast_in_dim3A_238], %gather3A_239 {add = true} : memref<321x128xf32, #tpu.memory_space<vmem>>[vector<16xi32>, vector<16xi32>], vector<16xf32>,
      %broadcast_in_dim3A_240 = arith.constant 37 : i32
      %broadcast_in_dim3A_241 = vector.broadcast %broadcast_in_dim3A_240 : i32 to vector<16xi32>
      %gather3A_242 = tpu.vector_load_idx %arg10[%add3A_129, %iota3A, %broadcast_in_dim3A_241] : memref<2x16x128xf32, #tpu.memory_space<vmem>>[vector<16xi32>, vector<16xi32>, vector<16xi32>], vector<16xf32>,
      tpu.vector_store_idx %arg11[%get3A_114, %broadcast_in_dim3A_241], %gather3A_242 {add = true} : memref<321x128xf32, #tpu.memory_space<vmem>>[vector<16xi32>, vector<16xi32>], vector<16xf32>,
      %broadcast_in_dim3A_243 = arith.constant 38 : i32
      %broadcast_in_dim3A_244 = vector.broadcast %broadcast_in_dim3A_243 : i32 to vector<16xi32>
      %gather3A_245 = tpu.vector_load_idx %arg10[%add3A_129, %iota3A, %broadcast_in_dim3A_244] : memref<2x16x128xf32, #tpu.memory_space<vmem>>[vector<16xi32>, vector<16xi32>, vector<16xi32>], vector<16xf32>,
      tpu.vector_store_idx %arg11[%get3A_114, %broadcast_in_dim3A_244], %gather3A_245 {add = true} : memref<321x128xf32, #tpu.memory_space<vmem>>[vector<16xi32>, vector<16xi32>], vector<16xf32>,
      %broadcast_in_dim3A_246 = arith.constant 39 : i32
      %broadcast_in_dim3A_247 = vector.broadcast %broadcast_in_dim3A_246 : i32 to vector<16xi32>
      %gather3A_248 = tpu.vector_load_idx %arg10[%add3A_129, %iota3A, %broadcast_in_dim3A_247] : memref<2x16x128xf32, #tpu.memory_space<vmem>>[vector<16xi32>, vector<16xi32>, vector<16xi32>], vector<16xf32>,
      tpu.vector_store_idx %arg11[%get3A_114, %broadcast_in_dim3A_247], %gather3A_248 {add = true} : memref<321x128xf32, #tpu.memory_space<vmem>>[vector<16xi32>, vector<16xi32>], vector<16xf32>,
      %broadcast_in_dim3A_249 = arith.constant 40 : i32
      %broadcast_in_dim3A_250 = vector.broadcast %broadcast_in_dim3A_249 : i32 to vector<16xi32>
      %gather3A_251 = tpu.vector_load_idx %arg10[%add3A_129, %iota3A, %broadcast_in_dim3A_250] : memref<2x16x128xf32, #tpu.memory_space<vmem>>[vector<16xi32>, vector<16xi32>, vector<16xi32>], vector<16xf32>,
      tpu.vector_store_idx %arg11[%get3A_114, %broadcast_in_dim3A_250], %gather3A_251 {add = true} : memref<321x128xf32, #tpu.memory_space<vmem>>[vector<16xi32>, vector<16xi32>], vector<16xf32>,
      %broadcast_in_dim3A_252 = arith.constant 41 : i32
      %broadcast_in_dim3A_253 = vector.broadcast %broadcast_in_dim3A_252 : i32 to vector<16xi32>
      %gather3A_254 = tpu.vector_load_idx %arg10[%add3A_129, %iota3A, %broadcast_in_dim3A_253] : memref<2x16x128xf32, #tpu.memory_space<vmem>>[vector<16xi32>, vector<16xi32>, vector<16xi32>], vector<16xf32>,
      tpu.vector_store_idx %arg11[%get3A_114, %broadcast_in_dim3A_253], %gather3A_254 {add = true} : memref<321x128xf32, #tpu.memory_space<vmem>>[vector<16xi32>, vector<16xi32>], vector<16xf32>,
      %broadcast_in_dim3A_255 = arith.constant 42 : i32
      %broadcast_in_dim3A_256 = vector.broadcast %broadcast_in_dim3A_255 : i32 to vector<16xi32>
      %gather3A_257 = tpu.vector_load_idx %arg10[%add3A_129, %iota3A, %broadcast_in_dim3A_256] : memref<2x16x128xf32, #tpu.memory_space<vmem>>[vector<16xi32>, vector<16xi32>, vector<16xi32>], vector<16xf32>,
      tpu.vector_store_idx %arg11[%get3A_114, %broadcast_in_dim3A_256], %gather3A_257 {add = true} : memref<321x128xf32, #tpu.memory_space<vmem>>[vector<16xi32>, vector<16xi32>], vector<16xf32>,
      %broadcast_in_dim3A_258 = arith.constant 43 : i32
      %broadcast_in_dim3A_259 = vector.broadcast %broadcast_in_dim3A_258 : i32 to vector<16xi32>
      %gather3A_260 = tpu.vector_load_idx %arg10[%add3A_129, %iota3A, %broadcast_in_dim3A_259] : memref<2x16x128xf32, #tpu.memory_space<vmem>>[vector<16xi32>, vector<16xi32>, vector<16xi32>], vector<16xf32>,
      tpu.vector_store_idx %arg11[%get3A_114, %broadcast_in_dim3A_259], %gather3A_260 {add = true} : memref<321x128xf32, #tpu.memory_space<vmem>>[vector<16xi32>, vector<16xi32>], vector<16xf32>,
      %broadcast_in_dim3A_261 = arith.constant 44 : i32
      %broadcast_in_dim3A_262 = vector.broadcast %broadcast_in_dim3A_261 : i32 to vector<16xi32>
      %gather3A_263 = tpu.vector_load_idx %arg10[%add3A_129, %iota3A, %broadcast_in_dim3A_262] : memref<2x16x128xf32, #tpu.memory_space<vmem>>[vector<16xi32>, vector<16xi32>, vector<16xi32>], vector<16xf32>,
      tpu.vector_store_idx %arg11[%get3A_114, %broadcast_in_dim3A_262], %gather3A_263 {add = true} : memref<321x128xf32, #tpu.memory_space<vmem>>[vector<16xi32>, vector<16xi32>], vector<16xf32>,
      %broadcast_in_dim3A_264 = arith.constant 45 : i32
      %broadcast_in_dim3A_265 = vector.broadcast %broadcast_in_dim3A_264 : i32 to vector<16xi32>
      %gather3A_266 = tpu.vector_load_idx %arg10[%add3A_129, %iota3A, %broadcast_in_dim3A_265] : memref<2x16x128xf32, #tpu.memory_space<vmem>>[vector<16xi32>, vector<16xi32>, vector<16xi32>], vector<16xf32>,
      tpu.vector_store_idx %arg11[%get3A_114, %broadcast_in_dim3A_265], %gather3A_266 {add = true} : memref<321x128xf32, #tpu.memory_space<vmem>>[vector<16xi32>, vector<16xi32>], vector<16xf32>,
      %broadcast_in_dim3A_267 = arith.constant 46 : i32
      %broadcast_in_dim3A_268 = vector.broadcast %broadcast_in_dim3A_267 : i32 to vector<16xi32>
      %gather3A_269 = tpu.vector_load_idx %arg10[%add3A_129, %iota3A, %broadcast_in_dim3A_268] : memref<2x16x128xf32, #tpu.memory_space<vmem>>[vector<16xi32>, vector<16xi32>, vector<16xi32>], vector<16xf32>,
      tpu.vector_store_idx %arg11[%get3A_114, %broadcast_in_dim3A_268], %gather3A_269 {add = true} : memref<321x128xf32, #tpu.memory_space<vmem>>[vector<16xi32>, vector<16xi32>], vector<16xf32>,
      %broadcast_in_dim3A_270 = arith.constant 47 : i32
      %broadcast_in_dim3A_271 = vector.broadcast %broadcast_in_dim3A_270 : i32 to vector<16xi32>
      %gather3A_272 = tpu.vector_load_idx %arg10[%add3A_129, %iota3A, %broadcast_in_dim3A_271] : memref<2x16x128xf32, #tpu.memory_space<vmem>>[vector<16xi32>, vector<16xi32>, vector<16xi32>], vector<16xf32>,
      tpu.vector_store_idx %arg11[%get3A_114, %broadcast_in_dim3A_271], %gather3A_272 {add = true} : memref<321x128xf32, #tpu.memory_space<vmem>>[vector<16xi32>, vector<16xi32>], vector<16xf32>,
      %broadcast_in_dim3A_273 = arith.constant 48 : i32
      %broadcast_in_dim3A_274 = vector.broadcast %broadcast_in_dim3A_273 : i32 to vector<16xi32>
      %gather3A_275 = tpu.vector_load_idx %arg10[%add3A_129, %iota3A, %broadcast_in_dim3A_274] : memref<2x16x128xf32, #tpu.memory_space<vmem>>[vector<16xi32>, vector<16xi32>, vector<16xi32>], vector<16xf32>,
      tpu.vector_store_idx %arg11[%get3A_114, %broadcast_in_dim3A_274], %gather3A_275 {add = true} : memref<321x128xf32, #tpu.memory_space<vmem>>[vector<16xi32>, vector<16xi32>], vector<16xf32>,
      %broadcast_in_dim3A_276 = arith.constant 49 : i32
      %broadcast_in_dim3A_277 = vector.broadcast %broadcast_in_dim3A_276 : i32 to vector<16xi32>
      %gather3A_278 = tpu.vector_load_idx %arg10[%add3A_129, %iota3A, %broadcast_in_dim3A_277] : memref<2x16x128xf32, #tpu.memory_space<vmem>>[vector<16xi32>, vector<16xi32>, vector<16xi32>], vector<16xf32>,
      tpu.vector_store_idx %arg11[%get3A_114, %broadcast_in_dim3A_277], %gather3A_278 {add = true} : memref<321x128xf32, #tpu.memory_space<vmem>>[vector<16xi32>, vector<16xi32>], vector<16xf32>,
      %broadcast_in_dim3A_279 = arith.constant 50 : i32
      %broadcast_in_dim3A_280 = vector.broadcast %broadcast_in_dim3A_279 : i32 to vector<16xi32>
      %gather3A_281 = tpu.vector_load_idx %arg10[%add3A_129, %iota3A, %broadcast_in_dim3A_280] : memref<2x16x128xf32, #tpu.memory_space<vmem>>[vector<16xi32>, vector<16xi32>, vector<16xi32>], vector<16xf32>,
      tpu.vector_store_idx %arg11[%get3A_114, %broadcast_in_dim3A_280], %gather3A_281 {add = true} : memref<321x128xf32, #tpu.memory_space<vmem>>[vector<16xi32>, vector<16xi32>], vector<16xf32>,
      %broadcast_in_dim3A_282 = arith.constant 51 : i32
      %broadcast_in_dim3A_283 = vector.broadcast %broadcast_in_dim3A_282 : i32 to vector<16xi32>
      %gather3A_284 = tpu.vector_load_idx %arg10[%add3A_129, %iota3A, %broadcast_in_dim3A_283] : memref<2x16x128xf32, #tpu.memory_space<vmem>>[vector<16xi32>, vector<16xi32>, vector<16xi32>], vector<16xf32>,
      tpu.vector_store_idx %arg11[%get3A_114, %broadcast_in_dim3A_283], %gather3A_284 {add = true} : memref<321x128xf32, #tpu.memory_space<vmem>>[vector<16xi32>, vector<16xi32>], vector<16xf32>,
      %broadcast_in_dim3A_285 = arith.constant 52 : i32
      %broadcast_in_dim3A_286 = vector.broadcast %broadcast_in_dim3A_285 : i32 to vector<16xi32>
      %gather3A_287 = tpu.vector_load_idx %arg10[%add3A_129, %iota3A, %broadcast_in_dim3A_286] : memref<2x16x128xf32, #tpu.memory_space<vmem>>[vector<16xi32>, vector<16xi32>, vector<16xi32>], vector<16xf32>,
      tpu.vector_store_idx %arg11[%get3A_114, %broadcast_in_dim3A_286], %gather3A_287 {add = true} : memref<321x128xf32, #tpu.memory_space<vmem>>[vector<16xi32>, vector<16xi32>], vector<16xf32>,
      %broadcast_in_dim3A_288 = arith.constant 53 : i32
      %broadcast_in_dim3A_289 = vector.broadcast %broadcast_in_dim3A_288 : i32 to vector<16xi32>
      %gather3A_290 = tpu.vector_load_idx %arg10[%add3A_129, %iota3A, %broadcast_in_dim3A_289] : memref<2x16x128xf32, #tpu.memory_space<vmem>>[vector<16xi32>, vector<16xi32>, vector<16xi32>], vector<16xf32>,
      tpu.vector_store_idx %arg11[%get3A_114, %broadcast_in_dim3A_289], %gather3A_290 {add = true} : memref<321x128xf32, #tpu.memory_space<vmem>>[vector<16xi32>, vector<16xi32>], vector<16xf32>,
      %broadcast_in_dim3A_291 = arith.constant 54 : i32
      %broadcast_in_dim3A_292 = vector.broadcast %broadcast_in_dim3A_291 : i32 to vector<16xi32>
      %gather3A_293 = tpu.vector_load_idx %arg10[%add3A_129, %iota3A, %broadcast_in_dim3A_292] : memref<2x16x128xf32, #tpu.memory_space<vmem>>[vector<16xi32>, vector<16xi32>, vector<16xi32>], vector<16xf32>,
      tpu.vector_store_idx %arg11[%get3A_114, %broadcast_in_dim3A_292], %gather3A_293 {add = true} : memref<321x128xf32, #tpu.memory_space<vmem>>[vector<16xi32>, vector<16xi32>], vector<16xf32>,
      %broadcast_in_dim3A_294 = arith.constant 55 : i32
      %broadcast_in_dim3A_295 = vector.broadcast %broadcast_in_dim3A_294 : i32 to vector<16xi32>
      %gather3A_296 = tpu.vector_load_idx %arg10[%add3A_129, %iota3A, %broadcast_in_dim3A_295] : memref<2x16x128xf32, #tpu.memory_space<vmem>>[vector<16xi32>, vector<16xi32>, vector<16xi32>], vector<16xf32>,
      tpu.vector_store_idx %arg11[%get3A_114, %broadcast_in_dim3A_295], %gather3A_296 {add = true} : memref<321x128xf32, #tpu.memory_space<vmem>>[vector<16xi32>, vector<16xi32>], vector<16xf32>,
      %broadcast_in_dim3A_297 = arith.constant 56 : i32
      %broadcast_in_dim3A_298 = vector.broadcast %broadcast_in_dim3A_297 : i32 to vector<16xi32>
      %gather3A_299 = tpu.vector_load_idx %arg10[%add3A_129, %iota3A, %broadcast_in_dim3A_298] : memref<2x16x128xf32, #tpu.memory_space<vmem>>[vector<16xi32>, vector<16xi32>, vector<16xi32>], vector<16xf32>,
      tpu.vector_store_idx %arg11[%get3A_114, %broadcast_in_dim3A_298], %gather3A_299 {add = true} : memref<321x128xf32, #tpu.memory_space<vmem>>[vector<16xi32>, vector<16xi32>], vector<16xf32>,
      %broadcast_in_dim3A_300 = arith.constant 57 : i32
      %broadcast_in_dim3A_301 = vector.broadcast %broadcast_in_dim3A_300 : i32 to vector<16xi32>
      %gather3A_302 = tpu.vector_load_idx %arg10[%add3A_129, %iota3A, %broadcast_in_dim3A_301] : memref<2x16x128xf32, #tpu.memory_space<vmem>>[vector<16xi32>, vector<16xi32>, vector<16xi32>], vector<16xf32>,
      tpu.vector_store_idx %arg11[%get3A_114, %broadcast_in_dim3A_301], %gather3A_302 {add = true} : memref<321x128xf32, #tpu.memory_space<vmem>>[vector<16xi32>, vector<16xi32>], vector<16xf32>,
      %broadcast_in_dim3A_303 = arith.constant 58 : i32
      %broadcast_in_dim3A_304 = vector.broadcast %broadcast_in_dim3A_303 : i32 to vector<16xi32>
      %gather3A_305 = tpu.vector_load_idx %arg10[%add3A_129, %iota3A, %broadcast_in_dim3A_304] : memref<2x16x128xf32, #tpu.memory_space<vmem>>[vector<16xi32>, vector<16xi32>, vector<16xi32>], vector<16xf32>,
      tpu.vector_store_idx %arg11[%get3A_114, %broadcast_in_dim3A_304], %gather3A_305 {add = true} : memref<321x128xf32, #tpu.memory_space<vmem>>[vector<16xi32>, vector<16xi32>], vector<16xf32>,
      %broadcast_in_dim3A_306 = arith.constant 59 : i32
      %broadcast_in_dim3A_307 = vector.broadcast %broadcast_in_dim3A_306 : i32 to vector<16xi32>
      %gather3A_308 = tpu.vector_load_idx %arg10[%add3A_129, %iota3A, %broadcast_in_dim3A_307] : memref<2x16x128xf32, #tpu.memory_space<vmem>>[vector<16xi32>, vector<16xi32>, vector<16xi32>], vector<16xf32>,
      tpu.vector_store_idx %arg11[%get3A_114, %broadcast_in_dim3A_307], %gather3A_308 {add = true} : memref<321x128xf32, #tpu.memory_space<vmem>>[vector<16xi32>, vector<16xi32>], vector<16xf32>,
      %broadcast_in_dim3A_309 = arith.constant 60 : i32
      %broadcast_in_dim3A_310 = vector.broadcast %broadcast_in_dim3A_309 : i32 to vector<16xi32>
      %gather3A_311 = tpu.vector_load_idx %arg10[%add3A_129, %iota3A, %broadcast_in_dim3A_310] : memref<2x16x128xf32, #tpu.memory_space<vmem>>[vector<16xi32>, vector<16xi32>, vector<16xi32>], vector<16xf32>,
      tpu.vector_store_idx %arg11[%get3A_114, %broadcast_in_dim3A_310], %gather3A_311 {add = true} : memref<321x128xf32, #tpu.memory_space<vmem>>[vector<16xi32>, vector<16xi32>], vector<16xf32>,
      %broadcast_in_dim3A_312 = arith.constant 61 : i32
      %broadcast_in_dim3A_313 = vector.broadcast %broadcast_in_dim3A_312 : i32 to vector<16xi32>
      %gather3A_314 = tpu.vector_load_idx %arg10[%add3A_129, %iota3A, %broadcast_in_dim3A_313] : memref<2x16x128xf32, #tpu.memory_space<vmem>>[vector<16xi32>, vector<16xi32>, vector<16xi32>], vector<16xf32>,
      tpu.vector_store_idx %arg11[%get3A_114, %broadcast_in_dim3A_313], %gather3A_314 {add = true} : memref<321x128xf32, #tpu.memory_space<vmem>>[vector<16xi32>, vector<16xi32>], vector<16xf32>,
      %broadcast_in_dim3A_315 = arith.constant 62 : i32
      %broadcast_in_dim3A_316 = vector.broadcast %broadcast_in_dim3A_315 : i32 to vector<16xi32>
      %gather3A_317 = tpu.vector_load_idx %arg10[%add3A_129, %iota3A, %broadcast_in_dim3A_316] : memref<2x16x128xf32, #tpu.memory_space<vmem>>[vector<16xi32>, vector<16xi32>, vector<16xi32>], vector<16xf32>,
      tpu.vector_store_idx %arg11[%get3A_114, %broadcast_in_dim3A_316], %gather3A_317 {add = true} : memref<321x128xf32, #tpu.memory_space<vmem>>[vector<16xi32>, vector<16xi32>], vector<16xf32>,
      %broadcast_in_dim3A_318 = arith.constant 63 : i32
      %broadcast_in_dim3A_319 = vector.broadcast %broadcast_in_dim3A_318 : i32 to vector<16xi32>
      %gather3A_320 = tpu.vector_load_idx %arg10[%add3A_129, %iota3A, %broadcast_in_dim3A_319] : memref<2x16x128xf32, #tpu.memory_space<vmem>>[vector<16xi32>, vector<16xi32>, vector<16xi32>], vector<16xf32>,
      tpu.vector_store_idx %arg11[%get3A_114, %broadcast_in_dim3A_319], %gather3A_320 {add = true} : memref<321x128xf32, #tpu.memory_space<vmem>>[vector<16xi32>, vector<16xi32>], vector<16xf32>,
      %broadcast_in_dim3A_321 = arith.constant 64 : i32
      %broadcast_in_dim3A_322 = vector.broadcast %broadcast_in_dim3A_321 : i32 to vector<16xi32>
      %gather3A_323 = tpu.vector_load_idx %arg10[%add3A_129, %iota3A, %broadcast_in_dim3A_322] : memref<2x16x128xf32, #tpu.memory_space<vmem>>[vector<16xi32>, vector<16xi32>, vector<16xi32>], vector<16xf32>,
      tpu.vector_store_idx %arg11[%get3A_114, %broadcast_in_dim3A_322], %gather3A_323 {add = true} : memref<321x128xf32, #tpu.memory_space<vmem>>[vector<16xi32>, vector<16xi32>], vector<16xf32>,
      %broadcast_in_dim3A_324 = arith.constant 65 : i32
      %broadcast_in_dim3A_325 = vector.broadcast %broadcast_in_dim3A_324 : i32 to vector<16xi32>
      %gather3A_326 = tpu.vector_load_idx %arg10[%add3A_129, %iota3A, %broadcast_in_dim3A_325] : memref<2x16x128xf32, #tpu.memory_space<vmem>>[vector<16xi32>, vector<16xi32>, vector<16xi32>], vector<16xf32>,
      tpu.vector_store_idx %arg11[%get3A_114, %broadcast_in_dim3A_325], %gather3A_326 {add = true} : memref<321x128xf32, #tpu.memory_space<vmem>>[vector<16xi32>, vector<16xi32>], vector<16xf32>,
      %broadcast_in_dim3A_327 = arith.constant 66 : i32
      %broadcast_in_dim3A_328 = vector.broadcast %broadcast_in_dim3A_327 : i32 to vector<16xi32>
      %gather3A_329 = tpu.vector_load_idx %arg10[%add3A_129, %iota3A, %broadcast_in_dim3A_328] : memref<2x16x128xf32, #tpu.memory_space<vmem>>[vector<16xi32>, vector<16xi32>, vector<16xi32>], vector<16xf32>,
      tpu.vector_store_idx %arg11[%get3A_114, %broadcast_in_dim3A_328], %gather3A_329 {add = true} : memref<321x128xf32, #tpu.memory_space<vmem>>[vector<16xi32>, vector<16xi32>], vector<16xf32>,
      %broadcast_in_dim3A_330 = arith.constant 67 : i32
      %broadcast_in_dim3A_331 = vector.broadcast %broadcast_in_dim3A_330 : i32 to vector<16xi32>
      %gather3A_332 = tpu.vector_load_idx %arg10[%add3A_129, %iota3A, %broadcast_in_dim3A_331] : memref<2x16x128xf32, #tpu.memory_space<vmem>>[vector<16xi32>, vector<16xi32>, vector<16xi32>], vector<16xf32>,
      tpu.vector_store_idx %arg11[%get3A_114, %broadcast_in_dim3A_331], %gather3A_332 {add = true} : memref<321x128xf32, #tpu.memory_space<vmem>>[vector<16xi32>, vector<16xi32>], vector<16xf32>,
      %broadcast_in_dim3A_333 = arith.constant 68 : i32
      %broadcast_in_dim3A_334 = vector.broadcast %broadcast_in_dim3A_333 : i32 to vector<16xi32>
      %gather3A_335 = tpu.vector_load_idx %arg10[%add3A_129, %iota3A, %broadcast_in_dim3A_334] : memref<2x16x128xf32, #tpu.memory_space<vmem>>[vector<16xi32>, vector<16xi32>, vector<16xi32>], vector<16xf32>,
      tpu.vector_store_idx %arg11[%get3A_114, %broadcast_in_dim3A_334], %gather3A_335 {add = true} : memref<321x128xf32, #tpu.memory_space<vmem>>[vector<16xi32>, vector<16xi32>], vector<16xf32>,
      %broadcast_in_dim3A_336 = arith.constant 69 : i32
      %broadcast_in_dim3A_337 = vector.broadcast %broadcast_in_dim3A_336 : i32 to vector<16xi32>
      %gather3A_338 = tpu.vector_load_idx %arg10[%add3A_129, %iota3A, %broadcast_in_dim3A_337] : memref<2x16x128xf32, #tpu.memory_space<vmem>>[vector<16xi32>, vector<16xi32>, vector<16xi32>], vector<16xf32>,
      tpu.vector_store_idx %arg11[%get3A_114, %broadcast_in_dim3A_337], %gather3A_338 {add = true} : memref<321x128xf32, #tpu.memory_space<vmem>>[vector<16xi32>, vector<16xi32>], vector<16xf32>,
      %broadcast_in_dim3A_339 = arith.constant 70 : i32
      %broadcast_in_dim3A_340 = vector.broadcast %broadcast_in_dim3A_339 : i32 to vector<16xi32>
      %gather3A_341 = tpu.vector_load_idx %arg10[%add3A_129, %iota3A, %broadcast_in_dim3A_340] : memref<2x16x128xf32, #tpu.memory_space<vmem>>[vector<16xi32>, vector<16xi32>, vector<16xi32>], vector<16xf32>,
      tpu.vector_store_idx %arg11[%get3A_114, %broadcast_in_dim3A_340], %gather3A_341 {add = true} : memref<321x128xf32, #tpu.memory_space<vmem>>[vector<16xi32>, vector<16xi32>], vector<16xf32>,
      %broadcast_in_dim3A_342 = arith.constant 71 : i32
      %broadcast_in_dim3A_343 = vector.broadcast %broadcast_in_dim3A_342 : i32 to vector<16xi32>
      %gather3A_344 = tpu.vector_load_idx %arg10[%add3A_129, %iota3A, %broadcast_in_dim3A_343] : memref<2x16x128xf32, #tpu.memory_space<vmem>>[vector<16xi32>, vector<16xi32>, vector<16xi32>], vector<16xf32>,
      tpu.vector_store_idx %arg11[%get3A_114, %broadcast_in_dim3A_343], %gather3A_344 {add = true} : memref<321x128xf32, #tpu.memory_space<vmem>>[vector<16xi32>, vector<16xi32>], vector<16xf32>,
      %broadcast_in_dim3A_345 = arith.constant 72 : i32
      %broadcast_in_dim3A_346 = vector.broadcast %broadcast_in_dim3A_345 : i32 to vector<16xi32>
      %gather3A_347 = tpu.vector_load_idx %arg10[%add3A_129, %iota3A, %broadcast_in_dim3A_346] : memref<2x16x128xf32, #tpu.memory_space<vmem>>[vector<16xi32>, vector<16xi32>, vector<16xi32>], vector<16xf32>,
      tpu.vector_store_idx %arg11[%get3A_114, %broadcast_in_dim3A_346], %gather3A_347 {add = true} : memref<321x128xf32, #tpu.memory_space<vmem>>[vector<16xi32>, vector<16xi32>], vector<16xf32>,
      %broadcast_in_dim3A_348 = arith.constant 73 : i32
      %broadcast_in_dim3A_349 = vector.broadcast %broadcast_in_dim3A_348 : i32 to vector<16xi32>
      %gather3A_350 = tpu.vector_load_idx %arg10[%add3A_129, %iota3A, %broadcast_in_dim3A_349] : memref<2x16x128xf32, #tpu.memory_space<vmem>>[vector<16xi32>, vector<16xi32>, vector<16xi32>], vector<16xf32>,
      tpu.vector_store_idx %arg11[%get3A_114, %broadcast_in_dim3A_349], %gather3A_350 {add = true} : memref<321x128xf32, #tpu.memory_space<vmem>>[vector<16xi32>, vector<16xi32>], vector<16xf32>,
      %broadcast_in_dim3A_351 = arith.constant 74 : i32
      %broadcast_in_dim3A_352 = vector.broadcast %broadcast_in_dim3A_351 : i32 to vector<16xi32>
      %gather3A_353 = tpu.vector_load_idx %arg10[%add3A_129, %iota3A, %broadcast_in_dim3A_352] : memref<2x16x128xf32, #tpu.memory_space<vmem>>[vector<16xi32>, vector<16xi32>, vector<16xi32>], vector<16xf32>,
      tpu.vector_store_idx %arg11[%get3A_114, %broadcast_in_dim3A_352], %gather3A_353 {add = true} : memref<321x128xf32, #tpu.memory_space<vmem>>[vector<16xi32>, vector<16xi32>], vector<16xf32>,
      %broadcast_in_dim3A_354 = arith.constant 75 : i32
      %broadcast_in_dim3A_355 = vector.broadcast %broadcast_in_dim3A_354 : i32 to vector<16xi32>
      %gather3A_356 = tpu.vector_load_idx %arg10[%add3A_129, %iota3A, %broadcast_in_dim3A_355] : memref<2x16x128xf32, #tpu.memory_space<vmem>>[vector<16xi32>, vector<16xi32>, vector<16xi32>], vector<16xf32>,
      tpu.vector_store_idx %arg11[%get3A_114, %broadcast_in_dim3A_355], %gather3A_356 {add = true} : memref<321x128xf32, #tpu.memory_space<vmem>>[vector<16xi32>, vector<16xi32>], vector<16xf32>,
      %broadcast_in_dim3A_357 = arith.constant 76 : i32
      %broadcast_in_dim3A_358 = vector.broadcast %broadcast_in_dim3A_357 : i32 to vector<16xi32>
      %gather3A_359 = tpu.vector_load_idx %arg10[%add3A_129, %iota3A, %broadcast_in_dim3A_358] : memref<2x16x128xf32, #tpu.memory_space<vmem>>[vector<16xi32>, vector<16xi32>, vector<16xi32>], vector<16xf32>,
      tpu.vector_store_idx %arg11[%get3A_114, %broadcast_in_dim3A_358], %gather3A_359 {add = true} : memref<321x128xf32, #tpu.memory_space<vmem>>[vector<16xi32>, vector<16xi32>], vector<16xf32>,
      %broadcast_in_dim3A_360 = arith.constant 77 : i32
      %broadcast_in_dim3A_361 = vector.broadcast %broadcast_in_dim3A_360 : i32 to vector<16xi32>
      %gather3A_362 = tpu.vector_load_idx %arg10[%add3A_129, %iota3A, %broadcast_in_dim3A_361] : memref<2x16x128xf32, #tpu.memory_space<vmem>>[vector<16xi32>, vector<16xi32>, vector<16xi32>], vector<16xf32>,
      tpu.vector_store_idx %arg11[%get3A_114, %broadcast_in_dim3A_361], %gather3A_362 {add = true} : memref<321x128xf32, #tpu.memory_space<vmem>>[vector<16xi32>, vector<16xi32>], vector<16xf32>,
      %broadcast_in_dim3A_363 = arith.constant 78 : i32
      %broadcast_in_dim3A_364 = vector.broadcast %broadcast_in_dim3A_363 : i32 to vector<16xi32>
      %gather3A_365 = tpu.vector_load_idx %arg10[%add3A_129, %iota3A, %broadcast_in_dim3A_364] : memref<2x16x128xf32, #tpu.memory_space<vmem>>[vector<16xi32>, vector<16xi32>, vector<16xi32>], vector<16xf32>,
      tpu.vector_store_idx %arg11[%get3A_114, %broadcast_in_dim3A_364], %gather3A_365 {add = true} : memref<321x128xf32, #tpu.memory_space<vmem>>[vector<16xi32>, vector<16xi32>], vector<16xf32>,
      %broadcast_in_dim3A_366 = arith.constant 79 : i32
      %broadcast_in_dim3A_367 = vector.broadcast %broadcast_in_dim3A_366 : i32 to vector<16xi32>
      %gather3A_368 = tpu.vector_load_idx %arg10[%add3A_129, %iota3A, %broadcast_in_dim3A_367] : memref<2x16x128xf32, #tpu.memory_space<vmem>>[vector<16xi32>, vector<16xi32>, vector<16xi32>], vector<16xf32>,
      tpu.vector_store_idx %arg11[%get3A_114, %broadcast_in_dim3A_367], %gather3A_368 {add = true} : memref<321x128xf32, #tpu.memory_space<vmem>>[vector<16xi32>, vector<16xi32>], vector<16xf32>,
      %broadcast_in_dim3A_369 = arith.constant 80 : i32
      %broadcast_in_dim3A_370 = vector.broadcast %broadcast_in_dim3A_369 : i32 to vector<16xi32>
      %gather3A_371 = tpu.vector_load_idx %arg10[%add3A_129, %iota3A, %broadcast_in_dim3A_370] : memref<2x16x128xf32, #tpu.memory_space<vmem>>[vector<16xi32>, vector<16xi32>, vector<16xi32>], vector<16xf32>,
      tpu.vector_store_idx %arg11[%get3A_114, %broadcast_in_dim3A_370], %gather3A_371 {add = true} : memref<321x128xf32, #tpu.memory_space<vmem>>[vector<16xi32>, vector<16xi32>], vector<16xf32>,
      %broadcast_in_dim3A_372 = arith.constant 81 : i32
      %broadcast_in_dim3A_373 = vector.broadcast %broadcast_in_dim3A_372 : i32 to vector<16xi32>
      %gather3A_374 = tpu.vector_load_idx %arg10[%add3A_129, %iota3A, %broadcast_in_dim3A_373] : memref<2x16x128xf32, #tpu.memory_space<vmem>>[vector<16xi32>, vector<16xi32>, vector<16xi32>], vector<16xf32>,
      tpu.vector_store_idx %arg11[%get3A_114, %broadcast_in_dim3A_373], %gather3A_374 {add = true} : memref<321x128xf32, #tpu.memory_space<vmem>>[vector<16xi32>, vector<16xi32>], vector<16xf32>,
      %broadcast_in_dim3A_375 = arith.constant 82 : i32
      %broadcast_in_dim3A_376 = vector.broadcast %broadcast_in_dim3A_375 : i32 to vector<16xi32>
      %gather3A_377 = tpu.vector_load_idx %arg10[%add3A_129, %iota3A, %broadcast_in_dim3A_376] : memref<2x16x128xf32, #tpu.memory_space<vmem>>[vector<16xi32>, vector<16xi32>, vector<16xi32>], vector<16xf32>,
      tpu.vector_store_idx %arg11[%get3A_114, %broadcast_in_dim3A_376], %gather3A_377 {add = true} : memref<321x128xf32, #tpu.memory_space<vmem>>[vector<16xi32>, vector<16xi32>], vector<16xf32>,
      %broadcast_in_dim3A_378 = arith.constant 83 : i32
      %broadcast_in_dim3A_379 = vector.broadcast %broadcast_in_dim3A_378 : i32 to vector<16xi32>
      %gather3A_380 = tpu.vector_load_idx %arg10[%add3A_129, %iota3A, %broadcast_in_dim3A_379] : memref<2x16x128xf32, #tpu.memory_space<vmem>>[vector<16xi32>, vector<16xi32>, vector<16xi32>], vector<16xf32>,
      tpu.vector_store_idx %arg11[%get3A_114, %broadcast_in_dim3A_379], %gather3A_380 {add = true} : memref<321x128xf32, #tpu.memory_space<vmem>>[vector<16xi32>, vector<16xi32>], vector<16xf32>,
      %broadcast_in_dim3A_381 = arith.constant 84 : i32
      %broadcast_in_dim3A_382 = vector.broadcast %broadcast_in_dim3A_381 : i32 to vector<16xi32>
      %gather3A_383 = tpu.vector_load_idx %arg10[%add3A_129, %iota3A, %broadcast_in_dim3A_382] : memref<2x16x128xf32, #tpu.memory_space<vmem>>[vector<16xi32>, vector<16xi32>, vector<16xi32>], vector<16xf32>,
      tpu.vector_store_idx %arg11[%get3A_114, %broadcast_in_dim3A_382], %gather3A_383 {add = true} : memref<321x128xf32, #tpu.memory_space<vmem>>[vector<16xi32>, vector<16xi32>], vector<16xf32>,
      %broadcast_in_dim3A_384 = arith.constant 85 : i32
      %broadcast_in_dim3A_385 = vector.broadcast %broadcast_in_dim3A_384 : i32 to vector<16xi32>
      %gather3A_386 = tpu.vector_load_idx %arg10[%add3A_129, %iota3A, %broadcast_in_dim3A_385] : memref<2x16x128xf32, #tpu.memory_space<vmem>>[vector<16xi32>, vector<16xi32>, vector<16xi32>], vector<16xf32>,
      tpu.vector_store_idx %arg11[%get3A_114, %broadcast_in_dim3A_385], %gather3A_386 {add = true} : memref<321x128xf32, #tpu.memory_space<vmem>>[vector<16xi32>, vector<16xi32>], vector<16xf32>,
      %broadcast_in_dim3A_387 = arith.constant 86 : i32
      %broadcast_in_dim3A_388 = vector.broadcast %broadcast_in_dim3A_387 : i32 to vector<16xi32>
      %gather3A_389 = tpu.vector_load_idx %arg10[%add3A_129, %iota3A, %broadcast_in_dim3A_388] : memref<2x16x128xf32, #tpu.memory_space<vmem>>[vector<16xi32>, vector<16xi32>, vector<16xi32>], vector<16xf32>,
      tpu.vector_store_idx %arg11[%get3A_114, %broadcast_in_dim3A_388], %gather3A_389 {add = true} : memref<321x128xf32, #tpu.memory_space<vmem>>[vector<16xi32>, vector<16xi32>], vector<16xf32>,
      %broadcast_in_dim3A_390 = arith.constant 87 : i32
      %broadcast_in_dim3A_391 = vector.broadcast %broadcast_in_dim3A_390 : i32 to vector<16xi32>
      %gather3A_392 = tpu.vector_load_idx %arg10[%add3A_129, %iota3A, %broadcast_in_dim3A_391] : memref<2x16x128xf32, #tpu.memory_space<vmem>>[vector<16xi32>, vector<16xi32>, vector<16xi32>], vector<16xf32>,
      tpu.vector_store_idx %arg11[%get3A_114, %broadcast_in_dim3A_391], %gather3A_392 {add = true} : memref<321x128xf32, #tpu.memory_space<vmem>>[vector<16xi32>, vector<16xi32>], vector<16xf32>,
      %broadcast_in_dim3A_393 = arith.constant 88 : i32
      %broadcast_in_dim3A_394 = vector.broadcast %broadcast_in_dim3A_393 : i32 to vector<16xi32>
      %gather3A_395 = tpu.vector_load_idx %arg10[%add3A_129, %iota3A, %broadcast_in_dim3A_394] : memref<2x16x128xf32, #tpu.memory_space<vmem>>[vector<16xi32>, vector<16xi32>, vector<16xi32>], vector<16xf32>,
      tpu.vector_store_idx %arg11[%get3A_114, %broadcast_in_dim3A_394], %gather3A_395 {add = true} : memref<321x128xf32, #tpu.memory_space<vmem>>[vector<16xi32>, vector<16xi32>], vector<16xf32>,
      %broadcast_in_dim3A_396 = arith.constant 89 : i32
      %broadcast_in_dim3A_397 = vector.broadcast %broadcast_in_dim3A_396 : i32 to vector<16xi32>
      %gather3A_398 = tpu.vector_load_idx %arg10[%add3A_129, %iota3A, %broadcast_in_dim3A_397] : memref<2x16x128xf32, #tpu.memory_space<vmem>>[vector<16xi32>, vector<16xi32>, vector<16xi32>], vector<16xf32>,
      tpu.vector_store_idx %arg11[%get3A_114, %broadcast_in_dim3A_397], %gather3A_398 {add = true} : memref<321x128xf32, #tpu.memory_space<vmem>>[vector<16xi32>, vector<16xi32>], vector<16xf32>,
      %broadcast_in_dim3A_399 = arith.constant 90 : i32
      %broadcast_in_dim3A_400 = vector.broadcast %broadcast_in_dim3A_399 : i32 to vector<16xi32>
      %gather3A_401 = tpu.vector_load_idx %arg10[%add3A_129, %iota3A, %broadcast_in_dim3A_400] : memref<2x16x128xf32, #tpu.memory_space<vmem>>[vector<16xi32>, vector<16xi32>, vector<16xi32>], vector<16xf32>,
      tpu.vector_store_idx %arg11[%get3A_114, %broadcast_in_dim3A_400], %gather3A_401 {add = true} : memref<321x128xf32, #tpu.memory_space<vmem>>[vector<16xi32>, vector<16xi32>], vector<16xf32>,
      %broadcast_in_dim3A_402 = arith.constant 91 : i32
      %broadcast_in_dim3A_403 = vector.broadcast %broadcast_in_dim3A_402 : i32 to vector<16xi32>
      %gather3A_404 = tpu.vector_load_idx %arg10[%add3A_129, %iota3A, %broadcast_in_dim3A_403] : memref<2x16x128xf32, #tpu.memory_space<vmem>>[vector<16xi32>, vector<16xi32>, vector<16xi32>], vector<16xf32>,
      tpu.vector_store_idx %arg11[%get3A_114, %broadcast_in_dim3A_403], %gather3A_404 {add = true} : memref<321x128xf32, #tpu.memory_space<vmem>>[vector<16xi32>, vector<16xi32>], vector<16xf32>,
      %broadcast_in_dim3A_405 = arith.constant 92 : i32
      %broadcast_in_dim3A_406 = vector.broadcast %broadcast_in_dim3A_405 : i32 to vector<16xi32>
      %gather3A_407 = tpu.vector_load_idx %arg10[%add3A_129, %iota3A, %broadcast_in_dim3A_406] : memref<2x16x128xf32, #tpu.memory_space<vmem>>[vector<16xi32>, vector<16xi32>, vector<16xi32>], vector<16xf32>,
      tpu.vector_store_idx %arg11[%get3A_114, %broadcast_in_dim3A_406], %gather3A_407 {add = true} : memref<321x128xf32, #tpu.memory_space<vmem>>[vector<16xi32>, vector<16xi32>], vector<16xf32>,
      %broadcast_in_dim3A_408 = arith.constant 93 : i32
      %broadcast_in_dim3A_409 = vector.broadcast %broadcast_in_dim3A_408 : i32 to vector<16xi32>
      %gather3A_410 = tpu.vector_load_idx %arg10[%add3A_129, %iota3A, %broadcast_in_dim3A_409] : memref<2x16x128xf32, #tpu.memory_space<vmem>>[vector<16xi32>, vector<16xi32>, vector<16xi32>], vector<16xf32>,
      tpu.vector_store_idx %arg11[%get3A_114, %broadcast_in_dim3A_409], %gather3A_410 {add = true} : memref<321x128xf32, #tpu.memory_space<vmem>>[vector<16xi32>, vector<16xi32>], vector<16xf32>,
      %broadcast_in_dim3A_411 = arith.constant 94 : i32
      %broadcast_in_dim3A_412 = vector.broadcast %broadcast_in_dim3A_411 : i32 to vector<16xi32>
      %gather3A_413 = tpu.vector_load_idx %arg10[%add3A_129, %iota3A, %broadcast_in_dim3A_412] : memref<2x16x128xf32, #tpu.memory_space<vmem>>[vector<16xi32>, vector<16xi32>, vector<16xi32>], vector<16xf32>,
      tpu.vector_store_idx %arg11[%get3A_114, %broadcast_in_dim3A_412], %gather3A_413 {add = true} : memref<321x128xf32, #tpu.memory_space<vmem>>[vector<16xi32>, vector<16xi32>], vector<16xf32>,
      %broadcast_in_dim3A_414 = arith.constant 95 : i32
      %broadcast_in_dim3A_415 = vector.broadcast %broadcast_in_dim3A_414 : i32 to vector<16xi32>
      %gather3A_416 = tpu.vector_load_idx %arg10[%add3A_129, %iota3A, %broadcast_in_dim3A_415] : memref<2x16x128xf32, #tpu.memory_space<vmem>>[vector<16xi32>, vector<16xi32>, vector<16xi32>], vector<16xf32>,
      tpu.vector_store_idx %arg11[%get3A_114, %broadcast_in_dim3A_415], %gather3A_416 {add = true} : memref<321x128xf32, #tpu.memory_space<vmem>>[vector<16xi32>, vector<16xi32>], vector<16xf32>,
      %broadcast_in_dim3A_417 = arith.constant 96 : i32
      %broadcast_in_dim3A_418 = vector.broadcast %broadcast_in_dim3A_417 : i32 to vector<16xi32>
      %gather3A_419 = tpu.vector_load_idx %arg10[%add3A_129, %iota3A, %broadcast_in_dim3A_418] : memref<2x16x128xf32, #tpu.memory_space<vmem>>[vector<16xi32>, vector<16xi32>, vector<16xi32>], vector<16xf32>,
      tpu.vector_store_idx %arg11[%get3A_114, %broadcast_in_dim3A_418], %gather3A_419 {add = true} : memref<321x128xf32, #tpu.memory_space<vmem>>[vector<16xi32>, vector<16xi32>], vector<16xf32>,
      %broadcast_in_dim3A_420 = arith.constant 97 : i32
      %broadcast_in_dim3A_421 = vector.broadcast %broadcast_in_dim3A_420 : i32 to vector<16xi32>
      %gather3A_422 = tpu.vector_load_idx %arg10[%add3A_129, %iota3A, %broadcast_in_dim3A_421] : memref<2x16x128xf32, #tpu.memory_space<vmem>>[vector<16xi32>, vector<16xi32>, vector<16xi32>], vector<16xf32>,
      tpu.vector_store_idx %arg11[%get3A_114, %broadcast_in_dim3A_421], %gather3A_422 {add = true} : memref<321x128xf32, #tpu.memory_space<vmem>>[vector<16xi32>, vector<16xi32>], vector<16xf32>,
      %broadcast_in_dim3A_423 = arith.constant 98 : i32
      %broadcast_in_dim3A_424 = vector.broadcast %broadcast_in_dim3A_423 : i32 to vector<16xi32>
      %gather3A_425 = tpu.vector_load_idx %arg10[%add3A_129, %iota3A, %broadcast_in_dim3A_424] : memref<2x16x128xf32, #tpu.memory_space<vmem>>[vector<16xi32>, vector<16xi32>, vector<16xi32>], vector<16xf32>,
      tpu.vector_store_idx %arg11[%get3A_114, %broadcast_in_dim3A_424], %gather3A_425 {add = true} : memref<321x128xf32, #tpu.memory_space<vmem>>[vector<16xi32>, vector<16xi32>], vector<16xf32>,
      %broadcast_in_dim3A_426 = arith.constant 99 : i32
      %broadcast_in_dim3A_427 = vector.broadcast %broadcast_in_dim3A_426 : i32 to vector<16xi32>
      %gather3A_428 = tpu.vector_load_idx %arg10[%add3A_129, %iota3A, %broadcast_in_dim3A_427] : memref<2x16x128xf32, #tpu.memory_space<vmem>>[vector<16xi32>, vector<16xi32>, vector<16xi32>], vector<16xf32>,
      tpu.vector_store_idx %arg11[%get3A_114, %broadcast_in_dim3A_427], %gather3A_428 {add = true} : memref<321x128xf32, #tpu.memory_space<vmem>>[vector<16xi32>, vector<16xi32>], vector<16xf32>,
      %broadcast_in_dim3A_429 = arith.constant 100 : i32
      %broadcast_in_dim3A_430 = vector.broadcast %broadcast_in_dim3A_429 : i32 to vector<16xi32>
      %gather3A_431 = tpu.vector_load_idx %arg10[%add3A_129, %iota3A, %broadcast_in_dim3A_430] : memref<2x16x128xf32, #tpu.memory_space<vmem>>[vector<16xi32>, vector<16xi32>, vector<16xi32>], vector<16xf32>,
      tpu.vector_store_idx %arg11[%get3A_114, %broadcast_in_dim3A_430], %gather3A_431 {add = true} : memref<321x128xf32, #tpu.memory_space<vmem>>[vector<16xi32>, vector<16xi32>], vector<16xf32>,
      %broadcast_in_dim3A_432 = arith.constant 101 : i32
      %broadcast_in_dim3A_433 = vector.broadcast %broadcast_in_dim3A_432 : i32 to vector<16xi32>
      %gather3A_434 = tpu.vector_load_idx %arg10[%add3A_129, %iota3A, %broadcast_in_dim3A_433] : memref<2x16x128xf32, #tpu.memory_space<vmem>>[vector<16xi32>, vector<16xi32>, vector<16xi32>], vector<16xf32>,
      tpu.vector_store_idx %arg11[%get3A_114, %broadcast_in_dim3A_433], %gather3A_434 {add = true} : memref<321x128xf32, #tpu.memory_space<vmem>>[vector<16xi32>, vector<16xi32>], vector<16xf32>,
      %broadcast_in_dim3A_435 = arith.constant 102 : i32
      %broadcast_in_dim3A_436 = vector.broadcast %broadcast_in_dim3A_435 : i32 to vector<16xi32>
      %gather3A_437 = tpu.vector_load_idx %arg10[%add3A_129, %iota3A, %broadcast_in_dim3A_436] : memref<2x16x128xf32, #tpu.memory_space<vmem>>[vector<16xi32>, vector<16xi32>, vector<16xi32>], vector<16xf32>,
      tpu.vector_store_idx %arg11[%get3A_114, %broadcast_in_dim3A_436], %gather3A_437 {add = true} : memref<321x128xf32, #tpu.memory_space<vmem>>[vector<16xi32>, vector<16xi32>], vector<16xf32>,
      %broadcast_in_dim3A_438 = arith.constant 103 : i32
      %broadcast_in_dim3A_439 = vector.broadcast %broadcast_in_dim3A_438 : i32 to vector<16xi32>
      %gather3A_440 = tpu.vector_load_idx %arg10[%add3A_129, %iota3A, %broadcast_in_dim3A_439] : memref<2x16x128xf32, #tpu.memory_space<vmem>>[vector<16xi32>, vector<16xi32>, vector<16xi32>], vector<16xf32>,
      tpu.vector_store_idx %arg11[%get3A_114, %broadcast_in_dim3A_439], %gather3A_440 {add = true} : memref<321x128xf32, #tpu.memory_space<vmem>>[vector<16xi32>, vector<16xi32>], vector<16xf32>,
      %broadcast_in_dim3A_441 = arith.constant 104 : i32
      %broadcast_in_dim3A_442 = vector.broadcast %broadcast_in_dim3A_441 : i32 to vector<16xi32>
      %gather3A_443 = tpu.vector_load_idx %arg10[%add3A_129, %iota3A, %broadcast_in_dim3A_442] : memref<2x16x128xf32, #tpu.memory_space<vmem>>[vector<16xi32>, vector<16xi32>, vector<16xi32>], vector<16xf32>,
      tpu.vector_store_idx %arg11[%get3A_114, %broadcast_in_dim3A_442], %gather3A_443 {add = true} : memref<321x128xf32, #tpu.memory_space<vmem>>[vector<16xi32>, vector<16xi32>], vector<16xf32>,
      %broadcast_in_dim3A_444 = arith.constant 105 : i32
      %broadcast_in_dim3A_445 = vector.broadcast %broadcast_in_dim3A_444 : i32 to vector<16xi32>
      %gather3A_446 = tpu.vector_load_idx %arg10[%add3A_129, %iota3A, %broadcast_in_dim3A_445] : memref<2x16x128xf32, #tpu.memory_space<vmem>>[vector<16xi32>, vector<16xi32>, vector<16xi32>], vector<16xf32>,
      tpu.vector_store_idx %arg11[%get3A_114, %broadcast_in_dim3A_445], %gather3A_446 {add = true} : memref<321x128xf32, #tpu.memory_space<vmem>>[vector<16xi32>, vector<16xi32>], vector<16xf32>,
      %broadcast_in_dim3A_447 = arith.constant 106 : i32
      %broadcast_in_dim3A_448 = vector.broadcast %broadcast_in_dim3A_447 : i32 to vector<16xi32>
      %gather3A_449 = tpu.vector_load_idx %arg10[%add3A_129, %iota3A, %broadcast_in_dim3A_448] : memref<2x16x128xf32, #tpu.memory_space<vmem>>[vector<16xi32>, vector<16xi32>, vector<16xi32>], vector<16xf32>,
      tpu.vector_store_idx %arg11[%get3A_114, %broadcast_in_dim3A_448], %gather3A_449 {add = true} : memref<321x128xf32, #tpu.memory_space<vmem>>[vector<16xi32>, vector<16xi32>], vector<16xf32>,
      %broadcast_in_dim3A_450 = arith.constant 107 : i32
      %broadcast_in_dim3A_451 = vector.broadcast %broadcast_in_dim3A_450 : i32 to vector<16xi32>
      %gather3A_452 = tpu.vector_load_idx %arg10[%add3A_129, %iota3A, %broadcast_in_dim3A_451] : memref<2x16x128xf32, #tpu.memory_space<vmem>>[vector<16xi32>, vector<16xi32>, vector<16xi32>], vector<16xf32>,
      tpu.vector_store_idx %arg11[%get3A_114, %broadcast_in_dim3A_451], %gather3A_452 {add = true} : memref<321x128xf32, #tpu.memory_space<vmem>>[vector<16xi32>, vector<16xi32>], vector<16xf32>,
      %broadcast_in_dim3A_453 = arith.constant 108 : i32
      %broadcast_in_dim3A_454 = vector.broadcast %broadcast_in_dim3A_453 : i32 to vector<16xi32>
      %gather3A_455 = tpu.vector_load_idx %arg10[%add3A_129, %iota3A, %broadcast_in_dim3A_454] : memref<2x16x128xf32, #tpu.memory_space<vmem>>[vector<16xi32>, vector<16xi32>, vector<16xi32>], vector<16xf32>,
      tpu.vector_store_idx %arg11[%get3A_114, %broadcast_in_dim3A_454], %gather3A_455 {add = true} : memref<321x128xf32, #tpu.memory_space<vmem>>[vector<16xi32>, vector<16xi32>], vector<16xf32>,
      %broadcast_in_dim3A_456 = arith.constant 109 : i32
      %broadcast_in_dim3A_457 = vector.broadcast %broadcast_in_dim3A_456 : i32 to vector<16xi32>
      %gather3A_458 = tpu.vector_load_idx %arg10[%add3A_129, %iota3A, %broadcast_in_dim3A_457] : memref<2x16x128xf32, #tpu.memory_space<vmem>>[vector<16xi32>, vector<16xi32>, vector<16xi32>], vector<16xf32>,
      tpu.vector_store_idx %arg11[%get3A_114, %broadcast_in_dim3A_457], %gather3A_458 {add = true} : memref<321x128xf32, #tpu.memory_space<vmem>>[vector<16xi32>, vector<16xi32>], vector<16xf32>,
      %broadcast_in_dim3A_459 = arith.constant 110 : i32
      %broadcast_in_dim3A_460 = vector.broadcast %broadcast_in_dim3A_459 : i32 to vector<16xi32>
      %gather3A_461 = tpu.vector_load_idx %arg10[%add3A_129, %iota3A, %broadcast_in_dim3A_460] : memref<2x16x128xf32, #tpu.memory_space<vmem>>[vector<16xi32>, vector<16xi32>, vector<16xi32>], vector<16xf32>,
      tpu.vector_store_idx %arg11[%get3A_114, %broadcast_in_dim3A_460], %gather3A_461 {add = true} : memref<321x128xf32, #tpu.memory_space<vmem>>[vector<16xi32>, vector<16xi32>], vector<16xf32>,
      %broadcast_in_dim3A_462 = arith.constant 111 : i32
      %broadcast_in_dim3A_463 = vector.broadcast %broadcast_in_dim3A_462 : i32 to vector<16xi32>
      %gather3A_464 = tpu.vector_load_idx %arg10[%add3A_129, %iota3A, %broadcast_in_dim3A_463] : memref<2x16x128xf32, #tpu.memory_space<vmem>>[vector<16xi32>, vector<16xi32>, vector<16xi32>], vector<16xf32>,
      tpu.vector_store_idx %arg11[%get3A_114, %broadcast_in_dim3A_463], %gather3A_464 {add = true} : memref<321x128xf32, #tpu.memory_space<vmem>>[vector<16xi32>, vector<16xi32>], vector<16xf32>,
      %broadcast_in_dim3A_465 = arith.constant 112 : i32
      %broadcast_in_dim3A_466 = vector.broadcast %broadcast_in_dim3A_465 : i32 to vector<16xi32>
      %gather3A_467 = tpu.vector_load_idx %arg10[%add3A_129, %iota3A, %broadcast_in_dim3A_466] : memref<2x16x128xf32, #tpu.memory_space<vmem>>[vector<16xi32>, vector<16xi32>, vector<16xi32>], vector<16xf32>,
      tpu.vector_store_idx %arg11[%get3A_114, %broadcast_in_dim3A_466], %gather3A_467 {add = true} : memref<321x128xf32, #tpu.memory_space<vmem>>[vector<16xi32>, vector<16xi32>], vector<16xf32>,
      %broadcast_in_dim3A_468 = arith.constant 113 : i32
      %broadcast_in_dim3A_469 = vector.broadcast %broadcast_in_dim3A_468 : i32 to vector<16xi32>
      %gather3A_470 = tpu.vector_load_idx %arg10[%add3A_129, %iota3A, %broadcast_in_dim3A_469] : memref<2x16x128xf32, #tpu.memory_space<vmem>>[vector<16xi32>, vector<16xi32>, vector<16xi32>], vector<16xf32>,
      tpu.vector_store_idx %arg11[%get3A_114, %broadcast_in_dim3A_469], %gather3A_470 {add = true} : memref<321x128xf32, #tpu.memory_space<vmem>>[vector<16xi32>, vector<16xi32>], vector<16xf32>,
      %broadcast_in_dim3A_471 = arith.constant 114 : i32
      %broadcast_in_dim3A_472 = vector.broadcast %broadcast_in_dim3A_471 : i32 to vector<16xi32>
      %gather3A_473 = tpu.vector_load_idx %arg10[%add3A_129, %iota3A, %broadcast_in_dim3A_472] : memref<2x16x128xf32, #tpu.memory_space<vmem>>[vector<16xi32>, vector<16xi32>, vector<16xi32>], vector<16xf32>,
      tpu.vector_store_idx %arg11[%get3A_114, %broadcast_in_dim3A_472], %gather3A_473 {add = true} : memref<321x128xf32, #tpu.memory_space<vmem>>[vector<16xi32>, vector<16xi32>], vector<16xf32>,
      %broadcast_in_dim3A_474 = arith.constant 115 : i32
      %broadcast_in_dim3A_475 = vector.broadcast %broadcast_in_dim3A_474 : i32 to vector<16xi32>
      %gather3A_476 = tpu.vector_load_idx %arg10[%add3A_129, %iota3A, %broadcast_in_dim3A_475] : memref<2x16x128xf32, #tpu.memory_space<vmem>>[vector<16xi32>, vector<16xi32>, vector<16xi32>], vector<16xf32>,
      tpu.vector_store_idx %arg11[%get3A_114, %broadcast_in_dim3A_475], %gather3A_476 {add = true} : memref<321x128xf32, #tpu.memory_space<vmem>>[vector<16xi32>, vector<16xi32>], vector<16xf32>,
      %broadcast_in_dim3A_477 = arith.constant 116 : i32
      %broadcast_in_dim3A_478 = vector.broadcast %broadcast_in_dim3A_477 : i32 to vector<16xi32>
      %gather3A_479 = tpu.vector_load_idx %arg10[%add3A_129, %iota3A, %broadcast_in_dim3A_478] : memref<2x16x128xf32, #tpu.memory_space<vmem>>[vector<16xi32>, vector<16xi32>, vector<16xi32>], vector<16xf32>,
      tpu.vector_store_idx %arg11[%get3A_114, %broadcast_in_dim3A_478], %gather3A_479 {add = true} : memref<321x128xf32, #tpu.memory_space<vmem>>[vector<16xi32>, vector<16xi32>], vector<16xf32>,
      %broadcast_in_dim3A_480 = arith.constant 117 : i32
      %broadcast_in_dim3A_481 = vector.broadcast %broadcast_in_dim3A_480 : i32 to vector<16xi32>
      %gather3A_482 = tpu.vector_load_idx %arg10[%add3A_129, %iota3A, %broadcast_in_dim3A_481] : memref<2x16x128xf32, #tpu.memory_space<vmem>>[vector<16xi32>, vector<16xi32>, vector<16xi32>], vector<16xf32>,
      tpu.vector_store_idx %arg11[%get3A_114, %broadcast_in_dim3A_481], %gather3A_482 {add = true} : memref<321x128xf32, #tpu.memory_space<vmem>>[vector<16xi32>, vector<16xi32>], vector<16xf32>,
      %broadcast_in_dim3A_483 = arith.constant 118 : i32
      %broadcast_in_dim3A_484 = vector.broadcast %broadcast_in_dim3A_483 : i32 to vector<16xi32>
      %gather3A_485 = tpu.vector_load_idx %arg10[%add3A_129, %iota3A, %broadcast_in_dim3A_484] : memref<2x16x128xf32, #tpu.memory_space<vmem>>[vector<16xi32>, vector<16xi32>, vector<16xi32>], vector<16xf32>,
      tpu.vector_store_idx %arg11[%get3A_114, %broadcast_in_dim3A_484], %gather3A_485 {add = true} : memref<321x128xf32, #tpu.memory_space<vmem>>[vector<16xi32>, vector<16xi32>], vector<16xf32>,
      %broadcast_in_dim3A_486 = arith.constant 119 : i32
      %broadcast_in_dim3A_487 = vector.broadcast %broadcast_in_dim3A_486 : i32 to vector<16xi32>
      %gather3A_488 = tpu.vector_load_idx %arg10[%add3A_129, %iota3A, %broadcast_in_dim3A_487] : memref<2x16x128xf32, #tpu.memory_space<vmem>>[vector<16xi32>, vector<16xi32>, vector<16xi32>], vector<16xf32>,
      tpu.vector_store_idx %arg11[%get3A_114, %broadcast_in_dim3A_487], %gather3A_488 {add = true} : memref<321x128xf32, #tpu.memory_space<vmem>>[vector<16xi32>, vector<16xi32>], vector<16xf32>,
      %broadcast_in_dim3A_489 = arith.constant 120 : i32
      %broadcast_in_dim3A_490 = vector.broadcast %broadcast_in_dim3A_489 : i32 to vector<16xi32>
      %gather3A_491 = tpu.vector_load_idx %arg10[%add3A_129, %iota3A, %broadcast_in_dim3A_490] : memref<2x16x128xf32, #tpu.memory_space<vmem>>[vector<16xi32>, vector<16xi32>, vector<16xi32>], vector<16xf32>,
      tpu.vector_store_idx %arg11[%get3A_114, %broadcast_in_dim3A_490], %gather3A_491 {add = true} : memref<321x128xf32, #tpu.memory_space<vmem>>[vector<16xi32>, vector<16xi32>], vector<16xf32>,
      %broadcast_in_dim3A_492 = arith.constant 121 : i32
      %broadcast_in_dim3A_493 = vector.broadcast %broadcast_in_dim3A_492 : i32 to vector<16xi32>
      %gather3A_494 = tpu.vector_load_idx %arg10[%add3A_129, %iota3A, %broadcast_in_dim3A_493] : memref<2x16x128xf32, #tpu.memory_space<vmem>>[vector<16xi32>, vector<16xi32>, vector<16xi32>], vector<16xf32>,
      tpu.vector_store_idx %arg11[%get3A_114, %broadcast_in_dim3A_493], %gather3A_494 {add = true} : memref<321x128xf32, #tpu.memory_space<vmem>>[vector<16xi32>, vector<16xi32>], vector<16xf32>,
      %broadcast_in_dim3A_495 = arith.constant 122 : i32
      %broadcast_in_dim3A_496 = vector.broadcast %broadcast_in_dim3A_495 : i32 to vector<16xi32>
      %gather3A_497 = tpu.vector_load_idx %arg10[%add3A_129, %iota3A, %broadcast_in_dim3A_496] : memref<2x16x128xf32, #tpu.memory_space<vmem>>[vector<16xi32>, vector<16xi32>, vector<16xi32>], vector<16xf32>,
      tpu.vector_store_idx %arg11[%get3A_114, %broadcast_in_dim3A_496], %gather3A_497 {add = true} : memref<321x128xf32, #tpu.memory_space<vmem>>[vector<16xi32>, vector<16xi32>], vector<16xf32>,
      %broadcast_in_dim3A_498 = arith.constant 123 : i32
      %broadcast_in_dim3A_499 = vector.broadcast %broadcast_in_dim3A_498 : i32 to vector<16xi32>
      %gather3A_500 = tpu.vector_load_idx %arg10[%add3A_129, %iota3A, %broadcast_in_dim3A_499] : memref<2x16x128xf32, #tpu.memory_space<vmem>>[vector<16xi32>, vector<16xi32>, vector<16xi32>], vector<16xf32>,
      tpu.vector_store_idx %arg11[%get3A_114, %broadcast_in_dim3A_499], %gather3A_500 {add = true} : memref<321x128xf32, #tpu.memory_space<vmem>>[vector<16xi32>, vector<16xi32>], vector<16xf32>,
      %broadcast_in_dim3A_501 = arith.constant 124 : i32
      %broadcast_in_dim3A_502 = vector.broadcast %broadcast_in_dim3A_501 : i32 to vector<16xi32>
      %gather3A_503 = tpu.vector_load_idx %arg10[%add3A_129, %iota3A, %broadcast_in_dim3A_502] : memref<2x16x128xf32, #tpu.memory_space<vmem>>[vector<16xi32>, vector<16xi32>, vector<16xi32>], vector<16xf32>,
      tpu.vector_store_idx %arg11[%get3A_114, %broadcast_in_dim3A_502], %gather3A_503 {add = true} : memref<321x128xf32, #tpu.memory_space<vmem>>[vector<16xi32>, vector<16xi32>], vector<16xf32>,
      %broadcast_in_dim3A_504 = arith.constant 125 : i32
      %broadcast_in_dim3A_505 = vector.broadcast %broadcast_in_dim3A_504 : i32 to vector<16xi32>
      %gather3A_506 = tpu.vector_load_idx %arg10[%add3A_129, %iota3A, %broadcast_in_dim3A_505] : memref<2x16x128xf32, #tpu.memory_space<vmem>>[vector<16xi32>, vector<16xi32>, vector<16xi32>], vector<16xf32>,
      tpu.vector_store_idx %arg11[%get3A_114, %broadcast_in_dim3A_505], %gather3A_506 {add = true} : memref<321x128xf32, #tpu.memory_space<vmem>>[vector<16xi32>, vector<16xi32>], vector<16xf32>,
      %broadcast_in_dim3A_507 = arith.constant 126 : i32
      %broadcast_in_dim3A_508 = vector.broadcast %broadcast_in_dim3A_507 : i32 to vector<16xi32>
      %gather3A_509 = tpu.vector_load_idx %arg10[%add3A_129, %iota3A, %broadcast_in_dim3A_508] : memref<2x16x128xf32, #tpu.memory_space<vmem>>[vector<16xi32>, vector<16xi32>, vector<16xi32>], vector<16xf32>,
      tpu.vector_store_idx %arg11[%get3A_114, %broadcast_in_dim3A_508], %gather3A_509 {add = true} : memref<321x128xf32, #tpu.memory_space<vmem>>[vector<16xi32>, vector<16xi32>], vector<16xf32>,
      %broadcast_in_dim3A_510 = arith.constant 127 : i32
      %broadcast_in_dim3A_511 = vector.broadcast %broadcast_in_dim3A_510 : i32 to vector<16xi32>
      %gather3A_512 = tpu.vector_load_idx %arg10[%add3A_129, %iota3A, %broadcast_in_dim3A_511] : memref<2x16x128xf32, #tpu.memory_space<vmem>>[vector<16xi32>, vector<16xi32>, vector<16xi32>], vector<16xf32>,
      tpu.vector_store_idx %arg11[%get3A_114, %broadcast_in_dim3A_511], %gather3A_512 {add = true} : memref<321x128xf32, #tpu.memory_space<vmem>>[vector<16xi32>, vector<16xi32>], vector<16xf32>,
    }
    %while3A_102 = arith.constant 1 : i32
    scf.for %while3A_103 = %while3A_100 to %while3A_96 step %while3A_102  : i32 {
      %mul3A_104 = arith.muli %while3A_103, %while3A : i32
      %add3A_105 = arith.addi %while3A_93, %mul3A_104 : i32
      %and3A_106 = arith.constant 1 : i32
      %and3A_107 = arith.andi %add3A_105, %and3A_106 : i32
      %mul3A_108 = arith.constant 16 : i32
      %mul3A_109 = arith.muli %add3A_105, %mul3A_108 : i32
      %get3A = arith.index_cast %mul3A_109 : i32 to index
      %get3A_110 = tpu.vector_load %arg8[%get3A] {strides = array<i32>} : memref<16384xi32, #tpu.memory_space<vmem>>, vector<16xi32>,
      %mul3A_111 = arith.constant 16 : i32
      %mul3A_112 = arith.muli %add3A_105, %mul3A_111 : i32
      %get3A_113 = arith.index_cast %mul3A_112 : i32 to index
      %get3A_114 = tpu.vector_load %arg9[%get3A_113] {strides = array<i32>} : memref<16384xi32, #tpu.memory_space<vmem>>, vector<16xi32>,
      %dma_wait3A = arith.constant 0 : i32
      %dma_wait3A_115 = arith.constant 0 : i32
      %dma_wait3A_116 = tpu.memref_slice %arg10[%and3A_107, %dma_wait3A, %dma_wait3A_115] : memref<2x16x128xf32, #tpu.memory_space<vmem>> -> memref<1x16x128xf32, #tpu.memory_space<vmem>>
      %dma_wait3A_117 = tpu.memref_squeeze %dma_wait3A_116 : memref<1x16x128xf32, #tpu.memory_space<vmem>> -> memref<16x128xf32, #tpu.memory_space<vmem>>
      %dma_wait3A_118 = arith.constant 0 : i32
      %dma_wait3A_119 = arith.constant 0 : i32
      %dma_wait3A_120 = tpu.memref_slice %arg2[%dma_wait3A_118, %dma_wait3A_119] : memref<10000x128xf32, #tpu.memory_space<hbm>> -> memref<10000x128xf32, #tpu.memory_space<hbm>>
      tpu.wait_indirect_dma semaphore(%arg12 : memref<!tpu.dma_semaphore, #tpu.memory_space<semaphore_mem>>) src(%dma_wait3A_120 : memref<10000x128xf32, #tpu.memory_space<hbm>>) dst(%dma_wait3A_117 : memref<16x128xf32, #tpu.memory_space<vmem>>)
      %add3A_121 = arith.constant 1 : i32
      %add3A_122 = arith.addi %add3A_105, %add3A_121 : i32
      %lt3A = arith.cmpi slt, %add3A_122, %min3A_82 : i32
      %convert_element_type3A_123 = arith.extui %lt3A : i1 to i32
      %cond3A_124 = arith.constant 0 : i32
      %cond3A_125 = arith.cmpi ne, %convert_element_type3A_123, %cond3A_124 : i32
      scf.if %cond3A_125 {
        %add3A_513 = arith.constant 1 : i32
        %add3A_514 = arith.addi %add3A_105, %add3A_513 : i32
        %mul3A_515 = arith.constant 16 : i32
        %mul3A_516 = arith.muli %add3A_514, %mul3A_515 : i32
        %get3A_517 = arith.index_cast %mul3A_516 : i32 to index
        %get3A_518 = tpu.vector_load %arg8[%get3A_517] {strides = array<i32>} : memref<16384xi32, #tpu.memory_space<vmem>>, vector<16xi32>,
        %add3A_519 = arith.constant 1 : i32
        %add3A_520 = arith.addi %add3A_105, %add3A_519 : i32
        %and3A_521 = arith.constant 1 : i32
        %and3A_522 = arith.andi %add3A_520, %and3A_521 : i32
        %dma_start3A_523 = arith.constant 0 : i32
        %dma_start3A_524 = arith.constant 0 : i32
        %dma_start3A_525 = tpu.memref_slice %arg10[%and3A_522, %dma_start3A_523, %dma_start3A_524] : memref<2x16x128xf32, #tpu.memory_space<vmem>> -> memref<1x16x128xf32, #tpu.memory_space<vmem>>
        %dma_start3A_526 = tpu.memref_squeeze %dma_start3A_525 : memref<1x16x128xf32, #tpu.memory_space<vmem>> -> memref<16x128xf32, #tpu.memory_space<vmem>>
        %dma_start3A_527 = arith.constant 0 : i32
        %dma_start3A_528 = arith.constant 0 : i32
        %dma_start3A_529 = tpu.memref_slice %arg2[%dma_start3A_527, %dma_start3A_528] : memref<10000x128xf32, #tpu.memory_space<hbm>> -> memref<10000x128xf32, #tpu.memory_space<hbm>>
        tpu.enqueue_indirect_dma source(%dma_start3A_529 : memref<10000x128xf32, #tpu.memory_space<hbm>>) target(%dma_start3A_526 : memref<16x128xf32, #tpu.memory_space<vmem>>) offsets(%get3A_518 : vector<16xi32>) semaphore(%arg12 : memref<!tpu.dma_semaphore, #tpu.memory_space<semaphore_mem>>)
      } else {
      }
      %broadcast_in_dim3A_126 = arith.constant 0 : i32
      %broadcast_in_dim3A_127 = vector.broadcast %broadcast_in_dim3A_126 : i32 to vector<16xi32>
      %add3A_128 = vector.broadcast %and3A_107 : i32 to vector<16xi32>
      %add3A_129 = arith.addi %broadcast_in_dim3A_127, %add3A_128 : vector<16xi32>
      %broadcast_in_dim3A_130 = arith.constant 0 : i32
      %broadcast_in_dim3A_131 = vector.broadcast %broadcast_in_dim3A_130 : i32 to vector<16xi32>
      %gather3A = tpu.vector_load_idx %arg10[%add3A_129, %iota3A, %broadcast_in_dim3A_131] : memref<2x16x128xf32, #tpu.memory_space<vmem>>[vector<16xi32>, vector<16xi32>, vector<16xi32>], vector<16xf32>,
      tpu.vector_store_idx %arg11[%get3A_114, %broadcast_in_dim3A_131], %gather3A {add = true} : memref<321x128xf32, #tpu.memory_space<vmem>>[vector<16xi32>, vector<16xi32>], vector<16xf32>,
      %broadcast_in_dim3A_132 = arith.constant 1 : i32
      %broadcast_in_dim3A_133 = vector.broadcast %broadcast_in_dim3A_132 : i32 to vector<16xi32>
      %gather3A_134 = tpu.vector_load_idx %arg10[%add3A_129, %iota3A, %broadcast_in_dim3A_133] : memref<2x16x128xf32, #tpu.memory_space<vmem>>[vector<16xi32>, vector<16xi32>, vector<16xi32>], vector<16xf32>,
      tpu.vector_store_idx %arg11[%get3A_114, %broadcast_in_dim3A_133], %gather3A_134 {add = true} : memref<321x128xf32, #tpu.memory_space<vmem>>[vector<16xi32>, vector<16xi32>], vector<16xf32>,
      %broadcast_in_dim3A_135 = arith.constant 2 : i32
      %broadcast_in_dim3A_136 = vector.broadcast %broadcast_in_dim3A_135 : i32 to vector<16xi32>
      %gather3A_137 = tpu.vector_load_idx %arg10[%add3A_129, %iota3A, %broadcast_in_dim3A_136] : memref<2x16x128xf32, #tpu.memory_space<vmem>>[vector<16xi32>, vector<16xi32>, vector<16xi32>], vector<16xf32>,
      tpu.vector_store_idx %arg11[%get3A_114, %broadcast_in_dim3A_136], %gather3A_137 {add = true} : memref<321x128xf32, #tpu.memory_space<vmem>>[vector<16xi32>, vector<16xi32>], vector<16xf32>,
      %broadcast_in_dim3A_138 = arith.constant 3 : i32
      %broadcast_in_dim3A_139 = vector.broadcast %broadcast_in_dim3A_138 : i32 to vector<16xi32>
      %gather3A_140 = tpu.vector_load_idx %arg10[%add3A_129, %iota3A, %broadcast_in_dim3A_139] : memref<2x16x128xf32, #tpu.memory_space<vmem>>[vector<16xi32>, vector<16xi32>, vector<16xi32>], vector<16xf32>,
      tpu.vector_store_idx %arg11[%get3A_114, %broadcast_in_dim3A_139], %gather3A_140 {add = true} : memref<321x128xf32, #tpu.memory_space<vmem>>[vector<16xi32>, vector<16xi32>], vector<16xf32>,
      %broadcast_in_dim3A_141 = arith.constant 4 : i32
      %broadcast_in_dim3A_142 = vector.broadcast %broadcast_in_dim3A_141 : i32 to vector<16xi32>
      %gather3A_143 = tpu.vector_load_idx %arg10[%add3A_129, %iota3A, %broadcast_in_dim3A_142] : memref<2x16x128xf32, #tpu.memory_space<vmem>>[vector<16xi32>, vector<16xi32>, vector<16xi32>], vector<16xf32>,
      tpu.vector_store_idx %arg11[%get3A_114, %broadcast_in_dim3A_142], %gather3A_143 {add = true} : memref<321x128xf32, #tpu.memory_space<vmem>>[vector<16xi32>, vector<16xi32>], vector<16xf32>,
      %broadcast_in_dim3A_144 = arith.constant 5 : i32
      %broadcast_in_dim3A_145 = vector.broadcast %broadcast_in_dim3A_144 : i32 to vector<16xi32>
      %gather3A_146 = tpu.vector_load_idx %arg10[%add3A_129, %iota3A, %broadcast_in_dim3A_145] : memref<2x16x128xf32, #tpu.memory_space<vmem>>[vector<16xi32>, vector<16xi32>, vector<16xi32>], vector<16xf32>,
      tpu.vector_store_idx %arg11[%get3A_114, %broadcast_in_dim3A_145], %gather3A_146 {add = true} : memref<321x128xf32, #tpu.memory_space<vmem>>[vector<16xi32>, vector<16xi32>], vector<16xf32>,
      %broadcast_in_dim3A_147 = arith.constant 6 : i32
      %broadcast_in_dim3A_148 = vector.broadcast %broadcast_in_dim3A_147 : i32 to vector<16xi32>
      %gather3A_149 = tpu.vector_load_idx %arg10[%add3A_129, %iota3A, %broadcast_in_dim3A_148] : memref<2x16x128xf32, #tpu.memory_space<vmem>>[vector<16xi32>, vector<16xi32>, vector<16xi32>], vector<16xf32>,
      tpu.vector_store_idx %arg11[%get3A_114, %broadcast_in_dim3A_148], %gather3A_149 {add = true} : memref<321x128xf32, #tpu.memory_space<vmem>>[vector<16xi32>, vector<16xi32>], vector<16xf32>,
      %broadcast_in_dim3A_150 = arith.constant 7 : i32
      %broadcast_in_dim3A_151 = vector.broadcast %broadcast_in_dim3A_150 : i32 to vector<16xi32>
      %gather3A_152 = tpu.vector_load_idx %arg10[%add3A_129, %iota3A, %broadcast_in_dim3A_151] : memref<2x16x128xf32, #tpu.memory_space<vmem>>[vector<16xi32>, vector<16xi32>, vector<16xi32>], vector<16xf32>,
      tpu.vector_store_idx %arg11[%get3A_114, %broadcast_in_dim3A_151], %gather3A_152 {add = true} : memref<321x128xf32, #tpu.memory_space<vmem>>[vector<16xi32>, vector<16xi32>], vector<16xf32>,
      %broadcast_in_dim3A_153 = arith.constant 8 : i32
      %broadcast_in_dim3A_154 = vector.broadcast %broadcast_in_dim3A_153 : i32 to vector<16xi32>
      %gather3A_155 = tpu.vector_load_idx %arg10[%add3A_129, %iota3A, %broadcast_in_dim3A_154] : memref<2x16x128xf32, #tpu.memory_space<vmem>>[vector<16xi32>, vector<16xi32>, vector<16xi32>], vector<16xf32>,
      tpu.vector_store_idx %arg11[%get3A_114, %broadcast_in_dim3A_154], %gather3A_155 {add = true} : memref<321x128xf32, #tpu.memory_space<vmem>>[vector<16xi32>, vector<16xi32>], vector<16xf32>,
      %broadcast_in_dim3A_156 = arith.constant 9 : i32
      %broadcast_in_dim3A_157 = vector.broadcast %broadcast_in_dim3A_156 : i32 to vector<16xi32>
      %gather3A_158 = tpu.vector_load_idx %arg10[%add3A_129, %iota3A, %broadcast_in_dim3A_157] : memref<2x16x128xf32, #tpu.memory_space<vmem>>[vector<16xi32>, vector<16xi32>, vector<16xi32>], vector<16xf32>,
      tpu.vector_store_idx %arg11[%get3A_114, %broadcast_in_dim3A_157], %gather3A_158 {add = true} : memref<321x128xf32, #tpu.memory_space<vmem>>[vector<16xi32>, vector<16xi32>], vector<16xf32>,
      %broadcast_in_dim3A_159 = arith.constant 10 : i32
      %broadcast_in_dim3A_160 = vector.broadcast %broadcast_in_dim3A_159 : i32 to vector<16xi32>
      %gather3A_161 = tpu.vector_load_idx %arg10[%add3A_129, %iota3A, %broadcast_in_dim3A_160] : memref<2x16x128xf32, #tpu.memory_space<vmem>>[vector<16xi32>, vector<16xi32>, vector<16xi32>], vector<16xf32>,
      tpu.vector_store_idx %arg11[%get3A_114, %broadcast_in_dim3A_160], %gather3A_161 {add = true} : memref<321x128xf32, #tpu.memory_space<vmem>>[vector<16xi32>, vector<16xi32>], vector<16xf32>,
      %broadcast_in_dim3A_162 = arith.constant 11 : i32
      %broadcast_in_dim3A_163 = vector.broadcast %broadcast_in_dim3A_162 : i32 to vector<16xi32>
      %gather3A_164 = tpu.vector_load_idx %arg10[%add3A_129, %iota3A, %broadcast_in_dim3A_163] : memref<2x16x128xf32, #tpu.memory_space<vmem>>[vector<16xi32>, vector<16xi32>, vector<16xi32>], vector<16xf32>,
      tpu.vector_store_idx %arg11[%get3A_114, %broadcast_in_dim3A_163], %gather3A_164 {add = true} : memref<321x128xf32, #tpu.memory_space<vmem>>[vector<16xi32>, vector<16xi32>], vector<16xf32>,
      %broadcast_in_dim3A_165 = arith.constant 12 : i32
      %broadcast_in_dim3A_166 = vector.broadcast %broadcast_in_dim3A_165 : i32 to vector<16xi32>
      %gather3A_167 = tpu.vector_load_idx %arg10[%add3A_129, %iota3A, %broadcast_in_dim3A_166] : memref<2x16x128xf32, #tpu.memory_space<vmem>>[vector<16xi32>, vector<16xi32>, vector<16xi32>], vector<16xf32>,
      tpu.vector_store_idx %arg11[%get3A_114, %broadcast_in_dim3A_166], %gather3A_167 {add = true} : memref<321x128xf32, #tpu.memory_space<vmem>>[vector<16xi32>, vector<16xi32>], vector<16xf32>,
      %broadcast_in_dim3A_168 = arith.constant 13 : i32
      %broadcast_in_dim3A_169 = vector.broadcast %broadcast_in_dim3A_168 : i32 to vector<16xi32>
      %gather3A_170 = tpu.vector_load_idx %arg10[%add3A_129, %iota3A, %broadcast_in_dim3A_169] : memref<2x16x128xf32, #tpu.memory_space<vmem>>[vector<16xi32>, vector<16xi32>, vector<16xi32>], vector<16xf32>,
      tpu.vector_store_idx %arg11[%get3A_114, %broadcast_in_dim3A_169], %gather3A_170 {add = true} : memref<321x128xf32, #tpu.memory_space<vmem>>[vector<16xi32>, vector<16xi32>], vector<16xf32>,
      %broadcast_in_dim3A_171 = arith.constant 14 : i32
      %broadcast_in_dim3A_172 = vector.broadcast %broadcast_in_dim3A_171 : i32 to vector<16xi32>
      %gather3A_173 = tpu.vector_load_idx %arg10[%add3A_129, %iota3A, %broadcast_in_dim3A_172] : memref<2x16x128xf32, #tpu.memory_space<vmem>>[vector<16xi32>, vector<16xi32>, vector<16xi32>], vector<16xf32>,
      tpu.vector_store_idx %arg11[%get3A_114, %broadcast_in_dim3A_172], %gather3A_173 {add = true} : memref<321x128xf32, #tpu.memory_space<vmem>>[vector<16xi32>, vector<16xi32>], vector<16xf32>,
      %broadcast_in_dim3A_174 = arith.constant 15 : i32
      %broadcast_in_dim3A_175 = vector.broadcast %broadcast_in_dim3A_174 : i32 to vector<16xi32>
      %gather3A_176 = tpu.vector_load_idx %arg10[%add3A_129, %iota3A, %broadcast_in_dim3A_175] : memref<2x16x128xf32, #tpu.memory_space<vmem>>[vector<16xi32>, vector<16xi32>, vector<16xi32>], vector<16xf32>,
      tpu.vector_store_idx %arg11[%get3A_114, %broadcast_in_dim3A_175], %gather3A_176 {add = true} : memref<321x128xf32, #tpu.memory_space<vmem>>[vector<16xi32>, vector<16xi32>], vector<16xf32>,
      %broadcast_in_dim3A_177 = arith.constant 16 : i32
      %broadcast_in_dim3A_178 = vector.broadcast %broadcast_in_dim3A_177 : i32 to vector<16xi32>
      %gather3A_179 = tpu.vector_load_idx %arg10[%add3A_129, %iota3A, %broadcast_in_dim3A_178] : memref<2x16x128xf32, #tpu.memory_space<vmem>>[vector<16xi32>, vector<16xi32>, vector<16xi32>], vector<16xf32>,
      tpu.vector_store_idx %arg11[%get3A_114, %broadcast_in_dim3A_178], %gather3A_179 {add = true} : memref<321x128xf32, #tpu.memory_space<vmem>>[vector<16xi32>, vector<16xi32>], vector<16xf32>,
      %broadcast_in_dim3A_180 = arith.constant 17 : i32
      %broadcast_in_dim3A_181 = vector.broadcast %broadcast_in_dim3A_180 : i32 to vector<16xi32>
      %gather3A_182 = tpu.vector_load_idx %arg10[%add3A_129, %iota3A, %broadcast_in_dim3A_181] : memref<2x16x128xf32, #tpu.memory_space<vmem>>[vector<16xi32>, vector<16xi32>, vector<16xi32>], vector<16xf32>,
      tpu.vector_store_idx %arg11[%get3A_114, %broadcast_in_dim3A_181], %gather3A_182 {add = true} : memref<321x128xf32, #tpu.memory_space<vmem>>[vector<16xi32>, vector<16xi32>], vector<16xf32>,
      %broadcast_in_dim3A_183 = arith.constant 18 : i32
      %broadcast_in_dim3A_184 = vector.broadcast %broadcast_in_dim3A_183 : i32 to vector<16xi32>
      %gather3A_185 = tpu.vector_load_idx %arg10[%add3A_129, %iota3A, %broadcast_in_dim3A_184] : memref<2x16x128xf32, #tpu.memory_space<vmem>>[vector<16xi32>, vector<16xi32>, vector<16xi32>], vector<16xf32>,
      tpu.vector_store_idx %arg11[%get3A_114, %broadcast_in_dim3A_184], %gather3A_185 {add = true} : memref<321x128xf32, #tpu.memory_space<vmem>>[vector<16xi32>, vector<16xi32>], vector<16xf32>,
      %broadcast_in_dim3A_186 = arith.constant 19 : i32
      %broadcast_in_dim3A_187 = vector.broadcast %broadcast_in_dim3A_186 : i32 to vector<16xi32>
      %gather3A_188 = tpu.vector_load_idx %arg10[%add3A_129, %iota3A, %broadcast_in_dim3A_187] : memref<2x16x128xf32, #tpu.memory_space<vmem>>[vector<16xi32>, vector<16xi32>, vector<16xi32>], vector<16xf32>,
      tpu.vector_store_idx %arg11[%get3A_114, %broadcast_in_dim3A_187], %gather3A_188 {add = true} : memref<321x128xf32, #tpu.memory_space<vmem>>[vector<16xi32>, vector<16xi32>], vector<16xf32>,
      %broadcast_in_dim3A_189 = arith.constant 20 : i32
      %broadcast_in_dim3A_190 = vector.broadcast %broadcast_in_dim3A_189 : i32 to vector<16xi32>
      %gather3A_191 = tpu.vector_load_idx %arg10[%add3A_129, %iota3A, %broadcast_in_dim3A_190] : memref<2x16x128xf32, #tpu.memory_space<vmem>>[vector<16xi32>, vector<16xi32>, vector<16xi32>], vector<16xf32>,
      tpu.vector_store_idx %arg11[%get3A_114, %broadcast_in_dim3A_190], %gather3A_191 {add = true} : memref<321x128xf32, #tpu.memory_space<vmem>>[vector<16xi32>, vector<16xi32>], vector<16xf32>,
      %broadcast_in_dim3A_192 = arith.constant 21 : i32
      %broadcast_in_dim3A_193 = vector.broadcast %broadcast_in_dim3A_192 : i32 to vector<16xi32>
      %gather3A_194 = tpu.vector_load_idx %arg10[%add3A_129, %iota3A, %broadcast_in_dim3A_193] : memref<2x16x128xf32, #tpu.memory_space<vmem>>[vector<16xi32>, vector<16xi32>, vector<16xi32>], vector<16xf32>,
      tpu.vector_store_idx %arg11[%get3A_114, %broadcast_in_dim3A_193], %gather3A_194 {add = true} : memref<321x128xf32, #tpu.memory_space<vmem>>[vector<16xi32>, vector<16xi32>], vector<16xf32>,
      %broadcast_in_dim3A_195 = arith.constant 22 : i32
      %broadcast_in_dim3A_196 = vector.broadcast %broadcast_in_dim3A_195 : i32 to vector<16xi32>
      %gather3A_197 = tpu.vector_load_idx %arg10[%add3A_129, %iota3A, %broadcast_in_dim3A_196] : memref<2x16x128xf32, #tpu.memory_space<vmem>>[vector<16xi32>, vector<16xi32>, vector<16xi32>], vector<16xf32>,
      tpu.vector_store_idx %arg11[%get3A_114, %broadcast_in_dim3A_196], %gather3A_197 {add = true} : memref<321x128xf32, #tpu.memory_space<vmem>>[vector<16xi32>, vector<16xi32>], vector<16xf32>,
      %broadcast_in_dim3A_198 = arith.constant 23 : i32
      %broadcast_in_dim3A_199 = vector.broadcast %broadcast_in_dim3A_198 : i32 to vector<16xi32>
      %gather3A_200 = tpu.vector_load_idx %arg10[%add3A_129, %iota3A, %broadcast_in_dim3A_199] : memref<2x16x128xf32, #tpu.memory_space<vmem>>[vector<16xi32>, vector<16xi32>, vector<16xi32>], vector<16xf32>,
      tpu.vector_store_idx %arg11[%get3A_114, %broadcast_in_dim3A_199], %gather3A_200 {add = true} : memref<321x128xf32, #tpu.memory_space<vmem>>[vector<16xi32>, vector<16xi32>], vector<16xf32>,
      %broadcast_in_dim3A_201 = arith.constant 24 : i32
      %broadcast_in_dim3A_202 = vector.broadcast %broadcast_in_dim3A_201 : i32 to vector<16xi32>
      %gather3A_203 = tpu.vector_load_idx %arg10[%add3A_129, %iota3A, %broadcast_in_dim3A_202] : memref<2x16x128xf32, #tpu.memory_space<vmem>>[vector<16xi32>, vector<16xi32>, vector<16xi32>], vector<16xf32>,
      tpu.vector_store_idx %arg11[%get3A_114, %broadcast_in_dim3A_202], %gather3A_203 {add = true} : memref<321x128xf32, #tpu.memory_space<vmem>>[vector<16xi32>, vector<16xi32>], vector<16xf32>,
      %broadcast_in_dim3A_204 = arith.constant 25 : i32
      %broadcast_in_dim3A_205 = vector.broadcast %broadcast_in_dim3A_204 : i32 to vector<16xi32>
      %gather3A_206 = tpu.vector_load_idx %arg10[%add3A_129, %iota3A, %broadcast_in_dim3A_205] : memref<2x16x128xf32, #tpu.memory_space<vmem>>[vector<16xi32>, vector<16xi32>, vector<16xi32>], vector<16xf32>,
      tpu.vector_store_idx %arg11[%get3A_114, %broadcast_in_dim3A_205], %gather3A_206 {add = true} : memref<321x128xf32, #tpu.memory_space<vmem>>[vector<16xi32>, vector<16xi32>], vector<16xf32>,
      %broadcast_in_dim3A_207 = arith.constant 26 : i32
      %broadcast_in_dim3A_208 = vector.broadcast %broadcast_in_dim3A_207 : i32 to vector<16xi32>
      %gather3A_209 = tpu.vector_load_idx %arg10[%add3A_129, %iota3A, %broadcast_in_dim3A_208] : memref<2x16x128xf32, #tpu.memory_space<vmem>>[vector<16xi32>, vector<16xi32>, vector<16xi32>], vector<16xf32>,
      tpu.vector_store_idx %arg11[%get3A_114, %broadcast_in_dim3A_208], %gather3A_209 {add = true} : memref<321x128xf32, #tpu.memory_space<vmem>>[vector<16xi32>, vector<16xi32>], vector<16xf32>,
      %broadcast_in_dim3A_210 = arith.constant 27 : i32
      %broadcast_in_dim3A_211 = vector.broadcast %broadcast_in_dim3A_210 : i32 to vector<16xi32>
      %gather3A_212 = tpu.vector_load_idx %arg10[%add3A_129, %iota3A, %broadcast_in_dim3A_211] : memref<2x16x128xf32, #tpu.memory_space<vmem>>[vector<16xi32>, vector<16xi32>, vector<16xi32>], vector<16xf32>,
      tpu.vector_store_idx %arg11[%get3A_114, %broadcast_in_dim3A_211], %gather3A_212 {add = true} : memref<321x128xf32, #tpu.memory_space<vmem>>[vector<16xi32>, vector<16xi32>], vector<16xf32>,
      %broadcast_in_dim3A_213 = arith.constant 28 : i32
      %broadcast_in_dim3A_214 = vector.broadcast %broadcast_in_dim3A_213 : i32 to vector<16xi32>
      %gather3A_215 = tpu.vector_load_idx %arg10[%add3A_129, %iota3A, %broadcast_in_dim3A_214] : memref<2x16x128xf32, #tpu.memory_space<vmem>>[vector<16xi32>, vector<16xi32>, vector<16xi32>], vector<16xf32>,
      tpu.vector_store_idx %arg11[%get3A_114, %broadcast_in_dim3A_214], %gather3A_215 {add = true} : memref<321x128xf32, #tpu.memory_space<vmem>>[vector<16xi32>, vector<16xi32>], vector<16xf32>,
      %broadcast_in_dim3A_216 = arith.constant 29 : i32
      %broadcast_in_dim3A_217 = vector.broadcast %broadcast_in_dim3A_216 : i32 to vector<16xi32>
      %gather3A_218 = tpu.vector_load_idx %arg10[%add3A_129, %iota3A, %broadcast_in_dim3A_217] : memref<2x16x128xf32, #tpu.memory_space<vmem>>[vector<16xi32>, vector<16xi32>, vector<16xi32>], vector<16xf32>,
      tpu.vector_store_idx %arg11[%get3A_114, %broadcast_in_dim3A_217], %gather3A_218 {add = true} : memref<321x128xf32, #tpu.memory_space<vmem>>[vector<16xi32>, vector<16xi32>], vector<16xf32>,
      %broadcast_in_dim3A_219 = arith.constant 30 : i32
      %broadcast_in_dim3A_220 = vector.broadcast %broadcast_in_dim3A_219 : i32 to vector<16xi32>
      %gather3A_221 = tpu.vector_load_idx %arg10[%add3A_129, %iota3A, %broadcast_in_dim3A_220] : memref<2x16x128xf32, #tpu.memory_space<vmem>>[vector<16xi32>, vector<16xi32>, vector<16xi32>], vector<16xf32>,
      tpu.vector_store_idx %arg11[%get3A_114, %broadcast_in_dim3A_220], %gather3A_221 {add = true} : memref<321x128xf32, #tpu.memory_space<vmem>>[vector<16xi32>, vector<16xi32>], vector<16xf32>,
      %broadcast_in_dim3A_222 = arith.constant 31 : i32
      %broadcast_in_dim3A_223 = vector.broadcast %broadcast_in_dim3A_222 : i32 to vector<16xi32>
      %gather3A_224 = tpu.vector_load_idx %arg10[%add3A_129, %iota3A, %broadcast_in_dim3A_223] : memref<2x16x128xf32, #tpu.memory_space<vmem>>[vector<16xi32>, vector<16xi32>, vector<16xi32>], vector<16xf32>,
      tpu.vector_store_idx %arg11[%get3A_114, %broadcast_in_dim3A_223], %gather3A_224 {add = true} : memref<321x128xf32, #tpu.memory_space<vmem>>[vector<16xi32>, vector<16xi32>], vector<16xf32>,
      %broadcast_in_dim3A_225 = arith.constant 32 : i32
      %broadcast_in_dim3A_226 = vector.broadcast %broadcast_in_dim3A_225 : i32 to vector<16xi32>
      %gather3A_227 = tpu.vector_load_idx %arg10[%add3A_129, %iota3A, %broadcast_in_dim3A_226] : memref<2x16x128xf32, #tpu.memory_space<vmem>>[vector<16xi32>, vector<16xi32>, vector<16xi32>], vector<16xf32>,
      tpu.vector_store_idx %arg11[%get3A_114, %broadcast_in_dim3A_226], %gather3A_227 {add = true} : memref<321x128xf32, #tpu.memory_space<vmem>>[vector<16xi32>, vector<16xi32>], vector<16xf32>,
      %broadcast_in_dim3A_228 = arith.constant 33 : i32
      %broadcast_in_dim3A_229 = vector.broadcast %broadcast_in_dim3A_228 : i32 to vector<16xi32>
      %gather3A_230 = tpu.vector_load_idx %arg10[%add3A_129, %iota3A, %broadcast_in_dim3A_229] : memref<2x16x128xf32, #tpu.memory_space<vmem>>[vector<16xi32>, vector<16xi32>, vector<16xi32>], vector<16xf32>,
      tpu.vector_store_idx %arg11[%get3A_114, %broadcast_in_dim3A_229], %gather3A_230 {add = true} : memref<321x128xf32, #tpu.memory_space<vmem>>[vector<16xi32>, vector<16xi32>], vector<16xf32>,
      %broadcast_in_dim3A_231 = arith.constant 34 : i32
      %broadcast_in_dim3A_232 = vector.broadcast %broadcast_in_dim3A_231 : i32 to vector<16xi32>
      %gather3A_233 = tpu.vector_load_idx %arg10[%add3A_129, %iota3A, %broadcast_in_dim3A_232] : memref<2x16x128xf32, #tpu.memory_space<vmem>>[vector<16xi32>, vector<16xi32>, vector<16xi32>], vector<16xf32>,
      tpu.vector_store_idx %arg11[%get3A_114, %broadcast_in_dim3A_232], %gather3A_233 {add = true} : memref<321x128xf32, #tpu.memory_space<vmem>>[vector<16xi32>, vector<16xi32>], vector<16xf32>,
      %broadcast_in_dim3A_234 = arith.constant 35 : i32
      %broadcast_in_dim3A_235 = vector.broadcast %broadcast_in_dim3A_234 : i32 to vector<16xi32>
      %gather3A_236 = tpu.vector_load_idx %arg10[%add3A_129, %iota3A, %broadcast_in_dim3A_235] : memref<2x16x128xf32, #tpu.memory_space<vmem>>[vector<16xi32>, vector<16xi32>, vector<16xi32>], vector<16xf32>,
      tpu.vector_store_idx %arg11[%get3A_114, %broadcast_in_dim3A_235], %gather3A_236 {add = true} : memref<321x128xf32, #tpu.memory_space<vmem>>[vector<16xi32>, vector<16xi32>], vector<16xf32>,
      %broadcast_in_dim3A_237 = arith.constant 36 : i32
      %broadcast_in_dim3A_238 = vector.broadcast %broadcast_in_dim3A_237 : i32 to vector<16xi32>
      %gather3A_239 = tpu.vector_load_idx %arg10[%add3A_129, %iota3A, %broadcast_in_dim3A_238] : memref<2x16x128xf32, #tpu.memory_space<vmem>>[vector<16xi32>, vector<16xi32>, vector<16xi32>], vector<16xf32>,
      tpu.vector_store_idx %arg11[%get3A_114, %broadcast_in_dim3A_238], %gather3A_239 {add = true} : memref<321x128xf32, #tpu.memory_space<vmem>>[vector<16xi32>, vector<16xi32>], vector<16xf32>,
      %broadcast_in_dim3A_240 = arith.constant 37 : i32
      %broadcast_in_dim3A_241 = vector.broadcast %broadcast_in_dim3A_240 : i32 to vector<16xi32>
      %gather3A_242 = tpu.vector_load_idx %arg10[%add3A_129, %iota3A, %broadcast_in_dim3A_241] : memref<2x16x128xf32, #tpu.memory_space<vmem>>[vector<16xi32>, vector<16xi32>, vector<16xi32>], vector<16xf32>,
      tpu.vector_store_idx %arg11[%get3A_114, %broadcast_in_dim3A_241], %gather3A_242 {add = true} : memref<321x128xf32, #tpu.memory_space<vmem>>[vector<16xi32>, vector<16xi32>], vector<16xf32>,
      %broadcast_in_dim3A_243 = arith.constant 38 : i32
      %broadcast_in_dim3A_244 = vector.broadcast %broadcast_in_dim3A_243 : i32 to vector<16xi32>
      %gather3A_245 = tpu.vector_load_idx %arg10[%add3A_129, %iota3A, %broadcast_in_dim3A_244] : memref<2x16x128xf32, #tpu.memory_space<vmem>>[vector<16xi32>, vector<16xi32>, vector<16xi32>], vector<16xf32>,
      tpu.vector_store_idx %arg11[%get3A_114, %broadcast_in_dim3A_244], %gather3A_245 {add = true} : memref<321x128xf32, #tpu.memory_space<vmem>>[vector<16xi32>, vector<16xi32>], vector<16xf32>,
      %broadcast_in_dim3A_246 = arith.constant 39 : i32
      %broadcast_in_dim3A_247 = vector.broadcast %broadcast_in_dim3A_246 : i32 to vector<16xi32>
      %gather3A_248 = tpu.vector_load_idx %arg10[%add3A_129, %iota3A, %broadcast_in_dim3A_247] : memref<2x16x128xf32, #tpu.memory_space<vmem>>[vector<16xi32>, vector<16xi32>, vector<16xi32>], vector<16xf32>,
      tpu.vector_store_idx %arg11[%get3A_114, %broadcast_in_dim3A_247], %gather3A_248 {add = true} : memref<321x128xf32, #tpu.memory_space<vmem>>[vector<16xi32>, vector<16xi32>], vector<16xf32>,
      %broadcast_in_dim3A_249 = arith.constant 40 : i32
      %broadcast_in_dim3A_250 = vector.broadcast %broadcast_in_dim3A_249 : i32 to vector<16xi32>
      %gather3A_251 = tpu.vector_load_idx %arg10[%add3A_129, %iota3A, %broadcast_in_dim3A_250] : memref<2x16x128xf32, #tpu.memory_space<vmem>>[vector<16xi32>, vector<16xi32>, vector<16xi32>], vector<16xf32>,
      tpu.vector_store_idx %arg11[%get3A_114, %broadcast_in_dim3A_250], %gather3A_251 {add = true} : memref<321x128xf32, #tpu.memory_space<vmem>>[vector<16xi32>, vector<16xi32>], vector<16xf32>,
      %broadcast_in_dim3A_252 = arith.constant 41 : i32
      %broadcast_in_dim3A_253 = vector.broadcast %broadcast_in_dim3A_252 : i32 to vector<16xi32>
      %gather3A_254 = tpu.vector_load_idx %arg10[%add3A_129, %iota3A, %broadcast_in_dim3A_253] : memref<2x16x128xf32, #tpu.memory_space<vmem>>[vector<16xi32>, vector<16xi32>, vector<16xi32>], vector<16xf32>,
      tpu.vector_store_idx %arg11[%get3A_114, %broadcast_in_dim3A_253], %gather3A_254 {add = true} : memref<321x128xf32, #tpu.memory_space<vmem>>[vector<16xi32>, vector<16xi32>], vector<16xf32>,
      %broadcast_in_dim3A_255 = arith.constant 42 : i32
      %broadcast_in_dim3A_256 = vector.broadcast %broadcast_in_dim3A_255 : i32 to vector<16xi32>
      %gather3A_257 = tpu.vector_load_idx %arg10[%add3A_129, %iota3A, %broadcast_in_dim3A_256] : memref<2x16x128xf32, #tpu.memory_space<vmem>>[vector<16xi32>, vector<16xi32>, vector<16xi32>], vector<16xf32>,
      tpu.vector_store_idx %arg11[%get3A_114, %broadcast_in_dim3A_256], %gather3A_257 {add = true} : memref<321x128xf32, #tpu.memory_space<vmem>>[vector<16xi32>, vector<16xi32>], vector<16xf32>,
      %broadcast_in_dim3A_258 = arith.constant 43 : i32
      %broadcast_in_dim3A_259 = vector.broadcast %broadcast_in_dim3A_258 : i32 to vector<16xi32>
      %gather3A_260 = tpu.vector_load_idx %arg10[%add3A_129, %iota3A, %broadcast_in_dim3A_259] : memref<2x16x128xf32, #tpu.memory_space<vmem>>[vector<16xi32>, vector<16xi32>, vector<16xi32>], vector<16xf32>,
      tpu.vector_store_idx %arg11[%get3A_114, %broadcast_in_dim3A_259], %gather3A_260 {add = true} : memref<321x128xf32, #tpu.memory_space<vmem>>[vector<16xi32>, vector<16xi32>], vector<16xf32>,
      %broadcast_in_dim3A_261 = arith.constant 44 : i32
      %broadcast_in_dim3A_262 = vector.broadcast %broadcast_in_dim3A_261 : i32 to vector<16xi32>
      %gather3A_263 = tpu.vector_load_idx %arg10[%add3A_129, %iota3A, %broadcast_in_dim3A_262] : memref<2x16x128xf32, #tpu.memory_space<vmem>>[vector<16xi32>, vector<16xi32>, vector<16xi32>], vector<16xf32>,
      tpu.vector_store_idx %arg11[%get3A_114, %broadcast_in_dim3A_262], %gather3A_263 {add = true} : memref<321x128xf32, #tpu.memory_space<vmem>>[vector<16xi32>, vector<16xi32>], vector<16xf32>,
      %broadcast_in_dim3A_264 = arith.constant 45 : i32
      %broadcast_in_dim3A_265 = vector.broadcast %broadcast_in_dim3A_264 : i32 to vector<16xi32>
      %gather3A_266 = tpu.vector_load_idx %arg10[%add3A_129, %iota3A, %broadcast_in_dim3A_265] : memref<2x16x128xf32, #tpu.memory_space<vmem>>[vector<16xi32>, vector<16xi32>, vector<16xi32>], vector<16xf32>,
      tpu.vector_store_idx %arg11[%get3A_114, %broadcast_in_dim3A_265], %gather3A_266 {add = true} : memref<321x128xf32, #tpu.memory_space<vmem>>[vector<16xi32>, vector<16xi32>], vector<16xf32>,
      %broadcast_in_dim3A_267 = arith.constant 46 : i32
      %broadcast_in_dim3A_268 = vector.broadcast %broadcast_in_dim3A_267 : i32 to vector<16xi32>
      %gather3A_269 = tpu.vector_load_idx %arg10[%add3A_129, %iota3A, %broadcast_in_dim3A_268] : memref<2x16x128xf32, #tpu.memory_space<vmem>>[vector<16xi32>, vector<16xi32>, vector<16xi32>], vector<16xf32>,
      tpu.vector_store_idx %arg11[%get3A_114, %broadcast_in_dim3A_268], %gather3A_269 {add = true} : memref<321x128xf32, #tpu.memory_space<vmem>>[vector<16xi32>, vector<16xi32>], vector<16xf32>,
      %broadcast_in_dim3A_270 = arith.constant 47 : i32
      %broadcast_in_dim3A_271 = vector.broadcast %broadcast_in_dim3A_270 : i32 to vector<16xi32>
      %gather3A_272 = tpu.vector_load_idx %arg10[%add3A_129, %iota3A, %broadcast_in_dim3A_271] : memref<2x16x128xf32, #tpu.memory_space<vmem>>[vector<16xi32>, vector<16xi32>, vector<16xi32>], vector<16xf32>,
      tpu.vector_store_idx %arg11[%get3A_114, %broadcast_in_dim3A_271], %gather3A_272 {add = true} : memref<321x128xf32, #tpu.memory_space<vmem>>[vector<16xi32>, vector<16xi32>], vector<16xf32>,
      %broadcast_in_dim3A_273 = arith.constant 48 : i32
      %broadcast_in_dim3A_274 = vector.broadcast %broadcast_in_dim3A_273 : i32 to vector<16xi32>
      %gather3A_275 = tpu.vector_load_idx %arg10[%add3A_129, %iota3A, %broadcast_in_dim3A_274] : memref<2x16x128xf32, #tpu.memory_space<vmem>>[vector<16xi32>, vector<16xi32>, vector<16xi32>], vector<16xf32>,
      tpu.vector_store_idx %arg11[%get3A_114, %broadcast_in_dim3A_274], %gather3A_275 {add = true} : memref<321x128xf32, #tpu.memory_space<vmem>>[vector<16xi32>, vector<16xi32>], vector<16xf32>,
      %broadcast_in_dim3A_276 = arith.constant 49 : i32
      %broadcast_in_dim3A_277 = vector.broadcast %broadcast_in_dim3A_276 : i32 to vector<16xi32>
      %gather3A_278 = tpu.vector_load_idx %arg10[%add3A_129, %iota3A, %broadcast_in_dim3A_277] : memref<2x16x128xf32, #tpu.memory_space<vmem>>[vector<16xi32>, vector<16xi32>, vector<16xi32>], vector<16xf32>,
      tpu.vector_store_idx %arg11[%get3A_114, %broadcast_in_dim3A_277], %gather3A_278 {add = true} : memref<321x128xf32, #tpu.memory_space<vmem>>[vector<16xi32>, vector<16xi32>], vector<16xf32>,
      %broadcast_in_dim3A_279 = arith.constant 50 : i32
      %broadcast_in_dim3A_280 = vector.broadcast %broadcast_in_dim3A_279 : i32 to vector<16xi32>
      %gather3A_281 = tpu.vector_load_idx %arg10[%add3A_129, %iota3A, %broadcast_in_dim3A_280] : memref<2x16x128xf32, #tpu.memory_space<vmem>>[vector<16xi32>, vector<16xi32>, vector<16xi32>], vector<16xf32>,
      tpu.vector_store_idx %arg11[%get3A_114, %broadcast_in_dim3A_280], %gather3A_281 {add = true} : memref<321x128xf32, #tpu.memory_space<vmem>>[vector<16xi32>, vector<16xi32>], vector<16xf32>,
      %broadcast_in_dim3A_282 = arith.constant 51 : i32
      %broadcast_in_dim3A_283 = vector.broadcast %broadcast_in_dim3A_282 : i32 to vector<16xi32>
      %gather3A_284 = tpu.vector_load_idx %arg10[%add3A_129, %iota3A, %broadcast_in_dim3A_283] : memref<2x16x128xf32, #tpu.memory_space<vmem>>[vector<16xi32>, vector<16xi32>, vector<16xi32>], vector<16xf32>,
      tpu.vector_store_idx %arg11[%get3A_114, %broadcast_in_dim3A_283], %gather3A_284 {add = true} : memref<321x128xf32, #tpu.memory_space<vmem>>[vector<16xi32>, vector<16xi32>], vector<16xf32>,
      %broadcast_in_dim3A_285 = arith.constant 52 : i32
      %broadcast_in_dim3A_286 = vector.broadcast %broadcast_in_dim3A_285 : i32 to vector<16xi32>
      %gather3A_287 = tpu.vector_load_idx %arg10[%add3A_129, %iota3A, %broadcast_in_dim3A_286] : memref<2x16x128xf32, #tpu.memory_space<vmem>>[vector<16xi32>, vector<16xi32>, vector<16xi32>], vector<16xf32>,
      tpu.vector_store_idx %arg11[%get3A_114, %broadcast_in_dim3A_286], %gather3A_287 {add = true} : memref<321x128xf32, #tpu.memory_space<vmem>>[vector<16xi32>, vector<16xi32>], vector<16xf32>,
      %broadcast_in_dim3A_288 = arith.constant 53 : i32
      %broadcast_in_dim3A_289 = vector.broadcast %broadcast_in_dim3A_288 : i32 to vector<16xi32>
      %gather3A_290 = tpu.vector_load_idx %arg10[%add3A_129, %iota3A, %broadcast_in_dim3A_289] : memref<2x16x128xf32, #tpu.memory_space<vmem>>[vector<16xi32>, vector<16xi32>, vector<16xi32>], vector<16xf32>,
      tpu.vector_store_idx %arg11[%get3A_114, %broadcast_in_dim3A_289], %gather3A_290 {add = true} : memref<321x128xf32, #tpu.memory_space<vmem>>[vector<16xi32>, vector<16xi32>], vector<16xf32>,
      %broadcast_in_dim3A_291 = arith.constant 54 : i32
      %broadcast_in_dim3A_292 = vector.broadcast %broadcast_in_dim3A_291 : i32 to vector<16xi32>
      %gather3A_293 = tpu.vector_load_idx %arg10[%add3A_129, %iota3A, %broadcast_in_dim3A_292] : memref<2x16x128xf32, #tpu.memory_space<vmem>>[vector<16xi32>, vector<16xi32>, vector<16xi32>], vector<16xf32>,
      tpu.vector_store_idx %arg11[%get3A_114, %broadcast_in_dim3A_292], %gather3A_293 {add = true} : memref<321x128xf32, #tpu.memory_space<vmem>>[vector<16xi32>, vector<16xi32>], vector<16xf32>,
      %broadcast_in_dim3A_294 = arith.constant 55 : i32
      %broadcast_in_dim3A_295 = vector.broadcast %broadcast_in_dim3A_294 : i32 to vector<16xi32>
      %gather3A_296 = tpu.vector_load_idx %arg10[%add3A_129, %iota3A, %broadcast_in_dim3A_295] : memref<2x16x128xf32, #tpu.memory_space<vmem>>[vector<16xi32>, vector<16xi32>, vector<16xi32>], vector<16xf32>,
      tpu.vector_store_idx %arg11[%get3A_114, %broadcast_in_dim3A_295], %gather3A_296 {add = true} : memref<321x128xf32, #tpu.memory_space<vmem>>[vector<16xi32>, vector<16xi32>], vector<16xf32>,
      %broadcast_in_dim3A_297 = arith.constant 56 : i32
      %broadcast_in_dim3A_298 = vector.broadcast %broadcast_in_dim3A_297 : i32 to vector<16xi32>
      %gather3A_299 = tpu.vector_load_idx %arg10[%add3A_129, %iota3A, %broadcast_in_dim3A_298] : memref<2x16x128xf32, #tpu.memory_space<vmem>>[vector<16xi32>, vector<16xi32>, vector<16xi32>], vector<16xf32>,
      tpu.vector_store_idx %arg11[%get3A_114, %broadcast_in_dim3A_298], %gather3A_299 {add = true} : memref<321x128xf32, #tpu.memory_space<vmem>>[vector<16xi32>, vector<16xi32>], vector<16xf32>,
      %broadcast_in_dim3A_300 = arith.constant 57 : i32
      %broadcast_in_dim3A_301 = vector.broadcast %broadcast_in_dim3A_300 : i32 to vector<16xi32>
      %gather3A_302 = tpu.vector_load_idx %arg10[%add3A_129, %iota3A, %broadcast_in_dim3A_301] : memref<2x16x128xf32, #tpu.memory_space<vmem>>[vector<16xi32>, vector<16xi32>, vector<16xi32>], vector<16xf32>,
      tpu.vector_store_idx %arg11[%get3A_114, %broadcast_in_dim3A_301], %gather3A_302 {add = true} : memref<321x128xf32, #tpu.memory_space<vmem>>[vector<16xi32>, vector<16xi32>], vector<16xf32>,
      %broadcast_in_dim3A_303 = arith.constant 58 : i32
      %broadcast_in_dim3A_304 = vector.broadcast %broadcast_in_dim3A_303 : i32 to vector<16xi32>
      %gather3A_305 = tpu.vector_load_idx %arg10[%add3A_129, %iota3A, %broadcast_in_dim3A_304] : memref<2x16x128xf32, #tpu.memory_space<vmem>>[vector<16xi32>, vector<16xi32>, vector<16xi32>], vector<16xf32>,
      tpu.vector_store_idx %arg11[%get3A_114, %broadcast_in_dim3A_304], %gather3A_305 {add = true} : memref<321x128xf32, #tpu.memory_space<vmem>>[vector<16xi32>, vector<16xi32>], vector<16xf32>,
      %broadcast_in_dim3A_306 = arith.constant 59 : i32
      %broadcast_in_dim3A_307 = vector.broadcast %broadcast_in_dim3A_306 : i32 to vector<16xi32>
      %gather3A_308 = tpu.vector_load_idx %arg10[%add3A_129, %iota3A, %broadcast_in_dim3A_307] : memref<2x16x128xf32, #tpu.memory_space<vmem>>[vector<16xi32>, vector<16xi32>, vector<16xi32>], vector<16xf32>,
      tpu.vector_store_idx %arg11[%get3A_114, %broadcast_in_dim3A_307], %gather3A_308 {add = true} : memref<321x128xf32, #tpu.memory_space<vmem>>[vector<16xi32>, vector<16xi32>], vector<16xf32>,
      %broadcast_in_dim3A_309 = arith.constant 60 : i32
      %broadcast_in_dim3A_310 = vector.broadcast %broadcast_in_dim3A_309 : i32 to vector<16xi32>
      %gather3A_311 = tpu.vector_load_idx %arg10[%add3A_129, %iota3A, %broadcast_in_dim3A_310] : memref<2x16x128xf32, #tpu.memory_space<vmem>>[vector<16xi32>, vector<16xi32>, vector<16xi32>], vector<16xf32>,
      tpu.vector_store_idx %arg11[%get3A_114, %broadcast_in_dim3A_310], %gather3A_311 {add = true} : memref<321x128xf32, #tpu.memory_space<vmem>>[vector<16xi32>, vector<16xi32>], vector<16xf32>,
      %broadcast_in_dim3A_312 = arith.constant 61 : i32
      %broadcast_in_dim3A_313 = vector.broadcast %broadcast_in_dim3A_312 : i32 to vector<16xi32>
      %gather3A_314 = tpu.vector_load_idx %arg10[%add3A_129, %iota3A, %broadcast_in_dim3A_313] : memref<2x16x128xf32, #tpu.memory_space<vmem>>[vector<16xi32>, vector<16xi32>, vector<16xi32>], vector<16xf32>,
      tpu.vector_store_idx %arg11[%get3A_114, %broadcast_in_dim3A_313], %gather3A_314 {add = true} : memref<321x128xf32, #tpu.memory_space<vmem>>[vector<16xi32>, vector<16xi32>], vector<16xf32>,
      %broadcast_in_dim3A_315 = arith.constant 62 : i32
      %broadcast_in_dim3A_316 = vector.broadcast %broadcast_in_dim3A_315 : i32 to vector<16xi32>
      %gather3A_317 = tpu.vector_load_idx %arg10[%add3A_129, %iota3A, %broadcast_in_dim3A_316] : memref<2x16x128xf32, #tpu.memory_space<vmem>>[vector<16xi32>, vector<16xi32>, vector<16xi32>], vector<16xf32>,
      tpu.vector_store_idx %arg11[%get3A_114, %broadcast_in_dim3A_316], %gather3A_317 {add = true} : memref<321x128xf32, #tpu.memory_space<vmem>>[vector<16xi32>, vector<16xi32>], vector<16xf32>,
      %broadcast_in_dim3A_318 = arith.constant 63 : i32
      %broadcast_in_dim3A_319 = vector.broadcast %broadcast_in_dim3A_318 : i32 to vector<16xi32>
      %gather3A_320 = tpu.vector_load_idx %arg10[%add3A_129, %iota3A, %broadcast_in_dim3A_319] : memref<2x16x128xf32, #tpu.memory_space<vmem>>[vector<16xi32>, vector<16xi32>, vector<16xi32>], vector<16xf32>,
      tpu.vector_store_idx %arg11[%get3A_114, %broadcast_in_dim3A_319], %gather3A_320 {add = true} : memref<321x128xf32, #tpu.memory_space<vmem>>[vector<16xi32>, vector<16xi32>], vector<16xf32>,
      %broadcast_in_dim3A_321 = arith.constant 64 : i32
      %broadcast_in_dim3A_322 = vector.broadcast %broadcast_in_dim3A_321 : i32 to vector<16xi32>
      %gather3A_323 = tpu.vector_load_idx %arg10[%add3A_129, %iota3A, %broadcast_in_dim3A_322] : memref<2x16x128xf32, #tpu.memory_space<vmem>>[vector<16xi32>, vector<16xi32>, vector<16xi32>], vector<16xf32>,
      tpu.vector_store_idx %arg11[%get3A_114, %broadcast_in_dim3A_322], %gather3A_323 {add = true} : memref<321x128xf32, #tpu.memory_space<vmem>>[vector<16xi32>, vector<16xi32>], vector<16xf32>,
      %broadcast_in_dim3A_324 = arith.constant 65 : i32
      %broadcast_in_dim3A_325 = vector.broadcast %broadcast_in_dim3A_324 : i32 to vector<16xi32>
      %gather3A_326 = tpu.vector_load_idx %arg10[%add3A_129, %iota3A, %broadcast_in_dim3A_325] : memref<2x16x128xf32, #tpu.memory_space<vmem>>[vector<16xi32>, vector<16xi32>, vector<16xi32>], vector<16xf32>,
      tpu.vector_store_idx %arg11[%get3A_114, %broadcast_in_dim3A_325], %gather3A_326 {add = true} : memref<321x128xf32, #tpu.memory_space<vmem>>[vector<16xi32>, vector<16xi32>], vector<16xf32>,
      %broadcast_in_dim3A_327 = arith.constant 66 : i32
      %broadcast_in_dim3A_328 = vector.broadcast %broadcast_in_dim3A_327 : i32 to vector<16xi32>
      %gather3A_329 = tpu.vector_load_idx %arg10[%add3A_129, %iota3A, %broadcast_in_dim3A_328] : memref<2x16x128xf32, #tpu.memory_space<vmem>>[vector<16xi32>, vector<16xi32>, vector<16xi32>], vector<16xf32>,
      tpu.vector_store_idx %arg11[%get3A_114, %broadcast_in_dim3A_328], %gather3A_329 {add = true} : memref<321x128xf32, #tpu.memory_space<vmem>>[vector<16xi32>, vector<16xi32>], vector<16xf32>,
      %broadcast_in_dim3A_330 = arith.constant 67 : i32
      %broadcast_in_dim3A_331 = vector.broadcast %broadcast_in_dim3A_330 : i32 to vector<16xi32>
      %gather3A_332 = tpu.vector_load_idx %arg10[%add3A_129, %iota3A, %broadcast_in_dim3A_331] : memref<2x16x128xf32, #tpu.memory_space<vmem>>[vector<16xi32>, vector<16xi32>, vector<16xi32>], vector<16xf32>,
      tpu.vector_store_idx %arg11[%get3A_114, %broadcast_in_dim3A_331], %gather3A_332 {add = true} : memref<321x128xf32, #tpu.memory_space<vmem>>[vector<16xi32>, vector<16xi32>], vector<16xf32>,
      %broadcast_in_dim3A_333 = arith.constant 68 : i32
      %broadcast_in_dim3A_334 = vector.broadcast %broadcast_in_dim3A_333 : i32 to vector<16xi32>
      %gather3A_335 = tpu.vector_load_idx %arg10[%add3A_129, %iota3A, %broadcast_in_dim3A_334] : memref<2x16x128xf32, #tpu.memory_space<vmem>>[vector<16xi32>, vector<16xi32>, vector<16xi32>], vector<16xf32>,
      tpu.vector_store_idx %arg11[%get3A_114, %broadcast_in_dim3A_334], %gather3A_335 {add = true} : memref<321x128xf32, #tpu.memory_space<vmem>>[vector<16xi32>, vector<16xi32>], vector<16xf32>,
      %broadcast_in_dim3A_336 = arith.constant 69 : i32
      %broadcast_in_dim3A_337 = vector.broadcast %broadcast_in_dim3A_336 : i32 to vector<16xi32>
      %gather3A_338 = tpu.vector_load_idx %arg10[%add3A_129, %iota3A, %broadcast_in_dim3A_337] : memref<2x16x128xf32, #tpu.memory_space<vmem>>[vector<16xi32>, vector<16xi32>, vector<16xi32>], vector<16xf32>,
      tpu.vector_store_idx %arg11[%get3A_114, %broadcast_in_dim3A_337], %gather3A_338 {add = true} : memref<321x128xf32, #tpu.memory_space<vmem>>[vector<16xi32>, vector<16xi32>], vector<16xf32>,
      %broadcast_in_dim3A_339 = arith.constant 70 : i32
      %broadcast_in_dim3A_340 = vector.broadcast %broadcast_in_dim3A_339 : i32 to vector<16xi32>
      %gather3A_341 = tpu.vector_load_idx %arg10[%add3A_129, %iota3A, %broadcast_in_dim3A_340] : memref<2x16x128xf32, #tpu.memory_space<vmem>>[vector<16xi32>, vector<16xi32>, vector<16xi32>], vector<16xf32>,
      tpu.vector_store_idx %arg11[%get3A_114, %broadcast_in_dim3A_340], %gather3A_341 {add = true} : memref<321x128xf32, #tpu.memory_space<vmem>>[vector<16xi32>, vector<16xi32>], vector<16xf32>,
      %broadcast_in_dim3A_342 = arith.constant 71 : i32
      %broadcast_in_dim3A_343 = vector.broadcast %broadcast_in_dim3A_342 : i32 to vector<16xi32>
      %gather3A_344 = tpu.vector_load_idx %arg10[%add3A_129, %iota3A, %broadcast_in_dim3A_343] : memref<2x16x128xf32, #tpu.memory_space<vmem>>[vector<16xi32>, vector<16xi32>, vector<16xi32>], vector<16xf32>,
      tpu.vector_store_idx %arg11[%get3A_114, %broadcast_in_dim3A_343], %gather3A_344 {add = true} : memref<321x128xf32, #tpu.memory_space<vmem>>[vector<16xi32>, vector<16xi32>], vector<16xf32>,
      %broadcast_in_dim3A_345 = arith.constant 72 : i32
      %broadcast_in_dim3A_346 = vector.broadcast %broadcast_in_dim3A_345 : i32 to vector<16xi32>
      %gather3A_347 = tpu.vector_load_idx %arg10[%add3A_129, %iota3A, %broadcast_in_dim3A_346] : memref<2x16x128xf32, #tpu.memory_space<vmem>>[vector<16xi32>, vector<16xi32>, vector<16xi32>], vector<16xf32>,
      tpu.vector_store_idx %arg11[%get3A_114, %broadcast_in_dim3A_346], %gather3A_347 {add = true} : memref<321x128xf32, #tpu.memory_space<vmem>>[vector<16xi32>, vector<16xi32>], vector<16xf32>,
      %broadcast_in_dim3A_348 = arith.constant 73 : i32
      %broadcast_in_dim3A_349 = vector.broadcast %broadcast_in_dim3A_348 : i32 to vector<16xi32>
      %gather3A_350 = tpu.vector_load_idx %arg10[%add3A_129, %iota3A, %broadcast_in_dim3A_349] : memref<2x16x128xf32, #tpu.memory_space<vmem>>[vector<16xi32>, vector<16xi32>, vector<16xi32>], vector<16xf32>,
      tpu.vector_store_idx %arg11[%get3A_114, %broadcast_in_dim3A_349], %gather3A_350 {add = true} : memref<321x128xf32, #tpu.memory_space<vmem>>[vector<16xi32>, vector<16xi32>], vector<16xf32>,
      %broadcast_in_dim3A_351 = arith.constant 74 : i32
      %broadcast_in_dim3A_352 = vector.broadcast %broadcast_in_dim3A_351 : i32 to vector<16xi32>
      %gather3A_353 = tpu.vector_load_idx %arg10[%add3A_129, %iota3A, %broadcast_in_dim3A_352] : memref<2x16x128xf32, #tpu.memory_space<vmem>>[vector<16xi32>, vector<16xi32>, vector<16xi32>], vector<16xf32>,
      tpu.vector_store_idx %arg11[%get3A_114, %broadcast_in_dim3A_352], %gather3A_353 {add = true} : memref<321x128xf32, #tpu.memory_space<vmem>>[vector<16xi32>, vector<16xi32>], vector<16xf32>,
      %broadcast_in_dim3A_354 = arith.constant 75 : i32
      %broadcast_in_dim3A_355 = vector.broadcast %broadcast_in_dim3A_354 : i32 to vector<16xi32>
      %gather3A_356 = tpu.vector_load_idx %arg10[%add3A_129, %iota3A, %broadcast_in_dim3A_355] : memref<2x16x128xf32, #tpu.memory_space<vmem>>[vector<16xi32>, vector<16xi32>, vector<16xi32>], vector<16xf32>,
      tpu.vector_store_idx %arg11[%get3A_114, %broadcast_in_dim3A_355], %gather3A_356 {add = true} : memref<321x128xf32, #tpu.memory_space<vmem>>[vector<16xi32>, vector<16xi32>], vector<16xf32>,
      %broadcast_in_dim3A_357 = arith.constant 76 : i32
      %broadcast_in_dim3A_358 = vector.broadcast %broadcast_in_dim3A_357 : i32 to vector<16xi32>
      %gather3A_359 = tpu.vector_load_idx %arg10[%add3A_129, %iota3A, %broadcast_in_dim3A_358] : memref<2x16x128xf32, #tpu.memory_space<vmem>>[vector<16xi32>, vector<16xi32>, vector<16xi32>], vector<16xf32>,
      tpu.vector_store_idx %arg11[%get3A_114, %broadcast_in_dim3A_358], %gather3A_359 {add = true} : memref<321x128xf32, #tpu.memory_space<vmem>>[vector<16xi32>, vector<16xi32>], vector<16xf32>,
      %broadcast_in_dim3A_360 = arith.constant 77 : i32
      %broadcast_in_dim3A_361 = vector.broadcast %broadcast_in_dim3A_360 : i32 to vector<16xi32>
      %gather3A_362 = tpu.vector_load_idx %arg10[%add3A_129, %iota3A, %broadcast_in_dim3A_361] : memref<2x16x128xf32, #tpu.memory_space<vmem>>[vector<16xi32>, vector<16xi32>, vector<16xi32>], vector<16xf32>,
      tpu.vector_store_idx %arg11[%get3A_114, %broadcast_in_dim3A_361], %gather3A_362 {add = true} : memref<321x128xf32, #tpu.memory_space<vmem>>[vector<16xi32>, vector<16xi32>], vector<16xf32>,
      %broadcast_in_dim3A_363 = arith.constant 78 : i32
      %broadcast_in_dim3A_364 = vector.broadcast %broadcast_in_dim3A_363 : i32 to vector<16xi32>
      %gather3A_365 = tpu.vector_load_idx %arg10[%add3A_129, %iota3A, %broadcast_in_dim3A_364] : memref<2x16x128xf32, #tpu.memory_space<vmem>>[vector<16xi32>, vector<16xi32>, vector<16xi32>], vector<16xf32>,
      tpu.vector_store_idx %arg11[%get3A_114, %broadcast_in_dim3A_364], %gather3A_365 {add = true} : memref<321x128xf32, #tpu.memory_space<vmem>>[vector<16xi32>, vector<16xi32>], vector<16xf32>,
      %broadcast_in_dim3A_366 = arith.constant 79 : i32
      %broadcast_in_dim3A_367 = vector.broadcast %broadcast_in_dim3A_366 : i32 to vector<16xi32>
      %gather3A_368 = tpu.vector_load_idx %arg10[%add3A_129, %iota3A, %broadcast_in_dim3A_367] : memref<2x16x128xf32, #tpu.memory_space<vmem>>[vector<16xi32>, vector<16xi32>, vector<16xi32>], vector<16xf32>,
      tpu.vector_store_idx %arg11[%get3A_114, %broadcast_in_dim3A_367], %gather3A_368 {add = true} : memref<321x128xf32, #tpu.memory_space<vmem>>[vector<16xi32>, vector<16xi32>], vector<16xf32>,
      %broadcast_in_dim3A_369 = arith.constant 80 : i32
      %broadcast_in_dim3A_370 = vector.broadcast %broadcast_in_dim3A_369 : i32 to vector<16xi32>
      %gather3A_371 = tpu.vector_load_idx %arg10[%add3A_129, %iota3A, %broadcast_in_dim3A_370] : memref<2x16x128xf32, #tpu.memory_space<vmem>>[vector<16xi32>, vector<16xi32>, vector<16xi32>], vector<16xf32>,
      tpu.vector_store_idx %arg11[%get3A_114, %broadcast_in_dim3A_370], %gather3A_371 {add = true} : memref<321x128xf32, #tpu.memory_space<vmem>>[vector<16xi32>, vector<16xi32>], vector<16xf32>,
      %broadcast_in_dim3A_372 = arith.constant 81 : i32
      %broadcast_in_dim3A_373 = vector.broadcast %broadcast_in_dim3A_372 : i32 to vector<16xi32>
      %gather3A_374 = tpu.vector_load_idx %arg10[%add3A_129, %iota3A, %broadcast_in_dim3A_373] : memref<2x16x128xf32, #tpu.memory_space<vmem>>[vector<16xi32>, vector<16xi32>, vector<16xi32>], vector<16xf32>,
      tpu.vector_store_idx %arg11[%get3A_114, %broadcast_in_dim3A_373], %gather3A_374 {add = true} : memref<321x128xf32, #tpu.memory_space<vmem>>[vector<16xi32>, vector<16xi32>], vector<16xf32>,
      %broadcast_in_dim3A_375 = arith.constant 82 : i32
      %broadcast_in_dim3A_376 = vector.broadcast %broadcast_in_dim3A_375 : i32 to vector<16xi32>
      %gather3A_377 = tpu.vector_load_idx %arg10[%add3A_129, %iota3A, %broadcast_in_dim3A_376] : memref<2x16x128xf32, #tpu.memory_space<vmem>>[vector<16xi32>, vector<16xi32>, vector<16xi32>], vector<16xf32>,
      tpu.vector_store_idx %arg11[%get3A_114, %broadcast_in_dim3A_376], %gather3A_377 {add = true} : memref<321x128xf32, #tpu.memory_space<vmem>>[vector<16xi32>, vector<16xi32>], vector<16xf32>,
      %broadcast_in_dim3A_378 = arith.constant 83 : i32
      %broadcast_in_dim3A_379 = vector.broadcast %broadcast_in_dim3A_378 : i32 to vector<16xi32>
      %gather3A_380 = tpu.vector_load_idx %arg10[%add3A_129, %iota3A, %broadcast_in_dim3A_379] : memref<2x16x128xf32, #tpu.memory_space<vmem>>[vector<16xi32>, vector<16xi32>, vector<16xi32>], vector<16xf32>,
      tpu.vector_store_idx %arg11[%get3A_114, %broadcast_in_dim3A_379], %gather3A_380 {add = true} : memref<321x128xf32, #tpu.memory_space<vmem>>[vector<16xi32>, vector<16xi32>], vector<16xf32>,
      %broadcast_in_dim3A_381 = arith.constant 84 : i32
      %broadcast_in_dim3A_382 = vector.broadcast %broadcast_in_dim3A_381 : i32 to vector<16xi32>
      %gather3A_383 = tpu.vector_load_idx %arg10[%add3A_129, %iota3A, %broadcast_in_dim3A_382] : memref<2x16x128xf32, #tpu.memory_space<vmem>>[vector<16xi32>, vector<16xi32>, vector<16xi32>], vector<16xf32>,
      tpu.vector_store_idx %arg11[%get3A_114, %broadcast_in_dim3A_382], %gather3A_383 {add = true} : memref<321x128xf32, #tpu.memory_space<vmem>>[vector<16xi32>, vector<16xi32>], vector<16xf32>,
      %broadcast_in_dim3A_384 = arith.constant 85 : i32
      %broadcast_in_dim3A_385 = vector.broadcast %broadcast_in_dim3A_384 : i32 to vector<16xi32>
      %gather3A_386 = tpu.vector_load_idx %arg10[%add3A_129, %iota3A, %broadcast_in_dim3A_385] : memref<2x16x128xf32, #tpu.memory_space<vmem>>[vector<16xi32>, vector<16xi32>, vector<16xi32>], vector<16xf32>,
      tpu.vector_store_idx %arg11[%get3A_114, %broadcast_in_dim3A_385], %gather3A_386 {add = true} : memref<321x128xf32, #tpu.memory_space<vmem>>[vector<16xi32>, vector<16xi32>], vector<16xf32>,
      %broadcast_in_dim3A_387 = arith.constant 86 : i32
      %broadcast_in_dim3A_388 = vector.broadcast %broadcast_in_dim3A_387 : i32 to vector<16xi32>
      %gather3A_389 = tpu.vector_load_idx %arg10[%add3A_129, %iota3A, %broadcast_in_dim3A_388] : memref<2x16x128xf32, #tpu.memory_space<vmem>>[vector<16xi32>, vector<16xi32>, vector<16xi32>], vector<16xf32>,
      tpu.vector_store_idx %arg11[%get3A_114, %broadcast_in_dim3A_388], %gather3A_389 {add = true} : memref<321x128xf32, #tpu.memory_space<vmem>>[vector<16xi32>, vector<16xi32>], vector<16xf32>,
      %broadcast_in_dim3A_390 = arith.constant 87 : i32
      %broadcast_in_dim3A_391 = vector.broadcast %broadcast_in_dim3A_390 : i32 to vector<16xi32>
      %gather3A_392 = tpu.vector_load_idx %arg10[%add3A_129, %iota3A, %broadcast_in_dim3A_391] : memref<2x16x128xf32, #tpu.memory_space<vmem>>[vector<16xi32>, vector<16xi32>, vector<16xi32>], vector<16xf32>,
      tpu.vector_store_idx %arg11[%get3A_114, %broadcast_in_dim3A_391], %gather3A_392 {add = true} : memref<321x128xf32, #tpu.memory_space<vmem>>[vector<16xi32>, vector<16xi32>], vector<16xf32>,
      %broadcast_in_dim3A_393 = arith.constant 88 : i32
      %broadcast_in_dim3A_394 = vector.broadcast %broadcast_in_dim3A_393 : i32 to vector<16xi32>
      %gather3A_395 = tpu.vector_load_idx %arg10[%add3A_129, %iota3A, %broadcast_in_dim3A_394] : memref<2x16x128xf32, #tpu.memory_space<vmem>>[vector<16xi32>, vector<16xi32>, vector<16xi32>], vector<16xf32>,
      tpu.vector_store_idx %arg11[%get3A_114, %broadcast_in_dim3A_394], %gather3A_395 {add = true} : memref<321x128xf32, #tpu.memory_space<vmem>>[vector<16xi32>, vector<16xi32>], vector<16xf32>,
      %broadcast_in_dim3A_396 = arith.constant 89 : i32
      %broadcast_in_dim3A_397 = vector.broadcast %broadcast_in_dim3A_396 : i32 to vector<16xi32>
      %gather3A_398 = tpu.vector_load_idx %arg10[%add3A_129, %iota3A, %broadcast_in_dim3A_397] : memref<2x16x128xf32, #tpu.memory_space<vmem>>[vector<16xi32>, vector<16xi32>, vector<16xi32>], vector<16xf32>,
      tpu.vector_store_idx %arg11[%get3A_114, %broadcast_in_dim3A_397], %gather3A_398 {add = true} : memref<321x128xf32, #tpu.memory_space<vmem>>[vector<16xi32>, vector<16xi32>], vector<16xf32>,
      %broadcast_in_dim3A_399 = arith.constant 90 : i32
      %broadcast_in_dim3A_400 = vector.broadcast %broadcast_in_dim3A_399 : i32 to vector<16xi32>
      %gather3A_401 = tpu.vector_load_idx %arg10[%add3A_129, %iota3A, %broadcast_in_dim3A_400] : memref<2x16x128xf32, #tpu.memory_space<vmem>>[vector<16xi32>, vector<16xi32>, vector<16xi32>], vector<16xf32>,
      tpu.vector_store_idx %arg11[%get3A_114, %broadcast_in_dim3A_400], %gather3A_401 {add = true} : memref<321x128xf32, #tpu.memory_space<vmem>>[vector<16xi32>, vector<16xi32>], vector<16xf32>,
      %broadcast_in_dim3A_402 = arith.constant 91 : i32
      %broadcast_in_dim3A_403 = vector.broadcast %broadcast_in_dim3A_402 : i32 to vector<16xi32>
      %gather3A_404 = tpu.vector_load_idx %arg10[%add3A_129, %iota3A, %broadcast_in_dim3A_403] : memref<2x16x128xf32, #tpu.memory_space<vmem>>[vector<16xi32>, vector<16xi32>, vector<16xi32>], vector<16xf32>,
      tpu.vector_store_idx %arg11[%get3A_114, %broadcast_in_dim3A_403], %gather3A_404 {add = true} : memref<321x128xf32, #tpu.memory_space<vmem>>[vector<16xi32>, vector<16xi32>], vector<16xf32>,
      %broadcast_in_dim3A_405 = arith.constant 92 : i32
      %broadcast_in_dim3A_406 = vector.broadcast %broadcast_in_dim3A_405 : i32 to vector<16xi32>
      %gather3A_407 = tpu.vector_load_idx %arg10[%add3A_129, %iota3A, %broadcast_in_dim3A_406] : memref<2x16x128xf32, #tpu.memory_space<vmem>>[vector<16xi32>, vector<16xi32>, vector<16xi32>], vector<16xf32>,
      tpu.vector_store_idx %arg11[%get3A_114, %broadcast_in_dim3A_406], %gather3A_407 {add = true} : memref<321x128xf32, #tpu.memory_space<vmem>>[vector<16xi32>, vector<16xi32>], vector<16xf32>,
      %broadcast_in_dim3A_408 = arith.constant 93 : i32
      %broadcast_in_dim3A_409 = vector.broadcast %broadcast_in_dim3A_408 : i32 to vector<16xi32>
      %gather3A_410 = tpu.vector_load_idx %arg10[%add3A_129, %iota3A, %broadcast_in_dim3A_409] : memref<2x16x128xf32, #tpu.memory_space<vmem>>[vector<16xi32>, vector<16xi32>, vector<16xi32>], vector<16xf32>,
      tpu.vector_store_idx %arg11[%get3A_114, %broadcast_in_dim3A_409], %gather3A_410 {add = true} : memref<321x128xf32, #tpu.memory_space<vmem>>[vector<16xi32>, vector<16xi32>], vector<16xf32>,
      %broadcast_in_dim3A_411 = arith.constant 94 : i32
      %broadcast_in_dim3A_412 = vector.broadcast %broadcast_in_dim3A_411 : i32 to vector<16xi32>
      %gather3A_413 = tpu.vector_load_idx %arg10[%add3A_129, %iota3A, %broadcast_in_dim3A_412] : memref<2x16x128xf32, #tpu.memory_space<vmem>>[vector<16xi32>, vector<16xi32>, vector<16xi32>], vector<16xf32>,
      tpu.vector_store_idx %arg11[%get3A_114, %broadcast_in_dim3A_412], %gather3A_413 {add = true} : memref<321x128xf32, #tpu.memory_space<vmem>>[vector<16xi32>, vector<16xi32>], vector<16xf32>,
      %broadcast_in_dim3A_414 = arith.constant 95 : i32
      %broadcast_in_dim3A_415 = vector.broadcast %broadcast_in_dim3A_414 : i32 to vector<16xi32>
      %gather3A_416 = tpu.vector_load_idx %arg10[%add3A_129, %iota3A, %broadcast_in_dim3A_415] : memref<2x16x128xf32, #tpu.memory_space<vmem>>[vector<16xi32>, vector<16xi32>, vector<16xi32>], vector<16xf32>,
      tpu.vector_store_idx %arg11[%get3A_114, %broadcast_in_dim3A_415], %gather3A_416 {add = true} : memref<321x128xf32, #tpu.memory_space<vmem>>[vector<16xi32>, vector<16xi32>], vector<16xf32>,
      %broadcast_in_dim3A_417 = arith.constant 96 : i32
      %broadcast_in_dim3A_418 = vector.broadcast %broadcast_in_dim3A_417 : i32 to vector<16xi32>
      %gather3A_419 = tpu.vector_load_idx %arg10[%add3A_129, %iota3A, %broadcast_in_dim3A_418] : memref<2x16x128xf32, #tpu.memory_space<vmem>>[vector<16xi32>, vector<16xi32>, vector<16xi32>], vector<16xf32>,
      tpu.vector_store_idx %arg11[%get3A_114, %broadcast_in_dim3A_418], %gather3A_419 {add = true} : memref<321x128xf32, #tpu.memory_space<vmem>>[vector<16xi32>, vector<16xi32>], vector<16xf32>,
      %broadcast_in_dim3A_420 = arith.constant 97 : i32
      %broadcast_in_dim3A_421 = vector.broadcast %broadcast_in_dim3A_420 : i32 to vector<16xi32>
      %gather3A_422 = tpu.vector_load_idx %arg10[%add3A_129, %iota3A, %broadcast_in_dim3A_421] : memref<2x16x128xf32, #tpu.memory_space<vmem>>[vector<16xi32>, vector<16xi32>, vector<16xi32>], vector<16xf32>,
      tpu.vector_store_idx %arg11[%get3A_114, %broadcast_in_dim3A_421], %gather3A_422 {add = true} : memref<321x128xf32, #tpu.memory_space<vmem>>[vector<16xi32>, vector<16xi32>], vector<16xf32>,
      %broadcast_in_dim3A_423 = arith.constant 98 : i32
      %broadcast_in_dim3A_424 = vector.broadcast %broadcast_in_dim3A_423 : i32 to vector<16xi32>
      %gather3A_425 = tpu.vector_load_idx %arg10[%add3A_129, %iota3A, %broadcast_in_dim3A_424] : memref<2x16x128xf32, #tpu.memory_space<vmem>>[vector<16xi32>, vector<16xi32>, vector<16xi32>], vector<16xf32>,
      tpu.vector_store_idx %arg11[%get3A_114, %broadcast_in_dim3A_424], %gather3A_425 {add = true} : memref<321x128xf32, #tpu.memory_space<vmem>>[vector<16xi32>, vector<16xi32>], vector<16xf32>,
      %broadcast_in_dim3A_426 = arith.constant 99 : i32
      %broadcast_in_dim3A_427 = vector.broadcast %broadcast_in_dim3A_426 : i32 to vector<16xi32>
      %gather3A_428 = tpu.vector_load_idx %arg10[%add3A_129, %iota3A, %broadcast_in_dim3A_427] : memref<2x16x128xf32, #tpu.memory_space<vmem>>[vector<16xi32>, vector<16xi32>, vector<16xi32>], vector<16xf32>,
      tpu.vector_store_idx %arg11[%get3A_114, %broadcast_in_dim3A_427], %gather3A_428 {add = true} : memref<321x128xf32, #tpu.memory_space<vmem>>[vector<16xi32>, vector<16xi32>], vector<16xf32>,
      %broadcast_in_dim3A_429 = arith.constant 100 : i32
      %broadcast_in_dim3A_430 = vector.broadcast %broadcast_in_dim3A_429 : i32 to vector<16xi32>
      %gather3A_431 = tpu.vector_load_idx %arg10[%add3A_129, %iota3A, %broadcast_in_dim3A_430] : memref<2x16x128xf32, #tpu.memory_space<vmem>>[vector<16xi32>, vector<16xi32>, vector<16xi32>], vector<16xf32>,
      tpu.vector_store_idx %arg11[%get3A_114, %broadcast_in_dim3A_430], %gather3A_431 {add = true} : memref<321x128xf32, #tpu.memory_space<vmem>>[vector<16xi32>, vector<16xi32>], vector<16xf32>,
      %broadcast_in_dim3A_432 = arith.constant 101 : i32
      %broadcast_in_dim3A_433 = vector.broadcast %broadcast_in_dim3A_432 : i32 to vector<16xi32>
      %gather3A_434 = tpu.vector_load_idx %arg10[%add3A_129, %iota3A, %broadcast_in_dim3A_433] : memref<2x16x128xf32, #tpu.memory_space<vmem>>[vector<16xi32>, vector<16xi32>, vector<16xi32>], vector<16xf32>,
      tpu.vector_store_idx %arg11[%get3A_114, %broadcast_in_dim3A_433], %gather3A_434 {add = true} : memref<321x128xf32, #tpu.memory_space<vmem>>[vector<16xi32>, vector<16xi32>], vector<16xf32>,
      %broadcast_in_dim3A_435 = arith.constant 102 : i32
      %broadcast_in_dim3A_436 = vector.broadcast %broadcast_in_dim3A_435 : i32 to vector<16xi32>
      %gather3A_437 = tpu.vector_load_idx %arg10[%add3A_129, %iota3A, %broadcast_in_dim3A_436] : memref<2x16x128xf32, #tpu.memory_space<vmem>>[vector<16xi32>, vector<16xi32>, vector<16xi32>], vector<16xf32>,
      tpu.vector_store_idx %arg11[%get3A_114, %broadcast_in_dim3A_436], %gather3A_437 {add = true} : memref<321x128xf32, #tpu.memory_space<vmem>>[vector<16xi32>, vector<16xi32>], vector<16xf32>,
      %broadcast_in_dim3A_438 = arith.constant 103 : i32
      %broadcast_in_dim3A_439 = vector.broadcast %broadcast_in_dim3A_438 : i32 to vector<16xi32>
      %gather3A_440 = tpu.vector_load_idx %arg10[%add3A_129, %iota3A, %broadcast_in_dim3A_439] : memref<2x16x128xf32, #tpu.memory_space<vmem>>[vector<16xi32>, vector<16xi32>, vector<16xi32>], vector<16xf32>,
      tpu.vector_store_idx %arg11[%get3A_114, %broadcast_in_dim3A_439], %gather3A_440 {add = true} : memref<321x128xf32, #tpu.memory_space<vmem>>[vector<16xi32>, vector<16xi32>], vector<16xf32>,
      %broadcast_in_dim3A_441 = arith.constant 104 : i32
      %broadcast_in_dim3A_442 = vector.broadcast %broadcast_in_dim3A_441 : i32 to vector<16xi32>
      %gather3A_443 = tpu.vector_load_idx %arg10[%add3A_129, %iota3A, %broadcast_in_dim3A_442] : memref<2x16x128xf32, #tpu.memory_space<vmem>>[vector<16xi32>, vector<16xi32>, vector<16xi32>], vector<16xf32>,
      tpu.vector_store_idx %arg11[%get3A_114, %broadcast_in_dim3A_442], %gather3A_443 {add = true} : memref<321x128xf32, #tpu.memory_space<vmem>>[vector<16xi32>, vector<16xi32>], vector<16xf32>,
      %broadcast_in_dim3A_444 = arith.constant 105 : i32
      %broadcast_in_dim3A_445 = vector.broadcast %broadcast_in_dim3A_444 : i32 to vector<16xi32>
      %gather3A_446 = tpu.vector_load_idx %arg10[%add3A_129, %iota3A, %broadcast_in_dim3A_445] : memref<2x16x128xf32, #tpu.memory_space<vmem>>[vector<16xi32>, vector<16xi32>, vector<16xi32>], vector<16xf32>,
      tpu.vector_store_idx %arg11[%get3A_114, %broadcast_in_dim3A_445], %gather3A_446 {add = true} : memref<321x128xf32, #tpu.memory_space<vmem>>[vector<16xi32>, vector<16xi32>], vector<16xf32>,
      %broadcast_in_dim3A_447 = arith.constant 106 : i32
      %broadcast_in_dim3A_448 = vector.broadcast %broadcast_in_dim3A_447 : i32 to vector<16xi32>
      %gather3A_449 = tpu.vector_load_idx %arg10[%add3A_129, %iota3A, %broadcast_in_dim3A_448] : memref<2x16x128xf32, #tpu.memory_space<vmem>>[vector<16xi32>, vector<16xi32>, vector<16xi32>], vector<16xf32>,
      tpu.vector_store_idx %arg11[%get3A_114, %broadcast_in_dim3A_448], %gather3A_449 {add = true} : memref<321x128xf32, #tpu.memory_space<vmem>>[vector<16xi32>, vector<16xi32>], vector<16xf32>,
      %broadcast_in_dim3A_450 = arith.constant 107 : i32
      %broadcast_in_dim3A_451 = vector.broadcast %broadcast_in_dim3A_450 : i32 to vector<16xi32>
      %gather3A_452 = tpu.vector_load_idx %arg10[%add3A_129, %iota3A, %broadcast_in_dim3A_451] : memref<2x16x128xf32, #tpu.memory_space<vmem>>[vector<16xi32>, vector<16xi32>, vector<16xi32>], vector<16xf32>,
      tpu.vector_store_idx %arg11[%get3A_114, %broadcast_in_dim3A_451], %gather3A_452 {add = true} : memref<321x128xf32, #tpu.memory_space<vmem>>[vector<16xi32>, vector<16xi32>], vector<16xf32>,
      %broadcast_in_dim3A_453 = arith.constant 108 : i32
      %broadcast_in_dim3A_454 = vector.broadcast %broadcast_in_dim3A_453 : i32 to vector<16xi32>
      %gather3A_455 = tpu.vector_load_idx %arg10[%add3A_129, %iota3A, %broadcast_in_dim3A_454] : memref<2x16x128xf32, #tpu.memory_space<vmem>>[vector<16xi32>, vector<16xi32>, vector<16xi32>], vector<16xf32>,
      tpu.vector_store_idx %arg11[%get3A_114, %broadcast_in_dim3A_454], %gather3A_455 {add = true} : memref<321x128xf32, #tpu.memory_space<vmem>>[vector<16xi32>, vector<16xi32>], vector<16xf32>,
      %broadcast_in_dim3A_456 = arith.constant 109 : i32
      %broadcast_in_dim3A_457 = vector.broadcast %broadcast_in_dim3A_456 : i32 to vector<16xi32>
      %gather3A_458 = tpu.vector_load_idx %arg10[%add3A_129, %iota3A, %broadcast_in_dim3A_457] : memref<2x16x128xf32, #tpu.memory_space<vmem>>[vector<16xi32>, vector<16xi32>, vector<16xi32>], vector<16xf32>,
      tpu.vector_store_idx %arg11[%get3A_114, %broadcast_in_dim3A_457], %gather3A_458 {add = true} : memref<321x128xf32, #tpu.memory_space<vmem>>[vector<16xi32>, vector<16xi32>], vector<16xf32>,
      %broadcast_in_dim3A_459 = arith.constant 110 : i32
      %broadcast_in_dim3A_460 = vector.broadcast %broadcast_in_dim3A_459 : i32 to vector<16xi32>
      %gather3A_461 = tpu.vector_load_idx %arg10[%add3A_129, %iota3A, %broadcast_in_dim3A_460] : memref<2x16x128xf32, #tpu.memory_space<vmem>>[vector<16xi32>, vector<16xi32>, vector<16xi32>], vector<16xf32>,
      tpu.vector_store_idx %arg11[%get3A_114, %broadcast_in_dim3A_460], %gather3A_461 {add = true} : memref<321x128xf32, #tpu.memory_space<vmem>>[vector<16xi32>, vector<16xi32>], vector<16xf32>,
      %broadcast_in_dim3A_462 = arith.constant 111 : i32
      %broadcast_in_dim3A_463 = vector.broadcast %broadcast_in_dim3A_462 : i32 to vector<16xi32>
      %gather3A_464 = tpu.vector_load_idx %arg10[%add3A_129, %iota3A, %broadcast_in_dim3A_463] : memref<2x16x128xf32, #tpu.memory_space<vmem>>[vector<16xi32>, vector<16xi32>, vector<16xi32>], vector<16xf32>,
      tpu.vector_store_idx %arg11[%get3A_114, %broadcast_in_dim3A_463], %gather3A_464 {add = true} : memref<321x128xf32, #tpu.memory_space<vmem>>[vector<16xi32>, vector<16xi32>], vector<16xf32>,
      %broadcast_in_dim3A_465 = arith.constant 112 : i32
      %broadcast_in_dim3A_466 = vector.broadcast %broadcast_in_dim3A_465 : i32 to vector<16xi32>
      %gather3A_467 = tpu.vector_load_idx %arg10[%add3A_129, %iota3A, %broadcast_in_dim3A_466] : memref<2x16x128xf32, #tpu.memory_space<vmem>>[vector<16xi32>, vector<16xi32>, vector<16xi32>], vector<16xf32>,
      tpu.vector_store_idx %arg11[%get3A_114, %broadcast_in_dim3A_466], %gather3A_467 {add = true} : memref<321x128xf32, #tpu.memory_space<vmem>>[vector<16xi32>, vector<16xi32>], vector<16xf32>,
      %broadcast_in_dim3A_468 = arith.constant 113 : i32
      %broadcast_in_dim3A_469 = vector.broadcast %broadcast_in_dim3A_468 : i32 to vector<16xi32>
      %gather3A_470 = tpu.vector_load_idx %arg10[%add3A_129, %iota3A, %broadcast_in_dim3A_469] : memref<2x16x128xf32, #tpu.memory_space<vmem>>[vector<16xi32>, vector<16xi32>, vector<16xi32>], vector<16xf32>,
      tpu.vector_store_idx %arg11[%get3A_114, %broadcast_in_dim3A_469], %gather3A_470 {add = true} : memref<321x128xf32, #tpu.memory_space<vmem>>[vector<16xi32>, vector<16xi32>], vector<16xf32>,
      %broadcast_in_dim3A_471 = arith.constant 114 : i32
      %broadcast_in_dim3A_472 = vector.broadcast %broadcast_in_dim3A_471 : i32 to vector<16xi32>
      %gather3A_473 = tpu.vector_load_idx %arg10[%add3A_129, %iota3A, %broadcast_in_dim3A_472] : memref<2x16x128xf32, #tpu.memory_space<vmem>>[vector<16xi32>, vector<16xi32>, vector<16xi32>], vector<16xf32>,
      tpu.vector_store_idx %arg11[%get3A_114, %broadcast_in_dim3A_472], %gather3A_473 {add = true} : memref<321x128xf32, #tpu.memory_space<vmem>>[vector<16xi32>, vector<16xi32>], vector<16xf32>,
      %broadcast_in_dim3A_474 = arith.constant 115 : i32
      %broadcast_in_dim3A_475 = vector.broadcast %broadcast_in_dim3A_474 : i32 to vector<16xi32>
      %gather3A_476 = tpu.vector_load_idx %arg10[%add3A_129, %iota3A, %broadcast_in_dim3A_475] : memref<2x16x128xf32, #tpu.memory_space<vmem>>[vector<16xi32>, vector<16xi32>, vector<16xi32>], vector<16xf32>,
      tpu.vector_store_idx %arg11[%get3A_114, %broadcast_in_dim3A_475], %gather3A_476 {add = true} : memref<321x128xf32, #tpu.memory_space<vmem>>[vector<16xi32>, vector<16xi32>], vector<16xf32>,
      %broadcast_in_dim3A_477 = arith.constant 116 : i32
      %broadcast_in_dim3A_478 = vector.broadcast %broadcast_in_dim3A_477 : i32 to vector<16xi32>
      %gather3A_479 = tpu.vector_load_idx %arg10[%add3A_129, %iota3A, %broadcast_in_dim3A_478] : memref<2x16x128xf32, #tpu.memory_space<vmem>>[vector<16xi32>, vector<16xi32>, vector<16xi32>], vector<16xf32>,
      tpu.vector_store_idx %arg11[%get3A_114, %broadcast_in_dim3A_478], %gather3A_479 {add = true} : memref<321x128xf32, #tpu.memory_space<vmem>>[vector<16xi32>, vector<16xi32>], vector<16xf32>,
      %broadcast_in_dim3A_480 = arith.constant 117 : i32
      %broadcast_in_dim3A_481 = vector.broadcast %broadcast_in_dim3A_480 : i32 to vector<16xi32>
      %gather3A_482 = tpu.vector_load_idx %arg10[%add3A_129, %iota3A, %broadcast_in_dim3A_481] : memref<2x16x128xf32, #tpu.memory_space<vmem>>[vector<16xi32>, vector<16xi32>, vector<16xi32>], vector<16xf32>,
      tpu.vector_store_idx %arg11[%get3A_114, %broadcast_in_dim3A_481], %gather3A_482 {add = true} : memref<321x128xf32, #tpu.memory_space<vmem>>[vector<16xi32>, vector<16xi32>], vector<16xf32>,
      %broadcast_in_dim3A_483 = arith.constant 118 : i32
      %broadcast_in_dim3A_484 = vector.broadcast %broadcast_in_dim3A_483 : i32 to vector<16xi32>
      %gather3A_485 = tpu.vector_load_idx %arg10[%add3A_129, %iota3A, %broadcast_in_dim3A_484] : memref<2x16x128xf32, #tpu.memory_space<vmem>>[vector<16xi32>, vector<16xi32>, vector<16xi32>], vector<16xf32>,
      tpu.vector_store_idx %arg11[%get3A_114, %broadcast_in_dim3A_484], %gather3A_485 {add = true} : memref<321x128xf32, #tpu.memory_space<vmem>>[vector<16xi32>, vector<16xi32>], vector<16xf32>,
      %broadcast_in_dim3A_486 = arith.constant 119 : i32
      %broadcast_in_dim3A_487 = vector.broadcast %broadcast_in_dim3A_486 : i32 to vector<16xi32>
      %gather3A_488 = tpu.vector_load_idx %arg10[%add3A_129, %iota3A, %broadcast_in_dim3A_487] : memref<2x16x128xf32, #tpu.memory_space<vmem>>[vector<16xi32>, vector<16xi32>, vector<16xi32>], vector<16xf32>,
      tpu.vector_store_idx %arg11[%get3A_114, %broadcast_in_dim3A_487], %gather3A_488 {add = true} : memref<321x128xf32, #tpu.memory_space<vmem>>[vector<16xi32>, vector<16xi32>], vector<16xf32>,
      %broadcast_in_dim3A_489 = arith.constant 120 : i32
      %broadcast_in_dim3A_490 = vector.broadcast %broadcast_in_dim3A_489 : i32 to vector<16xi32>
      %gather3A_491 = tpu.vector_load_idx %arg10[%add3A_129, %iota3A, %broadcast_in_dim3A_490] : memref<2x16x128xf32, #tpu.memory_space<vmem>>[vector<16xi32>, vector<16xi32>, vector<16xi32>], vector<16xf32>,
      tpu.vector_store_idx %arg11[%get3A_114, %broadcast_in_dim3A_490], %gather3A_491 {add = true} : memref<321x128xf32, #tpu.memory_space<vmem>>[vector<16xi32>, vector<16xi32>], vector<16xf32>,
      %broadcast_in_dim3A_492 = arith.constant 121 : i32
      %broadcast_in_dim3A_493 = vector.broadcast %broadcast_in_dim3A_492 : i32 to vector<16xi32>
      %gather3A_494 = tpu.vector_load_idx %arg10[%add3A_129, %iota3A, %broadcast_in_dim3A_493] : memref<2x16x128xf32, #tpu.memory_space<vmem>>[vector<16xi32>, vector<16xi32>, vector<16xi32>], vector<16xf32>,
      tpu.vector_store_idx %arg11[%get3A_114, %broadcast_in_dim3A_493], %gather3A_494 {add = true} : memref<321x128xf32, #tpu.memory_space<vmem>>[vector<16xi32>, vector<16xi32>], vector<16xf32>,
      %broadcast_in_dim3A_495 = arith.constant 122 : i32
      %broadcast_in_dim3A_496 = vector.broadcast %broadcast_in_dim3A_495 : i32 to vector<16xi32>
      %gather3A_497 = tpu.vector_load_idx %arg10[%add3A_129, %iota3A, %broadcast_in_dim3A_496] : memref<2x16x128xf32, #tpu.memory_space<vmem>>[vector<16xi32>, vector<16xi32>, vector<16xi32>], vector<16xf32>,
      tpu.vector_store_idx %arg11[%get3A_114, %broadcast_in_dim3A_496], %gather3A_497 {add = true} : memref<321x128xf32, #tpu.memory_space<vmem>>[vector<16xi32>, vector<16xi32>], vector<16xf32>,
      %broadcast_in_dim3A_498 = arith.constant 123 : i32
      %broadcast_in_dim3A_499 = vector.broadcast %broadcast_in_dim3A_498 : i32 to vector<16xi32>
      %gather3A_500 = tpu.vector_load_idx %arg10[%add3A_129, %iota3A, %broadcast_in_dim3A_499] : memref<2x16x128xf32, #tpu.memory_space<vmem>>[vector<16xi32>, vector<16xi32>, vector<16xi32>], vector<16xf32>,
      tpu.vector_store_idx %arg11[%get3A_114, %broadcast_in_dim3A_499], %gather3A_500 {add = true} : memref<321x128xf32, #tpu.memory_space<vmem>>[vector<16xi32>, vector<16xi32>], vector<16xf32>,
      %broadcast_in_dim3A_501 = arith.constant 124 : i32
      %broadcast_in_dim3A_502 = vector.broadcast %broadcast_in_dim3A_501 : i32 to vector<16xi32>
      %gather3A_503 = tpu.vector_load_idx %arg10[%add3A_129, %iota3A, %broadcast_in_dim3A_502] : memref<2x16x128xf32, #tpu.memory_space<vmem>>[vector<16xi32>, vector<16xi32>, vector<16xi32>], vector<16xf32>,
      tpu.vector_store_idx %arg11[%get3A_114, %broadcast_in_dim3A_502], %gather3A_503 {add = true} : memref<321x128xf32, #tpu.memory_space<vmem>>[vector<16xi32>, vector<16xi32>], vector<16xf32>,
      %broadcast_in_dim3A_504 = arith.constant 125 : i32
      %broadcast_in_dim3A_505 = vector.broadcast %broadcast_in_dim3A_504 : i32 to vector<16xi32>
      %gather3A_506 = tpu.vector_load_idx %arg10[%add3A_129, %iota3A, %broadcast_in_dim3A_505] : memref<2x16x128xf32, #tpu.memory_space<vmem>>[vector<16xi32>, vector<16xi32>, vector<16xi32>], vector<16xf32>,
      tpu.vector_store_idx %arg11[%get3A_114, %broadcast_in_dim3A_505], %gather3A_506 {add = true} : memref<321x128xf32, #tpu.memory_space<vmem>>[vector<16xi32>, vector<16xi32>], vector<16xf32>,
      %broadcast_in_dim3A_507 = arith.constant 126 : i32
      %broadcast_in_dim3A_508 = vector.broadcast %broadcast_in_dim3A_507 : i32 to vector<16xi32>
      %gather3A_509 = tpu.vector_load_idx %arg10[%add3A_129, %iota3A, %broadcast_in_dim3A_508] : memref<2x16x128xf32, #tpu.memory_space<vmem>>[vector<16xi32>, vector<16xi32>, vector<16xi32>], vector<16xf32>,
      tpu.vector_store_idx %arg11[%get3A_114, %broadcast_in_dim3A_508], %gather3A_509 {add = true} : memref<321x128xf32, #tpu.memory_space<vmem>>[vector<16xi32>, vector<16xi32>], vector<16xf32>,
      %broadcast_in_dim3A_510 = arith.constant 127 : i32
      %broadcast_in_dim3A_511 = vector.broadcast %broadcast_in_dim3A_510 : i32 to vector<16xi32>
      %gather3A_512 = tpu.vector_load_idx %arg10[%add3A_129, %iota3A, %broadcast_in_dim3A_511] : memref<2x16x128xf32, #tpu.memory_space<vmem>>[vector<16xi32>, vector<16xi32>, vector<16xi32>], vector<16xf32>,
      tpu.vector_store_idx %arg11[%get3A_114, %broadcast_in_dim3A_511], %gather3A_512 {add = true} : memref<321x128xf32, #tpu.memory_space<vmem>>[vector<16xi32>, vector<16xi32>], vector<16xf32>,
    }
    "tpu.region"() ({
      %run_scoped3A = tpu.sem_alloc : memref<!tpu.dma_semaphore, #tpu.memory_space<semaphore_mem>>
      %dma_start3A_103 = arith.constant 0 : i32
      %dma_start3A_104 = arith.constant 0 : i32
      %dma_start3A_105 = tpu.memref_slice %arg5[%arg0, %arg1, %dma_start3A_103, %dma_start3A_104] : memref<2x16x321x128xf32, #tpu.memory_space<hbm>> -> memref<1x1x321x128xf32, #tpu.memory_space<hbm>>
      %dma_start3A_106 = tpu.memref_squeeze %dma_start3A_105 : memref<1x1x321x128xf32, #tpu.memory_space<hbm>> -> memref<321x128xf32, #tpu.memory_space<hbm>>
      %dma_start3A_107 = arith.constant 0 : i32
      %dma_start3A_108 = arith.constant 0 : i32
      %dma_start3A_109 = tpu.memref_slice %arg5[%arg0, %arg1, %dma_start3A_107, %dma_start3A_108] : memref<2x16x321x128xf32, #tpu.memory_space<hbm>> -> memref<1x1x321x128xf32, #tpu.memory_space<hbm>>
      %dma_start3A_110 = tpu.memref_squeeze %dma_start3A_109 : memref<1x1x321x128xf32, #tpu.memory_space<hbm>> -> memref<321x128xf32, #tpu.memory_space<hbm>>
      tpu.enqueue_dma source(%arg11 : memref<321x128xf32, #tpu.memory_space<vmem>>) target(%dma_start3A_110 : memref<321x128xf32, #tpu.memory_space<hbm>>) target_semaphore(%run_scoped3A : memref<!tpu.dma_semaphore, #tpu.memory_space<semaphore_mem>>)
      %dma_wait3A = arith.constant 0 : i32
      %dma_wait3A_111 = arith.constant 0 : i32
      %dma_wait3A_112 = tpu.memref_slice %arg5[%arg0, %arg1, %dma_wait3A, %dma_wait3A_111] : memref<2x16x321x128xf32, #tpu.memory_space<hbm>> -> memref<1x1x321x128xf32, #tpu.memory_space<hbm>>
      %dma_wait3A_113 = tpu.memref_squeeze %dma_wait3A_112 : memref<1x1x321x128xf32, #tpu.memory_space<hbm>> -> memref<321x128xf32, #tpu.memory_space<hbm>>
      %dma_wait3A_114 = arith.constant 0 : i32
      %dma_wait3A_115 = arith.constant 0 : i32
      %dma_wait3A_116 = tpu.memref_slice %arg5[%arg0, %arg1, %dma_wait3A_114, %dma_wait3A_115] : memref<2x16x321x128xf32, #tpu.memory_space<hbm>> -> memref<1x1x321x128xf32, #tpu.memory_space<hbm>>
      %dma_wait3A_117 = tpu.memref_squeeze %dma_wait3A_116 : memref<1x1x321x128xf32, #tpu.memory_space<hbm>> -> memref<321x128xf32, #tpu.memory_space<hbm>>
      tpu.wait_dma2 semaphore(%run_scoped3A : memref<!tpu.dma_semaphore, #tpu.memory_space<semaphore_mem>>) src(%arg11 : memref<321x128xf32, #tpu.memory_space<vmem>>) dst(%dma_wait3A_117 : memref<321x128xf32, #tpu.memory_space<hbm>>)
      tpu.yield
    }) : () -> ()
    return
  }
}

module attributes {stable_mosaic.version = 14 : i64} {
  func.func @mm_kernel(%arg0: i32, %arg1: memref<1000x128xf32, #tpu.memory_space<vmem>>, %arg2: memref<128x128xf32, #tpu.memory_space<vmem>>, %arg3: memref<1000x128xf32, #tpu.memory_space<vmem>>) attributes {dimension_semantics = [#tpu.dimension_semantics<arbitrary>], iteration_bounds = array<i64: 10>, scalar_prefetch = 0 : i64, scratch_operands = 0 : i64, tpu.core_type = #tpu.core_type<tc>, window_params = [{transform_indices = @transform_0, window_bounds = array<i64: 1000, 128>}, {pipeline_mode = #tpu.pipeline_mode<synchronous>, transform_indices = @transform_1, window_bounds = array<i64: 128, 128>}, {transform_indices = @transform_2, window_bounds = array<i64: 1000, 128>}]} {
    %get3A = arith.constant 0 : index
    %get3A_0 = arith.constant 0 : index
    %get3A_1 = vector.load %arg1[%get3A, %get3A_0] : memref<1000x128xf32, #tpu.memory_space<vmem>>, vector<1000x128xf32>
    %get3A_2 = arith.constant 0 : index
    %get3A_3 = arith.constant 0 : index
    %get3A_4 = vector.load %arg2[%get3A_2, %get3A_3] : memref<128x128xf32, #tpu.memory_space<vmem>>, vector<128x128xf32>
    %dot_general3A = arith.constant dense<0.000000e+00> : vector<1000x128xf32>
    %dot_general3A_5 = tpu.matmul %get3A_1, %get3A_4, %dot_general3A {dimension_numbers = #tpu.dot_dimension_numbers<[1], [0], [0], [1], [0, 0, 1, 1], [], []>, precision = #tpu.contract_precision<fp32>, transpose_lhs_hint = false} : vector<1000x128xf32>, vector<128x128xf32>, vector<1000x128xf32> -> vector<1000x128xf32>
    %swap3A = arith.constant 0 : index
    %swap3A_6 = arith.constant 0 : index
    %swap3A_7 = vector.load %arg3[%swap3A, %swap3A_6] : memref<1000x128xf32, #tpu.memory_space<vmem>>, vector<1000x128xf32>
    tpu.vector_store %arg3[%swap3A, %swap3A_6], %dot_general3A_5 {strides = array<i32>} : memref<1000x128xf32, #tpu.memory_space<vmem>>, vector<1000x128xf32>,
    return
  }
  func.func @transform_0(%arg0: i32) -> (i32, i32) {
    %c0_i32 = arith.constant 0 : i32
    %c0_i32_0 = arith.constant 0 : i32
    return %arg0, %c0_i32 : i32, i32
  }
  func.func @transform_1(%arg0: i32) -> (i32, i32) {
    %c0_i32 = arith.constant 0 : i32
    %c0_i32_0 = arith.constant 0 : i32
    %c0_i32_1 = arith.constant 0 : i32
    return %c0_i32, %c0_i32_0 : i32, i32
  }
  func.func @transform_2(%arg0: i32) -> (i32, i32) {
    %c0_i32 = arith.constant 0 : i32
    %c0_i32_0 = arith.constant 0 : i32
    return %arg0, %c0_i32 : i32, i32
  }
}

module attributes {stable_mosaic.version = 14 : i64} {
  func.func @k(%arg0: i32, %arg1: memref<1000x128xf32, #tpu.memory_space<vmem>>, %arg2: memref<1000x1xf32, #tpu.memory_space<vmem>>, %arg3: memref<1000x128xf32, #tpu.memory_space<vmem>>, %arg4: memref<1000x1xf32, #tpu.memory_space<vmem>>) attributes {dimension_semantics = [#tpu.dimension_semantics<arbitrary>], iteration_bounds = array<i64: 10>, scalar_prefetch = 0 : i64, scratch_operands = 0 : i64, tpu.core_type = #tpu.core_type<tc>, window_params = [{transform_indices = @transform_0, window_bounds = array<i64: 1000, 128>}, {transform_indices = @transform_1, window_bounds = array<i64: 1000, 1>}, {transform_indices = @transform_2, window_bounds = array<i64: 1000, 128>}, {transform_indices = @transform_3, window_bounds = array<i64: 1000, 1>}]} {
    %get3A = arith.constant 0 : index
    %get3A_0 = arith.constant 0 : index
    %get3A_1 = vector.load %arg2[%get3A, %get3A_0] : memref<1000x1xf32, #tpu.memory_space<vmem>>, vector<1000x1xf32>
    %add3A = arith.constant 1.000000e+00 : f32
    %add3A_2 = vector.broadcast %add3A : f32 to vector<1000x1xf32>
    %add3A_3 = arith.addf %get3A_1, %add3A_2 : vector<1000x1xf32>
    %rsqrt3A = math.rsqrt %add3A_3 : vector<1000x1xf32>
    %swap3A = arith.constant 0 : index
    %swap3A_4 = arith.constant 0 : index
    %swap3A_5 = vector.load %arg4[%swap3A, %swap3A_4] : memref<1000x1xf32, #tpu.memory_space<vmem>>, vector<1000x1xf32>
    tpu.vector_store %arg4[%swap3A, %swap3A_4], %rsqrt3A {strides = array<i32>} : memref<1000x1xf32, #tpu.memory_space<vmem>>, vector<1000x1xf32>,
    %get3A_6 = arith.constant 0 : index
    %get3A_7 = arith.constant 0 : index
    %get3A_8 = vector.load %arg1[%get3A_6, %get3A_7] : memref<1000x128xf32, #tpu.memory_space<vmem>>, vector<1000x128xf32>
    %mul3A = vector.broadcast %rsqrt3A : vector<1000x1xf32> to vector<1000x128xf32>
    %mul3A_9 = arith.mulf %get3A_8, %mul3A : vector<1000x128xf32>
    %swap3A_10 = arith.constant 0 : index
    %swap3A_11 = arith.constant 0 : index
    %swap3A_12 = vector.load %arg3[%swap3A_10, %swap3A_11] : memref<1000x128xf32, #tpu.memory_space<vmem>>, vector<1000x128xf32>
    tpu.vector_store %arg3[%swap3A_10, %swap3A_11], %mul3A_9 {strides = array<i32>} : memref<1000x128xf32, #tpu.memory_space<vmem>>, vector<1000x128xf32>,
    return
  }
  func.func @transform_0(%arg0: i32) -> (i32, i32) {
    %c0_i32 = arith.constant 0 : i32
    %c0_i32_0 = arith.constant 0 : i32
    return %arg0, %c0_i32 : i32, i32
  }
  func.func @transform_1(%arg0: i32) -> (i32, i32) {
    %c0_i32 = arith.constant 0 : i32
    %c0_i32_0 = arith.constant 0 : i32
    return %arg0, %c0_i32 : i32, i32
  }
  func.func @transform_2(%arg0: i32) -> (i32, i32) {
    %c0_i32 = arith.constant 0 : i32
    %c0_i32_0 = arith.constant 0 : i32
    return %arg0, %c0_i32 : i32, i32
  }
  func.func @transform_3(%arg0: i32) -> (i32, i32) {
    %c0_i32 = arith.constant 0 : i32
    %c0_i32_0 = arith.constant 0 : i32
    return %arg0, %c0_i32 : i32, i32
  }
}

module attributes {stable_mosaic.version = 14 : i64} {
  func.func @k(%arg0: i32, %arg1: memref<1000x128xf32, #tpu.memory_space<vmem>>, %arg2: memref<1000x128xf32, #tpu.memory_space<vmem>>, %arg3: memref<1000x1xf32, #tpu.memory_space<vmem>>, %arg4: memref<1x128xf32, #tpu.memory_space<vmem>>, %arg5: memref<128x128xf32, #tpu.memory_space<vmem>>, %arg6: memref<1000x128xf32, #tpu.memory_space<vmem>>) attributes {dimension_semantics = [#tpu.dimension_semantics<arbitrary>], iteration_bounds = array<i64: 10>, scalar_prefetch = 0 : i64, scratch_operands = 0 : i64, tpu.core_type = #tpu.core_type<tc>, window_params = [{transform_indices = @transform_0, window_bounds = array<i64: 1000, 128>}, {transform_indices = @transform_1, window_bounds = array<i64: 1000, 128>}, {transform_indices = @transform_2, window_bounds = array<i64: 1000, 1>}, {pipeline_mode = #tpu.pipeline_mode<synchronous>, transform_indices = @transform_3, window_bounds = array<i64: 1, 128>}, {pipeline_mode = #tpu.pipeline_mode<synchronous>, transform_indices = @transform_4, window_bounds = array<i64: 128, 128>}, {transform_indices = @transform_5, window_bounds = array<i64: 1000, 128>}]} {
    %get3A = arith.constant 0 : index
    %get3A_0 = arith.constant 0 : index
    %get3A_1 = vector.load %arg3[%get3A, %get3A_0] : memref<1000x1xf32, #tpu.memory_space<vmem>>, vector<1000x1xf32>
    %get3A_2 = arith.constant 0 : index
    %get3A_3 = arith.constant 0 : index
    %get3A_4 = vector.load %arg1[%get3A_2, %get3A_3] : memref<1000x128xf32, #tpu.memory_space<vmem>>, vector<1000x128xf32>
    %get3A_5 = arith.constant 0 : index
    %get3A_6 = arith.constant 0 : index
    %get3A_7 = vector.load %arg2[%get3A_5, %get3A_6] : memref<1000x128xf32, #tpu.memory_space<vmem>>, vector<1000x128xf32>
    %add3A = arith.addf %get3A_4, %get3A_7 : vector<1000x128xf32>
    %mul3A = vector.broadcast %get3A_1 : vector<1000x1xf32> to vector<1000x128xf32>
    %mul3A_8 = arith.mulf %add3A, %mul3A : vector<1000x128xf32>
    %get3A_9 = arith.constant 0 : index
    %get3A_10 = arith.constant 0 : index
    %get3A_11 = vector.load %arg4[%get3A_9, %get3A_10] : memref<1x128xf32, #tpu.memory_space<vmem>>, vector<1x128xf32>
    %add3A_12 = vector.broadcast %get3A_11 : vector<1x128xf32> to vector<1000x128xf32>
    %add3A_13 = arith.addf %mul3A_8, %add3A_12 : vector<1000x128xf32>
    %max3A = arith.constant 0.000000e+00 : f32
    %max3A_14 = vector.broadcast %max3A : f32 to vector<1000x128xf32>
    %max3A_15 = arith.maximumf %add3A_13, %max3A_14 : vector<1000x128xf32>
    %get3A_16 = arith.constant 0 : index
    %get3A_17 = arith.constant 0 : index
    %get3A_18 = vector.load %arg5[%get3A_16, %get3A_17] : memref<128x128xf32, #tpu.memory_space<vmem>>, vector<128x128xf32>
    %dot_general3A = arith.constant dense<0.000000e+00> : vector<1000x128xf32>
    %dot_general3A_19 = tpu.matmul %max3A_15, %get3A_18, %dot_general3A {dimension_numbers = #tpu.dot_dimension_numbers<[1], [0], [0], [1], [0, 0, 1, 1], [], []>, precision = #tpu.contract_precision<fp32>, transpose_lhs_hint = false} : vector<1000x128xf32>, vector<128x128xf32>, vector<1000x128xf32> -> vector<1000x128xf32>
    %mul3A_20 = vector.broadcast %get3A_1 : vector<1000x1xf32> to vector<1000x128xf32>
    %mul3A_21 = arith.mulf %dot_general3A_19, %mul3A_20 : vector<1000x128xf32>
    %swap3A = arith.constant 0 : index
    %swap3A_22 = arith.constant 0 : index
    %swap3A_23 = vector.load %arg6[%swap3A, %swap3A_22] : memref<1000x128xf32, #tpu.memory_space<vmem>>, vector<1000x128xf32>
    tpu.vector_store %arg6[%swap3A, %swap3A_22], %mul3A_21 {strides = array<i32>} : memref<1000x128xf32, #tpu.memory_space<vmem>>, vector<1000x128xf32>,
    return
  }
  func.func @transform_0(%arg0: i32) -> (i32, i32) {
    %c0_i32 = arith.constant 0 : i32
    %c0_i32_0 = arith.constant 0 : i32
    return %arg0, %c0_i32 : i32, i32
  }
  func.func @transform_1(%arg0: i32) -> (i32, i32) {
    %c0_i32 = arith.constant 0 : i32
    %c0_i32_0 = arith.constant 0 : i32
    return %arg0, %c0_i32 : i32, i32
  }
  func.func @transform_2(%arg0: i32) -> (i32, i32) {
    %c0_i32 = arith.constant 0 : i32
    %c0_i32_0 = arith.constant 0 : i32
    return %arg0, %c0_i32 : i32, i32
  }
  func.func @transform_3(%arg0: i32) -> (i32, i32) {
    %c0_i32 = arith.constant 0 : i32
    %c0_i32_0 = arith.constant 0 : i32
    %c0_i32_1 = arith.constant 0 : i32
    return %c0_i32, %c0_i32_0 : i32, i32
  }
  func.func @transform_4(%arg0: i32) -> (i32, i32) {
    %c0_i32 = arith.constant 0 : i32
    %c0_i32_0 = arith.constant 0 : i32
    %c0_i32_1 = arith.constant 0 : i32
    return %c0_i32, %c0_i32_0 : i32, i32
  }
  func.func @transform_5(%arg0: i32) -> (i32, i32) {
    %c0_i32 = arith.constant 0 : i32
    %c0_i32_0 = arith.constant 0 : i32
    return %arg0, %c0_i32 : i32, i32
  }
}

module attributes {stable_mosaic.version = 14 : i64} {
  func.func @k(%arg0: i32, %arg1: memref<1000x128xf32, #tpu.memory_space<vmem>>, %arg2: memref<1000x128xf32, #tpu.memory_space<vmem>>, %arg3: memref<1000x1xf32, #tpu.memory_space<vmem>>, %arg4: memref<1x128xf32, #tpu.memory_space<vmem>>, %arg5: memref<1000x128xf32, #tpu.memory_space<vmem>>) attributes {dimension_semantics = [#tpu.dimension_semantics<arbitrary>], iteration_bounds = array<i64: 10>, scalar_prefetch = 0 : i64, scratch_operands = 0 : i64, tpu.core_type = #tpu.core_type<tc>, window_params = [{transform_indices = @transform_0, window_bounds = array<i64: 1000, 128>}, {transform_indices = @transform_1, window_bounds = array<i64: 1000, 128>}, {transform_indices = @transform_2, window_bounds = array<i64: 1000, 1>}, {pipeline_mode = #tpu.pipeline_mode<synchronous>, transform_indices = @transform_3, window_bounds = array<i64: 1, 128>}, {transform_indices = @transform_4, window_bounds = array<i64: 1000, 128>}]} {
    %get3A = arith.constant 0 : index
    %get3A_0 = arith.constant 0 : index
    %get3A_1 = vector.load %arg1[%get3A, %get3A_0] : memref<1000x128xf32, #tpu.memory_space<vmem>>, vector<1000x128xf32>
    %get3A_2 = arith.constant 0 : index
    %get3A_3 = arith.constant 0 : index
    %get3A_4 = vector.load %arg2[%get3A_2, %get3A_3] : memref<1000x128xf32, #tpu.memory_space<vmem>>, vector<1000x128xf32>
    %add3A = arith.addf %get3A_1, %get3A_4 : vector<1000x128xf32>
    %get3A_5 = arith.constant 0 : index
    %get3A_6 = arith.constant 0 : index
    %get3A_7 = vector.load %arg3[%get3A_5, %get3A_6] : memref<1000x1xf32, #tpu.memory_space<vmem>>, vector<1000x1xf32>
    %mul3A = vector.broadcast %get3A_7 : vector<1000x1xf32> to vector<1000x128xf32>
    %mul3A_8 = arith.mulf %add3A, %mul3A : vector<1000x128xf32>
    %get3A_9 = arith.constant 0 : index
    %get3A_10 = arith.constant 0 : index
    %get3A_11 = vector.load %arg4[%get3A_9, %get3A_10] : memref<1x128xf32, #tpu.memory_space<vmem>>, vector<1x128xf32>
    %add3A_12 = vector.broadcast %get3A_11 : vector<1x128xf32> to vector<1000x128xf32>
    %add3A_13 = arith.addf %mul3A_8, %add3A_12 : vector<1000x128xf32>
    %reduce_max3A = arith.constant dense<0xFF800000> : vector<1000xf32>
    %reduce_max3A_14 = vector.multi_reduction <maximumf>, %add3A_13, %reduce_max3A [1] : vector<1000x128xf32> to vector<1000xf32>
    %broadcast_in_dim3A = vector.shape_cast %reduce_max3A_14 : vector<1000xf32> to vector<1000x1xf32>
    %sub3A = vector.broadcast %broadcast_in_dim3A : vector<1000x1xf32> to vector<1000x128xf32>
    %sub3A_15 = arith.subf %add3A_13, %sub3A : vector<1000x128xf32>
    %exp3A = math.exp %sub3A_15 : vector<1000x128xf32>
    %reduce_sum3A = arith.constant dense<0.000000e+00> : vector<1000xf32>
    %reduce_sum3A_16 = vector.multi_reduction <add>, %exp3A, %reduce_sum3A [1] : vector<1000x128xf32> to vector<1000xf32>
    %broadcast_in_dim3A_17 = vector.shape_cast %reduce_sum3A_16 : vector<1000xf32> to vector<1000x1xf32>
    %log3A = math.log %broadcast_in_dim3A_17 : vector<1000x1xf32>
    %add3A_18 = arith.addf %log3A, %broadcast_in_dim3A : vector<1000x1xf32>
    %sub3A_19 = vector.broadcast %add3A_18 : vector<1000x1xf32> to vector<1000x128xf32>
    %sub3A_20 = arith.subf %add3A_13, %sub3A_19 : vector<1000x128xf32>
    %swap3A = arith.constant 0 : index
    %swap3A_21 = arith.constant 0 : index
    %swap3A_22 = vector.load %arg5[%swap3A, %swap3A_21] : memref<1000x128xf32, #tpu.memory_space<vmem>>, vector<1000x128xf32>
    tpu.vector_store %arg5[%swap3A, %swap3A_21], %sub3A_20 {strides = array<i32>} : memref<1000x128xf32, #tpu.memory_space<vmem>>, vector<1000x128xf32>,
    return
  }
  func.func @transform_0(%arg0: i32) -> (i32, i32) {
    %c0_i32 = arith.constant 0 : i32
    %c0_i32_0 = arith.constant 0 : i32
    return %arg0, %c0_i32 : i32, i32
  }
  func.func @transform_1(%arg0: i32) -> (i32, i32) {
    %c0_i32 = arith.constant 0 : i32
    %c0_i32_0 = arith.constant 0 : i32
    return %arg0, %c0_i32 : i32, i32
  }
  func.func @transform_2(%arg0: i32) -> (i32, i32) {
    %c0_i32 = arith.constant 0 : i32
    %c0_i32_0 = arith.constant 0 : i32
    return %arg0, %c0_i32 : i32, i32
  }
  func.func @transform_3(%arg0: i32) -> (i32, i32) {
    %c0_i32 = arith.constant 0 : i32
    %c0_i32_0 = arith.constant 0 : i32
    %c0_i32_1 = arith.constant 0 : i32
    return %c0_i32, %c0_i32_0 : i32, i32
  }
  func.func @transform_4(%arg0: i32) -> (i32, i32) {
    %c0_i32 = arith.constant 0 : i32
    %c0_i32_0 = arith.constant 0 : i32
    return %arg0, %c0_i32 : i32, i32
  }
}

</mosaic_0001>

<sc_bundles>
// kernel: kernel.12.cloned.1.call-start
scs
__scs_entry_jumppad:
0x0: {  	(pc) =	sbr.rel $0x88, $3  }
0x1: {  	(tag) =	ssettag $0x0;
	lr =	simm.s32 $0x1  }
0x2: {  	[smem:$0x3F9B] =	sst lr;
	_ =	strace $0xD0000000  }
0x3: {  	_ = 	snop  }
0x4: {  	_ = 	snop  }
0x5: {  	_ = 	snop  }
0x6: {  	_ = 	snop  }
0x7: {  	_ = 	snop  }
__scs_overlays_trampoline_lowered:
0x8: {  	[smem:$0x3FAA] =	sst s0  }
0x9: {  	[smem:$0x3FAB] =	sst s1  }
0xa: {  	[smem:$0x3FAC] =	sst s2  }
0xb: {  	[smem:$0x3FAD] =	sst s3  }
0xc: {  	[smem:$0x3FAE] =	sst s4  }
0xd: {  	[smem:$0x3FAF] =	sst s5  }
0xe: {  	[smem:$0x3FB0] =	sst s6  }
0xf: {  	[smem:$0x3FB1] =	sst s7  }
0x10: {  	[smem:$0x3FB2] =	sst s8  }
0x11: {  	[smem:$0x3FB3] =	sst s9;
	s0 =	simm.s32 @!p0 $0x0  }
0x12: {  	s1 =	sld [smem:$0x3F99];
	s0 =	simm.s32 @p0 $0x1  }
0x13: {  	[smem:$0x3FB4] =	sst s0;
	s0 =	simm.s32 @!p1 $0x0  }
0x14: {  	s2 =	sld [smem:$0x3F98];
	s0 =	simm.s32 @p1 $0x1  }
0x15: {  	[smem:$0x3FB5] =	sst s0;
	s0 =	simm.s32 @!p2 $0x0  }
0x16: {  	s3 =	sld [smem:$0x3FDB];
	s0 =	simm.s32 @p2 $0x1  }
0x17: {  	s4 =	simm.s32 $0x1BF5;
	[smem:$0x3FB7] =	sst s0  }
0x18: {  	s0 =	sld [smem:$0x3F9A];
	_ =	swait.ge [sflag:s4], $0x0  }
0x19: {  	s7 =	sld [smem:$0x3F9B]  }
0x1a: {  	s8 =	sadd.s32 $0xFFFFE003, lr  }
0x1b: {  	s9 =	sadd.s32 $0xFFFFFEF7, lr;
	s5 =	simm.s32 $0xFFFFFFFF;
	p2 =	slt.u32 s8, $0xFFFFF086  }
0x1c: {  	p1 =	slt.u32 s9, $0xF7A;
	s5 =	simm.s32 @!p2 $0x0  }
0x1d: {  	s5 =	simm.s32 @p1 $0x1;
	p0 =	seq.s32 s7, s2  }
0x1e: {  	s7 =	smul.u32 @!p0 $0xF7A, s2;
	p2 =	seq.s32 @!p0 s5, $0x0  }
0x1f: {  	s9 =	smul.u32 $0xF7A, s1;
	s8 =	simm.s32 @!p0 $0x1BF5;
	p2 =	por !p2, p0  }
0x20: {  	[sflag:s8] =	ssyncset.s32 @!p0 $0xFFFFF086;
	s6 =	sadd.s32 @!p0 s3, s7;
	s7 =	simm.s32 @!p0 $0x108  }
0x21: {  	s3 =	sadd.s32 s3, s9;
	s6 =	sadd.s32 @!p0 $0x88, s6;
	s7 =	simm.s32 @p2 $0x1082  }
0x22: {  	[simem:s7], [sflag:s8] =	dma.local @!p0 [hbm:s6], $0xF7A  }
0x23: {  	s9 =	sor.u32 $0xD0000000, s2;
	s6 =	simm.s32 $0x108;
	_ =	swait.ge @!p0 [sflag:s8], $0x0  }
0x24: {  	s3 =	sadd.s32 $0x88, s3;
	s6 =	simm.s32 @!p1 $0x1082;
	[sflag:s4] =	ssyncset.s32 $0xFFFFF086  }
0x25: {  	[simem:s6], [sflag:s4] =	dma.local [hbm:s3], $0xF7A  }
0x26: {  	[smem:$0x3F9B] =	sst s1;
	(tag) =	ssettag s2;
	_ =	strace s9  }
0x27: {  	s1 =	sld [smem:$0x3FAB]  }
0x28: {  	s2 =	sld [smem:$0x3FAC]  }
0x29: {  	s4 =	sld [smem:$0x3FAE]  }
0x2a: {  	p0 =	seq.s32 s5, $0x0;
	s5 =	sld [smem:$0x3FAF]  }
0x2b: {  	s6 =	sld [smem:$0x3FB0]  }
0x2c: {  	s7 =	sld [smem:$0x3FB1]  }
0x2d: {  	s3 =	simm.s32 $0x108;
	s8 =	sld [smem:$0x3FB2]  }
0x2e: {  	s3 =	simm.s32 @!p0 $0x1082;
	s9 =	sld [smem:$0x3FB3]  }
0x2f: {  	lr =	sadd.s32 s0, s3;
	s0 =	sld [smem:$0x3FAA]  }
0x30: {  	s3 =	sld [smem:$0x3FAD]  }
0x31: {  	[smem:$0x3FB6] =	sst s10  }
0x32: {  	s10 =	sld [smem:$0x3FB4];
	_ =	sdelay $0x3  }
0x33: {  	p0 =	seq.s32 s10, $0x1;
	s10 =	sld [smem:$0x3FB6];
	_ =	sdelay $0x3  }
0x34: {  	[smem:$0x3FB6] =	sst s10  }
0x35: {  	s10 =	sld [smem:$0x3FB5];
	_ =	sdelay $0x3  }
0x36: {  	p1 =	seq.s32 s10, $0x1;
	s10 =	sld [smem:$0x3FB6];
	_ =	sdelay $0x3  }
0x37: {  	[smem:$0x3FB6] =	sst s10  }
0x38: {  	s10 =	sld [smem:$0x3FB7]  }
0x39: {  	_ = 	snop;
	(pc) =	sbr.ind lr, $3  }
0x3a: {  	_ = 	snop  }
0x3b: {  	_ = 	snop  }
0x3c: {  	p2 =	seq.s32 s10, $0x1;
	s10 =	sld [smem:$0x3FB6]  }
0x3d: {  	_ =	shalt  }
0x3e: {  	_ =	shalt  }
0x3f: {  	_ =	shalt  }
0x40: {  	_ =	shalt  }
0x41: {  	_ =	shalt  }
0x42: {  	_ =	shalt  }
0x43: {  	_ =	shalt  }
0x44: {  	_ =	shalt  }
0x45: {  	_ =	shalt  }
0x46: {  	_ =	shalt  }
0x47: {  	_ =	shalt  }
0x48: {  	_ =	shalt  }
0x49: {  	_ =	shalt  }
0x4a: {  	_ =	shalt  }
0x4b: {  	_ =	shalt  }
0x4c: {  	_ =	shalt  }
0x4d: {  	_ =	shalt  }
0x4e: {  	_ =	shalt  }
0x4f: {  	_ =	shalt  }
0x50: {  	_ =	shalt  }
0x51: {  	_ =	shalt  }
0x52: {  	_ =	shalt  }
0x53: {  	_ =	shalt  }
0x54: {  	_ =	shalt  }
0x55: {  	_ =	shalt  }
0x56: {  	_ =	shalt  }
0x57: {  	_ =	shalt  }
0x58: {  	_ =	shalt  }
0x59: {  	_ =	shalt  }
0x5a: {  	_ =	shalt  }
0x5b: {  	_ =	shalt  }
0x5c: {  	_ =	shalt  }
0x5d: {  	_ =	shalt  }
0x5e: {  	_ =	shalt  }
0x5f: {  	_ =	shalt  }
0x60: {  	_ =	shalt  }
0x61: {  	_ =	shalt  }
0x62: {  	_ =	shalt  }
0x63: {  	_ =	shalt  }
0x64: {  	_ =	shalt  }
0x65: {  	_ =	shalt  }
0x66: {  	_ =	shalt  }
0x67: {  	_ =	shalt  }
0x68: {  	_ =	shalt  }
0x69: {  	_ =	shalt  }
0x6a: {  	_ =	shalt  }
0x6b: {  	_ =	shalt  }
0x6c: {  	_ =	shalt  }
0x6d: {  	_ =	shalt  }
0x6e: {  	_ =	shalt  }
0x6f: {  	_ =	shalt  }
0x70: {  	_ =	shalt  }
0x71: {  	_ =	shalt  }
0x72: {  	_ =	shalt  }
0x73: {  	_ =	shalt  }
0x74: {  	_ =	shalt  }
0x75: {  	_ =	shalt  }
0x76: {  	_ =	shalt  }
0x77: {  	_ =	shalt  }
0x78: {  	_ =	shalt  }
0x79: {  	_ =	shalt  }
0x7a: {  	_ =	shalt  }
0x7b: {  	_ =	shalt  }
0x7c: {  	_ =	shalt  }
0x7d: {  	_ =	shalt  }
0x7e: {  	_ =	shalt  }
0x7f: {  	_ =	shalt  }
0x80: {  	_ =	shalt  }
0x81: {  	_ =	shalt  }
0x82: {  	_ =	shalt  }
0x83: {  	_ =	shalt  }
0x84: {  	_ =	shalt  }
0x85: {  	_ =	shalt  }
0x86: {  	_ =	shalt  }
0x87: {  	_ =	shalt  }
.Lfunc_end0:
.L_simem_size_0:
called_computation.1_lowered:
.L_overlay_start_0:
0x88: {  	s2 =	sld [smem:$0x3FD9]  }
0x89: {  	s3 =	sld [smem:$0x3FFE];
	_ =	sdelay $0x1  }
0x8a: {  	s1 =	srdreg.scid  }
0x8b: {  	s0 =	sand.u32 $0x1, s1  }
0x8c: {  	s17 =	sshll.u32 s0, $0xA;
	s2 =	sadd.s32 s3, s2  }
0x8d: {  	s2 =	sadd.s32 s2, s17  }
0x8e: {  	[smem:$0x3FC2] =	sst s2  }
0x8f: {  	_ = 	snop  }
0x90: {  	s2 =	sld [smem:$0x3FD0];
	(tm) =	ssettm $0x1  }
0x91: {  	s18 =	sld [smem:$0x3FFB];
	_ =	sdelay $0x3  }
0x92: {  	_ =	strace s18  }
0x93: {  	s3 =	sld [smem:$0x3FFC];
	_ =	sdelay $0x3  }
0x94: {  	_ =	strace s3  }
0x95: {  	s3 =	sld [smem:$0x3FFD];
	_ =	sdelay $0x3  }
0x96: {  	_ =	strace s3  }
0x97: {  	_ =	strace $0x8FFFFFFF  }
0x98: {  	s19 =	sld [smem:$0x3FDB];
	_ =	sdelay $0x1  }
0x99: {  	s4 =	simm.s32 $_scs_section_size  }
0x9a: {  	s5 =	simm.s32 $_size__tile_overlayer_lowered;
	s6 =	simm.s32 $_tile_overlayer_lowered  }
0x9b: {  	s22 =	simm.s32 $0x1BFF;
	s21 =	sshll.u32 s6, $0x1;
	s3 =	sadd.s32 s4, s19  }
0x9c: {  	s7 =	simm.s32 $0x0;
	s20 =	sshll.u32 s5, $0x1;
	s5 =	sadd.s32 s21, s3  }
0x9d: {  	[timem:s7], [sflag:s22] =	dma.local [hbm:s5], s20  }
0x9e: {  	_ =	swait.ge [sflag:s22], s20  }
0x9f: {  	s4 =	ssub.s32 $0x0, s20;
	[sflag:s22] =	ssyncset.done $0x0  }
0xa0: {  	[sflag:s22] =	ssyncadd.s32 s4;
	_ =	sdelay $0x1  }
0xa1: {  	s23 =	simm.s32 $0x1B8B  }
0xa2: {  	_ =	swait.ge [sflag:s23], $0x1  }
0xa3: {  	[sflag:s23] =	ssyncset.done $0x0  }
0xa4: {  	s25 =	simm.s32 $0x1B8E;
	s24 =	sld [smem:$0x3FFE];
	[sflag:s23] =	ssyncadd.s32 $0xFFFFFFFF  }
0xa5: {  	s26 =	simm.s32 $execute0_lowered;
	[smem:$0x3FD2] =	sst s25  }
0xa6: {  	s5 =	sshll.u32 s26, $0x1;
	_ =	strace $0x80000049;
	[dreg:$0x1] =	wrdreg $0xFFFFFFFF  }
0xa7: {  	s28 =	simm.s32 $_size_execute0_lowered;
	s3 =	sadd.s32 s3, s5;
	[dreg:$0x0] =	wrdreg $0x0  }
0xa8: {  	s5 =	sshll.u32 s28, $0x1;
	[dreg:$0x2] =	wrdreg s3  }
0xa9: {  	[dreg:$0x3] =	wrdreg s5  }
0xaa: {  	[dreg:$0x4] =	wrdreg $0xC0  }
0xab: {  	_ =	task [dreg:s7], $0x5FFFF  }
0xac: {  	[dreg:$0x1] =	wrdreg $0xFFFFFFFF  }
0xad: {  	[dreg:$0x0] =	wrdreg $0x60  }
0xae: {  	[dreg:$0x2] =	wrdreg s2  }
0xaf: {  	[dreg:$0x3] =	wrdreg s24  }
0xb0: {  	[dreg:$0x4] =	wrdreg $0x9  }
0xb1: {  	_ =	task.clear_ibuf [dreg:s7], $0x5FFFF;
	_ =	strace $0x90000049  }
0xb2: {  	s29 =	simm.s32 $0x9;
	_ =	strace $0x8000004B  }
0xb3: {  	_ =	swait.ge [sflag:s29], $0x1  }
0xb4: {  	[sflag:s29] =	ssyncadd.s32 $0xFFFFFFFF  }
0xb5: {  	_ =	strace $0x9000004B  }
0xb6: {  	_ =	sfence  }
0xb7: {  	s30 =	sld [smem:$0x0];
	_ =	sdelay $0x2  }
0xb8: {  	s31 =	sshll.u32 s1, $0xD;
	s1 =	sshrl.u32 s1, $0x2  }
0xb9: {  	s3 =	sand.u32 $0x4000, s31;
	s1 =	sadd.s32 s1, s30  }
0xba: {  	s0 =	sor.u32 s3, s0;
	s1 =	sshll.u32 s1, $0x11  }
0xbb: {  	s0 =	sor.u32 s1, s0  }
0xbc: {  	s0 =	sadd.s32 $0x8F2B, s0  }
0xbd: {  	[sflag:s0] =	ssyncadd.remote.s32 $0x1  }
0xbe: {  	_ =	sfence.sel $0xFFFF  }
0xbf: {  	[dreg:$0x0] =	wrdreg $0xFFFFFFFF;
	(pc) =	sbr.abs _section_cstart, $3  }
0xc0: {  	[dreg:$0x1] =	wrdreg $0xFFFFFFFF  }
0xc1: {  	_ =	task.clear_ibuf [dreg:s7], $0x2FFFF;
	_ =	strace $0x9FFFFFFF  }
0xc2: {  	(tm) =	ssettm $0x7FFFFFFF  }
0xc3: {  	_ =	shalt  }
tec
execute0_lowered:
.L_overlay_start_1:
0x0: {  	(tag) =	ssettag $0x1  }
0x1: {  	v0 =	vlaneseq.u32  }
0x2: {  	v3 =	vmul.u32 $0x80, v0  }
0x3: {  	v2 =	vimm.f32 $0.0e+00;
	v4 =	vimm.s32 $0x0  }
0x4: {  	v5 =	vimm.s32 $0x140;
	vm0 =	vmmov $0xffff;
	v6 =	vor.u32 $0x1, v3  }
0x5: {  	v7 =	vor.u32 $0x2, v3;
	v8 =	vor.u32 $0x3, v3;
	v9 =	vor.u32 $0x4, v3  }
0x6: {  	v10 =	vor.u32 $0x5, v3;
	v11 =	vor.u32 $0x6, v3;
	v12 =	vor.u32 $0x7, v3  }
0x7: {  	v13 =	vor.u32 $0x8, v3;
	v14 =	vor.u32 $0x9, v3;
	v15 =	vor.u32 $0xA, v3  }
0x8: {  	v16 =	vor.u32 $0xB, v3;
	v17 =	vor.u32 $0xC, v3;
	v18 =	vor.u32 $0xD, v3  }
0x9: {  	v19 =	vor.u32 $0xE, v3;
	v20 =	vor.u32 $0xF, v3;
	v21 =	vor.u32 $0x10, v3  }
0xa: {  	v22 =	vor.u32 $0x11, v3;
	v23 =	vor.u32 $0x12, v3;
	v24 =	vor.u32 $0x13, v3  }
0xb: {  	s6 =	rddreg [dreg:$0x1];
	v25 =	vor.u32 $0x14, v3;
	v26 =	vor.u32 $0x15, v3;
	v27 =	vor.u32 $0x16, v3  }
0xc: {  	s0 =	srdreg.scid;
	s2 =	rddreg [dreg:$0x2];
	s3 =	simm.s32 $0x0;
	v28 =	vor.u32 $0x17, v3;
	v29 =	vor.u32 $0x18, v3;
	v30 =	vor.u32 $0x19, v3  }
0xd: {  	s10 =	simm.s32 $0x2800;
	s11 =	simm.s32 $0x6800;
	s12 =	simm.s32 $0x1;
	v31 =	vor.u32 $0x1A, v3;
	v32 =	vor.u32 $0x1B, v3;
	v33 =	vor.u32 $0x1C, v3  }
0xe: {  	s13 =	simm.s32 $0xA800;
	s14 =	simm.s32 $0xB800;
	s15 =	simm.s32 $0x3;
	v34 =	vor.u32 $0x1D, v3;
	v35 =	vor.u32 $0x1E, v3;
	v36 =	vor.u32 $0x1F, v3  }
0xf: {  	s16 =	simm.s32 $0x0;
	s4 =	sand.u32 $0x1, s0;
	s0 =	stileid.u32;
	v37 =	vor.u32 $0x20, v3;
	v38 =	vor.u32 $0x21, v3;
	v39 =	vor.u32 $0x22, v3  }
0x10: {  	[smem:$0x7FF] =	sst s3;
	s1 =	sshll.u32 s4, $0x4;
	s5 =	smul.u32 $0xA4000, s4;
	v40 =	vor.u32 $0x23, v3;
	v41 =	vor.u32 $0x24, v3;
	v42 =	vor.u32 $0x25, v3  }
0x11: {  	s7 =	smul.u32 $0xA400, s0;
	s31 =	ssub.s32 $0x2, s4;
	s4 =	sadd.s32 $0x2200, s6;
	v43 =	vor.u32 $0x26, v3;
	v44 =	vor.u32 $0x27, v3;
	v45 =	vor.u32 $0x28, v3  }
.Ltmp0:
0x12: {  	s1 =	sor.u32 s0, s1;
	s8 =	sshrl.u32 s31, $0x1;
	v46 =	vor.u32 $0x29, v3;
	v47 =	vor.u32 $0x2A, v3;
	v48 =	vor.u32 $0x2B, v3;
	(pc) =	sbr.rel .LBB2_1-.Ltmp0, $4  }
0x13: {  	v49 =	vor.u32 $0x2C, v3;
	v50 =	vor.u32 $0x2D, v3;
	v51 =	vor.u32 $0x2E, v3;
	s1 =	smul.u32 $0xFFFFFEC0, s1;
	s5 =	sadd.s32 s7, s5;
	s7 =	ssub.s32 s31, s8  }
0x14: {  	v52 =	vor.u32 $0x2F, v3;
	v53 =	vor.u32 $0x30, v3;
	v54 =	vor.u32 $0x31, v3;
	s8 =	simm.s32 $0x1400;
	s5 =	sshrl.u32 s5, $0x3;
	s7 =	smax.u32 s7, $0x1  }
0x15: {  	v55 =	vor.u32 $0x32, v3;
	v56 =	vor.u32 $0x33, v3;
	v1 =	vmov s1;
	s1 =	rddreg [dreg:$0x0];
	_ =	strace $0x8000004A;
	s9 =	sadd.s32 s5, s6  }
0x16: {  	v57 =	vor.u32 $0x34, v3;
	v58 =	vor.u32 $0x35, v3;
	v59 =	vor.u32 $0x36, v3;
	s5 =	sadd.s32 $0xC000, s6;
	s6 =	sadd.s32 $0x15E00, s9;
	s9 =	simm.s32 $0x2  }
.LBB2_11:
0x17: {  	s16 =	sadd.s32 $0x1, s16  }
0x18: {  	p0 =	sne.s32 s16, s7  }
.Ltmp1:
0x19: {  	_ = 	snop;
	(pc) =	sbr.rel @!p0 .LBB2_12-.Ltmp1, $4  }
0x1a: {  	[hbm4b:s6+s3] =	stream.linear.scatter [tilespmem:s14], [sflag:$0x3], $0xA080, $0x38;
	[tilespmem:$0x15C00] =	vst v63  }
0x1b: {  	_ =	swait.ge [sflag:s15], $0xA080  }
0x1c: {  	[sflag:s15] =	ssyncset.done $0x0  }
0x1d: {  	[sflag:s15] =	ssyncadd.s32 $0xFFFF5F80  }
.LBB2_1:
0x1e: {  	s17 =	simm.s32 $0x70;
	s18 =	simm.s32 $0x3C0  }
.LBB2_2:
0x1f: {  	p0 =	sne.s32 s18, $0x281C0;
	[tilespmem:s17+$0xB800] =	vst v2  }
0x20: {  	[tilespmem:s17+$0xB790] =	vst v2  }
0x21: {  	[tilespmem:s17+$0xB7A0] =	vst v2  }
.Ltmp2:
0x22: {  	[tilespmem:s17+$0xB7B0] =	vst v2;
	(pc) =	sbr.rel @p0 .LBB2_2-.Ltmp2, $4  }
0x23: {  	[tilespmem:s17+$0xB7C0] =	vst v2  }
0x24: {  	[tilespmem:s17+$0xB7D0] =	vst v2  }
0x25: {  	[tilespmem:s17+$0xB7E0] =	vst v2  }
0x26: {  	[tilespmem:s17+$0xB7F0] =	vst v2;
	s17 =	sshra.s32 s18, $0x2;
	s18 =	sadd.s32 $0x200, s18  }
0x27: {  	[tilespmem:s17+$0xB800] =	vst v2  }
0x28: {  	[tilespmem:s17+$0xB790] =	vst v2  }
0x29: {  	[tilespmem:s17+$0xB7A0] =	vst v2  }
0x2a: {  	[tilespmem:s17+$0xB7B0] =	vst v2  }
0x2b: {  	[tilespmem:s17+$0xB7C0] =	vst v2  }
0x2c: {  	[tilespmem:s17+$0xB7D0] =	vst v2  }
0x2d: {  	[tilespmem:s17+$0xB7E0] =	vst v2  }
0x2e: {  	[tilespmem:s17+$0xB7F0] =	vst v2;
	s17 =	simm.s32 $0x0  }
0x2f: {  	[tilespmem:s17], [sflag:$0x2] =	stream.linear.gather [hbm4b:s4+s17], $0xA00, $0x38;
	[tilespmem:$0x15C00] =	vst v63  }
0x30: {  	s20 =	simm.s32 $0x0;
	s18 =	simm.s32 $0x0  }
0x31: {  	[tilespmem:s8], [sflag:$0x2] =	stream.linear.gather [hbm4b:s5+s17], $0xA00, $0x38;
	[tilespmem:$0x15C00] =	vst v63  }
.LBB2_5:
0x32: {  	_ =	swait.ge [sflag:s9], $0xA00;
	s19 =	smov.u32 s18  }
0x33: {  	s18 =	sadd.s32 $0x1, s18;
	[sflag:s9] =	ssyncset.done $0x0;
	p0 =	seq.s32 s19, $0x7C  }
0x34: {  	[sflag:s9] =	ssyncadd.s32 $0xFFFFF600;
	s21 =	sand.u32 @!p0 $0x1, s18;
	s22 =	simm.s32 @!p0 $0xA00  }
0x35: {  	_ =	swait.ge [sflag:s9], $0xA00;
	p1 =	seq.s32 @!p0 s21, $0x1;
	s21 =	smul.u32 @!p0 $0x140, s18  }
0x36: {  	s24 =	simm.s32 @!p0 $0x0;
	[sflag:s9] =	ssyncset.done $0x0;
	p1 =	por !p1, p0  }
0x37: {  	[sflag:s9] =	ssyncadd.s32 $0xFFFFF600;
	s22 =	simm.s32 @p1 $0x0;
	s23 =	sadd.s32 @!p0 s4, s21  }
0x38: {  	[tilespmem:s22], [sflag:$0x2] =	stream.linear.gather @!p0 [hbm4b:s23+s24], $0xA00, $0x38;
	[tilespmem:$0x15C00] =	vst v63  }
0x39: {  	s19 =	sand.u32 $0x1, s19;
	s21 =	sadd.s32 @!p0 s5, s21;
	s22 =	sor.u32 @!p0 $0x1400, s22  }
0x3a: {  	[tilespmem:s22], [sflag:$0x2] =	stream.linear.gather @!p0 [hbm4b:s21+s24], $0xA00, $0x38;
	[tilespmem:$0x15C00] =	vst v63  }
0x3b: {  	p0 =	seq.s32 s19, $0x1;
	s19 =	simm.s32 $0xA00  }
0x3c: {  	s26 =	sand.u32 $0xF80, s17;
	s19 =	simm.s32 @!p0 $0x0  }
0x3d: {  	s28 =	sand.u32 $0x70, s17;
	s21 =	sadd.s32 s19, s26  }
0x3e: {  	s21 =	sor.u32 s28, s21  }
0x3f: {  	v60 =	vld [tilespmem:s21+$0x1400];
	_ =	sdelay $0x4  }
0x40: {  	v60 =	vadd.s32 v1, v60  }
0x41: {  	vm1 =	vlt.u32 v60, $0x140  }
0x42: {  	v61 =	vsel vm1, $0x1, v4  }
0x43: {  	(xrf0) =	vadd.scan.msk.s32 $0xffff, v61;
	_ =	sdelay $0x5  }
0x44: {  	v61, _, _ =	vpop (xrf0)  }
0x45: {  	v62 =	vxor.u32 $0x80000000, v61  }
0x46: {  	(xrf0) =	vmax.scan.msk.u32 $0xffff, v62;
	v62 =	vmov s20  }
0x47: {  	v62 =	vadd.s32 $0xFFFFFFFF, v62  }
0x48: {  	v62 =	vbroadcast v62, $0x0;
	_ =	sdelay $0x1  }
0x49: {  	v61 =	vadd.s32 v61, v62  }
0x4a: {  	vm2 =	vlt.s32 v61, $0x4000  }
0x4b: {  	v62, _, _ =	vpop (xrf0);
	vm1 =	vmand vm1, vm2;
	vm2 =	vgt.s32 v61, $0x0  }
0x4c: {  	(v2sf) =	vpush v62, $0xF;
	v62 =	vld [tilespmem:s21+$0x0];
	v61 =	vnsel vm2, $0x0, v61;
	_ =	sdelay $0x2  }
0x4d: {  	s29 =	simm.s32 $0x10;
	vm2 =	vgt.s32 v60, $0x0  }
0x4e: {  	s30 =	sand.u32 $0xF80, s29;
	v60 =	vnsel vm2, $0x0, v60  }
0x4f: {  	s22 =	sadd.s32 s19, s30;
	s21 =	sand.u32 $0x70, s29;
	v60 =	vmin.u32 v60, $0x13F;
	[tilespmem:v61+s10+$0x0] =	vst.idx.msk vm1, v62  }
0x50: {  	s21 =	sor.u32 s21, s22;
	[tilespmem:v61+s11+$0x0] =	vst.idx.msk vm1, v60  }
0x51: {  	v60 =	vld [tilespmem:s21+$0x1400];
	_ =	sdelay $0x4  }
0x52: {  	v60 =	vadd.s32 v1, v60  }
0x53: {  	vm1 =	vlt.u32 v60, $0x140  }
0x54: {  	v61 =	vsel vm1, $0x1, v4  }
0x55: {  	(xrf0) =	vadd.scan.msk.s32 $0xffff, v61  }
0x56: {  	vm2 =	vgt.s32 v60, $0x0;
	s31 =	spop (v2sf)  }
0x57: {  	s22 =	simm.s32 $0x20;
	v60 =	vnsel vm2, $0x0, v60;
	s20 =	sadd.s32 s31, s20  }
.LBB2_6:
0x58: {  	p0 =	seq.s32 s22, $0x9F0  }
0x59: {  	s20 =	sadd.s32 $0x80000000, s20;
	s23 =	smov.u32 s22;
	s22 =	sadd.s32 $0x10, s22  }
0x5a: {  	v61 =	vmov s20  }
0x5b: {  	v61 =	vadd.s32 $0xFFFFFFFF, v61;
	v62, _, _ =	vpop (xrf0)  }
0x5c: {  	v61 =	vbroadcast v61, $0x0;
	v63 =	vxor.u32 $0x80000000, v62  }
0x5d: {  	(xrf0) =	vmax.scan.msk.u32 $0xffff, v63  }
0x5e: {  	v61 =	vadd.s32 v62, v61  }
0x5f: {  	vm2 =	vgt.s32 v61, $0x0;
	vm3 =	vlt.s32 v61, $0x4000  }
0x60: {  	vm1 =	vmand vm1, vm3  }
0x61: {  	v61 =	vnsel vm2, $0x0, v61;
	v62 =	vld [tilespmem:s21+$0x0];
	_ =	sdelay $0x1  }
0x62: {  	v63, _, _ =	vpop (xrf0)  }
0x63: {  	(v2sf) =	vpush v63, $0xF;
	_ =	sdelay $0x1  }
0x64: {  	v60 =	vmin.u32 v60, $0x13F;
	s21 =	sand.u32 $0xF80, s23;
	[tilespmem:v61+s10+$0x0] =	vst.idx.msk vm1, v62  }
0x65: {  	s23 =	sand.u32 $0x70, s23;
	s21 =	sadd.s32 s19, s21;
	[tilespmem:v61+s11+$0x0] =	vst.idx.msk vm1, v60  }
0x66: {  	s21 =	sor.u32 s23, s21  }
0x67: {  	v60 =	vld [tilespmem:s21+$0x1400];
	_ =	sdelay $0x4  }
0x68: {  	v60 =	vadd.s32 v1, v60  }
0x69: {  	vm1 =	vlt.u32 v60, $0x140;
	vm2 =	vgt.s32 v60, $0x0  }
.Ltmp3:
0x6a: {  	v61 =	vsel vm1, $0x1, v4;
	v60 =	vnsel vm2, $0x0, v60;
	(pc) =	sbr.rel @!p0 .LBB2_6-.Ltmp3, $3  }
0x6b: {  	(xrf0) =	vadd.scan.msk.s32 $0xffff, v61;
	_ =	sdelay $0x1  }
0x6c: {  	s23 =	spop (v2sf)  }
0x6d: {  	s20 =	sadd.s32 s23, s20  }
0x6e: {  	_ =	sdelay $0x1  }
0x6f: {  	v61, _, _ =	vpop (xrf0)  }
0x70: {  	v62 =	vxor.u32 $0x80000000, v61  }
0x71: {  	(xrf0) =	vmax.scan.msk.u32 $0xffff, v62;
	_ =	sdelay $0x5  }
0x72: {  	v62, _, _ =	vpop (xrf0)  }
0x73: {  	(v2sf) =	vpush v62, $0xF;
	_ =	sdelay $0x2  }
0x74: {  	s19 =	sadd.s32 $0x80000000, s20  }
0x75: {  	v62 =	vmov s19  }
0x76: {  	v62 =	vadd.s32 $0xFFFFFFFF, v62  }
0x77: {  	v62 =	vbroadcast v62, $0x0;
	_ =	sdelay $0x1  }
0x78: {  	v61 =	vadd.s32 v61, v62  }
0x79: {  	vm2 =	vlt.s32 v61, $0x4000  }
0x7a: {  	vm3 =	vgt.s32 v61, $0x0;
	vm1 =	vmand vm1, vm2  }
0x7b: {  	v62 =	vld [tilespmem:s21+$0x0];
	v61 =	vnsel vm3, $0x0, v61;
	_ =	sdelay $0x3  }
0x7c: {  	s31 =	spop (v2sf)  }
0x7d: {  	v60 =	vmin.u32 v60, $0x13F;
	[tilespmem:v61+s10+$0x0] =	vst.idx.msk vm1, v62;
	s19 =	sadd.s32 s31, s19  }
0x7e: {  	[tilespmem:v61+s11+$0x0] =	vst.idx.msk vm1, v60;
	s20 =	sadd.s32 $0x80000000, s19  }
0x7f: {  	p0 =	seq.s32 s18, $0x7D  }
.Ltmp4:
0x80: {  	_ = 	snop;
	(pc) =	sbr.rel @!p0 .LBB2_5-.Ltmp4, $1  }
0x81: {  	_ =	sdelay $0x3  }
0x82: {  	s17 =	sadd.s32 $0xF, s20  }
0x83: {  	s18 =	sand.u32 $0xF, s17  }
0x84: {  	v60 =	vadd.s32 s20, v0;
	s31 =	sshra.s32 s17, $0x1F;
	p1 =	slt.s32 s17, $0x1;
	p0 =	sne.s32 s18, $0x0  }
0x85: {  	vm1 =	vlt.s32 v60, $0x3FFF;
	s18 =	sshrl.u32 s31, $0x1C;
	p0 =	por !p1, !p0  }
0x86: {  	v60 =	vnsel vm1, $0x3FFF, v60;
	s17 =	sadd.s32 s18, s17;
	s18 =	simm.s32 $0x1;
	p0 =	por !p0, !p0  }
0x87: {  	vm1 =	vge.s32 v60, s20;
	s17 =	sshra.s32 s17, $0x4;
	s18 =	simm.s32 @!p0 $0x0  }
0x88: {  	s17 =	ssub.s32 s17, s18  }
0x89: {  	p0 =	slt.s32 s17, $0x1  }
.Ltmp5:
0x8a: {  	_ = 	snop;
	(pc) =	sbr.rel @p0 .LBB2_11-.Ltmp5, $3  }
0x8b: {  	_ =	sdelay $0x1  }
0x8c: {  	[tilespmem:v60+s10+$0x0] =	vst.idx.msk vm1, v4  }
0x8d: {  	[tilespmem:v60+s11+$0x0] =	vst.idx.msk vm1, v5  }
0x8e: {  	v60 =	vld [tilespmem:$0x2800];
	_ =	sdelay $0x5  }
0x8f: {  	p0 =	slt.s32 s17, $0x400;
	s18 =	simm.s32 $0x0;
	s19 =	simm.s32 $0x2810  }
0x90: {  	s20 =	simm.s32 $0x800;
	s21 =	simm.s32 $0x6800;
	s17 =	simm.s32 @!p0 $0x400  }
0x91: {  	[tilespmem:s13], [sflag:$0x1] =	stream.indirect_vreg.gather [hbm4b:s1+s18], $0x80, v60, vm0, $0xb8;
	[tilespmem:$0x15C00] =	vst v63  }
.LBB2_10:
0x92: {  	v60 =	vld [tilespmem:s21+$0x0];
	_ =	swait.ge [sflag:s12], $0x800  }
0x93: {  	s22 =	sand.u32 $0x1, s18;
	s18 =	sadd.s32 $0x1, s18;
	[sflag:s12] =	ssyncset.done $0x0  }
0x94: {  	p0 =	sge.s32 s18, s17;
	[sflag:s12] =	ssyncadd.s32 $0xFFFFF800  }
0x95: {  	v61 =	vld @!p0 [tilespmem:s19+$0x0];
	_ =	sdelay $0x2  }
0x96: {  	s22 =	sshll.u32 s22, $0xB  }
0x97: {  	v62 =	vor.u32 s22, v3;
	_ =	sdelay $0x1  }
0x98: {  	s23 =	sand.u32 @!p0 $0x800, s20  }
0x99: {  	vm1 =	vmmov @!p0 $0xffff;
	s24 =	simm.s32 @!p0 $0x0;
	s23 =	sadd.s32 @!p0 $0xA800, s23  }
0x9a: {  	[tilespmem:s23], [sflag:$0x1] =	stream.indirect_vreg.gather @!p0 [hbm4b:s1+s24], $0x80, v61, vm1, $0xb8;
	[tilespmem:$0x15C00] =	vst v63  }
0x9b: {  	v60 =	vshll.u32 v60, $0x7;
	v61 =	vld.idx.msk [tilespmem:v62+s13+$0x0], $0xffff  }
0x9c: {  	v62 =	vor.u32 s22, v6;
	_ =	sdelay $0x3  }
0x9d: {  	[tilespmem:v60+s14+$0x0] =	vst.idx.add.f32.msk $0xffff, v61  }
0x9e: {  	v61 =	vld.idx.msk [tilespmem:v62+s13+$0x0], $0xffff;
	v62 =	vor.u32 $0x1, v60  }
0x9f: {  	v63 =	vor.u32 s22, v7;
	_ =	sdelay $0x3  }
0xa0: {  	[tilespmem:v62+s14+$0x0] =	vst.idx.add.f32.msk $0xffff, v61  }
0xa1: {  	v62 =	vor.u32 $0x2, v60;
	v61 =	vld.idx.msk [tilespmem:v63+s13+$0x0], $0xffff  }
0xa2: {  	v63 =	vor.u32 s22, v8;
	_ =	sdelay $0x3  }
0xa3: {  	[tilespmem:v62+s14+$0x0] =	vst.idx.add.f32.msk $0xffff, v61  }
0xa4: {  	v62 =	vor.u32 $0x3, v60;
	v61 =	vld.idx.msk [tilespmem:v63+s13+$0x0], $0xffff  }
0xa5: {  	v63 =	vor.u32 s22, v9;
	_ =	sdelay $0x3  }
0xa6: {  	[tilespmem:v62+s14+$0x0] =	vst.idx.add.f32.msk $0xffff, v61  }
0xa7: {  	v62 =	vor.u32 $0x4, v60;
	v61 =	vld.idx.msk [tilespmem:v63+s13+$0x0], $0xffff  }
0xa8: {  	v63 =	vor.u32 s22, v10;
	_ =	sdelay $0x3  }
0xa9: {  	[tilespmem:v62+s14+$0x0] =	vst.idx.add.f32.msk $0xffff, v61  }
0xaa: {  	v62 =	vor.u32 $0x5, v60;
	v61 =	vld.idx.msk [tilespmem:v63+s13+$0x0], $0xffff  }
0xab: {  	v63 =	vor.u32 s22, v11;
	_ =	sdelay $0x3  }
0xac: {  	[tilespmem:v62+s14+$0x0] =	vst.idx.add.f32.msk $0xffff, v61  }
0xad: {  	v62 =	vor.u32 $0x6, v60;
	v61 =	vld.idx.msk [tilespmem:v63+s13+$0x0], $0xffff  }
0xae: {  	v63 =	vor.u32 s22, v12;
	_ =	sdelay $0x3  }
0xaf: {  	[tilespmem:v62+s14+$0x0] =	vst.idx.add.f32.msk $0xffff, v61  }
0xb0: {  	v62 =	vor.u32 $0x7, v60;
	v61 =	vld.idx.msk [tilespmem:v63+s13+$0x0], $0xffff  }
0xb1: {  	v63 =	vor.u32 s22, v13;
	_ =	sdelay $0x3  }
0xb2: {  	[tilespmem:v62+s14+$0x0] =	vst.idx.add.f32.msk $0xffff, v61  }
0xb3: {  	v62 =	vor.u32 $0x8, v60;
	v61 =	vld.idx.msk [tilespmem:v63+s13+$0x0], $0xffff  }
0xb4: {  	v63 =	vor.u32 s22, v14;
	_ =	sdelay $0x3  }
0xb5: {  	[tilespmem:v62+s14+$0x0] =	vst.idx.add.f32.msk $0xffff, v61  }
0xb6: {  	v62 =	vor.u32 $0x9, v60;
	v61 =	vld.idx.msk [tilespmem:v63+s13+$0x0], $0xffff  }
0xb7: {  	v63 =	vor.u32 s22, v15;
	_ =	sdelay $0x3  }
0xb8: {  	[tilespmem:v62+s14+$0x0] =	vst.idx.add.f32.msk $0xffff, v61  }
0xb9: {  	v62 =	vor.u32 $0xA, v60;
	v61 =	vld.idx.msk [tilespmem:v63+s13+$0x0], $0xffff  }
0xba: {  	v63 =	vor.u32 s22, v16;
	_ =	sdelay $0x3  }
0xbb: {  	[tilespmem:v62+s14+$0x0] =	vst.idx.add.f32.msk $0xffff, v61  }
0xbc: {  	v62 =	vor.u32 $0xB, v60;
	v61 =	vld.idx.msk [tilespmem:v63+s13+$0x0], $0xffff  }
0xbd: {  	v63 =	vor.u32 s22, v17;
	_ =	sdelay $0x3  }
0xbe: {  	[tilespmem:v62+s14+$0x0] =	vst.idx.add.f32.msk $0xffff, v61  }
0xbf: {  	v62 =	vor.u32 $0xC, v60;
	v61 =	vld.idx.msk [tilespmem:v63+s13+$0x0], $0xffff  }
0xc0: {  	v63 =	vor.u32 s22, v18;
	_ =	sdelay $0x3  }
0xc1: {  	[tilespmem:v62+s14+$0x0] =	vst.idx.add.f32.msk $0xffff, v61  }
0xc2: {  	v62 =	vor.u32 $0xD, v60;
	v61 =	vld.idx.msk [tilespmem:v63+s13+$0x0], $0xffff  }
0xc3: {  	v63 =	vor.u32 s22, v19;
	_ =	sdelay $0x3  }
0xc4: {  	[tilespmem:v62+s14+$0x0] =	vst.idx.add.f32.msk $0xffff, v61  }
0xc5: {  	v62 =	vor.u32 $0xE, v60;
	v61 =	vld.idx.msk [tilespmem:v63+s13+$0x0], $0xffff  }
0xc6: {  	v63 =	vor.u32 s22, v20;
	_ =	sdelay $0x3  }
0xc7: {  	[tilespmem:v62+s14+$0x0] =	vst.idx.add.f32.msk $0xffff, v61  }
0xc8: {  	v62 =	vor.u32 $0xF, v60;
	v61 =	vld.idx.msk [tilespmem:v63+s13+$0x0], $0xffff  }
0xc9: {  	v63 =	vor.u32 s22, v21;
	_ =	sdelay $0x3  }
0xca: {  	[tilespmem:v62+s14+$0x0] =	vst.idx.add.f32.msk $0xffff, v61  }
0xcb: {  	v62 =	vor.u32 $0x10, v60;
	v61 =	vld.idx.msk [tilespmem:v63+s13+$0x0], $0xffff  }
0xcc: {  	v63 =	vor.u32 s22, v22;
	_ =	sdelay $0x3  }
0xcd: {  	[tilespmem:v62+s14+$0x0] =	vst.idx.add.f32.msk $0xffff, v61  }
0xce: {  	v62 =	vor.u32 $0x11, v60;
	v61 =	vld.idx.msk [tilespmem:v63+s13+$0x0], $0xffff  }
0xcf: {  	v63 =	vor.u32 s22, v23;
	_ =	sdelay $0x3  }
0xd0: {  	[tilespmem:v62+s14+$0x0] =	vst.idx.add.f32.msk $0xffff, v61  }
0xd1: {  	v62 =	vor.u32 $0x12, v60;
	v61 =	vld.idx.msk [tilespmem:v63+s13+$0x0], $0xffff  }
0xd2: {  	v63 =	vor.u32 s22, v24;
	_ =	sdelay $0x3  }
0xd3: {  	[tilespmem:v62+s14+$0x0] =	vst.idx.add.f32.msk $0xffff, v61  }
0xd4: {  	v62 =	vor.u32 $0x13, v60;
	v61 =	vld.idx.msk [tilespmem:v63+s13+$0x0], $0xffff  }
0xd5: {  	v63 =	vor.u32 s22, v25;
	_ =	sdelay $0x3  }
0xd6: {  	[tilespmem:v62+s14+$0x0] =	vst.idx.add.f32.msk $0xffff, v61  }
0xd7: {  	v62 =	vor.u32 $0x14, v60;
	v61 =	vld.idx.msk [tilespmem:v63+s13+$0x0], $0xffff  }
0xd8: {  	v63 =	vor.u32 s22, v26;
	_ =	sdelay $0x3  }
0xd9: {  	[tilespmem:v62+s14+$0x0] =	vst.idx.add.f32.msk $0xffff, v61  }
0xda: {  	v62 =	vor.u32 $0x15, v60;
	v61 =	vld.idx.msk [tilespmem:v63+s13+$0x0], $0xffff  }
0xdb: {  	v63 =	vor.u32 s22, v27;
	_ =	sdelay $0x3  }
0xdc: {  	[tilespmem:v62+s14+$0x0] =	vst.idx.add.f32.msk $0xffff, v61  }
0xdd: {  	v62 =	vor.u32 $0x16, v60;
	v61 =	vld.idx.msk [tilespmem:v63+s13+$0x0], $0xffff  }
0xde: {  	v63 =	vor.u32 s22, v28;
	_ =	sdelay $0x3  }
0xdf: {  	[tilespmem:v62+s14+$0x0] =	vst.idx.add.f32.msk $0xffff, v61  }
0xe0: {  	v62 =	vor.u32 $0x17, v60;
	v61 =	vld.idx.msk [tilespmem:v63+s13+$0x0], $0xffff  }
0xe1: {  	v63 =	vor.u32 s22, v29;
	_ =	sdelay $0x3  }
0xe2: {  	[tilespmem:v62+s14+$0x0] =	vst.idx.add.f32.msk $0xffff, v61  }
0xe3: {  	v62 =	vor.u32 $0x18, v60;
	v61 =	vld.idx.msk [tilespmem:v63+s13+$0x0], $0xffff  }
0xe4: {  	v63 =	vor.u32 s22, v30;
	_ =	sdelay $0x3  }
0xe5: {  	[tilespmem:v62+s14+$0x0] =	vst.idx.add.f32.msk $0xffff, v61  }
0xe6: {  	v62 =	vor.u32 $0x19, v60;
	v61 =	vld.idx.msk [tilespmem:v63+s13+$0x0], $0xffff  }
0xe7: {  	v63 =	vor.u32 s22, v31;
	_ =	sdelay $0x3  }
0xe8: {  	[tilespmem:v62+s14+$0x0] =	vst.idx.add.f32.msk $0xffff, v61  }
0xe9: {  	v62 =	vor.u32 $0x1A, v60;
	v61 =	vld.idx.msk [tilespmem:v63+s13+$0x0], $0xffff  }
0xea: {  	v63 =	vor.u32 s22, v32;
	_ =	sdelay $0x3  }
0xeb: {  	[tilespmem:v62+s14+$0x0] =	vst.idx.add.f32.msk $0xffff, v61  }
0xec: {  	v62 =	vor.u32 $0x1B, v60;
	v61 =	vld.idx.msk [tilespmem:v63+s13+$0x0], $0xffff  }
0xed: {  	v63 =	vor.u32 s22, v33;
	_ =	sdelay $0x3  }
0xee: {  	[tilespmem:v62+s14+$0x0] =	vst.idx.add.f32.msk $0xffff, v61  }
0xef: {  	v62 =	vor.u32 $0x1C, v60;
	v61 =	vld.idx.msk [tilespmem:v63+s13+$0x0], $0xffff  }
0xf0: {  	v63 =	vor.u32 s22, v34;
	_ =	sdelay $0x3  }
0xf1: {  	[tilespmem:v62+s14+$0x0] =	vst.idx.add.f32.msk $0xffff, v61  }
0xf2: {  	v62 =	vor.u32 $0x1D, v60;
	v61 =	vld.idx.msk [tilespmem:v63+s13+$0x0], $0xffff  }
0xf3: {  	v63 =	vor.u32 s22, v35;
	_ =	sdelay $0x3  }
0xf4: {  	[tilespmem:v62+s14+$0x0] =	vst.idx.add.f32.msk $0xffff, v61  }
0xf5: {  	v62 =	vor.u32 $0x1E, v60;
	v61 =	vld.idx.msk [tilespmem:v63+s13+$0x0], $0xffff  }
0xf6: {  	v63 =	vor.u32 s22, v36;
	_ =	sdelay $0x3  }
0xf7: {  	[tilespmem:v62+s14+$0x0] =	vst.idx.add.f32.msk $0xffff, v61  }
0xf8: {  	v62 =	vor.u32 $0x1F, v60;
	v61 =	vld.idx.msk [tilespmem:v63+s13+$0x0], $0xffff  }
0xf9: {  	v63 =	vor.u32 s22, v37;
	_ =	sdelay $0x3  }
0xfa: {  	[tilespmem:v62+s14+$0x0] =	vst.idx.add.f32.msk $0xffff, v61  }
0xfb: {  	v62 =	vor.u32 $0x20, v60;
	v61 =	vld.idx.msk [tilespmem:v63+s13+$0x0], $0xffff  }
0xfc: {  	v63 =	vor.u32 s22, v38;
	_ =	sdelay $0x3  }
0xfd: {  	[tilespmem:v62+s14+$0x0] =	vst.idx.add.f32.msk $0xffff, v61  }
0xfe: {  	v62 =	vor.u32 $0x21, v60;
	v61 =	vld.idx.msk [tilespmem:v63+s13+$0x0], $0xffff  }
0xff: {  	v63 =	vor.u32 s22, v39;
	_ =	sdelay $0x3  }
0x100: {  	[tilespmem:v62+s14+$0x0] =	vst.idx.add.f32.msk $0xffff, v61  }
0x101: {  	v62 =	vor.u32 $0x22, v60;
	v61 =	vld.idx.msk [tilespmem:v63+s13+$0x0], $0xffff  }
0x102: {  	v63 =	vor.u32 s22, v40;
	_ =	sdelay $0x3  }
0x103: {  	[tilespmem:v62+s14+$0x0] =	vst.idx.add.f32.msk $0xffff, v61  }
0x104: {  	v62 =	vor.u32 $0x23, v60;
	v61 =	vld.idx.msk [tilespmem:v63+s13+$0x0], $0xffff  }
0x105: {  	v63 =	vor.u32 s22, v41;
	_ =	sdelay $0x3  }
0x106: {  	[tilespmem:v62+s14+$0x0] =	vst.idx.add.f32.msk $0xffff, v61  }
0x107: {  	v62 =	vor.u32 $0x24, v60;
	v61 =	vld.idx.msk [tilespmem:v63+s13+$0x0], $0xffff  }
0x108: {  	v63 =	vor.u32 s22, v42;
	_ =	sdelay $0x3  }
0x109: {  	[tilespmem:v62+s14+$0x0] =	vst.idx.add.f32.msk $0xffff, v61  }
0x10a: {  	v62 =	vor.u32 $0x25, v60;
	v61 =	vld.idx.msk [tilespmem:v63+s13+$0x0], $0xffff  }
0x10b: {  	v63 =	vor.u32 s22, v43;
	_ =	sdelay $0x3  }
0x10c: {  	[tilespmem:v62+s14+$0x0] =	vst.idx.add.f32.msk $0xffff, v61  }
0x10d: {  	v62 =	vor.u32 $0x26, v60;
	v61 =	vld.idx.msk [tilespmem:v63+s13+$0x0], $0xffff  }
0x10e: {  	v63 =	vor.u32 s22, v44;
	_ =	sdelay $0x3  }
0x10f: {  	[tilespmem:v62+s14+$0x0] =	vst.idx.add.f32.msk $0xffff, v61  }
0x110: {  	v62 =	vor.u32 $0x27, v60;
	v61 =	vld.idx.msk [tilespmem:v63+s13+$0x0], $0xffff  }
0x111: {  	v63 =	vor.u32 s22, v45;
	_ =	sdelay $0x3  }
0x112: {  	[tilespmem:v62+s14+$0x0] =	vst.idx.add.f32.msk $0xffff, v61  }
0x113: {  	v62 =	vor.u32 $0x28, v60;
	v61 =	vld.idx.msk [tilespmem:v63+s13+$0x0], $0xffff  }
0x114: {  	v63 =	vor.u32 s22, v46;
	_ =	sdelay $0x3  }
0x115: {  	[tilespmem:v62+s14+$0x0] =	vst.idx.add.f32.msk $0xffff, v61  }
0x116: {  	v62 =	vor.u32 $0x29, v60;
	v61 =	vld.idx.msk [tilespmem:v63+s13+$0x0], $0xffff  }
0x117: {  	v63 =	vor.u32 s22, v47;
	_ =	sdelay $0x3  }
0x118: {  	[tilespmem:v62+s14+$0x0] =	vst.idx.add.f32.msk $0xffff, v61  }
0x119: {  	v62 =	vor.u32 $0x2A, v60;
	v61 =	vld.idx.msk [tilespmem:v63+s13+$0x0], $0xffff  }
0x11a: {  	v63 =	vor.u32 s22, v48;
	_ =	sdelay $0x3  }
0x11b: {  	[tilespmem:v62+s14+$0x0] =	vst.idx.add.f32.msk $0xffff, v61  }
0x11c: {  	v62 =	vor.u32 $0x2B, v60;
	v61 =	vld.idx.msk [tilespmem:v63+s13+$0x0], $0xffff  }
0x11d: {  	v63 =	vor.u32 s22, v49;
	_ =	sdelay $0x3  }
0x11e: {  	[tilespmem:v62+s14+$0x0] =	vst.idx.add.f32.msk $0xffff, v61  }
0x11f: {  	v62 =	vor.u32 $0x2C, v60;
	v61 =	vld.idx.msk [tilespmem:v63+s13+$0x0], $0xffff  }
0x120: {  	v63 =	vor.u32 s22, v50;
	_ =	sdelay $0x3  }
0x121: {  	[tilespmem:v62+s14+$0x0] =	vst.idx.add.f32.msk $0xffff, v61  }
0x122: {  	v62 =	vor.u32 $0x2D, v60;
	v61 =	vld.idx.msk [tilespmem:v63+s13+$0x0], $0xffff  }
0x123: {  	v63 =	vor.u32 s22, v51;
	_ =	sdelay $0x3  }
0x124: {  	[tilespmem:v62+s14+$0x0] =	vst.idx.add.f32.msk $0xffff, v61  }
0x125: {  	v62 =	vor.u32 $0x2E, v60;
	v61 =	vld.idx.msk [tilespmem:v63+s13+$0x0], $0xffff  }
0x126: {  	v63 =	vor.u32 s22, v52;
	_ =	sdelay $0x3  }
0x127: {  	[tilespmem:v62+s14+$0x0] =	vst.idx.add.f32.msk $0xffff, v61  }
0x128: {  	v62 =	vor.u32 $0x2F, v60;
	v61 =	vld.idx.msk [tilespmem:v63+s13+$0x0], $0xffff  }
0x129: {  	v63 =	vor.u32 s22, v53;
	_ =	sdelay $0x3  }
0x12a: {  	[tilespmem:v62+s14+$0x0] =	vst.idx.add.f32.msk $0xffff, v61  }
0x12b: {  	v62 =	vor.u32 $0x30, v60;
	v61 =	vld.idx.msk [tilespmem:v63+s13+$0x0], $0xffff  }
0x12c: {  	v63 =	vor.u32 s22, v54;
	_ =	sdelay $0x3  }
0x12d: {  	[tilespmem:v62+s14+$0x0] =	vst.idx.add.f32.msk $0xffff, v61  }
0x12e: {  	v62 =	vor.u32 $0x31, v60;
	v61 =	vld.idx.msk [tilespmem:v63+s13+$0x0], $0xffff  }
0x12f: {  	v63 =	vor.u32 s22, v55;
	_ =	sdelay $0x3  }
0x130: {  	[tilespmem:v62+s14+$0x0] =	vst.idx.add.f32.msk $0xffff, v61  }
0x131: {  	v62 =	vor.u32 $0x32, v60;
	v61 =	vld.idx.msk [tilespmem:v63+s13+$0x0], $0xffff  }
0x132: {  	v63 =	vor.u32 s22, v56;
	_ =	sdelay $0x3  }
0x133: {  	[tilespmem:v62+s14+$0x0] =	vst.idx.add.f32.msk $0xffff, v61  }
0x134: {  	v62 =	vor.u32 $0x33, v60;
	v61 =	vld.idx.msk [tilespmem:v63+s13+$0x0], $0xffff  }
0x135: {  	v63 =	vor.u32 s22, v57;
	_ =	sdelay $0x3  }
0x136: {  	[tilespmem:v62+s14+$0x0] =	vst.idx.add.f32.msk $0xffff, v61  }
0x137: {  	v62 =	vor.u32 $0x34, v60;
	v61 =	vld.idx.msk [tilespmem:v63+s13+$0x0], $0xffff  }
0x138: {  	v63 =	vor.u32 s22, v58;
	_ =	sdelay $0x3  }
0x139: {  	[tilespmem:v62+s14+$0x0] =	vst.idx.add.f32.msk $0xffff, v61  }
0x13a: {  	v62 =	vor.u32 $0x35, v60;
	v61 =	vld.idx.msk [tilespmem:v63+s13+$0x0], $0xffff  }
0x13b: {  	v63 =	vor.u32 s22, v59;
	_ =	sdelay $0x3  }
0x13c: {  	[tilespmem:v62+s14+$0x0] =	vst.idx.add.f32.msk $0xffff, v61  }
0x13d: {  	v62 =	vor.u32 $0x36, v60;
	v61 =	vld.idx.msk [tilespmem:v63+s13+$0x0], $0xffff;
	v63 =	vor.u32 $0x37, v3  }
0x13e: {  	v63 =	vor.u32 s22, v63;
	_ =	sdelay $0x3  }
0x13f: {  	[tilespmem:v62+s14+$0x0] =	vst.idx.add.f32.msk $0xffff, v61  }
0x140: {  	v62 =	vor.u32 $0x37, v60;
	v61 =	vld.idx.msk [tilespmem:v63+s13+$0x0], $0xffff;
	v63 =	vor.u32 $0x38, v3  }
0x141: {  	v63 =	vor.u32 s22, v63;
	_ =	sdelay $0x3  }
0x142: {  	[tilespmem:v62+s14+$0x0] =	vst.idx.add.f32.msk $0xffff, v61  }
0x143: {  	v62 =	vor.u32 $0x38, v60;
	v61 =	vld.idx.msk [tilespmem:v63+s13+$0x0], $0xffff;
	v63 =	vor.u32 $0x39, v3  }
0x144: {  	v63 =	vor.u32 s22, v63;
	_ =	sdelay $0x3  }
0x145: {  	[tilespmem:v62+s14+$0x0] =	vst.idx.add.f32.msk $0xffff, v61  }
0x146: {  	v62 =	vor.u32 $0x39, v60;
	v61 =	vld.idx.msk [tilespmem:v63+s13+$0x0], $0xffff;
	v63 =	vor.u32 $0x3A, v3  }
0x147: {  	v63 =	vor.u32 s22, v63;
	_ =	sdelay $0x3  }
0x148: {  	[tilespmem:v62+s14+$0x0] =	vst.idx.add.f32.msk $0xffff, v61  }
0x149: {  	v62 =	vor.u32 $0x3A, v60;
	v61 =	vld.idx.msk [tilespmem:v63+s13+$0x0], $0xffff;
	v63 =	vor.u32 $0x3B, v3  }
0x14a: {  	v63 =	vor.u32 s22, v63;
	_ =	sdelay $0x3  }
0x14b: {  	[tilespmem:v62+s14+$0x0] =	vst.idx.add.f32.msk $0xffff, v61  }
0x14c: {  	v62 =	vor.u32 $0x3B, v60;
	v61 =	vld.idx.msk [tilespmem:v63+s13+$0x0], $0xffff;
	v63 =	vor.u32 $0x3C, v3  }
0x14d: {  	v63 =	vor.u32 s22, v63;
	_ =	sdelay $0x3  }
0x14e: {  	[tilespmem:v62+s14+$0x0] =	vst.idx.add.f32.msk $0xffff, v61  }
0x14f: {  	v62 =	vor.u32 $0x3C, v60;
	v61 =	vld.idx.msk [tilespmem:v63+s13+$0x0], $0xffff;
	v63 =	vor.u32 $0x3D, v3  }
0x150: {  	v63 =	vor.u32 s22, v63;
	_ =	sdelay $0x3  }
0x151: {  	[tilespmem:v62+s14+$0x0] =	vst.idx.add.f32.msk $0xffff, v61  }
0x152: {  	v62 =	vor.u32 $0x3D, v60;
	v61 =	vld.idx.msk [tilespmem:v63+s13+$0x0], $0xffff;
	v63 =	vor.u32 $0x3E, v3  }
0x153: {  	v63 =	vor.u32 s22, v63;
	_ =	sdelay $0x3  }
0x154: {  	[tilespmem:v62+s14+$0x0] =	vst.idx.add.f32.msk $0xffff, v61  }
0x155: {  	v62 =	vor.u32 $0x3E, v60;
	v61 =	vld.idx.msk [tilespmem:v63+s13+$0x0], $0xffff;
	v63 =	vor.u32 $0x3F, v3  }
0x156: {  	v63 =	vor.u32 s22, v63;
	_ =	sdelay $0x3  }
0x157: {  	[tilespmem:v62+s14+$0x0] =	vst.idx.add.f32.msk $0xffff, v61  }
0x158: {  	v62 =	vor.u32 $0x3F, v60;
	v61 =	vld.idx.msk [tilespmem:v63+s13+$0x0], $0xffff;
	v63 =	vor.u32 $0x40, v3  }
0x159: {  	v63 =	vor.u32 s22, v63;
	_ =	sdelay $0x3  }
0x15a: {  	[tilespmem:v62+s14+$0x0] =	vst.idx.add.f32.msk $0xffff, v61  }
0x15b: {  	v62 =	vor.u32 $0x40, v60;
	v61 =	vld.idx.msk [tilespmem:v63+s13+$0x0], $0xffff;
	v63 =	vor.u32 $0x41, v3  }
0x15c: {  	v63 =	vor.u32 s22, v63;
	_ =	sdelay $0x3  }
0x15d: {  	[tilespmem:v62+s14+$0x0] =	vst.idx.add.f32.msk $0xffff, v61  }
0x15e: {  	v62 =	vor.u32 $0x41, v60;
	v61 =	vld.idx.msk [tilespmem:v63+s13+$0x0], $0xffff;
	v63 =	vor.u32 $0x42, v3  }
0x15f: {  	v63 =	vor.u32 s22, v63;
	_ =	sdelay $0x3  }
0x160: {  	[tilespmem:v62+s14+$0x0] =	vst.idx.add.f32.msk $0xffff, v61  }
0x161: {  	v62 =	vor.u32 $0x42, v60;
	v61 =	vld.idx.msk [tilespmem:v63+s13+$0x0], $0xffff;
	v63 =	vor.u32 $0x43, v3  }
0x162: {  	v63 =	vor.u32 s22, v63;
	_ =	sdelay $0x3  }
0x163: {  	[tilespmem:v62+s14+$0x0] =	vst.idx.add.f32.msk $0xffff, v61  }
0x164: {  	v62 =	vor.u32 $0x43, v60;
	v61 =	vld.idx.msk [tilespmem:v63+s13+$0x0], $0xffff;
	v63 =	vor.u32 $0x44, v3  }
0x165: {  	v63 =	vor.u32 s22, v63;
	_ =	sdelay $0x3  }
0x166: {  	[tilespmem:v62+s14+$0x0] =	vst.idx.add.f32.msk $0xffff, v61  }
0x167: {  	v62 =	vor.u32 $0x44, v60;
	v61 =	vld.idx.msk [tilespmem:v63+s13+$0x0], $0xffff;
	v63 =	vor.u32 $0x45, v3  }
0x168: {  	v63 =	vor.u32 s22, v63;
	_ =	sdelay $0x3  }
0x169: {  	[tilespmem:v62+s14+$0x0] =	vst.idx.add.f32.msk $0xffff, v61  }
0x16a: {  	v62 =	vor.u32 $0x45, v60;
	v61 =	vld.idx.msk [tilespmem:v63+s13+$0x0], $0xffff;
	v63 =	vor.u32 $0x46, v3  }
0x16b: {  	v63 =	vor.u32 s22, v63;
	_ =	sdelay $0x3  }
0x16c: {  	[tilespmem:v62+s14+$0x0] =	vst.idx.add.f32.msk $0xffff, v61  }
0x16d: {  	v62 =	vor.u32 $0x46, v60;
	v61 =	vld.idx.msk [tilespmem:v63+s13+$0x0], $0xffff;
	v63 =	vor.u32 $0x47, v3  }
0x16e: {  	v63 =	vor.u32 s22, v63;
	_ =	sdelay $0x3  }
0x16f: {  	[tilespmem:v62+s14+$0x0] =	vst.idx.add.f32.msk $0xffff, v61  }
0x170: {  	v62 =	vor.u32 $0x47, v60;
	v61 =	vld.idx.msk [tilespmem:v63+s13+$0x0], $0xffff;
	v63 =	vor.u32 $0x48, v3  }
0x171: {  	v63 =	vor.u32 s22, v63;
	_ =	sdelay $0x3  }
0x172: {  	[tilespmem:v62+s14+$0x0] =	vst.idx.add.f32.msk $0xffff, v61  }
0x173: {  	v62 =	vor.u32 $0x48, v60;
	v61 =	vld.idx.msk [tilespmem:v63+s13+$0x0], $0xffff;
	v63 =	vor.u32 $0x49, v3  }
0x174: {  	v63 =	vor.u32 s22, v63;
	_ =	sdelay $0x3  }
0x175: {  	[tilespmem:v62+s14+$0x0] =	vst.idx.add.f32.msk $0xffff, v61  }
0x176: {  	v62 =	vor.u32 $0x49, v60;
	v61 =	vld.idx.msk [tilespmem:v63+s13+$0x0], $0xffff;
	v63 =	vor.u32 $0x4A, v3  }
0x177: {  	v63 =	vor.u32 s22, v63;
	_ =	sdelay $0x3  }
0x178: {  	[tilespmem:v62+s14+$0x0] =	vst.idx.add.f32.msk $0xffff, v61  }
0x179: {  	v62 =	vor.u32 $0x4A, v60;
	v61 =	vld.idx.msk [tilespmem:v63+s13+$0x0], $0xffff;
	v63 =	vor.u32 $0x4B, v3  }
0x17a: {  	v63 =	vor.u32 s22, v63;
	_ =	sdelay $0x3  }
0x17b: {  	[tilespmem:v62+s14+$0x0] =	vst.idx.add.f32.msk $0xffff, v61  }
0x17c: {  	v62 =	vor.u32 $0x4B, v60;
	v61 =	vld.idx.msk [tilespmem:v63+s13+$0x0], $0xffff;
	v63 =	vor.u32 $0x4C, v3  }
0x17d: {  	v63 =	vor.u32 s22, v63;
	_ =	sdelay $0x3  }
0x17e: {  	[tilespmem:v62+s14+$0x0] =	vst.idx.add.f32.msk $0xffff, v61  }
0x17f: {  	v62 =	vor.u32 $0x4C, v60;
	v61 =	vld.idx.msk [tilespmem:v63+s13+$0x0], $0xffff;
	v63 =	vor.u32 $0x4D, v3  }
0x180: {  	v63 =	vor.u32 s22, v63;
	_ =	sdelay $0x3  }
0x181: {  	[tilespmem:v62+s14+$0x0] =	vst.idx.add.f32.msk $0xffff, v61  }
0x182: {  	v62 =	vor.u32 $0x4D, v60;
	v61 =	vld.idx.msk [tilespmem:v63+s13+$0x0], $0xffff;
	v63 =	vor.u32 $0x4E, v3  }
0x183: {  	v63 =	vor.u32 s22, v63;
	_ =	sdelay $0x3  }
0x184: {  	[tilespmem:v62+s14+$0x0] =	vst.idx.add.f32.msk $0xffff, v61  }
0x185: {  	v62 =	vor.u32 $0x4E, v60;
	v61 =	vld.idx.msk [tilespmem:v63+s13+$0x0], $0xffff;
	v63 =	vor.u32 $0x4F, v3  }
0x186: {  	v63 =	vor.u32 s22, v63;
	_ =	sdelay $0x3  }
0x187: {  	[tilespmem:v62+s14+$0x0] =	vst.idx.add.f32.msk $0xffff, v61  }
0x188: {  	v62 =	vor.u32 $0x4F, v60;
	v61 =	vld.idx.msk [tilespmem:v63+s13+$0x0], $0xffff;
	v63 =	vor.u32 $0x50, v3  }
0x189: {  	v63 =	vor.u32 s22, v63;
	_ =	sdelay $0x3  }
0x18a: {  	[tilespmem:v62+s14+$0x0] =	vst.idx.add.f32.msk $0xffff, v61  }
0x18b: {  	v62 =	vor.u32 $0x50, v60;
	v61 =	vld.idx.msk [tilespmem:v63+s13+$0x0], $0xffff;
	v63 =	vor.u32 $0x51, v3  }
0x18c: {  	v63 =	vor.u32 s22, v63;
	_ =	sdelay $0x3  }
0x18d: {  	[tilespmem:v62+s14+$0x0] =	vst.idx.add.f32.msk $0xffff, v61  }
0x18e: {  	v62 =	vor.u32 $0x51, v60;
	v61 =	vld.idx.msk [tilespmem:v63+s13+$0x0], $0xffff;
	v63 =	vor.u32 $0x52, v3  }
0x18f: {  	v63 =	vor.u32 s22, v63;
	_ =	sdelay $0x3  }
0x190: {  	[tilespmem:v62+s14+$0x0] =	vst.idx.add.f32.msk $0xffff, v61  }
0x191: {  	v62 =	vor.u32 $0x52, v60;
	v61 =	vld.idx.msk [tilespmem:v63+s13+$0x0], $0xffff;
	v63 =	vor.u32 $0x53, v3  }
0x192: {  	v63 =	vor.u32 s22, v63;
	_ =	sdelay $0x3  }
0x193: {  	[tilespmem:v62+s14+$0x0] =	vst.idx.add.f32.msk $0xffff, v61  }
0x194: {  	v62 =	vor.u32 $0x53, v60;
	v61 =	vld.idx.msk [tilespmem:v63+s13+$0x0], $0xffff;
	v63 =	vor.u32 $0x54, v3  }
0x195: {  	v63 =	vor.u32 s22, v63;
	_ =	sdelay $0x3  }
0x196: {  	[tilespmem:v62+s14+$0x0] =	vst.idx.add.f32.msk $0xffff, v61  }
0x197: {  	v62 =	vor.u32 $0x54, v60;
	v61 =	vld.idx.msk [tilespmem:v63+s13+$0x0], $0xffff;
	v63 =	vor.u32 $0x55, v3  }
0x198: {  	v63 =	vor.u32 s22, v63;
	_ =	sdelay $0x3  }
0x199: {  	[tilespmem:v62+s14+$0x0] =	vst.idx.add.f32.msk $0xffff, v61  }
0x19a: {  	v62 =	vor.u32 $0x55, v60;
	v61 =	vld.idx.msk [tilespmem:v63+s13+$0x0], $0xffff;
	v63 =	vor.u32 $0x56, v3  }
0x19b: {  	v63 =	vor.u32 s22, v63;
	_ =	sdelay $0x3  }
0x19c: {  	[tilespmem:v62+s14+$0x0] =	vst.idx.add.f32.msk $0xffff, v61  }
0x19d: {  	v62 =	vor.u32 $0x56, v60;
	v61 =	vld.idx.msk [tilespmem:v63+s13+$0x0], $0xffff;
	v63 =	vor.u32 $0x57, v3  }
0x19e: {  	v63 =	vor.u32 s22, v63;
	_ =	sdelay $0x3  }
0x19f: {  	[tilespmem:v62+s14+$0x0] =	vst.idx.add.f32.msk $0xffff, v61  }
0x1a0: {  	v62 =	vor.u32 $0x57, v60;
	v61 =	vld.idx.msk [tilespmem:v63+s13+$0x0], $0xffff;
	v63 =	vor.u32 $0x58, v3  }
0x1a1: {  	v63 =	vor.u32 s22, v63;
	_ =	sdelay $0x3  }
0x1a2: {  	[tilespmem:v62+s14+$0x0] =	vst.idx.add.f32.msk $0xffff, v61  }
0x1a3: {  	v62 =	vor.u32 $0x58, v60;
	v61 =	vld.idx.msk [tilespmem:v63+s13+$0x0], $0xffff;
	v63 =	vor.u32 $0x59, v3  }
0x1a4: {  	v63 =	vor.u32 s22, v63;
	_ =	sdelay $0x3  }
0x1a5: {  	[tilespmem:v62+s14+$0x0] =	vst.idx.add.f32.msk $0xffff, v61  }
0x1a6: {  	v62 =	vor.u32 $0x59, v60;
	v61 =	vld.idx.msk [tilespmem:v63+s13+$0x0], $0xffff;
	v63 =	vor.u32 $0x5A, v3  }
0x1a7: {  	v63 =	vor.u32 s22, v63;
	_ =	sdelay $0x3  }
0x1a8: {  	[tilespmem:v62+s14+$0x0] =	vst.idx.add.f32.msk $0xffff, v61  }
0x1a9: {  	v62 =	vor.u32 $0x5A, v60;
	v61 =	vld.idx.msk [tilespmem:v63+s13+$0x0], $0xffff;
	v63 =	vor.u32 $0x5B, v3  }
0x1aa: {  	v63 =	vor.u32 s22, v63;
	_ =	sdelay $0x3  }
0x1ab: {  	[tilespmem:v62+s14+$0x0] =	vst.idx.add.f32.msk $0xffff, v61  }
0x1ac: {  	v62 =	vor.u32 $0x5B, v60;
	v61 =	vld.idx.msk [tilespmem:v63+s13+$0x0], $0xffff;
	v63 =	vor.u32 $0x5C, v3  }
0x1ad: {  	v63 =	vor.u32 s22, v63;
	_ =	sdelay $0x3  }
0x1ae: {  	[tilespmem:v62+s14+$0x0] =	vst.idx.add.f32.msk $0xffff, v61  }
0x1af: {  	v62 =	vor.u32 $0x5C, v60;
	v61 =	vld.idx.msk [tilespmem:v63+s13+$0x0], $0xffff;
	v63 =	vor.u32 $0x5D, v3  }
0x1b0: {  	v63 =	vor.u32 s22, v63;
	_ =	sdelay $0x3  }
0x1b1: {  	[tilespmem:v62+s14+$0x0] =	vst.idx.add.f32.msk $0xffff, v61  }
0x1b2: {  	v62 =	vor.u32 $0x5D, v60;
	v61 =	vld.idx.msk [tilespmem:v63+s13+$0x0], $0xffff;
	v63 =	vor.u32 $0x5E, v3  }
0x1b3: {  	v63 =	vor.u32 s22, v63;
	_ =	sdelay $0x3  }
0x1b4: {  	[tilespmem:v62+s14+$0x0] =	vst.idx.add.f32.msk $0xffff, v61  }
0x1b5: {  	v62 =	vor.u32 $0x5E, v60;
	v61 =	vld.idx.msk [tilespmem:v63+s13+$0x0], $0xffff;
	v63 =	vor.u32 $0x5F, v3  }
0x1b6: {  	v63 =	vor.u32 s22, v63;
	_ =	sdelay $0x3  }
0x1b7: {  	[tilespmem:v62+s14+$0x0] =	vst.idx.add.f32.msk $0xffff, v61  }
0x1b8: {  	v62 =	vor.u32 $0x5F, v60;
	v61 =	vld.idx.msk [tilespmem:v63+s13+$0x0], $0xffff;
	v63 =	vor.u32 $0x60, v3  }
0x1b9: {  	v63 =	vor.u32 s22, v63;
	_ =	sdelay $0x3  }
0x1ba: {  	[tilespmem:v62+s14+$0x0] =	vst.idx.add.f32.msk $0xffff, v61  }
0x1bb: {  	v62 =	vor.u32 $0x60, v60;
	v61 =	vld.idx.msk [tilespmem:v63+s13+$0x0], $0xffff;
	v63 =	vor.u32 $0x61, v3  }
0x1bc: {  	v63 =	vor.u32 s22, v63;
	_ =	sdelay $0x3  }
0x1bd: {  	[tilespmem:v62+s14+$0x0] =	vst.idx.add.f32.msk $0xffff, v61  }
0x1be: {  	v62 =	vor.u32 $0x61, v60;
	v61 =	vld.idx.msk [tilespmem:v63+s13+$0x0], $0xffff;
	v63 =	vor.u32 $0x62, v3  }
0x1bf: {  	v63 =	vor.u32 s22, v63;
	_ =	sdelay $0x3  }
0x1c0: {  	[tilespmem:v62+s14+$0x0] =	vst.idx.add.f32.msk $0xffff, v61  }
0x1c1: {  	v62 =	vor.u32 $0x62, v60;
	v61 =	vld.idx.msk [tilespmem:v63+s13+$0x0], $0xffff;
	v63 =	vor.u32 $0x63, v3  }
0x1c2: {  	v63 =	vor.u32 s22, v63;
	_ =	sdelay $0x3  }
0x1c3: {  	[tilespmem:v62+s14+$0x0] =	vst.idx.add.f32.msk $0xffff, v61  }
0x1c4: {  	v62 =	vor.u32 $0x63, v60;
	v61 =	vld.idx.msk [tilespmem:v63+s13+$0x0], $0xffff;
	v63 =	vor.u32 $0x64, v3  }
0x1c5: {  	v63 =	vor.u32 s22, v63;
	_ =	sdelay $0x3  }
0x1c6: {  	[tilespmem:v62+s14+$0x0] =	vst.idx.add.f32.msk $0xffff, v61  }
0x1c7: {  	v62 =	vor.u32 $0x64, v60;
	v61 =	vld.idx.msk [tilespmem:v63+s13+$0x0], $0xffff;
	v63 =	vor.u32 $0x65, v3  }
0x1c8: {  	v63 =	vor.u32 s22, v63;
	_ =	sdelay $0x3  }
0x1c9: {  	[tilespmem:v62+s14+$0x0] =	vst.idx.add.f32.msk $0xffff, v61  }
0x1ca: {  	v62 =	vor.u32 $0x65, v60;
	v61 =	vld.idx.msk [tilespmem:v63+s13+$0x0], $0xffff;
	v63 =	vor.u32 $0x66, v3  }
0x1cb: {  	v63 =	vor.u32 s22, v63;
	_ =	sdelay $0x3  }
0x1cc: {  	[tilespmem:v62+s14+$0x0] =	vst.idx.add.f32.msk $0xffff, v61  }
0x1cd: {  	v62 =	vor.u32 $0x66, v60;
	v61 =	vld.idx.msk [tilespmem:v63+s13+$0x0], $0xffff;
	v63 =	vor.u32 $0x67, v3  }
0x1ce: {  	v63 =	vor.u32 s22, v63;
	_ =	sdelay $0x3  }
0x1cf: {  	[tilespmem:v62+s14+$0x0] =	vst.idx.add.f32.msk $0xffff, v61  }
0x1d0: {  	v62 =	vor.u32 $0x67, v60;
	v61 =	vld.idx.msk [tilespmem:v63+s13+$0x0], $0xffff;
	v63 =	vor.u32 $0x68, v3  }
0x1d1: {  	v63 =	vor.u32 s22, v63;
	_ =	sdelay $0x3  }
0x1d2: {  	[tilespmem:v62+s14+$0x0] =	vst.idx.add.f32.msk $0xffff, v61  }
0x1d3: {  	v62 =	vor.u32 $0x68, v60;
	v61 =	vld.idx.msk [tilespmem:v63+s13+$0x0], $0xffff;
	v63 =	vor.u32 $0x69, v3  }
0x1d4: {  	v63 =	vor.u32 s22, v63;
	_ =	sdelay $0x3  }
0x1d5: {  	[tilespmem:v62+s14+$0x0] =	vst.idx.add.f32.msk $0xffff, v61  }
0x1d6: {  	v62 =	vor.u32 $0x69, v60;
	v61 =	vld.idx.msk [tilespmem:v63+s13+$0x0], $0xffff;
	v63 =	vor.u32 $0x6A, v3  }
0x1d7: {  	v63 =	vor.u32 s22, v63;
	_ =	sdelay $0x3  }
0x1d8: {  	[tilespmem:v62+s14+$0x0] =	vst.idx.add.f32.msk $0xffff, v61  }
0x1d9: {  	v62 =	vor.u32 $0x6A, v60;
	v61 =	vld.idx.msk [tilespmem:v63+s13+$0x0], $0xffff;
	v63 =	vor.u32 $0x6B, v3  }
0x1da: {  	v63 =	vor.u32 s22, v63;
	_ =	sdelay $0x3  }
0x1db: {  	[tilespmem:v62+s14+$0x0] =	vst.idx.add.f32.msk $0xffff, v61  }
0x1dc: {  	v62 =	vor.u32 $0x6B, v60;
	v61 =	vld.idx.msk [tilespmem:v63+s13+$0x0], $0xffff;
	v63 =	vor.u32 $0x6C, v3  }
0x1dd: {  	v63 =	vor.u32 s22, v63;
	_ =	sdelay $0x3  }
0x1de: {  	[tilespmem:v62+s14+$0x0] =	vst.idx.add.f32.msk $0xffff, v61  }
0x1df: {  	v62 =	vor.u32 $0x6C, v60;
	v61 =	vld.idx.msk [tilespmem:v63+s13+$0x0], $0xffff;
	v63 =	vor.u32 $0x6D, v3  }
0x1e0: {  	v63 =	vor.u32 s22, v63;
	_ =	sdelay $0x3  }
0x1e1: {  	[tilespmem:v62+s14+$0x0] =	vst.idx.add.f32.msk $0xffff, v61  }
0x1e2: {  	v62 =	vor.u32 $0x6D, v60;
	v61 =	vld.idx.msk [tilespmem:v63+s13+$0x0], $0xffff;
	v63 =	vor.u32 $0x6E, v3  }
0x1e3: {  	v63 =	vor.u32 s22, v63;
	_ =	sdelay $0x3  }
0x1e4: {  	[tilespmem:v62+s14+$0x0] =	vst.idx.add.f32.msk $0xffff, v61  }
0x1e5: {  	v62 =	vor.u32 $0x6E, v60;
	v61 =	vld.idx.msk [tilespmem:v63+s13+$0x0], $0xffff;
	v63 =	vor.u32 $0x6F, v3  }
0x1e6: {  	v63 =	vor.u32 s22, v63;
	_ =	sdelay $0x3  }
0x1e7: {  	[tilespmem:v62+s14+$0x0] =	vst.idx.add.f32.msk $0xffff, v61  }
0x1e8: {  	v62 =	vor.u32 $0x6F, v60;
	v61 =	vld.idx.msk [tilespmem:v63+s13+$0x0], $0xffff;
	v63 =	vor.u32 $0x70, v3  }
0x1e9: {  	v63 =	vor.u32 s22, v63;
	_ =	sdelay $0x3  }
0x1ea: {  	[tilespmem:v62+s14+$0x0] =	vst.idx.add.f32.msk $0xffff, v61  }
0x1eb: {  	v62 =	vor.u32 $0x70, v60;
	v61 =	vld.idx.msk [tilespmem:v63+s13+$0x0], $0xffff;
	v63 =	vor.u32 $0x71, v3  }
0x1ec: {  	v63 =	vor.u32 s22, v63;
	_ =	sdelay $0x3  }
0x1ed: {  	[tilespmem:v62+s14+$0x0] =	vst.idx.add.f32.msk $0xffff, v61  }
0x1ee: {  	v62 =	vor.u32 $0x71, v60;
	v61 =	vld.idx.msk [tilespmem:v63+s13+$0x0], $0xffff;
	v63 =	vor.u32 $0x72, v3  }
0x1ef: {  	v63 =	vor.u32 s22, v63;
	_ =	sdelay $0x3  }
0x1f0: {  	[tilespmem:v62+s14+$0x0] =	vst.idx.add.f32.msk $0xffff, v61  }
0x1f1: {  	v62 =	vor.u32 $0x72, v60;
	v61 =	vld.idx.msk [tilespmem:v63+s13+$0x0], $0xffff;
	v63 =	vor.u32 $0x73, v3  }
0x1f2: {  	v63 =	vor.u32 s22, v63;
	_ =	sdelay $0x3  }
0x1f3: {  	[tilespmem:v62+s14+$0x0] =	vst.idx.add.f32.msk $0xffff, v61  }
0x1f4: {  	v62 =	vor.u32 $0x73, v60;
	v61 =	vld.idx.msk [tilespmem:v63+s13+$0x0], $0xffff;
	v63 =	vor.u32 $0x74, v3  }
0x1f5: {  	v63 =	vor.u32 s22, v63;
	_ =	sdelay $0x3  }
0x1f6: {  	[tilespmem:v62+s14+$0x0] =	vst.idx.add.f32.msk $0xffff, v61  }
0x1f7: {  	v62 =	vor.u32 $0x74, v60;
	v61 =	vld.idx.msk [tilespmem:v63+s13+$0x0], $0xffff;
	v63 =	vor.u32 $0x75, v3  }
0x1f8: {  	v63 =	vor.u32 s22, v63;
	_ =	sdelay $0x3  }
0x1f9: {  	[tilespmem:v62+s14+$0x0] =	vst.idx.add.f32.msk $0xffff, v61  }
0x1fa: {  	v62 =	vor.u32 $0x75, v60;
	v61 =	vld.idx.msk [tilespmem:v63+s13+$0x0], $0xffff;
	v63 =	vor.u32 $0x76, v3  }
0x1fb: {  	v63 =	vor.u32 s22, v63;
	_ =	sdelay $0x3  }
0x1fc: {  	[tilespmem:v62+s14+$0x0] =	vst.idx.add.f32.msk $0xffff, v61  }
0x1fd: {  	v62 =	vor.u32 $0x76, v60;
	v61 =	vld.idx.msk [tilespmem:v63+s13+$0x0], $0xffff;
	v63 =	vor.u32 $0x77, v3  }
0x1fe: {  	v63 =	vor.u32 s22, v63;
	_ =	sdelay $0x3  }
0x1ff: {  	[tilespmem:v62+s14+$0x0] =	vst.idx.add.f32.msk $0xffff, v61  }
0x200: {  	v62 =	vor.u32 $0x77, v60;
	v61 =	vld.idx.msk [tilespmem:v63+s13+$0x0], $0xffff;
	v63 =	vor.u32 $0x78, v3  }
0x201: {  	v63 =	vor.u32 s22, v63;
	_ =	sdelay $0x3  }
0x202: {  	[tilespmem:v62+s14+$0x0] =	vst.idx.add.f32.msk $0xffff, v61  }
0x203: {  	v62 =	vor.u32 $0x78, v60;
	v61 =	vld.idx.msk [tilespmem:v63+s13+$0x0], $0xffff;
	v63 =	vor.u32 $0x79, v3  }
0x204: {  	v63 =	vor.u32 s22, v63;
	_ =	sdelay $0x3  }
0x205: {  	[tilespmem:v62+s14+$0x0] =	vst.idx.add.f32.msk $0xffff, v61  }
0x206: {  	v62 =	vor.u32 $0x79, v60;
	v61 =	vld.idx.msk [tilespmem:v63+s13+$0x0], $0xffff;
	v63 =	vor.u32 $0x7A, v3  }
0x207: {  	v63 =	vor.u32 s22, v63;
	_ =	sdelay $0x3  }
0x208: {  	[tilespmem:v62+s14+$0x0] =	vst.idx.add.f32.msk $0xffff, v61  }
0x209: {  	v62 =	vor.u32 $0x7A, v60;
	v61 =	vld.idx.msk [tilespmem:v63+s13+$0x0], $0xffff;
	v63 =	vor.u32 $0x7B, v3  }
0x20a: {  	v63 =	vor.u32 s22, v63;
	_ =	sdelay $0x3  }
0x20b: {  	[tilespmem:v62+s14+$0x0] =	vst.idx.add.f32.msk $0xffff, v61  }
0x20c: {  	v62 =	vor.u32 $0x7B, v60;
	v61 =	vld.idx.msk [tilespmem:v63+s13+$0x0], $0xffff;
	v63 =	vor.u32 $0x7C, v3  }
0x20d: {  	v63 =	vor.u32 s22, v63;
	_ =	sdelay $0x3  }
0x20e: {  	[tilespmem:v62+s14+$0x0] =	vst.idx.add.f32.msk $0xffff, v61  }
0x20f: {  	v62 =	vor.u32 $0x7C, v60;
	v61 =	vld.idx.msk [tilespmem:v63+s13+$0x0], $0xffff;
	v63 =	vor.u32 $0x7D, v3  }
0x210: {  	v63 =	vor.u32 s22, v63;
	_ =	sdelay $0x3  }
0x211: {  	[tilespmem:v62+s14+$0x0] =	vst.idx.add.f32.msk $0xffff, v61  }
0x212: {  	v62 =	vor.u32 $0x7D, v60;
	v61 =	vld.idx.msk [tilespmem:v63+s13+$0x0], $0xffff;
	v63 =	vor.u32 $0x7E, v3  }
0x213: {  	v63 =	vor.u32 s22, v63;
	_ =	sdelay $0x3  }
0x214: {  	[tilespmem:v62+s14+$0x0] =	vst.idx.add.f32.msk $0xffff, v61  }
0x215: {  	v62 =	vor.u32 $0x7E, v60;
	v61 =	vld.idx.msk [tilespmem:v63+s13+$0x0], $0xffff;
	v63 =	vor.u32 $0x7F, v3  }
0x216: {  	v63 =	vor.u32 s22, v63;
	_ =	sdelay $0x3  }
0x217: {  	[tilespmem:v62+s14+$0x0] =	vst.idx.add.f32.msk $0xffff, v61  }
0x218: {  	p0 =	sne.s32 s17, s18;
	v60 =	vor.u32 $0x7F, v60;
	v61 =	vld.idx.msk [tilespmem:v63+s13+$0x0], $0xffff  }
.Ltmp6:
0x219: {  	_ = 	snop;
	(pc) =	sbr.rel @p0 .LBB2_10-.Ltmp6, $2  }
0x21a: {  	_ =	sdelay $0x2  }
0x21b: {  	s21 =	sadd.s32 $0x10, s21;
	s20 =	sadd.s32 $0x800, s20;
	s19 =	sadd.s32 $0x10, s19;
	[tilespmem:v60+s14+$0x0] =	vst.idx.add.f32.msk $0xffff, v61  }
.Ltmp7:
0x21c: {  	_ = 	snop;
	(pc) =	sbr.rel .LBB2_11-.Ltmp7, $1  }
0x21d: {  	_ =	sdelay $0x3  }
.LBB2_12:
0x21e: {  	_ =	sfence.sel $0x180000  }
0x21f: {  	[bflag:$0x0] =	sbarrier.arrive $0xFFFF  }
0x220: {  	p0 =	sne.s32 s0, $0x0;
	_ =	strace $0x9000004A  }
0x221: {  	s0 =	sadd.s32 @!p0 $0x100000, s2;
	[bflag:$0x2] =	sbarrier.arrive $0xFFFF  }
0x222: {  	[sflag:s0] =	ssyncadd.tile.s32 @!p0 $0x1;
	_ =	shalt  }
.Lfunc_end2:
_tile_overlayer_lowered:
.L_overlay_start_2:
0x223: {  	(tag) =	ssettag $0x2  }
0x224: {  	s0 =	rddreg [dreg:$0x0];
	s2 =	stileid.u32  }
0x225: {  	s1 =	rddreg [dreg:$0x1];
	p0 =	sne.s32 s2, $0x0  }
0x226: {  	s3 =	rddreg [dreg:$0x2];
	[bflag:$0x3] =	sbarrier.arrive $0xFFFF;
	s2 =	simm.s32 @!p0 $0x1C03  }
0x227: {  	[timem:s3], [sflag:s2] =	dma.local @!p0 [hbm:s0], s1  }
0x228: {  	s0 =	simm.s32 @!p0 $0x3  }
0x229: {  	_ =	swait.ge @!p0 [sflag:s0], s1  }
0x22a: {  	s1 =	ssub.s32 @!p0 $0x0, s1;
	[sflag:s0] =	ssyncset.done @!p0 $0x0  }
0x22b: {  	[sflag:s0] =	ssyncadd.s32 @!p0 s1  }
0x22c: {  	[bflag:$0x3] =	sbarrier.arrive $0xFFFF  }
0x22d: {  	_ =	shalt  }

// kernel: kernel.15.cloned.1.call-start
scs
__scs_entry_jumppad:
0x0: {  	(pc) =	sbr.rel $0x88, $3  }
0x1: {  	(tag) =	ssettag $0x0;
	lr =	simm.s32 $0x1  }
0x2: {  	[smem:$0x3F9B] =	sst lr;
	_ =	strace $0xD0000000  }
0x3: {  	_ = 	snop  }
0x4: {  	_ = 	snop  }
0x5: {  	_ = 	snop  }
0x6: {  	_ = 	snop  }
0x7: {  	_ = 	snop  }
__scs_overlays_trampoline_lowered:
0x8: {  	[smem:$0x3FAA] =	sst s0  }
0x9: {  	[smem:$0x3FAB] =	sst s1  }
0xa: {  	[smem:$0x3FAC] =	sst s2  }
0xb: {  	[smem:$0x3FAD] =	sst s3  }
0xc: {  	[smem:$0x3FAE] =	sst s4  }
0xd: {  	[smem:$0x3FAF] =	sst s5  }
0xe: {  	[smem:$0x3FB0] =	sst s6  }
0xf: {  	[smem:$0x3FB1] =	sst s7  }
0x10: {  	[smem:$0x3FB2] =	sst s8  }
0x11: {  	[smem:$0x3FB3] =	sst s9;
	s0 =	simm.s32 @!p0 $0x0  }
0x12: {  	s1 =	sld [smem:$0x3F99];
	s0 =	simm.s32 @p0 $0x1  }
0x13: {  	[smem:$0x3FB4] =	sst s0;
	s0 =	simm.s32 @!p1 $0x0  }
0x14: {  	s2 =	sld [smem:$0x3F98];
	s0 =	simm.s32 @p1 $0x1  }
0x15: {  	[smem:$0x3FB5] =	sst s0;
	s0 =	simm.s32 @!p2 $0x0  }
0x16: {  	s3 =	sld [smem:$0x3FDB];
	s0 =	simm.s32 @p2 $0x1  }
0x17: {  	s4 =	simm.s32 $0x1BF5;
	[smem:$0x3FB7] =	sst s0  }
0x18: {  	s0 =	sld [smem:$0x3F9A];
	_ =	swait.ge [sflag:s4], $0x0  }
0x19: {  	s7 =	sld [smem:$0x3F9B]  }
0x1a: {  	s8 =	sadd.s32 $0xFFFFE003, lr  }
0x1b: {  	s9 =	sadd.s32 $0xFFFFFEF7, lr;
	s5 =	simm.s32 $0xFFFFFFFF;
	p2 =	slt.u32 s8, $0xFFFFF086  }
0x1c: {  	p1 =	slt.u32 s9, $0xF7A;
	s5 =	simm.s32 @!p2 $0x0  }
0x1d: {  	s5 =	simm.s32 @p1 $0x1;
	p0 =	seq.s32 s7, s2  }
0x1e: {  	s7 =	smul.u32 @!p0 $0xF7A, s2;
	p2 =	seq.s32 @!p0 s5, $0x0  }
0x1f: {  	s9 =	smul.u32 $0xF7A, s1;
	s8 =	simm.s32 @!p0 $0x1BF5;
	p2 =	por !p2, p0  }
0x20: {  	[sflag:s8] =	ssyncset.s32 @!p0 $0xFFFFF086;
	s6 =	sadd.s32 @!p0 s3, s7;
	s7 =	simm.s32 @!p0 $0x108  }
0x21: {  	s3 =	sadd.s32 s3, s9;
	s6 =	sadd.s32 @!p0 $0x88, s6;
	s7 =	simm.s32 @p2 $0x1082  }
0x22: {  	[simem:s7], [sflag:s8] =	dma.local @!p0 [hbm:s6], $0xF7A  }
0x23: {  	s9 =	sor.u32 $0xD0000000, s2;
	s6 =	simm.s32 $0x108;
	_ =	swait.ge @!p0 [sflag:s8], $0x0  }
0x24: {  	s3 =	sadd.s32 $0x88, s3;
	s6 =	simm.s32 @!p1 $0x1082;
	[sflag:s4] =	ssyncset.s32 $0xFFFFF086  }
0x25: {  	[simem:s6], [sflag:s4] =	dma.local [hbm:s3], $0xF7A  }
0x26: {  	[smem:$0x3F9B] =	sst s1;
	(tag) =	ssettag s2;
	_ =	strace s9  }
0x27: {  	s1 =	sld [smem:$0x3FAB]  }
0x28: {  	s2 =	sld [smem:$0x3FAC]  }
0x29: {  	s4 =	sld [smem:$0x3FAE]  }
0x2a: {  	p0 =	seq.s32 s5, $0x0;
	s5 =	sld [smem:$0x3FAF]  }
0x2b: {  	s6 =	sld [smem:$0x3FB0]  }
0x2c: {  	s7 =	sld [smem:$0x3FB1]  }
0x2d: {  	s3 =	simm.s32 $0x108;
	s8 =	sld [smem:$0x3FB2]  }
0x2e: {  	s3 =	simm.s32 @!p0 $0x1082;
	s9 =	sld [smem:$0x3FB3]  }
0x2f: {  	lr =	sadd.s32 s0, s3;
	s0 =	sld [smem:$0x3FAA]  }
0x30: {  	s3 =	sld [smem:$0x3FAD]  }
0x31: {  	[smem:$0x3FB6] =	sst s10  }
0x32: {  	s10 =	sld [smem:$0x3FB4];
	_ =	sdelay $0x3  }
0x33: {  	p0 =	seq.s32 s10, $0x1;
	s10 =	sld [smem:$0x3FB6];
	_ =	sdelay $0x3  }
0x34: {  	[smem:$0x3FB6] =	sst s10  }
0x35: {  	s10 =	sld [smem:$0x3FB5];
	_ =	sdelay $0x3  }
0x36: {  	p1 =	seq.s32 s10, $0x1;
	s10 =	sld [smem:$0x3FB6];
	_ =	sdelay $0x3  }
0x37: {  	[smem:$0x3FB6] =	sst s10  }
0x38: {  	s10 =	sld [smem:$0x3FB7]  }
0x39: {  	_ = 	snop;
	(pc) =	sbr.ind lr, $3  }
0x3a: {  	_ = 	snop  }
0x3b: {  	_ = 	snop  }
0x3c: {  	p2 =	seq.s32 s10, $0x1;
	s10 =	sld [smem:$0x3FB6]  }
0x3d: {  	_ =	shalt  }
0x3e: {  	_ =	shalt  }
0x3f: {  	_ =	shalt  }
0x40: {  	_ =	shalt  }
0x41: {  	_ =	shalt  }
0x42: {  	_ =	shalt  }
0x43: {  	_ =	shalt  }
0x44: {  	_ =	shalt  }
0x45: {  	_ =	shalt  }
0x46: {  	_ =	shalt  }
0x47: {  	_ =	shalt  }
0x48: {  	_ =	shalt  }
0x49: {  	_ =	shalt  }
0x4a: {  	_ =	shalt  }
0x4b: {  	_ =	shalt  }
0x4c: {  	_ =	shalt  }
0x4d: {  	_ =	shalt  }
0x4e: {  	_ =	shalt  }
0x4f: {  	_ =	shalt  }
0x50: {  	_ =	shalt  }
0x51: {  	_ =	shalt  }
0x52: {  	_ =	shalt  }
0x53: {  	_ =	shalt  }
0x54: {  	_ =	shalt  }
0x55: {  	_ =	shalt  }
0x56: {  	_ =	shalt  }
0x57: {  	_ =	shalt  }
0x58: {  	_ =	shalt  }
0x59: {  	_ =	shalt  }
0x5a: {  	_ =	shalt  }
0x5b: {  	_ =	shalt  }
0x5c: {  	_ =	shalt  }
0x5d: {  	_ =	shalt  }
0x5e: {  	_ =	shalt  }
0x5f: {  	_ =	shalt  }
0x60: {  	_ =	shalt  }
0x61: {  	_ =	shalt  }
0x62: {  	_ =	shalt  }
0x63: {  	_ =	shalt  }
0x64: {  	_ =	shalt  }
0x65: {  	_ =	shalt  }
0x66: {  	_ =	shalt  }
0x67: {  	_ =	shalt  }
0x68: {  	_ =	shalt  }
0x69: {  	_ =	shalt  }
0x6a: {  	_ =	shalt  }
0x6b: {  	_ =	shalt  }
0x6c: {  	_ =	shalt  }
0x6d: {  	_ =	shalt  }
0x6e: {  	_ =	shalt  }
0x6f: {  	_ =	shalt  }
0x70: {  	_ =	shalt  }
0x71: {  	_ =	shalt  }
0x72: {  	_ =	shalt  }
0x73: {  	_ =	shalt  }
0x74: {  	_ =	shalt  }
0x75: {  	_ =	shalt  }
0x76: {  	_ =	shalt  }
0x77: {  	_ =	shalt  }
0x78: {  	_ =	shalt  }
0x79: {  	_ =	shalt  }
0x7a: {  	_ =	shalt  }
0x7b: {  	_ =	shalt  }
0x7c: {  	_ =	shalt  }
0x7d: {  	_ =	shalt  }
0x7e: {  	_ =	shalt  }
0x7f: {  	_ =	shalt  }
0x80: {  	_ =	shalt  }
0x81: {  	_ =	shalt  }
0x82: {  	_ =	shalt  }
0x83: {  	_ =	shalt  }
0x84: {  	_ =	shalt  }
0x85: {  	_ =	shalt  }
0x86: {  	_ =	shalt  }
0x87: {  	_ =	shalt  }
.Lfunc_end0:
.L_simem_size_0:
called_computation.2_lowered:
.L_overlay_start_0:
0x88: {  	s2 =	sld [smem:$0x3FD9]  }
0x89: {  	s3 =	sld [smem:$0x3FFE];
	_ =	sdelay $0x1  }
0x8a: {  	s1 =	srdreg.scid  }
0x8b: {  	s0 =	sand.u32 $0x1, s1  }
0x8c: {  	s17 =	sshll.u32 s0, $0xA;
	s2 =	sadd.s32 s3, s2  }
0x8d: {  	s2 =	sadd.s32 s2, s17  }
0x8e: {  	[smem:$0x3FC2] =	sst s2  }
0x8f: {  	_ = 	snop  }
0x90: {  	s2 =	sld [smem:$0x3FD0];
	(tm) =	ssettm $0x1  }
0x91: {  	s18 =	sld [smem:$0x3FFB];
	_ =	sdelay $0x3  }
0x92: {  	_ =	strace s18  }
0x93: {  	s3 =	sld [smem:$0x3FFC];
	_ =	sdelay $0x3  }
0x94: {  	_ =	strace s3  }
0x95: {  	s3 =	sld [smem:$0x3FFD];
	_ =	sdelay $0x3  }
0x96: {  	_ =	strace s3  }
0x97: {  	_ =	strace $0x8FFFFFFF  }
0x98: {  	s19 =	sld [smem:$0x3FDB];
	_ =	sdelay $0x1  }
0x99: {  	s4 =	simm.s32 $_scs_section_size  }
0x9a: {  	s5 =	simm.s32 $_size__tile_overlayer_lowered;
	s6 =	simm.s32 $_tile_overlayer_lowered  }
0x9b: {  	s22 =	simm.s32 $0x1BFF;
	s21 =	sshll.u32 s6, $0x1;
	s3 =	sadd.s32 s4, s19  }
0x9c: {  	s7 =	simm.s32 $0x0;
	s20 =	sshll.u32 s5, $0x1;
	s5 =	sadd.s32 s21, s3  }
0x9d: {  	[timem:s7], [sflag:s22] =	dma.local [hbm:s5], s20  }
0x9e: {  	_ =	swait.ge [sflag:s22], s20  }
0x9f: {  	s4 =	ssub.s32 $0x0, s20;
	[sflag:s22] =	ssyncset.done $0x0  }
0xa0: {  	[sflag:s22] =	ssyncadd.s32 s4;
	_ =	sdelay $0x1  }
0xa1: {  	s23 =	simm.s32 $0x1B8B  }
0xa2: {  	_ =	swait.ge [sflag:s23], $0x1  }
0xa3: {  	[sflag:s23] =	ssyncset.done $0x0  }
0xa4: {  	s25 =	simm.s32 $0x1B8E;
	s24 =	sld [smem:$0x3FFE];
	[sflag:s23] =	ssyncadd.s32 $0xFFFFFFFF  }
0xa5: {  	s26 =	simm.s32 $execute0_lowered;
	[smem:$0x3FD2] =	sst s25  }
0xa6: {  	s5 =	sshll.u32 s26, $0x1;
	_ =	strace $0x8000004C;
	[dreg:$0x1] =	wrdreg $0xFFFFFFFF  }
0xa7: {  	s28 =	simm.s32 $_size_execute0_lowered;
	s3 =	sadd.s32 s3, s5;
	[dreg:$0x0] =	wrdreg $0x0  }
0xa8: {  	s5 =	sshll.u32 s28, $0x1;
	[dreg:$0x2] =	wrdreg s3  }
0xa9: {  	[dreg:$0x3] =	wrdreg s5  }
0xaa: {  	[dreg:$0x4] =	wrdreg $0xC0  }
0xab: {  	_ =	task [dreg:s7], $0x5FFFF  }
0xac: {  	[dreg:$0x1] =	wrdreg $0xFFFFFFFF  }
0xad: {  	[dreg:$0x0] =	wrdreg $0x60  }
0xae: {  	[dreg:$0x2] =	wrdreg s2  }
0xaf: {  	[dreg:$0x3] =	wrdreg s24  }
0xb0: {  	[dreg:$0x4] =	wrdreg $0x9  }
0xb1: {  	_ =	task.clear_ibuf [dreg:s7], $0x5FFFF;
	_ =	strace $0x9000004C  }
0xb2: {  	s29 =	simm.s32 $0x9;
	_ =	strace $0x8000004E  }
0xb3: {  	_ =	swait.ge [sflag:s29], $0x1  }
0xb4: {  	[sflag:s29] =	ssyncadd.s32 $0xFFFFFFFF  }
0xb5: {  	_ =	strace $0x9000004E  }
0xb6: {  	_ =	sfence  }
0xb7: {  	s30 =	sld [smem:$0x0];
	_ =	sdelay $0x2  }
0xb8: {  	s31 =	sshll.u32 s1, $0xD;
	s1 =	sshrl.u32 s1, $0x2  }
0xb9: {  	s3 =	sand.u32 $0x4000, s31;
	s1 =	sadd.s32 s1, s30  }
0xba: {  	s0 =	sor.u32 s3, s0;
	s1 =	sshll.u32 s1, $0x11  }
0xbb: {  	s0 =	sor.u32 s1, s0  }
0xbc: {  	s0 =	sadd.s32 $0x8F2B, s0  }
0xbd: {  	[sflag:s0] =	ssyncadd.remote.s32 $0x1  }
0xbe: {  	_ =	sfence.sel $0xFFFF  }
0xbf: {  	[dreg:$0x0] =	wrdreg $0xFFFFFFFF;
	(pc) =	sbr.abs _section_cstart, $3  }
0xc0: {  	[dreg:$0x1] =	wrdreg $0xFFFFFFFF  }
0xc1: {  	_ =	task.clear_ibuf [dreg:s7], $0x2FFFF;
	_ =	strace $0x9FFFFFFF  }
0xc2: {  	(tm) =	ssettm $0x7FFFFFFF  }
0xc3: {  	_ =	shalt  }
tec
execute0_lowered:
.L_overlay_start_1:
0x0: {  	(tag) =	ssettag $0x1  }
0x1: {  	v0 =	vlaneseq.u32  }
0x2: {  	v3 =	vmul.u32 $0x80, v0  }
0x3: {  	v2 =	vimm.f32 $0.0e+00;
	v4 =	vimm.s32 $0x0  }
0x4: {  	v5 =	vimm.s32 $0x140;
	vm0 =	vmmov $0xffff;
	v6 =	vor.u32 $0x1, v3  }
0x5: {  	v7 =	vor.u32 $0x2, v3;
	v8 =	vor.u32 $0x3, v3;
	v9 =	vor.u32 $0x4, v3  }
0x6: {  	v10 =	vor.u32 $0x5, v3;
	v11 =	vor.u32 $0x6, v3;
	v12 =	vor.u32 $0x7, v3  }
0x7: {  	v13 =	vor.u32 $0x8, v3;
	v14 =	vor.u32 $0x9, v3;
	v15 =	vor.u32 $0xA, v3  }
0x8: {  	v16 =	vor.u32 $0xB, v3;
	v17 =	vor.u32 $0xC, v3;
	v18 =	vor.u32 $0xD, v3  }
0x9: {  	v19 =	vor.u32 $0xE, v3;
	v20 =	vor.u32 $0xF, v3;
	v21 =	vor.u32 $0x10, v3  }
0xa: {  	v22 =	vor.u32 $0x11, v3;
	v23 =	vor.u32 $0x12, v3;
	v24 =	vor.u32 $0x13, v3  }
0xb: {  	s6 =	rddreg [dreg:$0x1];
	v25 =	vor.u32 $0x14, v3;
	v26 =	vor.u32 $0x15, v3;
	v27 =	vor.u32 $0x16, v3  }
0xc: {  	s0 =	srdreg.scid;
	s2 =	rddreg [dreg:$0x2];
	s3 =	simm.s32 $0x0;
	v28 =	vor.u32 $0x17, v3;
	v29 =	vor.u32 $0x18, v3;
	v30 =	vor.u32 $0x19, v3  }
0xd: {  	s10 =	simm.s32 $0x2800;
	s11 =	simm.s32 $0x6800;
	s12 =	simm.s32 $0x1;
	v31 =	vor.u32 $0x1A, v3;
	v32 =	vor.u32 $0x1B, v3;
	v33 =	vor.u32 $0x1C, v3  }
0xe: {  	s13 =	simm.s32 $0xA800;
	s14 =	simm.s32 $0xB800;
	s15 =	simm.s32 $0x3;
	v34 =	vor.u32 $0x1D, v3;
	v35 =	vor.u32 $0x1E, v3;
	v36 =	vor.u32 $0x1F, v3  }
0xf: {  	s16 =	simm.s32 $0x0;
	s4 =	sand.u32 $0x1, s0;
	s0 =	stileid.u32;
	v37 =	vor.u32 $0x20, v3;
	v38 =	vor.u32 $0x21, v3;
	v39 =	vor.u32 $0x22, v3  }
0x10: {  	[smem:$0x7FF] =	sst s3;
	s1 =	sshll.u32 s4, $0x4;
	s5 =	smul.u32 $0xA4000, s4;
	v40 =	vor.u32 $0x23, v3;
	v41 =	vor.u32 $0x24, v3;
	v42 =	vor.u32 $0x25, v3  }
0x11: {  	s7 =	smul.u32 $0xA400, s0;
	s31 =	ssub.s32 $0x2, s4;
	s4 =	sadd.s32 $0x2200, s6;
	v43 =	vor.u32 $0x26, v3;
	v44 =	vor.u32 $0x27, v3;
	v45 =	vor.u32 $0x28, v3  }
.Ltmp0:
0x12: {  	s1 =	sor.u32 s0, s1;
	s8 =	sshrl.u32 s31, $0x1;
	v46 =	vor.u32 $0x29, v3;
	v47 =	vor.u32 $0x2A, v3;
	v48 =	vor.u32 $0x2B, v3;
	(pc) =	sbr.rel .LBB2_1-.Ltmp0, $4  }
0x13: {  	v49 =	vor.u32 $0x2C, v3;
	v50 =	vor.u32 $0x2D, v3;
	v51 =	vor.u32 $0x2E, v3;
	s1 =	smul.u32 $0xFFFFFEC0, s1;
	s5 =	sadd.s32 s7, s5;
	s7 =	ssub.s32 s31, s8  }
0x14: {  	v52 =	vor.u32 $0x2F, v3;
	v53 =	vor.u32 $0x30, v3;
	v54 =	vor.u32 $0x31, v3;
	s8 =	simm.s32 $0x1400;
	s5 =	sshrl.u32 s5, $0x3;
	s7 =	smax.u32 s7, $0x1  }
0x15: {  	v55 =	vor.u32 $0x32, v3;
	v56 =	vor.u32 $0x33, v3;
	v1 =	vmov s1;
	s1 =	rddreg [dreg:$0x0];
	_ =	strace $0x8000004D;
	s9 =	sadd.s32 s5, s6  }
0x16: {  	v57 =	vor.u32 $0x34, v3;
	v58 =	vor.u32 $0x35, v3;
	v59 =	vor.u32 $0x36, v3;
	s5 =	sadd.s32 $0xC000, s6;
	s6 =	sadd.s32 $0x15E00, s9;
	s9 =	simm.s32 $0x2  }
.LBB2_11:
0x17: {  	s16 =	sadd.s32 $0x1, s16  }
0x18: {  	p0 =	sne.s32 s16, s7  }
.Ltmp1:
0x19: {  	_ = 	snop;
	(pc) =	sbr.rel @!p0 .LBB2_12-.Ltmp1, $4  }
0x1a: {  	[hbm4b:s6+s3] =	stream.linear.scatter [tilespmem:s14], [sflag:$0x3], $0xA080, $0x38;
	[tilespmem:$0x15C00] =	vst v63  }
0x1b: {  	_ =	swait.ge [sflag:s15], $0xA080  }
0x1c: {  	[sflag:s15] =	ssyncset.done $0x0  }
0x1d: {  	[sflag:s15] =	ssyncadd.s32 $0xFFFF5F80  }
.LBB2_1:
0x1e: {  	s17 =	simm.s32 $0x70;
	s18 =	simm.s32 $0x3C0  }
.LBB2_2:
0x1f: {  	p0 =	sne.s32 s18, $0x281C0;
	[tilespmem:s17+$0xB800] =	vst v2  }
0x20: {  	[tilespmem:s17+$0xB790] =	vst v2  }
0x21: {  	[tilespmem:s17+$0xB7A0] =	vst v2  }
.Ltmp2:
0x22: {  	[tilespmem:s17+$0xB7B0] =	vst v2;
	(pc) =	sbr.rel @p0 .LBB2_2-.Ltmp2, $4  }
0x23: {  	[tilespmem:s17+$0xB7C0] =	vst v2  }
0x24: {  	[tilespmem:s17+$0xB7D0] =	vst v2  }
0x25: {  	[tilespmem:s17+$0xB7E0] =	vst v2  }
0x26: {  	[tilespmem:s17+$0xB7F0] =	vst v2;
	s17 =	sshra.s32 s18, $0x2;
	s18 =	sadd.s32 $0x200, s18  }
0x27: {  	[tilespmem:s17+$0xB800] =	vst v2  }
0x28: {  	[tilespmem:s17+$0xB790] =	vst v2  }
0x29: {  	[tilespmem:s17+$0xB7A0] =	vst v2  }
0x2a: {  	[tilespmem:s17+$0xB7B0] =	vst v2  }
0x2b: {  	[tilespmem:s17+$0xB7C0] =	vst v2  }
0x2c: {  	[tilespmem:s17+$0xB7D0] =	vst v2  }
0x2d: {  	[tilespmem:s17+$0xB7E0] =	vst v2  }
0x2e: {  	[tilespmem:s17+$0xB7F0] =	vst v2;
	s17 =	simm.s32 $0x0  }
0x2f: {  	[tilespmem:s17], [sflag:$0x2] =	stream.linear.gather [hbm4b:s4+s17], $0xA00, $0x38;
	[tilespmem:$0x15C00] =	vst v63  }
0x30: {  	s20 =	simm.s32 $0x0;
	s18 =	simm.s32 $0x0  }
0x31: {  	[tilespmem:s8], [sflag:$0x2] =	stream.linear.gather [hbm4b:s5+s17], $0xA00, $0x38;
	[tilespmem:$0x15C00] =	vst v63  }
.LBB2_5:
0x32: {  	_ =	swait.ge [sflag:s9], $0xA00;
	s19 =	smov.u32 s18  }
0x33: {  	s18 =	sadd.s32 $0x1, s18;
	[sflag:s9] =	ssyncset.done $0x0;
	p0 =	seq.s32 s19, $0x7C  }
0x34: {  	[sflag:s9] =	ssyncadd.s32 $0xFFFFF600;
	s21 =	sand.u32 @!p0 $0x1, s18;
	s22 =	simm.s32 @!p0 $0xA00  }
0x35: {  	_ =	swait.ge [sflag:s9], $0xA00;
	p1 =	seq.s32 @!p0 s21, $0x1;
	s21 =	smul.u32 @!p0 $0x140, s18  }
0x36: {  	s24 =	simm.s32 @!p0 $0x0;
	[sflag:s9] =	ssyncset.done $0x0;
	p1 =	por !p1, p0  }
0x37: {  	[sflag:s9] =	ssyncadd.s32 $0xFFFFF600;
	s22 =	simm.s32 @p1 $0x0;
	s23 =	sadd.s32 @!p0 s4, s21  }
0x38: {  	[tilespmem:s22], [sflag:$0x2] =	stream.linear.gather @!p0 [hbm4b:s23+s24], $0xA00, $0x38;
	[tilespmem:$0x15C00] =	vst v63  }
0x39: {  	s19 =	sand.u32 $0x1, s19;
	s21 =	sadd.s32 @!p0 s5, s21;
	s22 =	sor.u32 @!p0 $0x1400, s22  }
0x3a: {  	[tilespmem:s22], [sflag:$0x2] =	stream.linear.gather @!p0 [hbm4b:s21+s24], $0xA00, $0x38;
	[tilespmem:$0x15C00] =	vst v63  }
0x3b: {  	p0 =	seq.s32 s19, $0x1;
	s19 =	simm.s32 $0xA00  }
0x3c: {  	s26 =	sand.u32 $0xF80, s17;
	s19 =	simm.s32 @!p0 $0x0  }
0x3d: {  	s28 =	sand.u32 $0x70, s17;
	s21 =	sadd.s32 s19, s26  }
0x3e: {  	s21 =	sor.u32 s28, s21  }
0x3f: {  	v60 =	vld [tilespmem:s21+$0x1400];
	_ =	sdelay $0x4  }
0x40: {  	v60 =	vadd.s32 v1, v60  }
0x41: {  	vm1 =	vlt.u32 v60, $0x140  }
0x42: {  	v61 =	vsel vm1, $0x1, v4  }
0x43: {  	(xrf0) =	vadd.scan.msk.s32 $0xffff, v61;
	_ =	sdelay $0x5  }
0x44: {  	v61, _, _ =	vpop (xrf0)  }
0x45: {  	v62 =	vxor.u32 $0x80000000, v61  }
0x46: {  	(xrf0) =	vmax.scan.msk.u32 $0xffff, v62;
	v62 =	vmov s20  }
0x47: {  	v62 =	vadd.s32 $0xFFFFFFFF, v62  }
0x48: {  	v62 =	vbroadcast v62, $0x0;
	_ =	sdelay $0x1  }
0x49: {  	v61 =	vadd.s32 v61, v62  }
0x4a: {  	vm2 =	vlt.s32 v61, $0x4000  }
0x4b: {  	v62, _, _ =	vpop (xrf0);
	vm1 =	vmand vm1, vm2;
	vm2 =	vgt.s32 v61, $0x0  }
0x4c: {  	(v2sf) =	vpush v62, $0xF;
	v62 =	vld [tilespmem:s21+$0x0];
	v61 =	vnsel vm2, $0x0, v61;
	_ =	sdelay $0x2  }
0x4d: {  	s29 =	simm.s32 $0x10;
	vm2 =	vgt.s32 v60, $0x0  }
0x4e: {  	s30 =	sand.u32 $0xF80, s29;
	v60 =	vnsel vm2, $0x0, v60  }
0x4f: {  	s22 =	sadd.s32 s19, s30;
	s21 =	sand.u32 $0x70, s29;
	v60 =	vmin.u32 v60, $0x13F;
	[tilespmem:v61+s10+$0x0] =	vst.idx.msk vm1, v62  }
0x50: {  	s21 =	sor.u32 s21, s22;
	[tilespmem:v61+s11+$0x0] =	vst.idx.msk vm1, v60  }
0x51: {  	v60 =	vld [tilespmem:s21+$0x1400];
	_ =	sdelay $0x4  }
0x52: {  	v60 =	vadd.s32 v1, v60  }
0x53: {  	vm1 =	vlt.u32 v60, $0x140  }
0x54: {  	v61 =	vsel vm1, $0x1, v4  }
0x55: {  	(xrf0) =	vadd.scan.msk.s32 $0xffff, v61  }
0x56: {  	vm2 =	vgt.s32 v60, $0x0;
	s31 =	spop (v2sf)  }
0x57: {  	s22 =	simm.s32 $0x20;
	v60 =	vnsel vm2, $0x0, v60;
	s20 =	sadd.s32 s31, s20  }
.LBB2_6:
0x58: {  	p0 =	seq.s32 s22, $0x9F0  }
0x59: {  	s20 =	sadd.s32 $0x80000000, s20;
	s23 =	smov.u32 s22;
	s22 =	sadd.s32 $0x10, s22  }
0x5a: {  	v61 =	vmov s20  }
0x5b: {  	v61 =	vadd.s32 $0xFFFFFFFF, v61;
	v62, _, _ =	vpop (xrf0)  }
0x5c: {  	v61 =	vbroadcast v61, $0x0;
	v63 =	vxor.u32 $0x80000000, v62  }
0x5d: {  	(xrf0) =	vmax.scan.msk.u32 $0xffff, v63  }
0x5e: {  	v61 =	vadd.s32 v62, v61  }
0x5f: {  	vm2 =	vgt.s32 v61, $0x0;
	vm3 =	vlt.s32 v61, $0x4000  }
0x60: {  	vm1 =	vmand vm1, vm3  }
0x61: {  	v61 =	vnsel vm2, $0x0, v61;
	v62 =	vld [tilespmem:s21+$0x0];
	_ =	sdelay $0x1  }
0x62: {  	v63, _, _ =	vpop (xrf0)  }
0x63: {  	(v2sf) =	vpush v63, $0xF;
	_ =	sdelay $0x1  }
0x64: {  	v60 =	vmin.u32 v60, $0x13F;
	s21 =	sand.u32 $0xF80, s23;
	[tilespmem:v61+s10+$0x0] =	vst.idx.msk vm1, v62  }
0x65: {  	s23 =	sand.u32 $0x70, s23;
	s21 =	sadd.s32 s19, s21;
	[tilespmem:v61+s11+$0x0] =	vst.idx.msk vm1, v60  }
0x66: {  	s21 =	sor.u32 s23, s21  }
0x67: {  	v60 =	vld [tilespmem:s21+$0x1400];
	_ =	sdelay $0x4  }
0x68: {  	v60 =	vadd.s32 v1, v60  }
0x69: {  	vm1 =	vlt.u32 v60, $0x140;
	vm2 =	vgt.s32 v60, $0x0  }
.Ltmp3:
0x6a: {  	v61 =	vsel vm1, $0x1, v4;
	v60 =	vnsel vm2, $0x0, v60;
	(pc) =	sbr.rel @!p0 .LBB2_6-.Ltmp3, $3  }
0x6b: {  	(xrf0) =	vadd.scan.msk.s32 $0xffff, v61;
	_ =	sdelay $0x1  }
0x6c: {  	s23 =	spop (v2sf)  }
0x6d: {  	s20 =	sadd.s32 s23, s20  }
0x6e: {  	_ =	sdelay $0x1  }
0x6f: {  	v61, _, _ =	vpop (xrf0)  }
0x70: {  	v62 =	vxor.u32 $0x80000000, v61  }
0x71: {  	(xrf0) =	vmax.scan.msk.u32 $0xffff, v62;
	_ =	sdelay $0x5  }
0x72: {  	v62, _, _ =	vpop (xrf0)  }
0x73: {  	(v2sf) =	vpush v62, $0xF;
	_ =	sdelay $0x2  }
0x74: {  	s19 =	sadd.s32 $0x80000000, s20  }
0x75: {  	v62 =	vmov s19  }
0x76: {  	v62 =	vadd.s32 $0xFFFFFFFF, v62  }
0x77: {  	v62 =	vbroadcast v62, $0x0;
	_ =	sdelay $0x1  }
0x78: {  	v61 =	vadd.s32 v61, v62  }
0x79: {  	vm2 =	vlt.s32 v61, $0x4000  }
0x7a: {  	vm3 =	vgt.s32 v61, $0x0;
	vm1 =	vmand vm1, vm2  }
0x7b: {  	v62 =	vld [tilespmem:s21+$0x0];
	v61 =	vnsel vm3, $0x0, v61;
	_ =	sdelay $0x3  }
0x7c: {  	s31 =	spop (v2sf)  }
0x7d: {  	v60 =	vmin.u32 v60, $0x13F;
	[tilespmem:v61+s10+$0x0] =	vst.idx.msk vm1, v62;
	s19 =	sadd.s32 s31, s19  }
0x7e: {  	[tilespmem:v61+s11+$0x0] =	vst.idx.msk vm1, v60;
	s20 =	sadd.s32 $0x80000000, s19  }
0x7f: {  	p0 =	seq.s32 s18, $0x7D  }
.Ltmp4:
0x80: {  	_ = 	snop;
	(pc) =	sbr.rel @!p0 .LBB2_5-.Ltmp4, $1  }
0x81: {  	_ =	sdelay $0x3  }
0x82: {  	s17 =	sadd.s32 $0xF, s20  }
0x83: {  	s18 =	sand.u32 $0xF, s17  }
0x84: {  	v60 =	vadd.s32 s20, v0;
	s31 =	sshra.s32 s17, $0x1F;
	p1 =	slt.s32 s17, $0x1;
	p0 =	sne.s32 s18, $0x0  }
0x85: {  	vm1 =	vlt.s32 v60, $0x3FFF;
	s18 =	sshrl.u32 s31, $0x1C;
	p0 =	por !p1, !p0  }
0x86: {  	v60 =	vnsel vm1, $0x3FFF, v60;
	s17 =	sadd.s32 s18, s17;
	s18 =	simm.s32 $0x1;
	p0 =	por !p0, !p0  }
0x87: {  	vm1 =	vge.s32 v60, s20;
	s17 =	sshra.s32 s17, $0x4;
	s18 =	simm.s32 @!p0 $0x0  }
0x88: {  	s17 =	ssub.s32 s17, s18  }
0x89: {  	p0 =	slt.s32 s17, $0x1  }
.Ltmp5:
0x8a: {  	_ = 	snop;
	(pc) =	sbr.rel @p0 .LBB2_11-.Ltmp5, $3  }
0x8b: {  	_ =	sdelay $0x1  }
0x8c: {  	[tilespmem:v60+s10+$0x0] =	vst.idx.msk vm1, v4  }
0x8d: {  	[tilespmem:v60+s11+$0x0] =	vst.idx.msk vm1, v5  }
0x8e: {  	v60 =	vld [tilespmem:$0x2800];
	_ =	sdelay $0x5  }
0x8f: {  	p0 =	slt.s32 s17, $0x400;
	s18 =	simm.s32 $0x0;
	s19 =	simm.s32 $0x2810  }
0x90: {  	s20 =	simm.s32 $0x800;
	s21 =	simm.s32 $0x6800;
	s17 =	simm.s32 @!p0 $0x400  }
0x91: {  	[tilespmem:s13], [sflag:$0x1] =	stream.indirect_vreg.gather [hbm4b:s1+s18], $0x80, v60, vm0, $0xb8;
	[tilespmem:$0x15C00] =	vst v63  }
.LBB2_10:
0x92: {  	v60 =	vld [tilespmem:s21+$0x0];
	_ =	swait.ge [sflag:s12], $0x800  }
0x93: {  	s22 =	sand.u32 $0x1, s18;
	s18 =	sadd.s32 $0x1, s18;
	[sflag:s12] =	ssyncset.done $0x0  }
0x94: {  	p0 =	sge.s32 s18, s17;
	[sflag:s12] =	ssyncadd.s32 $0xFFFFF800  }
0x95: {  	v61 =	vld @!p0 [tilespmem:s19+$0x0];
	_ =	sdelay $0x2  }
0x96: {  	s22 =	sshll.u32 s22, $0xB  }
0x97: {  	v62 =	vor.u32 s22, v3;
	_ =	sdelay $0x1  }
0x98: {  	s23 =	sand.u32 @!p0 $0x800, s20  }
0x99: {  	vm1 =	vmmov @!p0 $0xffff;
	s24 =	simm.s32 @!p0 $0x0;
	s23 =	sadd.s32 @!p0 $0xA800, s23  }
0x9a: {  	[tilespmem:s23], [sflag:$0x1] =	stream.indirect_vreg.gather @!p0 [hbm4b:s1+s24], $0x80, v61, vm1, $0xb8;
	[tilespmem:$0x15C00] =	vst v63  }
0x9b: {  	v60 =	vshll.u32 v60, $0x7;
	v61 =	vld.idx.msk [tilespmem:v62+s13+$0x0], $0xffff  }
0x9c: {  	v62 =	vor.u32 s22, v6;
	_ =	sdelay $0x3  }
0x9d: {  	[tilespmem:v60+s14+$0x0] =	vst.idx.add.f32.msk $0xffff, v61  }
0x9e: {  	v61 =	vld.idx.msk [tilespmem:v62+s13+$0x0], $0xffff;
	v62 =	vor.u32 $0x1, v60  }
0x9f: {  	v63 =	vor.u32 s22, v7;
	_ =	sdelay $0x3  }
0xa0: {  	[tilespmem:v62+s14+$0x0] =	vst.idx.add.f32.msk $0xffff, v61  }
0xa1: {  	v62 =	vor.u32 $0x2, v60;
	v61 =	vld.idx.msk [tilespmem:v63+s13+$0x0], $0xffff  }
0xa2: {  	v63 =	vor.u32 s22, v8;
	_ =	sdelay $0x3  }
0xa3: {  	[tilespmem:v62+s14+$0x0] =	vst.idx.add.f32.msk $0xffff, v61  }
0xa4: {  	v62 =	vor.u32 $0x3, v60;
	v61 =	vld.idx.msk [tilespmem:v63+s13+$0x0], $0xffff  }
0xa5: {  	v63 =	vor.u32 s22, v9;
	_ =	sdelay $0x3  }
0xa6: {  	[tilespmem:v62+s14+$0x0] =	vst.idx.add.f32.msk $0xffff, v61  }
0xa7: {  	v62 =	vor.u32 $0x4, v60;
	v61 =	vld.idx.msk [tilespmem:v63+s13+$0x0], $0xffff  }
0xa8: {  	v63 =	vor.u32 s22, v10;
	_ =	sdelay $0x3  }
0xa9: {  	[tilespmem:v62+s14+$0x0] =	vst.idx.add.f32.msk $0xffff, v61  }
0xaa: {  	v62 =	vor.u32 $0x5, v60;
	v61 =	vld.idx.msk [tilespmem:v63+s13+$0x0], $0xffff  }
0xab: {  	v63 =	vor.u32 s22, v11;
	_ =	sdelay $0x3  }
0xac: {  	[tilespmem:v62+s14+$0x0] =	vst.idx.add.f32.msk $0xffff, v61  }
0xad: {  	v62 =	vor.u32 $0x6, v60;
	v61 =	vld.idx.msk [tilespmem:v63+s13+$0x0], $0xffff  }
0xae: {  	v63 =	vor.u32 s22, v12;
	_ =	sdelay $0x3  }
0xaf: {  	[tilespmem:v62+s14+$0x0] =	vst.idx.add.f32.msk $0xffff, v61  }
0xb0: {  	v62 =	vor.u32 $0x7, v60;
	v61 =	vld.idx.msk [tilespmem:v63+s13+$0x0], $0xffff  }
0xb1: {  	v63 =	vor.u32 s22, v13;
	_ =	sdelay $0x3  }
0xb2: {  	[tilespmem:v62+s14+$0x0] =	vst.idx.add.f32.msk $0xffff, v61  }
0xb3: {  	v62 =	vor.u32 $0x8, v60;
	v61 =	vld.idx.msk [tilespmem:v63+s13+$0x0], $0xffff  }
0xb4: {  	v63 =	vor.u32 s22, v14;
	_ =	sdelay $0x3  }
0xb5: {  	[tilespmem:v62+s14+$0x0] =	vst.idx.add.f32.msk $0xffff, v61  }
0xb6: {  	v62 =	vor.u32 $0x9, v60;
	v61 =	vld.idx.msk [tilespmem:v63+s13+$0x0], $0xffff  }
0xb7: {  	v63 =	vor.u32 s22, v15;
	_ =	sdelay $0x3  }
0xb8: {  	[tilespmem:v62+s14+$0x0] =	vst.idx.add.f32.msk $0xffff, v61  }
0xb9: {  	v62 =	vor.u32 $0xA, v60;
	v61 =	vld.idx.msk [tilespmem:v63+s13+$0x0], $0xffff  }
0xba: {  	v63 =	vor.u32 s22, v16;
	_ =	sdelay $0x3  }
0xbb: {  	[tilespmem:v62+s14+$0x0] =	vst.idx.add.f32.msk $0xffff, v61  }
0xbc: {  	v62 =	vor.u32 $0xB, v60;
	v61 =	vld.idx.msk [tilespmem:v63+s13+$0x0], $0xffff  }
0xbd: {  	v63 =	vor.u32 s22, v17;
	_ =	sdelay $0x3  }
0xbe: {  	[tilespmem:v62+s14+$0x0] =	vst.idx.add.f32.msk $0xffff, v61  }
0xbf: {  	v62 =	vor.u32 $0xC, v60;
	v61 =	vld.idx.msk [tilespmem:v63+s13+$0x0], $0xffff  }
0xc0: {  	v63 =	vor.u32 s22, v18;
	_ =	sdelay $0x3  }
0xc1: {  	[tilespmem:v62+s14+$0x0] =	vst.idx.add.f32.msk $0xffff, v61  }
0xc2: {  	v62 =	vor.u32 $0xD, v60;
	v61 =	vld.idx.msk [tilespmem:v63+s13+$0x0], $0xffff  }
0xc3: {  	v63 =	vor.u32 s22, v19;
	_ =	sdelay $0x3  }
0xc4: {  	[tilespmem:v62+s14+$0x0] =	vst.idx.add.f32.msk $0xffff, v61  }
0xc5: {  	v62 =	vor.u32 $0xE, v60;
	v61 =	vld.idx.msk [tilespmem:v63+s13+$0x0], $0xffff  }
0xc6: {  	v63 =	vor.u32 s22, v20;
	_ =	sdelay $0x3  }
0xc7: {  	[tilespmem:v62+s14+$0x0] =	vst.idx.add.f32.msk $0xffff, v61  }
0xc8: {  	v62 =	vor.u32 $0xF, v60;
	v61 =	vld.idx.msk [tilespmem:v63+s13+$0x0], $0xffff  }
0xc9: {  	v63 =	vor.u32 s22, v21;
	_ =	sdelay $0x3  }
0xca: {  	[tilespmem:v62+s14+$0x0] =	vst.idx.add.f32.msk $0xffff, v61  }
0xcb: {  	v62 =	vor.u32 $0x10, v60;
	v61 =	vld.idx.msk [tilespmem:v63+s13+$0x0], $0xffff  }
0xcc: {  	v63 =	vor.u32 s22, v22;
	_ =	sdelay $0x3  }
0xcd: {  	[tilespmem:v62+s14+$0x0] =	vst.idx.add.f32.msk $0xffff, v61  }
0xce: {  	v62 =	vor.u32 $0x11, v60;
	v61 =	vld.idx.msk [tilespmem:v63+s13+$0x0], $0xffff  }
0xcf: {  	v63 =	vor.u32 s22, v23;
	_ =	sdelay $0x3  }
0xd0: {  	[tilespmem:v62+s14+$0x0] =	vst.idx.add.f32.msk $0xffff, v61  }
0xd1: {  	v62 =	vor.u32 $0x12, v60;
	v61 =	vld.idx.msk [tilespmem:v63+s13+$0x0], $0xffff  }
0xd2: {  	v63 =	vor.u32 s22, v24;
	_ =	sdelay $0x3  }
0xd3: {  	[tilespmem:v62+s14+$0x0] =	vst.idx.add.f32.msk $0xffff, v61  }
0xd4: {  	v62 =	vor.u32 $0x13, v60;
	v61 =	vld.idx.msk [tilespmem:v63+s13+$0x0], $0xffff  }
0xd5: {  	v63 =	vor.u32 s22, v25;
	_ =	sdelay $0x3  }
0xd6: {  	[tilespmem:v62+s14+$0x0] =	vst.idx.add.f32.msk $0xffff, v61  }
0xd7: {  	v62 =	vor.u32 $0x14, v60;
	v61 =	vld.idx.msk [tilespmem:v63+s13+$0x0], $0xffff  }
0xd8: {  	v63 =	vor.u32 s22, v26;
	_ =	sdelay $0x3  }
0xd9: {  	[tilespmem:v62+s14+$0x0] =	vst.idx.add.f32.msk $0xffff, v61  }
0xda: {  	v62 =	vor.u32 $0x15, v60;
	v61 =	vld.idx.msk [tilespmem:v63+s13+$0x0], $0xffff  }
0xdb: {  	v63 =	vor.u32 s22, v27;
	_ =	sdelay $0x3  }
0xdc: {  	[tilespmem:v62+s14+$0x0] =	vst.idx.add.f32.msk $0xffff, v61  }
0xdd: {  	v62 =	vor.u32 $0x16, v60;
	v61 =	vld.idx.msk [tilespmem:v63+s13+$0x0], $0xffff  }
0xde: {  	v63 =	vor.u32 s22, v28;
	_ =	sdelay $0x3  }
0xdf: {  	[tilespmem:v62+s14+$0x0] =	vst.idx.add.f32.msk $0xffff, v61  }
0xe0: {  	v62 =	vor.u32 $0x17, v60;
	v61 =	vld.idx.msk [tilespmem:v63+s13+$0x0], $0xffff  }
0xe1: {  	v63 =	vor.u32 s22, v29;
	_ =	sdelay $0x3  }
0xe2: {  	[tilespmem:v62+s14+$0x0] =	vst.idx.add.f32.msk $0xffff, v61  }
0xe3: {  	v62 =	vor.u32 $0x18, v60;
	v61 =	vld.idx.msk [tilespmem:v63+s13+$0x0], $0xffff  }
0xe4: {  	v63 =	vor.u32 s22, v30;
	_ =	sdelay $0x3  }
0xe5: {  	[tilespmem:v62+s14+$0x0] =	vst.idx.add.f32.msk $0xffff, v61  }
0xe6: {  	v62 =	vor.u32 $0x19, v60;
	v61 =	vld.idx.msk [tilespmem:v63+s13+$0x0], $0xffff  }
0xe7: {  	v63 =	vor.u32 s22, v31;
	_ =	sdelay $0x3  }
0xe8: {  	[tilespmem:v62+s14+$0x0] =	vst.idx.add.f32.msk $0xffff, v61  }
0xe9: {  	v62 =	vor.u32 $0x1A, v60;
	v61 =	vld.idx.msk [tilespmem:v63+s13+$0x0], $0xffff  }
0xea: {  	v63 =	vor.u32 s22, v32;
	_ =	sdelay $0x3  }
0xeb: {  	[tilespmem:v62+s14+$0x0] =	vst.idx.add.f32.msk $0xffff, v61  }
0xec: {  	v62 =	vor.u32 $0x1B, v60;
	v61 =	vld.idx.msk [tilespmem:v63+s13+$0x0], $0xffff  }
0xed: {  	v63 =	vor.u32 s22, v33;
	_ =	sdelay $0x3  }
0xee: {  	[tilespmem:v62+s14+$0x0] =	vst.idx.add.f32.msk $0xffff, v61  }
0xef: {  	v62 =	vor.u32 $0x1C, v60;
	v61 =	vld.idx.msk [tilespmem:v63+s13+$0x0], $0xffff  }
0xf0: {  	v63 =	vor.u32 s22, v34;
	_ =	sdelay $0x3  }
0xf1: {  	[tilespmem:v62+s14+$0x0] =	vst.idx.add.f32.msk $0xffff, v61  }
0xf2: {  	v62 =	vor.u32 $0x1D, v60;
	v61 =	vld.idx.msk [tilespmem:v63+s13+$0x0], $0xffff  }
0xf3: {  	v63 =	vor.u32 s22, v35;
	_ =	sdelay $0x3  }
0xf4: {  	[tilespmem:v62+s14+$0x0] =	vst.idx.add.f32.msk $0xffff, v61  }
0xf5: {  	v62 =	vor.u32 $0x1E, v60;
	v61 =	vld.idx.msk [tilespmem:v63+s13+$0x0], $0xffff  }
0xf6: {  	v63 =	vor.u32 s22, v36;
	_ =	sdelay $0x3  }
0xf7: {  	[tilespmem:v62+s14+$0x0] =	vst.idx.add.f32.msk $0xffff, v61  }
0xf8: {  	v62 =	vor.u32 $0x1F, v60;
	v61 =	vld.idx.msk [tilespmem:v63+s13+$0x0], $0xffff  }
0xf9: {  	v63 =	vor.u32 s22, v37;
	_ =	sdelay $0x3  }
0xfa: {  	[tilespmem:v62+s14+$0x0] =	vst.idx.add.f32.msk $0xffff, v61  }
0xfb: {  	v62 =	vor.u32 $0x20, v60;
	v61 =	vld.idx.msk [tilespmem:v63+s13+$0x0], $0xffff  }
0xfc: {  	v63 =	vor.u32 s22, v38;
	_ =	sdelay $0x3  }
0xfd: {  	[tilespmem:v62+s14+$0x0] =	vst.idx.add.f32.msk $0xffff, v61  }
0xfe: {  	v62 =	vor.u32 $0x21, v60;
	v61 =	vld.idx.msk [tilespmem:v63+s13+$0x0], $0xffff  }
0xff: {  	v63 =	vor.u32 s22, v39;
	_ =	sdelay $0x3  }
0x100: {  	[tilespmem:v62+s14+$0x0] =	vst.idx.add.f32.msk $0xffff, v61  }
0x101: {  	v62 =	vor.u32 $0x22, v60;
	v61 =	vld.idx.msk [tilespmem:v63+s13+$0x0], $0xffff  }
0x102: {  	v63 =	vor.u32 s22, v40;
	_ =	sdelay $0x3  }
0x103: {  	[tilespmem:v62+s14+$0x0] =	vst.idx.add.f32.msk $0xffff, v61  }
0x104: {  	v62 =	vor.u32 $0x23, v60;
	v61 =	vld.idx.msk [tilespmem:v63+s13+$0x0], $0xffff  }
0x105: {  	v63 =	vor.u32 s22, v41;
	_ =	sdelay $0x3  }
0x106: {  	[tilespmem:v62+s14+$0x0] =	vst.idx.add.f32.msk $0xffff, v61  }
0x107: {  	v62 =	vor.u32 $0x24, v60;
	v61 =	vld.idx.msk [tilespmem:v63+s13+$0x0], $0xffff  }
0x108: {  	v63 =	vor.u32 s22, v42;
	_ =	sdelay $0x3  }
0x109: {  	[tilespmem:v62+s14+$0x0] =	vst.idx.add.f32.msk $0xffff, v61  }
0x10a: {  	v62 =	vor.u32 $0x25, v60;
	v61 =	vld.idx.msk [tilespmem:v63+s13+$0x0], $0xffff  }
0x10b: {  	v63 =	vor.u32 s22, v43;
	_ =	sdelay $0x3  }
0x10c: {  	[tilespmem:v62+s14+$0x0] =	vst.idx.add.f32.msk $0xffff, v61  }
0x10d: {  	v62 =	vor.u32 $0x26, v60;
	v61 =	vld.idx.msk [tilespmem:v63+s13+$0x0], $0xffff  }
0x10e: {  	v63 =	vor.u32 s22, v44;
	_ =	sdelay $0x3  }
0x10f: {  	[tilespmem:v62+s14+$0x0] =	vst.idx.add.f32.msk $0xffff, v61  }
0x110: {  	v62 =	vor.u32 $0x27, v60;
	v61 =	vld.idx.msk [tilespmem:v63+s13+$0x0], $0xffff  }
0x111: {  	v63 =	vor.u32 s22, v45;
	_ =	sdelay $0x3  }
0x112: {  	[tilespmem:v62+s14+$0x0] =	vst.idx.add.f32.msk $0xffff, v61  }
0x113: {  	v62 =	vor.u32 $0x28, v60;
	v61 =	vld.idx.msk [tilespmem:v63+s13+$0x0], $0xffff  }
0x114: {  	v63 =	vor.u32 s22, v46;
	_ =	sdelay $0x3  }
0x115: {  	[tilespmem:v62+s14+$0x0] =	vst.idx.add.f32.msk $0xffff, v61  }
0x116: {  	v62 =	vor.u32 $0x29, v60;
	v61 =	vld.idx.msk [tilespmem:v63+s13+$0x0], $0xffff  }
0x117: {  	v63 =	vor.u32 s22, v47;
	_ =	sdelay $0x3  }
0x118: {  	[tilespmem:v62+s14+$0x0] =	vst.idx.add.f32.msk $0xffff, v61  }
0x119: {  	v62 =	vor.u32 $0x2A, v60;
	v61 =	vld.idx.msk [tilespmem:v63+s13+$0x0], $0xffff  }
0x11a: {  	v63 =	vor.u32 s22, v48;
	_ =	sdelay $0x3  }
0x11b: {  	[tilespmem:v62+s14+$0x0] =	vst.idx.add.f32.msk $0xffff, v61  }
0x11c: {  	v62 =	vor.u32 $0x2B, v60;
	v61 =	vld.idx.msk [tilespmem:v63+s13+$0x0], $0xffff  }
0x11d: {  	v63 =	vor.u32 s22, v49;
	_ =	sdelay $0x3  }
0x11e: {  	[tilespmem:v62+s14+$0x0] =	vst.idx.add.f32.msk $0xffff, v61  }
0x11f: {  	v62 =	vor.u32 $0x2C, v60;
	v61 =	vld.idx.msk [tilespmem:v63+s13+$0x0], $0xffff  }
0x120: {  	v63 =	vor.u32 s22, v50;
	_ =	sdelay $0x3  }
0x121: {  	[tilespmem:v62+s14+$0x0] =	vst.idx.add.f32.msk $0xffff, v61  }
0x122: {  	v62 =	vor.u32 $0x2D, v60;
	v61 =	vld.idx.msk [tilespmem:v63+s13+$0x0], $0xffff  }
0x123: {  	v63 =	vor.u32 s22, v51;
	_ =	sdelay $0x3  }
0x124: {  	[tilespmem:v62+s14+$0x0] =	vst.idx.add.f32.msk $0xffff, v61  }
0x125: {  	v62 =	vor.u32 $0x2E, v60;
	v61 =	vld.idx.msk [tilespmem:v63+s13+$0x0], $0xffff  }
0x126: {  	v63 =	vor.u32 s22, v52;
	_ =	sdelay $0x3  }
0x127: {  	[tilespmem:v62+s14+$0x0] =	vst.idx.add.f32.msk $0xffff, v61  }
0x128: {  	v62 =	vor.u32 $0x2F, v60;
	v61 =	vld.idx.msk [tilespmem:v63+s13+$0x0], $0xffff  }
0x129: {  	v63 =	vor.u32 s22, v53;
	_ =	sdelay $0x3  }
0x12a: {  	[tilespmem:v62+s14+$0x0] =	vst.idx.add.f32.msk $0xffff, v61  }
0x12b: {  	v62 =	vor.u32 $0x30, v60;
	v61 =	vld.idx.msk [tilespmem:v63+s13+$0x0], $0xffff  }
0x12c: {  	v63 =	vor.u32 s22, v54;
	_ =	sdelay $0x3  }
0x12d: {  	[tilespmem:v62+s14+$0x0] =	vst.idx.add.f32.msk $0xffff, v61  }
0x12e: {  	v62 =	vor.u32 $0x31, v60;
	v61 =	vld.idx.msk [tilespmem:v63+s13+$0x0], $0xffff  }
0x12f: {  	v63 =	vor.u32 s22, v55;
	_ =	sdelay $0x3  }
0x130: {  	[tilespmem:v62+s14+$0x0] =	vst.idx.add.f32.msk $0xffff, v61  }
0x131: {  	v62 =	vor.u32 $0x32, v60;
	v61 =	vld.idx.msk [tilespmem:v63+s13+$0x0], $0xffff  }
0x132: {  	v63 =	vor.u32 s22, v56;
	_ =	sdelay $0x3  }
0x133: {  	[tilespmem:v62+s14+$0x0] =	vst.idx.add.f32.msk $0xffff, v61  }
0x134: {  	v62 =	vor.u32 $0x33, v60;
	v61 =	vld.idx.msk [tilespmem:v63+s13+$0x0], $0xffff  }
0x135: {  	v63 =	vor.u32 s22, v57;
	_ =	sdelay $0x3  }
0x136: {  	[tilespmem:v62+s14+$0x0] =	vst.idx.add.f32.msk $0xffff, v61  }
0x137: {  	v62 =	vor.u32 $0x34, v60;
	v61 =	vld.idx.msk [tilespmem:v63+s13+$0x0], $0xffff  }
0x138: {  	v63 =	vor.u32 s22, v58;
	_ =	sdelay $0x3  }
0x139: {  	[tilespmem:v62+s14+$0x0] =	vst.idx.add.f32.msk $0xffff, v61  }
0x13a: {  	v62 =	vor.u32 $0x35, v60;
	v61 =	vld.idx.msk [tilespmem:v63+s13+$0x0], $0xffff  }
0x13b: {  	v63 =	vor.u32 s22, v59;
	_ =	sdelay $0x3  }
0x13c: {  	[tilespmem:v62+s14+$0x0] =	vst.idx.add.f32.msk $0xffff, v61  }
0x13d: {  	v62 =	vor.u32 $0x36, v60;
	v61 =	vld.idx.msk [tilespmem:v63+s13+$0x0], $0xffff;
	v63 =	vor.u32 $0x37, v3  }
0x13e: {  	v63 =	vor.u32 s22, v63;
	_ =	sdelay $0x3  }
0x13f: {  	[tilespmem:v62+s14+$0x0] =	vst.idx.add.f32.msk $0xffff, v61  }
0x140: {  	v62 =	vor.u32 $0x37, v60;
	v61 =	vld.idx.msk [tilespmem:v63+s13+$0x0], $0xffff;
	v63 =	vor.u32 $0x38, v3  }
0x141: {  	v63 =	vor.u32 s22, v63;
	_ =	sdelay $0x3  }
0x142: {  	[tilespmem:v62+s14+$0x0] =	vst.idx.add.f32.msk $0xffff, v61  }
0x143: {  	v62 =	vor.u32 $0x38, v60;
	v61 =	vld.idx.msk [tilespmem:v63+s13+$0x0], $0xffff;
	v63 =	vor.u32 $0x39, v3  }
0x144: {  	v63 =	vor.u32 s22, v63;
	_ =	sdelay $0x3  }
0x145: {  	[tilespmem:v62+s14+$0x0] =	vst.idx.add.f32.msk $0xffff, v61  }
0x146: {  	v62 =	vor.u32 $0x39, v60;
	v61 =	vld.idx.msk [tilespmem:v63+s13+$0x0], $0xffff;
	v63 =	vor.u32 $0x3A, v3  }
0x147: {  	v63 =	vor.u32 s22, v63;
	_ =	sdelay $0x3  }
0x148: {  	[tilespmem:v62+s14+$0x0] =	vst.idx.add.f32.msk $0xffff, v61  }
0x149: {  	v62 =	vor.u32 $0x3A, v60;
	v61 =	vld.idx.msk [tilespmem:v63+s13+$0x0], $0xffff;
	v63 =	vor.u32 $0x3B, v3  }
0x14a: {  	v63 =	vor.u32 s22, v63;
	_ =	sdelay $0x3  }
0x14b: {  	[tilespmem:v62+s14+$0x0] =	vst.idx.add.f32.msk $0xffff, v61  }
0x14c: {  	v62 =	vor.u32 $0x3B, v60;
	v61 =	vld.idx.msk [tilespmem:v63+s13+$0x0], $0xffff;
	v63 =	vor.u32 $0x3C, v3  }
0x14d: {  	v63 =	vor.u32 s22, v63;
	_ =	sdelay $0x3  }
0x14e: {  	[tilespmem:v62+s14+$0x0] =	vst.idx.add.f32.msk $0xffff, v61  }
0x14f: {  	v62 =	vor.u32 $0x3C, v60;
	v61 =	vld.idx.msk [tilespmem:v63+s13+$0x0], $0xffff;
	v63 =	vor.u32 $0x3D, v3  }
0x150: {  	v63 =	vor.u32 s22, v63;
	_ =	sdelay $0x3  }
0x151: {  	[tilespmem:v62+s14+$0x0] =	vst.idx.add.f32.msk $0xffff, v61  }
0x152: {  	v62 =	vor.u32 $0x3D, v60;
	v61 =	vld.idx.msk [tilespmem:v63+s13+$0x0], $0xffff;
	v63 =	vor.u32 $0x3E, v3  }
0x153: {  	v63 =	vor.u32 s22, v63;
	_ =	sdelay $0x3  }
0x154: {  	[tilespmem:v62+s14+$0x0] =	vst.idx.add.f32.msk $0xffff, v61  }
0x155: {  	v62 =	vor.u32 $0x3E, v60;
	v61 =	vld.idx.msk [tilespmem:v63+s13+$0x0], $0xffff;
	v63 =	vor.u32 $0x3F, v3  }
0x156: {  	v63 =	vor.u32 s22, v63;
	_ =	sdelay $0x3  }
0x157: {  	[tilespmem:v62+s14+$0x0] =	vst.idx.add.f32.msk $0xffff, v61  }
0x158: {  	v62 =	vor.u32 $0x3F, v60;
	v61 =	vld.idx.msk [tilespmem:v63+s13+$0x0], $0xffff;
	v63 =	vor.u32 $0x40, v3  }
0x159: {  	v63 =	vor.u32 s22, v63;
	_ =	sdelay $0x3  }
0x15a: {  	[tilespmem:v62+s14+$0x0] =	vst.idx.add.f32.msk $0xffff, v61  }
0x15b: {  	v62 =	vor.u32 $0x40, v60;
	v61 =	vld.idx.msk [tilespmem:v63+s13+$0x0], $0xffff;
	v63 =	vor.u32 $0x41, v3  }
0x15c: {  	v63 =	vor.u32 s22, v63;
	_ =	sdelay $0x3  }
0x15d: {  	[tilespmem:v62+s14+$0x0] =	vst.idx.add.f32.msk $0xffff, v61  }
0x15e: {  	v62 =	vor.u32 $0x41, v60;
	v61 =	vld.idx.msk [tilespmem:v63+s13+$0x0], $0xffff;
	v63 =	vor.u32 $0x42, v3  }
0x15f: {  	v63 =	vor.u32 s22, v63;
	_ =	sdelay $0x3  }
0x160: {  	[tilespmem:v62+s14+$0x0] =	vst.idx.add.f32.msk $0xffff, v61  }
0x161: {  	v62 =	vor.u32 $0x42, v60;
	v61 =	vld.idx.msk [tilespmem:v63+s13+$0x0], $0xffff;
	v63 =	vor.u32 $0x43, v3  }
0x162: {  	v63 =	vor.u32 s22, v63;
	_ =	sdelay $0x3  }
0x163: {  	[tilespmem:v62+s14+$0x0] =	vst.idx.add.f32.msk $0xffff, v61  }
0x164: {  	v62 =	vor.u32 $0x43, v60;
	v61 =	vld.idx.msk [tilespmem:v63+s13+$0x0], $0xffff;
	v63 =	vor.u32 $0x44, v3  }
0x165: {  	v63 =	vor.u32 s22, v63;
	_ =	sdelay $0x3  }
0x166: {  	[tilespmem:v62+s14+$0x0] =	vst.idx.add.f32.msk $0xffff, v61  }
0x167: {  	v62 =	vor.u32 $0x44, v60;
	v61 =	vld.idx.msk [tilespmem:v63+s13+$0x0], $0xffff;
	v63 =	vor.u32 $0x45, v3  }
0x168: {  	v63 =	vor.u32 s22, v63;
	_ =	sdelay $0x3  }
0x169: {  	[tilespmem:v62+s14+$0x0] =	vst.idx.add.f32.msk $0xffff, v61  }
0x16a: {  	v62 =	vor.u32 $0x45, v60;
	v61 =	vld.idx.msk [tilespmem:v63+s13+$0x0], $0xffff;
	v63 =	vor.u32 $0x46, v3  }
0x16b: {  	v63 =	vor.u32 s22, v63;
	_ =	sdelay $0x3  }
0x16c: {  	[tilespmem:v62+s14+$0x0] =	vst.idx.add.f32.msk $0xffff, v61  }
0x16d: {  	v62 =	vor.u32 $0x46, v60;
	v61 =	vld.idx.msk [tilespmem:v63+s13+$0x0], $0xffff;
	v63 =	vor.u32 $0x47, v3  }
0x16e: {  	v63 =	vor.u32 s22, v63;
	_ =	sdelay $0x3  }
0x16f: {  	[tilespmem:v62+s14+$0x0] =	vst.idx.add.f32.msk $0xffff, v61  }
0x170: {  	v62 =	vor.u32 $0x47, v60;
	v61 =	vld.idx.msk [tilespmem:v63+s13+$0x0], $0xffff;
	v63 =	vor.u32 $0x48, v3  }
0x171: {  	v63 =	vor.u32 s22, v63;
	_ =	sdelay $0x3  }
0x172: {  	[tilespmem:v62+s14+$0x0] =	vst.idx.add.f32.msk $0xffff, v61  }
0x173: {  	v62 =	vor.u32 $0x48, v60;
	v61 =	vld.idx.msk [tilespmem:v63+s13+$0x0], $0xffff;
	v63 =	vor.u32 $0x49, v3  }
0x174: {  	v63 =	vor.u32 s22, v63;
	_ =	sdelay $0x3  }
0x175: {  	[tilespmem:v62+s14+$0x0] =	vst.idx.add.f32.msk $0xffff, v61  }
0x176: {  	v62 =	vor.u32 $0x49, v60;
	v61 =	vld.idx.msk [tilespmem:v63+s13+$0x0], $0xffff;
	v63 =	vor.u32 $0x4A, v3  }
0x177: {  	v63 =	vor.u32 s22, v63;
	_ =	sdelay $0x3  }
0x178: {  	[tilespmem:v62+s14+$0x0] =	vst.idx.add.f32.msk $0xffff, v61  }
0x179: {  	v62 =	vor.u32 $0x4A, v60;
	v61 =	vld.idx.msk [tilespmem:v63+s13+$0x0], $0xffff;
	v63 =	vor.u32 $0x4B, v3  }
0x17a: {  	v63 =	vor.u32 s22, v63;
	_ =	sdelay $0x3  }
0x17b: {  	[tilespmem:v62+s14+$0x0] =	vst.idx.add.f32.msk $0xffff, v61  }
0x17c: {  	v62 =	vor.u32 $0x4B, v60;
	v61 =	vld.idx.msk [tilespmem:v63+s13+$0x0], $0xffff;
	v63 =	vor.u32 $0x4C, v3  }
0x17d: {  	v63 =	vor.u32 s22, v63;
	_ =	sdelay $0x3  }
0x17e: {  	[tilespmem:v62+s14+$0x0] =	vst.idx.add.f32.msk $0xffff, v61  }
0x17f: {  	v62 =	vor.u32 $0x4C, v60;
	v61 =	vld.idx.msk [tilespmem:v63+s13+$0x0], $0xffff;
	v63 =	vor.u32 $0x4D, v3  }
0x180: {  	v63 =	vor.u32 s22, v63;
	_ =	sdelay $0x3  }
0x181: {  	[tilespmem:v62+s14+$0x0] =	vst.idx.add.f32.msk $0xffff, v61  }
0x182: {  	v62 =	vor.u32 $0x4D, v60;
	v61 =	vld.idx.msk [tilespmem:v63+s13+$0x0], $0xffff;
	v63 =	vor.u32 $0x4E, v3  }
0x183: {  	v63 =	vor.u32 s22, v63;
	_ =	sdelay $0x3  }
0x184: {  	[tilespmem:v62+s14+$0x0] =	vst.idx.add.f32.msk $0xffff, v61  }
0x185: {  	v62 =	vor.u32 $0x4E, v60;
	v61 =	vld.idx.msk [tilespmem:v63+s13+$0x0], $0xffff;
	v63 =	vor.u32 $0x4F, v3  }
0x186: {  	v63 =	vor.u32 s22, v63;
	_ =	sdelay $0x3  }
0x187: {  	[tilespmem:v62+s14+$0x0] =	vst.idx.add.f32.msk $0xffff, v61  }
0x188: {  	v62 =	vor.u32 $0x4F, v60;
	v61 =	vld.idx.msk [tilespmem:v63+s13+$0x0], $0xffff;
	v63 =	vor.u32 $0x50, v3  }
0x189: {  	v63 =	vor.u32 s22, v63;
	_ =	sdelay $0x3  }
0x18a: {  	[tilespmem:v62+s14+$0x0] =	vst.idx.add.f32.msk $0xffff, v61  }
0x18b: {  	v62 =	vor.u32 $0x50, v60;
	v61 =	vld.idx.msk [tilespmem:v63+s13+$0x0], $0xffff;
	v63 =	vor.u32 $0x51, v3  }
0x18c: {  	v63 =	vor.u32 s22, v63;
	_ =	sdelay $0x3  }
0x18d: {  	[tilespmem:v62+s14+$0x0] =	vst.idx.add.f32.msk $0xffff, v61  }
0x18e: {  	v62 =	vor.u32 $0x51, v60;
	v61 =	vld.idx.msk [tilespmem:v63+s13+$0x0], $0xffff;
	v63 =	vor.u32 $0x52, v3  }
0x18f: {  	v63 =	vor.u32 s22, v63;
	_ =	sdelay $0x3  }
0x190: {  	[tilespmem:v62+s14+$0x0] =	vst.idx.add.f32.msk $0xffff, v61  }
0x191: {  	v62 =	vor.u32 $0x52, v60;
	v61 =	vld.idx.msk [tilespmem:v63+s13+$0x0], $0xffff;
	v63 =	vor.u32 $0x53, v3  }
0x192: {  	v63 =	vor.u32 s22, v63;
	_ =	sdelay $0x3  }
0x193: {  	[tilespmem:v62+s14+$0x0] =	vst.idx.add.f32.msk $0xffff, v61  }
0x194: {  	v62 =	vor.u32 $0x53, v60;
	v61 =	vld.idx.msk [tilespmem:v63+s13+$0x0], $0xffff;
	v63 =	vor.u32 $0x54, v3  }
0x195: {  	v63 =	vor.u32 s22, v63;
	_ =	sdelay $0x3  }
0x196: {  	[tilespmem:v62+s14+$0x0] =	vst.idx.add.f32.msk $0xffff, v61  }
0x197: {  	v62 =	vor.u32 $0x54, v60;
	v61 =	vld.idx.msk [tilespmem:v63+s13+$0x0], $0xffff;
	v63 =	vor.u32 $0x55, v3  }
0x198: {  	v63 =	vor.u32 s22, v63;
	_ =	sdelay $0x3  }
0x199: {  	[tilespmem:v62+s14+$0x0] =	vst.idx.add.f32.msk $0xffff, v61  }
0x19a: {  	v62 =	vor.u32 $0x55, v60;
	v61 =	vld.idx.msk [tilespmem:v63+s13+$0x0], $0xffff;
	v63 =	vor.u32 $0x56, v3  }
0x19b: {  	v63 =	vor.u32 s22, v63;
	_ =	sdelay $0x3  }
0x19c: {  	[tilespmem:v62+s14+$0x0] =	vst.idx.add.f32.msk $0xffff, v61  }
0x19d: {  	v62 =	vor.u32 $0x56, v60;
	v61 =	vld.idx.msk [tilespmem:v63+s13+$0x0], $0xffff;
	v63 =	vor.u32 $0x57, v3  }
0x19e: {  	v63 =	vor.u32 s22, v63;
	_ =	sdelay $0x3  }
0x19f: {  	[tilespmem:v62+s14+$0x0] =	vst.idx.add.f32.msk $0xffff, v61  }
0x1a0: {  	v62 =	vor.u32 $0x57, v60;
	v61 =	vld.idx.msk [tilespmem:v63+s13+$0x0], $0xffff;
	v63 =	vor.u32 $0x58, v3  }
0x1a1: {  	v63 =	vor.u32 s22, v63;
	_ =	sdelay $0x3  }
0x1a2: {  	[tilespmem:v62+s14+$0x0] =	vst.idx.add.f32.msk $0xffff, v61  }
0x1a3: {  	v62 =	vor.u32 $0x58, v60;
	v61 =	vld.idx.msk [tilespmem:v63+s13+$0x0], $0xffff;
	v63 =	vor.u32 $0x59, v3  }
0x1a4: {  	v63 =	vor.u32 s22, v63;
	_ =	sdelay $0x3  }
0x1a5: {  	[tilespmem:v62+s14+$0x0] =	vst.idx.add.f32.msk $0xffff, v61  }
0x1a6: {  	v62 =	vor.u32 $0x59, v60;
	v61 =	vld.idx.msk [tilespmem:v63+s13+$0x0], $0xffff;
	v63 =	vor.u32 $0x5A, v3  }
0x1a7: {  	v63 =	vor.u32 s22, v63;
	_ =	sdelay $0x3  }
0x1a8: {  	[tilespmem:v62+s14+$0x0] =	vst.idx.add.f32.msk $0xffff, v61  }
0x1a9: {  	v62 =	vor.u32 $0x5A, v60;
	v61 =	vld.idx.msk [tilespmem:v63+s13+$0x0], $0xffff;
	v63 =	vor.u32 $0x5B, v3  }
0x1aa: {  	v63 =	vor.u32 s22, v63;
	_ =	sdelay $0x3  }
0x1ab: {  	[tilespmem:v62+s14+$0x0] =	vst.idx.add.f32.msk $0xffff, v61  }
0x1ac: {  	v62 =	vor.u32 $0x5B, v60;
	v61 =	vld.idx.msk [tilespmem:v63+s13+$0x0], $0xffff;
	v63 =	vor.u32 $0x5C, v3  }
0x1ad: {  	v63 =	vor.u32 s22, v63;
	_ =	sdelay $0x3  }
0x1ae: {  	[tilespmem:v62+s14+$0x0] =	vst.idx.add.f32.msk $0xffff, v61  }
0x1af: {  	v62 =	vor.u32 $0x5C, v60;
	v61 =	vld.idx.msk [tilespmem:v63+s13+$0x0], $0xffff;
	v63 =	vor.u32 $0x5D, v3  }
0x1b0: {  	v63 =	vor.u32 s22, v63;
	_ =	sdelay $0x3  }
0x1b1: {  	[tilespmem:v62+s14+$0x0] =	vst.idx.add.f32.msk $0xffff, v61  }
0x1b2: {  	v62 =	vor.u32 $0x5D, v60;
	v61 =	vld.idx.msk [tilespmem:v63+s13+$0x0], $0xffff;
	v63 =	vor.u32 $0x5E, v3  }
0x1b3: {  	v63 =	vor.u32 s22, v63;
	_ =	sdelay $0x3  }
0x1b4: {  	[tilespmem:v62+s14+$0x0] =	vst.idx.add.f32.msk $0xffff, v61  }
0x1b5: {  	v62 =	vor.u32 $0x5E, v60;
	v61 =	vld.idx.msk [tilespmem:v63+s13+$0x0], $0xffff;
	v63 =	vor.u32 $0x5F, v3  }
0x1b6: {  	v63 =	vor.u32 s22, v63;
	_ =	sdelay $0x3  }
0x1b7: {  	[tilespmem:v62+s14+$0x0] =	vst.idx.add.f32.msk $0xffff, v61  }
0x1b8: {  	v62 =	vor.u32 $0x5F, v60;
	v61 =	vld.idx.msk [tilespmem:v63+s13+$0x0], $0xffff;
	v63 =	vor.u32 $0x60, v3  }
0x1b9: {  	v63 =	vor.u32 s22, v63;
	_ =	sdelay $0x3  }
0x1ba: {  	[tilespmem:v62+s14+$0x0] =	vst.idx.add.f32.msk $0xffff, v61  }
0x1bb: {  	v62 =	vor.u32 $0x60, v60;
	v61 =	vld.idx.msk [tilespmem:v63+s13+$0x0], $0xffff;
	v63 =	vor.u32 $0x61, v3  }
0x1bc: {  	v63 =	vor.u32 s22, v63;
	_ =	sdelay $0x3  }
0x1bd: {  	[tilespmem:v62+s14+$0x0] =	vst.idx.add.f32.msk $0xffff, v61  }
0x1be: {  	v62 =	vor.u32 $0x61, v60;
	v61 =	vld.idx.msk [tilespmem:v63+s13+$0x0], $0xffff;
	v63 =	vor.u32 $0x62, v3  }
0x1bf: {  	v63 =	vor.u32 s22, v63;
	_ =	sdelay $0x3  }
0x1c0: {  	[tilespmem:v62+s14+$0x0] =	vst.idx.add.f32.msk $0xffff, v61  }
0x1c1: {  	v62 =	vor.u32 $0x62, v60;
	v61 =	vld.idx.msk [tilespmem:v63+s13+$0x0], $0xffff;
	v63 =	vor.u32 $0x63, v3  }
0x1c2: {  	v63 =	vor.u32 s22, v63;
	_ =	sdelay $0x3  }
0x1c3: {  	[tilespmem:v62+s14+$0x0] =	vst.idx.add.f32.msk $0xffff, v61  }
0x1c4: {  	v62 =	vor.u32 $0x63, v60;
	v61 =	vld.idx.msk [tilespmem:v63+s13+$0x0], $0xffff;
	v63 =	vor.u32 $0x64, v3  }
0x1c5: {  	v63 =	vor.u32 s22, v63;
	_ =	sdelay $0x3  }
0x1c6: {  	[tilespmem:v62+s14+$0x0] =	vst.idx.add.f32.msk $0xffff, v61  }
0x1c7: {  	v62 =	vor.u32 $0x64, v60;
	v61 =	vld.idx.msk [tilespmem:v63+s13+$0x0], $0xffff;
	v63 =	vor.u32 $0x65, v3  }
0x1c8: {  	v63 =	vor.u32 s22, v63;
	_ =	sdelay $0x3  }
0x1c9: {  	[tilespmem:v62+s14+$0x0] =	vst.idx.add.f32.msk $0xffff, v61  }
0x1ca: {  	v62 =	vor.u32 $0x65, v60;
	v61 =	vld.idx.msk [tilespmem:v63+s13+$0x0], $0xffff;
	v63 =	vor.u32 $0x66, v3  }
0x1cb: {  	v63 =	vor.u32 s22, v63;
	_ =	sdelay $0x3  }
0x1cc: {  	[tilespmem:v62+s14+$0x0] =	vst.idx.add.f32.msk $0xffff, v61  }
0x1cd: {  	v62 =	vor.u32 $0x66, v60;
	v61 =	vld.idx.msk [tilespmem:v63+s13+$0x0], $0xffff;
	v63 =	vor.u32 $0x67, v3  }
0x1ce: {  	v63 =	vor.u32 s22, v63;
	_ =	sdelay $0x3  }
0x1cf: {  	[tilespmem:v62+s14+$0x0] =	vst.idx.add.f32.msk $0xffff, v61  }
0x1d0: {  	v62 =	vor.u32 $0x67, v60;
	v61 =	vld.idx.msk [tilespmem:v63+s13+$0x0], $0xffff;
	v63 =	vor.u32 $0x68, v3  }
0x1d1: {  	v63 =	vor.u32 s22, v63;
	_ =	sdelay $0x3  }
0x1d2: {  	[tilespmem:v62+s14+$0x0] =	vst.idx.add.f32.msk $0xffff, v61  }
0x1d3: {  	v62 =	vor.u32 $0x68, v60;
	v61 =	vld.idx.msk [tilespmem:v63+s13+$0x0], $0xffff;
	v63 =	vor.u32 $0x69, v3  }
0x1d4: {  	v63 =	vor.u32 s22, v63;
	_ =	sdelay $0x3  }
0x1d5: {  	[tilespmem:v62+s14+$0x0] =	vst.idx.add.f32.msk $0xffff, v61  }
0x1d6: {  	v62 =	vor.u32 $0x69, v60;
	v61 =	vld.idx.msk [tilespmem:v63+s13+$0x0], $0xffff;
	v63 =	vor.u32 $0x6A, v3  }
0x1d7: {  	v63 =	vor.u32 s22, v63;
	_ =	sdelay $0x3  }
0x1d8: {  	[tilespmem:v62+s14+$0x0] =	vst.idx.add.f32.msk $0xffff, v61  }
0x1d9: {  	v62 =	vor.u32 $0x6A, v60;
	v61 =	vld.idx.msk [tilespmem:v63+s13+$0x0], $0xffff;
	v63 =	vor.u32 $0x6B, v3  }
0x1da: {  	v63 =	vor.u32 s22, v63;
	_ =	sdelay $0x3  }
0x1db: {  	[tilespmem:v62+s14+$0x0] =	vst.idx.add.f32.msk $0xffff, v61  }
0x1dc: {  	v62 =	vor.u32 $0x6B, v60;
	v61 =	vld.idx.msk [tilespmem:v63+s13+$0x0], $0xffff;
	v63 =	vor.u32 $0x6C, v3  }
0x1dd: {  	v63 =	vor.u32 s22, v63;
	_ =	sdelay $0x3  }
0x1de: {  	[tilespmem:v62+s14+$0x0] =	vst.idx.add.f32.msk $0xffff, v61  }
0x1df: {  	v62 =	vor.u32 $0x6C, v60;
	v61 =	vld.idx.msk [tilespmem:v63+s13+$0x0], $0xffff;
	v63 =	vor.u32 $0x6D, v3  }
0x1e0: {  	v63 =	vor.u32 s22, v63;
	_ =	sdelay $0x3  }
0x1e1: {  	[tilespmem:v62+s14+$0x0] =	vst.idx.add.f32.msk $0xffff, v61  }
0x1e2: {  	v62 =	vor.u32 $0x6D, v60;
	v61 =	vld.idx.msk [tilespmem:v63+s13+$0x0], $0xffff;
	v63 =	vor.u32 $0x6E, v3  }
0x1e3: {  	v63 =	vor.u32 s22, v63;
	_ =	sdelay $0x3  }
0x1e4: {  	[tilespmem:v62+s14+$0x0] =	vst.idx.add.f32.msk $0xffff, v61  }
0x1e5: {  	v62 =	vor.u32 $0x6E, v60;
	v61 =	vld.idx.msk [tilespmem:v63+s13+$0x0], $0xffff;
	v63 =	vor.u32 $0x6F, v3  }
0x1e6: {  	v63 =	vor.u32 s22, v63;
	_ =	sdelay $0x3  }
0x1e7: {  	[tilespmem:v62+s14+$0x0] =	vst.idx.add.f32.msk $0xffff, v61  }
0x1e8: {  	v62 =	vor.u32 $0x6F, v60;
	v61 =	vld.idx.msk [tilespmem:v63+s13+$0x0], $0xffff;
	v63 =	vor.u32 $0x70, v3  }
0x1e9: {  	v63 =	vor.u32 s22, v63;
	_ =	sdelay $0x3  }
0x1ea: {  	[tilespmem:v62+s14+$0x0] =	vst.idx.add.f32.msk $0xffff, v61  }
0x1eb: {  	v62 =	vor.u32 $0x70, v60;
	v61 =	vld.idx.msk [tilespmem:v63+s13+$0x0], $0xffff;
	v63 =	vor.u32 $0x71, v3  }
0x1ec: {  	v63 =	vor.u32 s22, v63;
	_ =	sdelay $0x3  }
0x1ed: {  	[tilespmem:v62+s14+$0x0] =	vst.idx.add.f32.msk $0xffff, v61  }
0x1ee: {  	v62 =	vor.u32 $0x71, v60;
	v61 =	vld.idx.msk [tilespmem:v63+s13+$0x0], $0xffff;
	v63 =	vor.u32 $0x72, v3  }
0x1ef: {  	v63 =	vor.u32 s22, v63;
	_ =	sdelay $0x3  }
0x1f0: {  	[tilespmem:v62+s14+$0x0] =	vst.idx.add.f32.msk $0xffff, v61  }
0x1f1: {  	v62 =	vor.u32 $0x72, v60;
	v61 =	vld.idx.msk [tilespmem:v63+s13+$0x0], $0xffff;
	v63 =	vor.u32 $0x73, v3  }
0x1f2: {  	v63 =	vor.u32 s22, v63;
	_ =	sdelay $0x3  }
0x1f3: {  	[tilespmem:v62+s14+$0x0] =	vst.idx.add.f32.msk $0xffff, v61  }
0x1f4: {  	v62 =	vor.u32 $0x73, v60;
	v61 =	vld.idx.msk [tilespmem:v63+s13+$0x0], $0xffff;
	v63 =	vor.u32 $0x74, v3  }
0x1f5: {  	v63 =	vor.u32 s22, v63;
	_ =	sdelay $0x3  }
0x1f6: {  	[tilespmem:v62+s14+$0x0] =	vst.idx.add.f32.msk $0xffff, v61  }
0x1f7: {  	v62 =	vor.u32 $0x74, v60;
	v61 =	vld.idx.msk [tilespmem:v63+s13+$0x0], $0xffff;
	v63 =	vor.u32 $0x75, v3  }
0x1f8: {  	v63 =	vor.u32 s22, v63;
	_ =	sdelay $0x3  }
0x1f9: {  	[tilespmem:v62+s14+$0x0] =	vst.idx.add.f32.msk $0xffff, v61  }
0x1fa: {  	v62 =	vor.u32 $0x75, v60;
	v61 =	vld.idx.msk [tilespmem:v63+s13+$0x0], $0xffff;
	v63 =	vor.u32 $0x76, v3  }
0x1fb: {  	v63 =	vor.u32 s22, v63;
	_ =	sdelay $0x3  }
0x1fc: {  	[tilespmem:v62+s14+$0x0] =	vst.idx.add.f32.msk $0xffff, v61  }
0x1fd: {  	v62 =	vor.u32 $0x76, v60;
	v61 =	vld.idx.msk [tilespmem:v63+s13+$0x0], $0xffff;
	v63 =	vor.u32 $0x77, v3  }
0x1fe: {  	v63 =	vor.u32 s22, v63;
	_ =	sdelay $0x3  }
0x1ff: {  	[tilespmem:v62+s14+$0x0] =	vst.idx.add.f32.msk $0xffff, v61  }
0x200: {  	v62 =	vor.u32 $0x77, v60;
	v61 =	vld.idx.msk [tilespmem:v63+s13+$0x0], $0xffff;
	v63 =	vor.u32 $0x78, v3  }
0x201: {  	v63 =	vor.u32 s22, v63;
	_ =	sdelay $0x3  }
0x202: {  	[tilespmem:v62+s14+$0x0] =	vst.idx.add.f32.msk $0xffff, v61  }
0x203: {  	v62 =	vor.u32 $0x78, v60;
	v61 =	vld.idx.msk [tilespmem:v63+s13+$0x0], $0xffff;
	v63 =	vor.u32 $0x79, v3  }
0x204: {  	v63 =	vor.u32 s22, v63;
	_ =	sdelay $0x3  }
0x205: {  	[tilespmem:v62+s14+$0x0] =	vst.idx.add.f32.msk $0xffff, v61  }
0x206: {  	v62 =	vor.u32 $0x79, v60;
	v61 =	vld.idx.msk [tilespmem:v63+s13+$0x0], $0xffff;
	v63 =	vor.u32 $0x7A, v3  }
0x207: {  	v63 =	vor.u32 s22, v63;
	_ =	sdelay $0x3  }
0x208: {  	[tilespmem:v62+s14+$0x0] =	vst.idx.add.f32.msk $0xffff, v61  }
0x209: {  	v62 =	vor.u32 $0x7A, v60;
	v61 =	vld.idx.msk [tilespmem:v63+s13+$0x0], $0xffff;
	v63 =	vor.u32 $0x7B, v3  }
0x20a: {  	v63 =	vor.u32 s22, v63;
	_ =	sdelay $0x3  }
0x20b: {  	[tilespmem:v62+s14+$0x0] =	vst.idx.add.f32.msk $0xffff, v61  }
0x20c: {  	v62 =	vor.u32 $0x7B, v60;
	v61 =	vld.idx.msk [tilespmem:v63+s13+$0x0], $0xffff;
	v63 =	vor.u32 $0x7C, v3  }
0x20d: {  	v63 =	vor.u32 s22, v63;
	_ =	sdelay $0x3  }
0x20e: {  	[tilespmem:v62+s14+$0x0] =	vst.idx.add.f32.msk $0xffff, v61  }
0x20f: {  	v62 =	vor.u32 $0x7C, v60;
	v61 =	vld.idx.msk [tilespmem:v63+s13+$0x0], $0xffff;
	v63 =	vor.u32 $0x7D, v3  }
0x210: {  	v63 =	vor.u32 s22, v63;
	_ =	sdelay $0x3  }
0x211: {  	[tilespmem:v62+s14+$0x0] =	vst.idx.add.f32.msk $0xffff, v61  }
0x212: {  	v62 =	vor.u32 $0x7D, v60;
	v61 =	vld.idx.msk [tilespmem:v63+s13+$0x0], $0xffff;
	v63 =	vor.u32 $0x7E, v3  }
0x213: {  	v63 =	vor.u32 s22, v63;
	_ =	sdelay $0x3  }
0x214: {  	[tilespmem:v62+s14+$0x0] =	vst.idx.add.f32.msk $0xffff, v61  }
0x215: {  	v62 =	vor.u32 $0x7E, v60;
	v61 =	vld.idx.msk [tilespmem:v63+s13+$0x0], $0xffff;
	v63 =	vor.u32 $0x7F, v3  }
0x216: {  	v63 =	vor.u32 s22, v63;
	_ =	sdelay $0x3  }
0x217: {  	[tilespmem:v62+s14+$0x0] =	vst.idx.add.f32.msk $0xffff, v61  }
0x218: {  	p0 =	sne.s32 s17, s18;
	v60 =	vor.u32 $0x7F, v60;
	v61 =	vld.idx.msk [tilespmem:v63+s13+$0x0], $0xffff  }
.Ltmp6:
0x219: {  	_ = 	snop;
	(pc) =	sbr.rel @p0 .LBB2_10-.Ltmp6, $2  }
0x21a: {  	_ =	sdelay $0x2  }
0x21b: {  	s21 =	sadd.s32 $0x10, s21;
	s20 =	sadd.s32 $0x800, s20;
	s19 =	sadd.s32 $0x10, s19;
	[tilespmem:v60+s14+$0x0] =	vst.idx.add.f32.msk $0xffff, v61  }
.Ltmp7:
0x21c: {  	_ = 	snop;
	(pc) =	sbr.rel .LBB2_11-.Ltmp7, $1  }
0x21d: {  	_ =	sdelay $0x3  }
.LBB2_12:
0x21e: {  	_ =	sfence.sel $0x180000  }
0x21f: {  	[bflag:$0x0] =	sbarrier.arrive $0xFFFF  }
0x220: {  	p0 =	sne.s32 s0, $0x0;
	_ =	strace $0x9000004D  }
0x221: {  	s0 =	sadd.s32 @!p0 $0x100000, s2;
	[bflag:$0x2] =	sbarrier.arrive $0xFFFF  }
0x222: {  	[sflag:s0] =	ssyncadd.tile.s32 @!p0 $0x1;
	_ =	shalt  }
.Lfunc_end2:
_tile_overlayer_lowered:
.L_overlay_start_2:
0x223: {  	(tag) =	ssettag $0x2  }
0x224: {  	s0 =	rddreg [dreg:$0x0];
	s2 =	stileid.u32  }
0x225: {  	s1 =	rddreg [dreg:$0x1];
	p0 =	sne.s32 s2, $0x0  }
0x226: {  	s3 =	rddreg [dreg:$0x2];
	[bflag:$0x3] =	sbarrier.arrive $0xFFFF;
	s2 =	simm.s32 @!p0 $0x1C03  }
0x227: {  	[timem:s3], [sflag:s2] =	dma.local @!p0 [hbm:s0], s1  }
0x228: {  	s0 =	simm.s32 @!p0 $0x3  }
0x229: {  	_ =	swait.ge @!p0 [sflag:s0], s1  }
0x22a: {  	s1 =	ssub.s32 @!p0 $0x0, s1;
	[sflag:s0] =	ssyncset.done @!p0 $0x0  }
0x22b: {  	[sflag:s0] =	ssyncadd.s32 @!p0 s1  }
0x22c: {  	[bflag:$0x3] =	sbarrier.arrive $0xFFFF  }
0x22d: {  	_ =	shalt  }

// kernel: kernel.9.cloned.1.call-start
scs
__scs_entry_jumppad:
0x0: {  	(pc) =	sbr.rel $0x88, $3  }
0x1: {  	(tag) =	ssettag $0x0;
	lr =	simm.s32 $0x1  }
0x2: {  	[smem:$0x3F9B] =	sst lr;
	_ =	strace $0xD0000000  }
0x3: {  	_ = 	snop  }
0x4: {  	_ = 	snop  }
0x5: {  	_ = 	snop  }
0x6: {  	_ = 	snop  }
0x7: {  	_ = 	snop  }
__scs_overlays_trampoline_lowered:
0x8: {  	[smem:$0x3FAA] =	sst s0  }
0x9: {  	[smem:$0x3FAB] =	sst s1  }
0xa: {  	[smem:$0x3FAC] =	sst s2  }
0xb: {  	[smem:$0x3FAD] =	sst s3  }
0xc: {  	[smem:$0x3FAE] =	sst s4  }
0xd: {  	[smem:$0x3FAF] =	sst s5  }
0xe: {  	[smem:$0x3FB0] =	sst s6  }
0xf: {  	[smem:$0x3FB1] =	sst s7  }
0x10: {  	[smem:$0x3FB2] =	sst s8  }
0x11: {  	[smem:$0x3FB3] =	sst s9;
	s0 =	simm.s32 @!p0 $0x0  }
0x12: {  	s1 =	sld [smem:$0x3F99];
	s0 =	simm.s32 @p0 $0x1  }
0x13: {  	[smem:$0x3FB4] =	sst s0;
	s0 =	simm.s32 @!p1 $0x0  }
0x14: {  	s2 =	sld [smem:$0x3F98];
	s0 =	simm.s32 @p1 $0x1  }
0x15: {  	[smem:$0x3FB5] =	sst s0;
	s0 =	simm.s32 @!p2 $0x0  }
0x16: {  	s3 =	sld [smem:$0x3FDB];
	s0 =	simm.s32 @p2 $0x1  }
0x17: {  	s4 =	simm.s32 $0x1BF5;
	[smem:$0x3FB7] =	sst s0  }
0x18: {  	s0 =	sld [smem:$0x3F9A];
	_ =	swait.ge [sflag:s4], $0x0  }
0x19: {  	s7 =	sld [smem:$0x3F9B]  }
0x1a: {  	s8 =	sadd.s32 $0xFFFFE003, lr  }
0x1b: {  	s9 =	sadd.s32 $0xFFFFFEF7, lr;
	s5 =	simm.s32 $0xFFFFFFFF;
	p2 =	slt.u32 s8, $0xFFFFF086  }
0x1c: {  	p1 =	slt.u32 s9, $0xF7A;
	s5 =	simm.s32 @!p2 $0x0  }
0x1d: {  	s5 =	simm.s32 @p1 $0x1;
	p0 =	seq.s32 s7, s2  }
0x1e: {  	s7 =	smul.u32 @!p0 $0xF7A, s2;
	p2 =	seq.s32 @!p0 s5, $0x0  }
0x1f: {  	s9 =	smul.u32 $0xF7A, s1;
	s8 =	simm.s32 @!p0 $0x1BF5;
	p2 =	por !p2, p0  }
0x20: {  	[sflag:s8] =	ssyncset.s32 @!p0 $0xFFFFF086;
	s6 =	sadd.s32 @!p0 s3, s7;
	s7 =	simm.s32 @!p0 $0x108  }
0x21: {  	s3 =	sadd.s32 s3, s9;
	s6 =	sadd.s32 @!p0 $0x88, s6;
	s7 =	simm.s32 @p2 $0x1082  }
0x22: {  	[simem:s7], [sflag:s8] =	dma.local @!p0 [hbm:s6], $0xF7A  }
0x23: {  	s9 =	sor.u32 $0xD0000000, s2;
	s6 =	simm.s32 $0x108;
	_ =	swait.ge @!p0 [sflag:s8], $0x0  }
0x24: {  	s3 =	sadd.s32 $0x88, s3;
	s6 =	simm.s32 @!p1 $0x1082;
	[sflag:s4] =	ssyncset.s32 $0xFFFFF086  }
0x25: {  	[simem:s6], [sflag:s4] =	dma.local [hbm:s3], $0xF7A  }
0x26: {  	[smem:$0x3F9B] =	sst s1;
	(tag) =	ssettag s2;
	_ =	strace s9  }
0x27: {  	s1 =	sld [smem:$0x3FAB]  }
0x28: {  	s2 =	sld [smem:$0x3FAC]  }
0x29: {  	s4 =	sld [smem:$0x3FAE]  }
0x2a: {  	p0 =	seq.s32 s5, $0x0;
	s5 =	sld [smem:$0x3FAF]  }
0x2b: {  	s6 =	sld [smem:$0x3FB0]  }
0x2c: {  	s7 =	sld [smem:$0x3FB1]  }
0x2d: {  	s3 =	simm.s32 $0x108;
	s8 =	sld [smem:$0x3FB2]  }
0x2e: {  	s3 =	simm.s32 @!p0 $0x1082;
	s9 =	sld [smem:$0x3FB3]  }
0x2f: {  	lr =	sadd.s32 s0, s3;
	s0 =	sld [smem:$0x3FAA]  }
0x30: {  	s3 =	sld [smem:$0x3FAD]  }
0x31: {  	[smem:$0x3FB6] =	sst s10  }
0x32: {  	s10 =	sld [smem:$0x3FB4];
	_ =	sdelay $0x3  }
0x33: {  	p0 =	seq.s32 s10, $0x1;
	s10 =	sld [smem:$0x3FB6];
	_ =	sdelay $0x3  }
0x34: {  	[smem:$0x3FB6] =	sst s10  }
0x35: {  	s10 =	sld [smem:$0x3FB5];
	_ =	sdelay $0x3  }
0x36: {  	p1 =	seq.s32 s10, $0x1;
	s10 =	sld [smem:$0x3FB6];
	_ =	sdelay $0x3  }
0x37: {  	[smem:$0x3FB6] =	sst s10  }
0x38: {  	s10 =	sld [smem:$0x3FB7]  }
0x39: {  	_ = 	snop;
	(pc) =	sbr.ind lr, $3  }
0x3a: {  	_ = 	snop  }
0x3b: {  	_ = 	snop  }
0x3c: {  	p2 =	seq.s32 s10, $0x1;
	s10 =	sld [smem:$0x3FB6]  }
0x3d: {  	_ =	shalt  }
0x3e: {  	_ =	shalt  }
0x3f: {  	_ =	shalt  }
0x40: {  	_ =	shalt  }
0x41: {  	_ =	shalt  }
0x42: {  	_ =	shalt  }
0x43: {  	_ =	shalt  }
0x44: {  	_ =	shalt  }
0x45: {  	_ =	shalt  }
0x46: {  	_ =	shalt  }
0x47: {  	_ =	shalt  }
0x48: {  	_ =	shalt  }
0x49: {  	_ =	shalt  }
0x4a: {  	_ =	shalt  }
0x4b: {  	_ =	shalt  }
0x4c: {  	_ =	shalt  }
0x4d: {  	_ =	shalt  }
0x4e: {  	_ =	shalt  }
0x4f: {  	_ =	shalt  }
0x50: {  	_ =	shalt  }
0x51: {  	_ =	shalt  }
0x52: {  	_ =	shalt  }
0x53: {  	_ =	shalt  }
0x54: {  	_ =	shalt  }
0x55: {  	_ =	shalt  }
0x56: {  	_ =	shalt  }
0x57: {  	_ =	shalt  }
0x58: {  	_ =	shalt  }
0x59: {  	_ =	shalt  }
0x5a: {  	_ =	shalt  }
0x5b: {  	_ =	shalt  }
0x5c: {  	_ =	shalt  }
0x5d: {  	_ =	shalt  }
0x5e: {  	_ =	shalt  }
0x5f: {  	_ =	shalt  }
0x60: {  	_ =	shalt  }
0x61: {  	_ =	shalt  }
0x62: {  	_ =	shalt  }
0x63: {  	_ =	shalt  }
0x64: {  	_ =	shalt  }
0x65: {  	_ =	shalt  }
0x66: {  	_ =	shalt  }
0x67: {  	_ =	shalt  }
0x68: {  	_ =	shalt  }
0x69: {  	_ =	shalt  }
0x6a: {  	_ =	shalt  }
0x6b: {  	_ =	shalt  }
0x6c: {  	_ =	shalt  }
0x6d: {  	_ =	shalt  }
0x6e: {  	_ =	shalt  }
0x6f: {  	_ =	shalt  }
0x70: {  	_ =	shalt  }
0x71: {  	_ =	shalt  }
0x72: {  	_ =	shalt  }
0x73: {  	_ =	shalt  }
0x74: {  	_ =	shalt  }
0x75: {  	_ =	shalt  }
0x76: {  	_ =	shalt  }
0x77: {  	_ =	shalt  }
0x78: {  	_ =	shalt  }
0x79: {  	_ =	shalt  }
0x7a: {  	_ =	shalt  }
0x7b: {  	_ =	shalt  }
0x7c: {  	_ =	shalt  }
0x7d: {  	_ =	shalt  }
0x7e: {  	_ =	shalt  }
0x7f: {  	_ =	shalt  }
0x80: {  	_ =	shalt  }
0x81: {  	_ =	shalt  }
0x82: {  	_ =	shalt  }
0x83: {  	_ =	shalt  }
0x84: {  	_ =	shalt  }
0x85: {  	_ =	shalt  }
0x86: {  	_ =	shalt  }
0x87: {  	_ =	shalt  }
.Lfunc_end0:
.L_simem_size_0:
called_computation_lowered:
.L_overlay_start_0:
0x88: {  	s2 =	sld [smem:$0x3FD9]  }
0x89: {  	s3 =	sld [smem:$0x3FFE];
	_ =	sdelay $0x1  }
0x8a: {  	s1 =	srdreg.scid  }
0x8b: {  	s0 =	sand.u32 $0x1, s1  }
0x8c: {  	s17 =	sshll.u32 s0, $0xA;
	s2 =	sadd.s32 s3, s2  }
0x8d: {  	s2 =	sadd.s32 s2, s17  }
0x8e: {  	[smem:$0x3FC2] =	sst s2  }
0x8f: {  	_ = 	snop  }
0x90: {  	s2 =	sld [smem:$0x3FD0];
	(tm) =	ssettm $0x1  }
0x91: {  	s18 =	sld [smem:$0x3FFB];
	_ =	sdelay $0x3  }
0x92: {  	_ =	strace s18  }
0x93: {  	s3 =	sld [smem:$0x3FFC];
	_ =	sdelay $0x3  }
0x94: {  	_ =	strace s3  }
0x95: {  	s3 =	sld [smem:$0x3FFD];
	_ =	sdelay $0x3  }
0x96: {  	_ =	strace s3  }
0x97: {  	_ =	strace $0x8FFFFFFF  }
0x98: {  	s19 =	sld [smem:$0x3FDB];
	_ =	sdelay $0x1  }
0x99: {  	s4 =	simm.s32 $_scs_section_size  }
0x9a: {  	s5 =	simm.s32 $_size__tile_overlayer_lowered;
	s6 =	simm.s32 $_tile_overlayer_lowered  }
0x9b: {  	s22 =	simm.s32 $0x1BFF;
	s21 =	sshll.u32 s6, $0x1;
	s3 =	sadd.s32 s4, s19  }
0x9c: {  	s7 =	simm.s32 $0x0;
	s20 =	sshll.u32 s5, $0x1;
	s5 =	sadd.s32 s21, s3  }
0x9d: {  	[timem:s7], [sflag:s22] =	dma.local [hbm:s5], s20  }
0x9e: {  	_ =	swait.ge [sflag:s22], s20  }
0x9f: {  	s4 =	ssub.s32 $0x0, s20;
	[sflag:s22] =	ssyncset.done $0x0  }
0xa0: {  	[sflag:s22] =	ssyncadd.s32 s4;
	_ =	sdelay $0x1  }
0xa1: {  	s23 =	simm.s32 $0x1B8B  }
0xa2: {  	_ =	swait.ge [sflag:s23], $0x1  }
0xa3: {  	[sflag:s23] =	ssyncset.done $0x0  }
0xa4: {  	s25 =	simm.s32 $0x1B8E;
	s24 =	sld [smem:$0x3FFE];
	[sflag:s23] =	ssyncadd.s32 $0xFFFFFFFF  }
0xa5: {  	s26 =	simm.s32 $execute0_lowered;
	[smem:$0x3FD2] =	sst s25  }
0xa6: {  	s5 =	sshll.u32 s26, $0x1;
	_ =	strace $0x80000046;
	[dreg:$0x1] =	wrdreg $0xFFFFFFFF  }
0xa7: {  	s28 =	simm.s32 $_size_execute0_lowered;
	s3 =	sadd.s32 s3, s5;
	[dreg:$0x0] =	wrdreg $0x0  }
0xa8: {  	s5 =	sshll.u32 s28, $0x1;
	[dreg:$0x2] =	wrdreg s3  }
0xa9: {  	[dreg:$0x3] =	wrdreg s5  }
0xaa: {  	[dreg:$0x4] =	wrdreg $0xC0  }
0xab: {  	_ =	task [dreg:s7], $0x5FFFF  }
0xac: {  	[dreg:$0x1] =	wrdreg $0xFFFFFFFF  }
0xad: {  	[dreg:$0x0] =	wrdreg $0x60  }
0xae: {  	[dreg:$0x2] =	wrdreg s24  }
0xaf: {  	[dreg:$0x3] =	wrdreg s2  }
0xb0: {  	[dreg:$0x4] =	wrdreg $0x9  }
0xb1: {  	_ =	task.clear_ibuf [dreg:s7], $0x5FFFF;
	_ =	strace $0x90000046  }
0xb2: {  	s29 =	simm.s32 $0x9;
	_ =	strace $0x80000048  }
0xb3: {  	_ =	swait.ge [sflag:s29], $0x1  }
0xb4: {  	[sflag:s29] =	ssyncadd.s32 $0xFFFFFFFF  }
0xb5: {  	_ =	strace $0x90000048  }
0xb6: {  	_ =	sfence  }
0xb7: {  	s30 =	sld [smem:$0x0];
	_ =	sdelay $0x2  }
0xb8: {  	s31 =	sshll.u32 s1, $0xD;
	s1 =	sshrl.u32 s1, $0x2  }
0xb9: {  	s3 =	sand.u32 $0x4000, s31;
	s1 =	sadd.s32 s1, s30  }
0xba: {  	s0 =	sor.u32 s3, s0;
	s1 =	sshll.u32 s1, $0x11  }
0xbb: {  	s0 =	sor.u32 s1, s0  }
0xbc: {  	s0 =	sadd.s32 $0x8F2B, s0  }
0xbd: {  	[sflag:s0] =	ssyncadd.remote.s32 $0x1  }
0xbe: {  	_ =	sfence.sel $0xFFFF  }
0xbf: {  	[dreg:$0x0] =	wrdreg $0xFFFFFFFF;
	(pc) =	sbr.abs _section_cstart, $3  }
0xc0: {  	[dreg:$0x1] =	wrdreg $0xFFFFFFFF  }
0xc1: {  	_ =	task.clear_ibuf [dreg:s7], $0x2FFFF;
	_ =	strace $0x9FFFFFFF  }
0xc2: {  	(tm) =	ssettm $0x7FFFFFFF  }
0xc3: {  	_ =	shalt  }
tec
execute0_lowered:
.L_overlay_start_1:
0x0: {  	(tag) =	ssettag $0x1  }
0x1: {  	s3 =	rddreg [dreg:$0x0]  }
0x2: {  	s4 =	rddreg [dreg:$0x1]  }
0x3: {  	s0 =	rddreg [dreg:$0x2]  }
0x4: {  	s5 =	srdreg.scid;
	s2 =	simm.s32 $0x0;
	s1 =	stileid.u32  }
0x5: {  	s5 =	sand.u32 $0x1, s5;
	[smem:$0x7FF] =	sst s2;
	s7 =	sshrl.u32 s1, $0x3  }
0x6: {  	s3 =	sadd.s32 $0xC000, s3;
	s9 =	sshll.u32 s1, $0x7;
	s6 =	smul.u32 $0x1800, s5  }
0x7: {  	_ =	strace $0x80000047;
	s7 =	smul.u32 $0xC00, s7;
	s8 =	ssub.s32 $0x2, s5  }
0x8: {  	s5 =	sshll.u32 s5, $0x4;
	s26 =	sand.u32 $0x380, s9;
	s9 =	simm.s32 $0x400  }
0x9: {  	s28 =	sshrl.u32 s8, $0x1;
	s5 =	sor.u32 s1, s5;
	s6 =	sadd.s32 s6, s7  }
0xa: {  	s29 =	ssub.s32 s8, s28;
	s30 =	smul.u32 $0xFFFFFEC0, s5;
	s6 =	sor.u32 s26, s6  }
0xb: {  	s7 =	simm.s32 $0xA00;
	s8 =	simm.s32 $0x80;
	s31 =	sshrl.u32 s6, $0x3  }
0xc: {  	v1 =	vimm.f32 $0.0e+00;
	v2 =	vimm.f32 $1.000000000e+00;
	s5 =	smax.u32 s29, $0x1;
	s6 =	simm.s32 $0x1;
	v0 =	vmov s30;
	s4 =	sadd.s32 s4, s31  }
.LBB2_1:
0xd: {  	[tilespmem:$0xA00] =	vst v1  }
0xe: {  	[tilespmem:$0xA10] =	vst v1  }
0xf: {  	[tilespmem:$0xA20] =	vst v1  }
0x10: {  	[tilespmem:$0xA30] =	vst v1  }
0x11: {  	[tilespmem:$0xA40] =	vst v1  }
0x12: {  	[tilespmem:$0xA50] =	vst v1  }
0x13: {  	[tilespmem:$0xA60] =	vst v1  }
0x14: {  	[tilespmem:$0xA70] =	vst v1  }
0x15: {  	[tilespmem:$0xA80] =	vst v1  }
0x16: {  	[tilespmem:$0xA90] =	vst v1  }
0x17: {  	[tilespmem:$0xAA0] =	vst v1  }
0x18: {  	[tilespmem:$0xAB0] =	vst v1  }
0x19: {  	[tilespmem:$0xAC0] =	vst v1  }
0x1a: {  	[tilespmem:$0xAD0] =	vst v1  }
0x1b: {  	[tilespmem:$0xAE0] =	vst v1  }
0x1c: {  	[tilespmem:$0xAF0] =	vst v1  }
0x1d: {  	[tilespmem:$0xB00] =	vst v1  }
0x1e: {  	[tilespmem:$0xB10] =	vst v1  }
0x1f: {  	[tilespmem:$0xB20] =	vst v1  }
0x20: {  	[tilespmem:$0xB30] =	vst v1;
	s10 =	simm.s32 $0x0  }
.LBB2_2:
0x21: {  	s11 =	smul.u32 $0x140, s10;
	_ =	sdelay $0x1  }
0x22: {  	s12 =	simm.s32 $0x0;
	s11 =	sadd.s32 s3, s11  }
0x23: {  	[tilespmem:s12], [sflag:$0x1] =	stream.linear.gather [hbm4b:s11+s12], $0xA00, $0x38;
	[tilespmem:$0xB80] =	vst v63  }
0x24: {  	_ =	swait.ge [sflag:s6], $0xA00  }
0x25: {  	[sflag:s6] =	ssyncset.done $0x0  }
0x26: {  	s12 =	simm.s32 $0x0;
	s11 =	simm.s32 $0x40;
	[sflag:s6] =	ssyncadd.s32 $0xFFFFF600  }
.LBB2_3:
0x27: {  	p0 =	sne.s32 s11, $0x27C0;
	v3 =	vld [tilespmem:s12+$0x0];
	_ =	sdelay $0x4  }
0x28: {  	v3 =	vadd.s32 v0, v3  }
0x29: {  	vm0 =	vgt.s32 v3, $0x0  }
0x2a: {  	vm1 =	vlt.u32 v3, $0x140;
	v3 =	vnsel vm0, $0x0, v3  }
0x2b: {  	v3 =	vmin.u32 v3, $0x13F  }
.Ltmp0:
0x2c: {  	(pc) =	sbr.rel @p0 .LBB2_3-.Ltmp0, $2  }
0x2d: {  	_ =	sdelay $0x2  }
0x2e: {  	s12 =	sshra.s32 s11, $0x2;
	s11 =	sadd.s32 $0x40, s11;
	[tilespmem:v3+s7+$0x0] =	vst.idx.add.f32.msk vm1, v2  }
0x2f: {  	v3 =	vld [tilespmem:s12+$0x0];
	_ =	sdelay $0x4  }
0x30: {  	v3 =	vadd.s32 v0, v3  }
0x31: {  	vm0 =	vgt.s32 v3, $0x0  }
0x32: {  	s10 =	sadd.s32 $0x1, s10;
	vm1 =	vlt.u32 v3, $0x140;
	v3 =	vnsel vm0, $0x0, v3  }
0x33: {  	p0 =	sne.s32 s10, $0x7D;
	v3 =	vmin.u32 v3, $0x13F  }
.Ltmp1:
0x34: {  	_ = 	snop;
	(pc) =	sbr.rel @p0 .LBB2_2-.Ltmp1, $2  }
0x35: {  	_ =	sdelay $0x2  }
0x36: {  	[tilespmem:v3+s7+$0x0] =	vst.idx.add.f32.msk vm1, v2  }
0x37: {  	s2 =	sadd.s32 $0x1, s2  }
0x38: {  	p0 =	sne.s32 s2, s5  }
.Ltmp2:
0x39: {  	_ = 	snop;
	(pc) =	sbr.rel @p0 .LBB2_1-.Ltmp2, $4  }
0x3a: {  	[hbm4b:s4+s8] =	stream.strided.scatter [tilespmem:s7], [sflag:$0x1], $0x180, s9, s8, $0x38;
	[tilespmem:$0xB80] =	vst v63  }
0x3b: {  	_ =	swait.ge [sflag:s6], $0x180  }
0x3c: {  	[sflag:s6] =	ssyncset.done $0x0  }
0x3d: {  	[sflag:s6] =	ssyncadd.s32 $0xFFFFFE80  }
0x3e: {  	_ =	sfence.sel $0x180000  }
0x3f: {  	[bflag:$0x0] =	sbarrier.arrive $0xFFFF  }
0x40: {  	p0 =	sne.s32 s1, $0x0;
	_ =	strace $0x90000047  }
0x41: {  	s0 =	sadd.s32 @!p0 $0x100000, s0;
	[bflag:$0x2] =	sbarrier.arrive $0xFFFF  }
0x42: {  	[sflag:s0] =	ssyncadd.tile.s32 @!p0 $0x1;
	_ =	shalt  }
.Lfunc_end2:
_tile_overlayer_lowered:
.L_overlay_start_2:
0x43: {  	(tag) =	ssettag $0x2  }
0x44: {  	s0 =	rddreg [dreg:$0x0];
	s2 =	stileid.u32  }
0x45: {  	s1 =	rddreg [dreg:$0x1];
	p0 =	sne.s32 s2, $0x0  }
0x46: {  	s3 =	rddreg [dreg:$0x2];
	[bflag:$0x3] =	sbarrier.arrive $0xFFFF;
	s2 =	simm.s32 @!p0 $0x1C01  }
0x47: {  	[timem:s3], [sflag:s2] =	dma.local @!p0 [hbm:s0], s1  }
0x48: {  	s0 =	simm.s32 @!p0 $0x1  }
0x49: {  	_ =	swait.ge @!p0 [sflag:s0], s1  }
0x4a: {  	s1 =	ssub.s32 @!p0 $0x0, s1;
	[sflag:s0] =	ssyncset.done @!p0 $0x0  }
0x4b: {  	[sflag:s0] =	ssyncadd.s32 @!p0 s1  }
0x4c: {  	[bflag:$0x3] =	sbarrier.arrive $0xFFFF  }
0x4d: {  	_ =	shalt  }

</sc_bundles>
